<compile_context>
chip_gen: v7x
topology: tpu7x:2x2x1
jax: 0.10.2.dev20260603
libtpu: 0.0.44.dev20260713+nightly
codegen_flags: <defaults>
</compile_context>

<pallas_src>
import functools

import jax
import jax.numpy as jnp
from jax import lax
from jax.experimental import pallas as pl
from jax.experimental.pallas import tpu as pltpu
from jax.experimental.pallas import tpu_sc as plsc

_NEG_SLOPE = 0.01
_NUM_CORES = 2
_NUM_SUBCORES = 16
_NUM_WORKERS = _NUM_CORES * _NUM_SUBCORES
_NBUF = 4
_SLABS = 8


def _proj_body(t_ref, w_ref, b_ref, o_ref):
    y = jnp.dot(t_ref[...], w_ref[...], preferred_element_type=jnp.float32)
    y = y + b_ref[...]
    o_ref[...] = jnp.where(y >= 0, y, _NEG_SLOPE * y).astype(o_ref.dtype)


def _project(table, W, b):
    rows, e = table.shape
    o = W.shape[1]
    w_pad = jnp.pad(W, ((0, 0), (0, 128 - o)))
    b_pad = jnp.pad(b.reshape(1, o), ((0, 0), (0, 128 - o)))
    blk = 8
    for cand in range(8, 12501, 8):
        if rows % cand == 0:
            blk = cand
    return pl.pallas_call(
        _proj_body,
        grid=(rows // blk,),
        in_specs=[
            pl.BlockSpec((blk, e), lambda i: (i, 0)),
            pl.BlockSpec((e, 128), lambda i: (0, 0)),
            pl.BlockSpec((1, 128), lambda i: (0, 0)),
        ],
        out_specs=pl.BlockSpec((blk, 128), lambda i: (i, 0)),
        out_shape=jax.ShapeDtypeStruct((rows, 128), jnp.float32),
    )(table, w_pad, b_pad)


def _gather_rows(z, idx_flat, fields):
    n_idx = idx_flat.shape[0]
    d = z.shape[1]
    batch = n_idx // fields
    chunk = _SLABS * fields
    assert n_idx % (_NUM_WORKERS * _NBUF * chunk) == 0
    b_per_w = n_idx // _NUM_WORKERS
    batches_per_w = batch // _NUM_WORKERS
    nchunk = b_per_w // chunk
    mesh = plsc.VectorSubcoreMesh(core_axis_name="core",
                                  subcore_axis_name="subcore")

    @functools.partial(
        pl.kernel,
        mesh=mesh,
        out_type=jax.ShapeDtypeStruct((batch, fields, d), z.dtype),
        scratch_types=[
            pltpu.VMEM((b_per_w,), jnp.int32),
            pltpu.VMEM((_NBUF, chunk, d), z.dtype),
        ] + [pltpu.SemaphoreType.DMA] * (2 * _NBUF),
    )
    def k(z_hbm, i_hbm, o_hbm, idx_v, rows_v, *sems):
        gsems, wsems = sems[:_NBUF], sems[_NBUF:]
        wid = lax.axis_index("subcore") * _NUM_CORES + lax.axis_index("core")
        base = wid * b_per_w
        bbase = wid * batches_per_w
        pltpu.sync_copy(i_hbm.at[pl.ds(base, b_per_w)], idx_v)

        def gather(c, j):
            return pltpu.make_async_copy(
                z_hbm.at[idx_v.at[pl.ds(c * chunk, chunk)]],
                rows_v.at[j], gsems[j])

        def write_slab(c, j, i):
            return pltpu.make_async_copy(
                rows_v.at[j, pl.ds(i * fields, fields)],
                o_hbm.at[bbase + c * _SLABS + i], wsems[j])

        def write_start(c, j):
            for i in range(_SLABS):
                write_slab(c, j, i).start()

        def write_wait(c, j):
            for i in range(_SLABS):
                write_slab(c, j, i).wait()

        for j in range(_NBUF):
            gather(j, j).start()

        @pl.loop(0, nchunk - _NBUF, step=_NBUF)
        def _(c0):
            for j in range(_NBUF):
                gather(c0 + j, j).wait()
                write_start(c0 + j, j)
            for j in range(_NBUF):
                write_wait(c0 + j, j)
                gather(c0 + _NBUF + j, j).start()

        c0 = nchunk - _NBUF
        for j in range(_NBUF):
            gather(c0 + j, j).wait()
            write_start(c0 + j, j)
        for j in range(_NBUF):
            write_wait(c0 + j, j)

    return k(z, idx_flat)


def kernel(feature, table, W, b):
    batch, fields = feature.shape
    out_dim = W.shape[1]
    z = _project(table, W, b)
    idx_flat = feature.reshape(-1).astype(jnp.int32)
    out3 = _gather_rows(z, idx_flat, fields)
    return out3[:, :, :out_dim] if out3.shape[-1] != out_dim else out3

# --- scband reference (transcript-rebuilt; emitter-appended) ---
"""Pipeline reference for scband-table-embed-20942260535632 (READ-ONLY COPY).

The authoritative reference and input builder live on the scoring server;
editing this copy changes nothing except your own understanding.
"""

import jax, jax.numpy as jnp
import numpy as np

N_TABLES = 100000
EMBED_SIZE = 64
OUTPUT_DIM = 64
BATCH = 16384
N_FIELDS = 26


def setup_inputs(seed: int = 0) -> dict:
    key = jax.random.key(seed)
    k1, k2, k3, k4 = jax.random.split(key, 4)
    feature = jax.random.randint(k1, (BATCH, N_FIELDS), 0, N_TABLES, dtype=jnp.int64) if jax.config.jax_enable_x64 else jax.random.randint(k1, (BATCH, N_FIELDS), 0, N_TABLES, dtype=jnp.int32)
    # Embedding table (nn.Embedding weight): [n_tables, embed_size]
    table = jax.random.normal(k2, (N_TABLES, EMBED_SIZE), dtype=jnp.float32)
    # Linear layer: weight [embed_size, output_dim] (transposed torch layout), bias [output_dim]
    W = jax.random.normal(k3, (EMBED_SIZE, OUTPUT_DIM), dtype=jnp.float32) * (1.0 / np.sqrt(EMBED_SIZE))
    b = jax.random.normal(k4, (OUTPUT_DIM,), dtype=jnp.float32) * (1.0 / np.sqrt(EMBED_SIZE))
    return {"feature": feature, "table": table, "W": W, "b": b}


def reference(feature, table, W, b):
    # output = self.tableEmbed(feature)  -> gather rows
    output = jnp.take(table, feature, axis=0)  # [B, F, embed_size]
    # tables_embedding = F.leaky_relu(self.linearTable(output))
    y = jnp.einsum('bfe,eo->bfo', output, W) + b
    tables_embedding = jax.nn.leaky_relu(y, negative_slope=0.01)
    return tables_embedding

if __name__ == "__main__":
    import jax
    _d = setup_inputs()
    print(jax.jit(kernel)(*tuple(_d.values())))

</pallas_src>

<mosaic_0001>
#map = affine_map<(d0, d1) -> (0, 0)>
#map1 = affine_map<(d0, d1) -> (0)>
#map2 = affine_map<(d0, d1) -> (0, 0, 0)>
module attributes {stable_mosaic.version = 14 : i64} {
  func.func @k(%arg0: i32, %arg1: i32, %arg2: memref<100000x128xf32, #tpu.memory_space<hbm>>, %arg3: memref<425984xi32, #tpu.memory_space<hbm>>, %arg4: memref<16384x26x128xf32, #tpu.memory_space<hbm>>, %arg5: memref<13312xi32, #tpu.memory_space<vmem>>, %arg6: memref<4x208x128xf32, #tpu.memory_space<vmem>>, %arg7: memref<!tpu.dma_semaphore, #tpu.memory_space<semaphore_mem>>, %arg8: memref<!tpu.dma_semaphore, #tpu.memory_space<semaphore_mem>>, %arg9: memref<!tpu.dma_semaphore, #tpu.memory_space<semaphore_mem>>, %arg10: memref<!tpu.dma_semaphore, #tpu.memory_space<semaphore_mem>>, %arg11: memref<!tpu.dma_semaphore, #tpu.memory_space<semaphore_mem>>, %arg12: memref<!tpu.dma_semaphore, #tpu.memory_space<semaphore_mem>>, %arg13: memref<!tpu.dma_semaphore, #tpu.memory_space<semaphore_mem>>, %arg14: memref<!tpu.dma_semaphore, #tpu.memory_space<semaphore_mem>>) attributes {dimension_semantics = [#tpu.dimension_semantics<core_parallel>, #tpu.dimension_semantics<subcore_parallel>], iteration_bounds = array<i64: 2, 16>, scalar_prefetch = 0 : i64, scratch_operands = 10 : i64, tpu.core_type = #tpu.core_type<sc_vector_subcore>, window_params = [{transform_indices = #map}, {transform_indices = #map1}, {transform_indices = #map2}]} {
    %mul3A = arith.constant 2 : i32
    %mul3A_0 = arith.muli %arg1, %mul3A : i32
    %add3A = arith.addi %mul3A_0, %arg0 : i32
    %mul3A_1 = arith.constant 13312 : i32
    %mul3A_2 = arith.muli %add3A, %mul3A_1 : i32
    %mul3A_3 = arith.constant 512 : i32
    %mul3A_4 = arith.muli %add3A, %mul3A_3 : i32
    "tpu.region"() ({
      %run_scoped3A = tpu.sem_alloc : memref<!tpu.dma_semaphore, #tpu.memory_space<semaphore_mem>>
      %dma_start3A_1431 = tpu.memref_slice %arg3[%mul3A_2] : memref<425984xi32, #tpu.memory_space<hbm>> -> memref<13312xi32, #tpu.memory_space<hbm>>
      %dma_start3A_1432 = tpu.memref_slice %arg3[%mul3A_2] : memref<425984xi32, #tpu.memory_space<hbm>> -> memref<13312xi32, #tpu.memory_space<hbm>>
      tpu.enqueue_dma source(%dma_start3A_1432 : memref<13312xi32, #tpu.memory_space<hbm>>) target(%arg5 : memref<13312xi32, #tpu.memory_space<vmem>>) target_semaphore(%run_scoped3A : memref<!tpu.dma_semaphore, #tpu.memory_space<semaphore_mem>>)
      %dma_wait3A_1433 = tpu.memref_slice %arg3[%mul3A_2] : memref<425984xi32, #tpu.memory_space<hbm>> -> memref<13312xi32, #tpu.memory_space<hbm>>
      %dma_wait3A_1434 = tpu.memref_slice %arg3[%mul3A_2] : memref<425984xi32, #tpu.memory_space<hbm>> -> memref<13312xi32, #tpu.memory_space<hbm>>
      tpu.wait_dma2 semaphore(%run_scoped3A : memref<!tpu.dma_semaphore, #tpu.memory_space<semaphore_mem>>) src(%dma_wait3A_1434 : memref<13312xi32, #tpu.memory_space<hbm>>) dst(%arg5 : memref<13312xi32, #tpu.memory_space<vmem>>)
      tpu.yield
    }) : () -> ()
    %dma_start3A = arith.constant 0 : i32
    %dma_start3A_5 = arith.constant 0 : i32
    %dma_start3A_6 = arith.constant 0 : i32
    %dma_start3A_7 = tpu.memref_slice %arg6[%dma_start3A, %dma_start3A_5, %dma_start3A_6] : memref<4x208x128xf32, #tpu.memory_space<vmem>> -> memref<1x208x128xf32, #tpu.memory_space<vmem>>
    %dma_start3A_8 = tpu.memref_squeeze %dma_start3A_7 : memref<1x208x128xf32, #tpu.memory_space<vmem>> -> memref<208x128xf32, #tpu.memory_space<vmem>>
    %dma_start3A_9 = arith.constant 0 : i32
    %dma_start3A_10 = tpu.memref_slice %arg5[%dma_start3A_9] : memref<13312xi32, #tpu.memory_space<vmem>> -> memref<208xi32, #tpu.memory_space<vmem>>
    %dma_start3A_11 = arith.constant 0 : i32
    %dma_start3A_12 = arith.constant 0 : i32
    %dma_start3A_13 = tpu.memref_slice %arg2[%dma_start3A_11, %dma_start3A_12] : memref<100000x128xf32, #tpu.memory_space<hbm>> -> memref<100000x128xf32, #tpu.memory_space<hbm>>
    tpu.enqueue_indirect_dma source(%dma_start3A_13 : memref<100000x128xf32, #tpu.memory_space<hbm>>) target(%dma_start3A_8 : memref<208x128xf32, #tpu.memory_space<vmem>>) offsets(%dma_start3A_10 : memref<208xi32, #tpu.memory_space<vmem>>) semaphore(%arg7 : memref<!tpu.dma_semaphore, #tpu.memory_space<semaphore_mem>>)
    %dma_start3A_14 = arith.constant 1 : i32
    %dma_start3A_15 = arith.constant 0 : i32
    %dma_start3A_16 = arith.constant 0 : i32
    %dma_start3A_17 = tpu.memref_slice %arg6[%dma_start3A_14, %dma_start3A_15, %dma_start3A_16] : memref<4x208x128xf32, #tpu.memory_space<vmem>> -> memref<1x208x128xf32, #tpu.memory_space<vmem>>
    %dma_start3A_18 = tpu.memref_squeeze %dma_start3A_17 : memref<1x208x128xf32, #tpu.memory_space<vmem>> -> memref<208x128xf32, #tpu.memory_space<vmem>>
    %dma_start3A_19 = arith.constant 208 : i32
    %dma_start3A_20 = tpu.memref_slice %arg5[%dma_start3A_19] : memref<13312xi32, #tpu.memory_space<vmem>> -> memref<208xi32, #tpu.memory_space<vmem>>
    %dma_start3A_21 = arith.constant 0 : i32
    %dma_start3A_22 = arith.constant 0 : i32
    %dma_start3A_23 = tpu.memref_slice %arg2[%dma_start3A_21, %dma_start3A_22] : memref<100000x128xf32, #tpu.memory_space<hbm>> -> memref<100000x128xf32, #tpu.memory_space<hbm>>
    tpu.enqueue_indirect_dma source(%dma_start3A_23 : memref<100000x128xf32, #tpu.memory_space<hbm>>) target(%dma_start3A_18 : memref<208x128xf32, #tpu.memory_space<vmem>>) offsets(%dma_start3A_20 : memref<208xi32, #tpu.memory_space<vmem>>) semaphore(%arg8 : memref<!tpu.dma_semaphore, #tpu.memory_space<semaphore_mem>>)
    %dma_start3A_24 = arith.constant 2 : i32
    %dma_start3A_25 = arith.constant 0 : i32
    %dma_start3A_26 = arith.constant 0 : i32
    %dma_start3A_27 = tpu.memref_slice %arg6[%dma_start3A_24, %dma_start3A_25, %dma_start3A_26] : memref<4x208x128xf32, #tpu.memory_space<vmem>> -> memref<1x208x128xf32, #tpu.memory_space<vmem>>
    %dma_start3A_28 = tpu.memref_squeeze %dma_start3A_27 : memref<1x208x128xf32, #tpu.memory_space<vmem>> -> memref<208x128xf32, #tpu.memory_space<vmem>>
    %dma_start3A_29 = arith.constant 416 : i32
    %dma_start3A_30 = tpu.memref_slice %arg5[%dma_start3A_29] : memref<13312xi32, #tpu.memory_space<vmem>> -> memref<208xi32, #tpu.memory_space<vmem>>
    %dma_start3A_31 = arith.constant 0 : i32
    %dma_start3A_32 = arith.constant 0 : i32
    %dma_start3A_33 = tpu.memref_slice %arg2[%dma_start3A_31, %dma_start3A_32] : memref<100000x128xf32, #tpu.memory_space<hbm>> -> memref<100000x128xf32, #tpu.memory_space<hbm>>
    tpu.enqueue_indirect_dma source(%dma_start3A_33 : memref<100000x128xf32, #tpu.memory_space<hbm>>) target(%dma_start3A_28 : memref<208x128xf32, #tpu.memory_space<vmem>>) offsets(%dma_start3A_30 : memref<208xi32, #tpu.memory_space<vmem>>) semaphore(%arg9 : memref<!tpu.dma_semaphore, #tpu.memory_space<semaphore_mem>>)
    %dma_start3A_34 = arith.constant 3 : i32
    %dma_start3A_35 = arith.constant 0 : i32
    %dma_start3A_36 = arith.constant 0 : i32
    %dma_start3A_37 = tpu.memref_slice %arg6[%dma_start3A_34, %dma_start3A_35, %dma_start3A_36] : memref<4x208x128xf32, #tpu.memory_space<vmem>> -> memref<1x208x128xf32, #tpu.memory_space<vmem>>
    %dma_start3A_38 = tpu.memref_squeeze %dma_start3A_37 : memref<1x208x128xf32, #tpu.memory_space<vmem>> -> memref<208x128xf32, #tpu.memory_space<vmem>>
    %dma_start3A_39 = arith.constant 624 : i32
    %dma_start3A_40 = tpu.memref_slice %arg5[%dma_start3A_39] : memref<13312xi32, #tpu.memory_space<vmem>> -> memref<208xi32, #tpu.memory_space<vmem>>
    %dma_start3A_41 = arith.constant 0 : i32
    %dma_start3A_42 = arith.constant 0 : i32
    %dma_start3A_43 = tpu.memref_slice %arg2[%dma_start3A_41, %dma_start3A_42] : memref<100000x128xf32, #tpu.memory_space<hbm>> -> memref<100000x128xf32, #tpu.memory_space<hbm>>
    tpu.enqueue_indirect_dma source(%dma_start3A_43 : memref<100000x128xf32, #tpu.memory_space<hbm>>) target(%dma_start3A_38 : memref<208x128xf32, #tpu.memory_space<vmem>>) offsets(%dma_start3A_40 : memref<208xi32, #tpu.memory_space<vmem>>) semaphore(%arg10 : memref<!tpu.dma_semaphore, #tpu.memory_space<semaphore_mem>>)
    %scan3A = arith.constant 0 : i32
    %scan3A_44 = arith.constant 15 : i32
    %scan3A_45 = arith.addi %scan3A, %scan3A_44 : i32
    %scan3A_46 = arith.constant 1 : i32
    scf.for %scan3A_1431 = %scan3A to %scan3A_45 step %scan3A_46  : i32 {
      %mul3A_1432 = arith.constant 4 : i32
      %mul3A_1433 = arith.muli %scan3A_1431, %mul3A_1432 : i32
      %add3A_1434 = arith.constant 0 : i32
      %add3A_1435 = arith.addi %add3A_1434, %mul3A_1433 : i32
      %add3A_1436 = arith.constant 0 : i32
      %add3A_1437 = arith.addi %add3A_1435, %add3A_1436 : i32
      %mul3A_1438 = arith.constant 208 : i32
      %mul3A_1439 = arith.muli %add3A_1437, %mul3A_1438 : i32
      %dma_wait3A_1440 = arith.constant 0 : i32
      %dma_wait3A_1441 = arith.constant 0 : i32
      %dma_wait3A_1442 = arith.constant 0 : i32
      %dma_wait3A_1443 = tpu.memref_slice %arg6[%dma_wait3A_1440, %dma_wait3A_1441, %dma_wait3A_1442] : memref<4x208x128xf32, #tpu.memory_space<vmem>> -> memref<1x208x128xf32, #tpu.memory_space<vmem>>
      %dma_wait3A_1444 = tpu.memref_squeeze %dma_wait3A_1443 : memref<1x208x128xf32, #tpu.memory_space<vmem>> -> memref<208x128xf32, #tpu.memory_space<vmem>>
      %dma_wait3A_1445 = tpu.memref_slice %arg5[%mul3A_1439] : memref<13312xi32, #tpu.memory_space<vmem>> -> memref<208xi32, #tpu.memory_space<vmem>>
      %dma_wait3A_1446 = arith.constant 0 : i32
      %dma_wait3A_1447 = arith.constant 0 : i32
      %dma_wait3A_1448 = tpu.memref_slice %arg2[%dma_wait3A_1446, %dma_wait3A_1447] : memref<100000x128xf32, #tpu.memory_space<hbm>> -> memref<100000x128xf32, #tpu.memory_space<hbm>>
      tpu.wait_indirect_dma semaphore(%arg7 : memref<!tpu.dma_semaphore, #tpu.memory_space<semaphore_mem>>) src(%dma_wait3A_1448 : memref<100000x128xf32, #tpu.memory_space<hbm>>) dst(%dma_wait3A_1444 : memref<208x128xf32, #tpu.memory_space<vmem>>)
      %add3A_1449 = arith.constant 0 : i32
      %add3A_1450 = arith.addi %add3A_1435, %add3A_1449 : i32
      %mul3A_1451 = arith.constant 8 : i32
      %mul3A_1452 = arith.muli %add3A_1450, %mul3A_1451 : i32
      %add3A_1453 = arith.addi %mul3A_4, %mul3A_1452 : i32
      %add3A_1454 = arith.constant 0 : i32
      %add3A_1455 = arith.addi %add3A_1453, %add3A_1454 : i32
      %dma_start3A_1456 = arith.constant 0 : i32
      %dma_start3A_1457 = arith.constant 0 : i32
      %dma_start3A_1458 = arith.constant 0 : i32
      %dma_start3A_1459 = tpu.memref_slice %arg6[%dma_start3A_1456, %dma_start3A_1457, %dma_start3A_1458] : memref<4x208x128xf32, #tpu.memory_space<vmem>> -> memref<1x26x128xf32, #tpu.memory_space<vmem>>
      %dma_start3A_1460 = tpu.memref_squeeze %dma_start3A_1459 : memref<1x26x128xf32, #tpu.memory_space<vmem>> -> memref<26x128xf32, #tpu.memory_space<vmem>>
      %dma_start3A_1461 = arith.constant 0 : i32
      %dma_start3A_1462 = arith.constant 0 : i32
      %dma_start3A_1463 = tpu.memref_slice %arg4[%add3A_1455, %dma_start3A_1461, %dma_start3A_1462] : memref<16384x26x128xf32, #tpu.memory_space<hbm>> -> memref<1x26x128xf32, #tpu.memory_space<hbm>>
      %dma_start3A_1464 = tpu.memref_squeeze %dma_start3A_1463 : memref<1x26x128xf32, #tpu.memory_space<hbm>> -> memref<26x128xf32, #tpu.memory_space<hbm>>
      %dma_start3A_1465 = arith.constant 0 : i32
      %dma_start3A_1466 = arith.constant 0 : i32
      %dma_start3A_1467 = tpu.memref_slice %arg4[%add3A_1455, %dma_start3A_1465, %dma_start3A_1466] : memref<16384x26x128xf32, #tpu.memory_space<hbm>> -> memref<1x26x128xf32, #tpu.memory_space<hbm>>
      %dma_start3A_1468 = tpu.memref_squeeze %dma_start3A_1467 : memref<1x26x128xf32, #tpu.memory_space<hbm>> -> memref<26x128xf32, #tpu.memory_space<hbm>>
      %dma_start3A_1469 = arith.constant 0 : i32
      %dma_start3A_1470 = arith.constant 0 : i32
      %dma_start3A_1471 = tpu.memref_slice %arg6[%dma_start3A_1456, %dma_start3A_1469, %dma_start3A_1470] : memref<4x208x128xf32, #tpu.memory_space<vmem>> -> memref<1x26x128xf32, #tpu.memory_space<vmem>>
      %dma_start3A_1472 = tpu.memref_squeeze %dma_start3A_1471 : memref<1x26x128xf32, #tpu.memory_space<vmem>> -> memref<26x128xf32, #tpu.memory_space<vmem>>
      tpu.enqueue_dma source(%dma_start3A_1472 : memref<26x128xf32, #tpu.memory_space<vmem>>) target(%dma_start3A_1468 : memref<26x128xf32, #tpu.memory_space<hbm>>) target_semaphore(%arg11 : memref<!tpu.dma_semaphore, #tpu.memory_space<semaphore_mem>>)
      %mul3A_1473 = arith.constant 8 : i32
      %mul3A_1474 = arith.muli %add3A_1450, %mul3A_1473 : i32
      %add3A_1475 = arith.addi %mul3A_4, %mul3A_1474 : i32
      %add3A_1476 = arith.constant 1 : i32
      %add3A_1477 = arith.addi %add3A_1475, %add3A_1476 : i32
      %dma_start3A_1478 = arith.constant 0 : i32
      %dma_start3A_1479 = arith.constant 26 : i32
      %dma_start3A_1480 = arith.constant 0 : i32
      %dma_start3A_1481 = tpu.memref_slice %arg6[%dma_start3A_1478, %dma_start3A_1479, %dma_start3A_1480] : memref<4x208x128xf32, #tpu.memory_space<vmem>> -> memref<1x26x128xf32, #tpu.memory_space<vmem>>
      %dma_start3A_1482 = tpu.memref_squeeze %dma_start3A_1481 : memref<1x26x128xf32, #tpu.memory_space<vmem>> -> memref<26x128xf32, #tpu.memory_space<vmem>>
      %dma_start3A_1483 = arith.constant 0 : i32
      %dma_start3A_1484 = arith.constant 0 : i32
      %dma_start3A_1485 = tpu.memref_slice %arg4[%add3A_1477, %dma_start3A_1483, %dma_start3A_1484] : memref<16384x26x128xf32, #tpu.memory_space<hbm>> -> memref<1x26x128xf32, #tpu.memory_space<hbm>>
      %dma_start3A_1486 = tpu.memref_squeeze %dma_start3A_1485 : memref<1x26x128xf32, #tpu.memory_space<hbm>> -> memref<26x128xf32, #tpu.memory_space<hbm>>
      %dma_start3A_1487 = arith.constant 0 : i32
      %dma_start3A_1488 = arith.constant 0 : i32
      %dma_start3A_1489 = tpu.memref_slice %arg4[%add3A_1477, %dma_start3A_1487, %dma_start3A_1488] : memref<16384x26x128xf32, #tpu.memory_space<hbm>> -> memref<1x26x128xf32, #tpu.memory_space<hbm>>
      %dma_start3A_1490 = tpu.memref_squeeze %dma_start3A_1489 : memref<1x26x128xf32, #tpu.memory_space<hbm>> -> memref<26x128xf32, #tpu.memory_space<hbm>>
      %dma_start3A_1491 = arith.constant 26 : i32
      %dma_start3A_1492 = arith.constant 0 : i32
      %dma_start3A_1493 = tpu.memref_slice %arg6[%dma_start3A_1478, %dma_start3A_1491, %dma_start3A_1492] : memref<4x208x128xf32, #tpu.memory_space<vmem>> -> memref<1x26x128xf32, #tpu.memory_space<vmem>>
      %dma_start3A_1494 = tpu.memref_squeeze %dma_start3A_1493 : memref<1x26x128xf32, #tpu.memory_space<vmem>> -> memref<26x128xf32, #tpu.memory_space<vmem>>
      tpu.enqueue_dma source(%dma_start3A_1494 : memref<26x128xf32, #tpu.memory_space<vmem>>) target(%dma_start3A_1490 : memref<26x128xf32, #tpu.memory_space<hbm>>) target_semaphore(%arg11 : memref<!tpu.dma_semaphore, #tpu.memory_space<semaphore_mem>>)
      %mul3A_1495 = arith.constant 8 : i32
      %mul3A_1496 = arith.muli %add3A_1450, %mul3A_1495 : i32
      %add3A_1497 = arith.addi %mul3A_4, %mul3A_1496 : i32
      %add3A_1498 = arith.constant 2 : i32
      %add3A_1499 = arith.addi %add3A_1497, %add3A_1498 : i32
      %dma_start3A_1500 = arith.constant 0 : i32
      %dma_start3A_1501 = arith.constant 52 : i32
      %dma_start3A_1502 = arith.constant 0 : i32
      %dma_start3A_1503 = tpu.memref_slice %arg6[%dma_start3A_1500, %dma_start3A_1501, %dma_start3A_1502] : memref<4x208x128xf32, #tpu.memory_space<vmem>> -> memref<1x26x128xf32, #tpu.memory_space<vmem>>
      %dma_start3A_1504 = tpu.memref_squeeze %dma_start3A_1503 : memref<1x26x128xf32, #tpu.memory_space<vmem>> -> memref<26x128xf32, #tpu.memory_space<vmem>>
      %dma_start3A_1505 = arith.constant 0 : i32
      %dma_start3A_1506 = arith.constant 0 : i32
      %dma_start3A_1507 = tpu.memref_slice %arg4[%add3A_1499, %dma_start3A_1505, %dma_start3A_1506] : memref<16384x26x128xf32, #tpu.memory_space<hbm>> -> memref<1x26x128xf32, #tpu.memory_space<hbm>>
      %dma_start3A_1508 = tpu.memref_squeeze %dma_start3A_1507 : memref<1x26x128xf32, #tpu.memory_space<hbm>> -> memref<26x128xf32, #tpu.memory_space<hbm>>
      %dma_start3A_1509 = arith.constant 0 : i32
      %dma_start3A_1510 = arith.constant 0 : i32
      %dma_start3A_1511 = tpu.memref_slice %arg4[%add3A_1499, %dma_start3A_1509, %dma_start3A_1510] : memref<16384x26x128xf32, #tpu.memory_space<hbm>> -> memref<1x26x128xf32, #tpu.memory_space<hbm>>
      %dma_start3A_1512 = tpu.memref_squeeze %dma_start3A_1511 : memref<1x26x128xf32, #tpu.memory_space<hbm>> -> memref<26x128xf32, #tpu.memory_space<hbm>>
      %dma_start3A_1513 = arith.constant 52 : i32
      %dma_start3A_1514 = arith.constant 0 : i32
      %dma_start3A_1515 = tpu.memref_slice %arg6[%dma_start3A_1500, %dma_start3A_1513, %dma_start3A_1514] : memref<4x208x128xf32, #tpu.memory_space<vmem>> -> memref<1x26x128xf32, #tpu.memory_space<vmem>>
      %dma_start3A_1516 = tpu.memref_squeeze %dma_start3A_1515 : memref<1x26x128xf32, #tpu.memory_space<vmem>> -> memref<26x128xf32, #tpu.memory_space<vmem>>
      tpu.enqueue_dma source(%dma_start3A_1516 : memref<26x128xf32, #tpu.memory_space<vmem>>) target(%dma_start3A_1512 : memref<26x128xf32, #tpu.memory_space<hbm>>) target_semaphore(%arg11 : memref<!tpu.dma_semaphore, #tpu.memory_space<semaphore_mem>>)
      %mul3A_1517 = arith.constant 8 : i32
      %mul3A_1518 = arith.muli %add3A_1450, %mul3A_1517 : i32
      %add3A_1519 = arith.addi %mul3A_4, %mul3A_1518 : i32
      %add3A_1520 = arith.constant 3 : i32
      %add3A_1521 = arith.addi %add3A_1519, %add3A_1520 : i32
      %dma_start3A_1522 = arith.constant 0 : i32
      %dma_start3A_1523 = arith.constant 78 : i32
      %dma_start3A_1524 = arith.constant 0 : i32
      %dma_start3A_1525 = tpu.memref_slice %arg6[%dma_start3A_1522, %dma_start3A_1523, %dma_start3A_1524] : memref<4x208x128xf32, #tpu.memory_space<vmem>> -> memref<1x26x128xf32, #tpu.memory_space<vmem>>
      %dma_start3A_1526 = tpu.memref_squeeze %dma_start3A_1525 : memref<1x26x128xf32, #tpu.memory_space<vmem>> -> memref<26x128xf32, #tpu.memory_space<vmem>>
      %dma_start3A_1527 = arith.constant 0 : i32
      %dma_start3A_1528 = arith.constant 0 : i32
      %dma_start3A_1529 = tpu.memref_slice %arg4[%add3A_1521, %dma_start3A_1527, %dma_start3A_1528] : memref<16384x26x128xf32, #tpu.memory_space<hbm>> -> memref<1x26x128xf32, #tpu.memory_space<hbm>>
      %dma_start3A_1530 = tpu.memref_squeeze %dma_start3A_1529 : memref<1x26x128xf32, #tpu.memory_space<hbm>> -> memref<26x128xf32, #tpu.memory_space<hbm>>
      %dma_start3A_1531 = arith.constant 0 : i32
      %dma_start3A_1532 = arith.constant 0 : i32
      %dma_start3A_1533 = tpu.memref_slice %arg4[%add3A_1521, %dma_start3A_1531, %dma_start3A_1532] : memref<16384x26x128xf32, #tpu.memory_space<hbm>> -> memref<1x26x128xf32, #tpu.memory_space<hbm>>
      %dma_start3A_1534 = tpu.memref_squeeze %dma_start3A_1533 : memref<1x26x128xf32, #tpu.memory_space<hbm>> -> memref<26x128xf32, #tpu.memory_space<hbm>>
      %dma_start3A_1535 = arith.constant 78 : i32
      %dma_start3A_1536 = arith.constant 0 : i32
      %dma_start3A_1537 = tpu.memref_slice %arg6[%dma_start3A_1522, %dma_start3A_1535, %dma_start3A_1536] : memref<4x208x128xf32, #tpu.memory_space<vmem>> -> memref<1x26x128xf32, #tpu.memory_space<vmem>>
      %dma_start3A_1538 = tpu.memref_squeeze %dma_start3A_1537 : memref<1x26x128xf32, #tpu.memory_space<vmem>> -> memref<26x128xf32, #tpu.memory_space<vmem>>
      tpu.enqueue_dma source(%dma_start3A_1538 : memref<26x128xf32, #tpu.memory_space<vmem>>) target(%dma_start3A_1534 : memref<26x128xf32, #tpu.memory_space<hbm>>) target_semaphore(%arg11 : memref<!tpu.dma_semaphore, #tpu.memory_space<semaphore_mem>>)
      %mul3A_1539 = arith.constant 8 : i32
      %mul3A_1540 = arith.muli %add3A_1450, %mul3A_1539 : i32
      %add3A_1541 = arith.addi %mul3A_4, %mul3A_1540 : i32
      %add3A_1542 = arith.constant 4 : i32
      %add3A_1543 = arith.addi %add3A_1541, %add3A_1542 : i32
      %dma_start3A_1544 = arith.constant 0 : i32
      %dma_start3A_1545 = arith.constant 104 : i32
      %dma_start3A_1546 = arith.constant 0 : i32
      %dma_start3A_1547 = tpu.memref_slice %arg6[%dma_start3A_1544, %dma_start3A_1545, %dma_start3A_1546] : memref<4x208x128xf32, #tpu.memory_space<vmem>> -> memref<1x26x128xf32, #tpu.memory_space<vmem>>
      %dma_start3A_1548 = tpu.memref_squeeze %dma_start3A_1547 : memref<1x26x128xf32, #tpu.memory_space<vmem>> -> memref<26x128xf32, #tpu.memory_space<vmem>>
      %dma_start3A_1549 = arith.constant 0 : i32
      %dma_start3A_1550 = arith.constant 0 : i32
      %dma_start3A_1551 = tpu.memref_slice %arg4[%add3A_1543, %dma_start3A_1549, %dma_start3A_1550] : memref<16384x26x128xf32, #tpu.memory_space<hbm>> -> memref<1x26x128xf32, #tpu.memory_space<hbm>>
      %dma_start3A_1552 = tpu.memref_squeeze %dma_start3A_1551 : memref<1x26x128xf32, #tpu.memory_space<hbm>> -> memref<26x128xf32, #tpu.memory_space<hbm>>
      %dma_start3A_1553 = arith.constant 0 : i32
      %dma_start3A_1554 = arith.constant 0 : i32
      %dma_start3A_1555 = tpu.memref_slice %arg4[%add3A_1543, %dma_start3A_1553, %dma_start3A_1554] : memref<16384x26x128xf32, #tpu.memory_space<hbm>> -> memref<1x26x128xf32, #tpu.memory_space<hbm>>
      %dma_start3A_1556 = tpu.memref_squeeze %dma_start3A_1555 : memref<1x26x128xf32, #tpu.memory_space<hbm>> -> memref<26x128xf32, #tpu.memory_space<hbm>>
      %dma_start3A_1557 = arith.constant 104 : i32
      %dma_start3A_1558 = arith.constant 0 : i32
      %dma_start3A_1559 = tpu.memref_slice %arg6[%dma_start3A_1544, %dma_start3A_1557, %dma_start3A_1558] : memref<4x208x128xf32, #tpu.memory_space<vmem>> -> memref<1x26x128xf32, #tpu.memory_space<vmem>>
      %dma_start3A_1560 = tpu.memref_squeeze %dma_start3A_1559 : memref<1x26x128xf32, #tpu.memory_space<vmem>> -> memref<26x128xf32, #tpu.memory_space<vmem>>
      tpu.enqueue_dma source(%dma_start3A_1560 : memref<26x128xf32, #tpu.memory_space<vmem>>) target(%dma_start3A_1556 : memref<26x128xf32, #tpu.memory_space<hbm>>) target_semaphore(%arg11 : memref<!tpu.dma_semaphore, #tpu.memory_space<semaphore_mem>>)
      %mul3A_1561 = arith.constant 8 : i32
      %mul3A_1562 = arith.muli %add3A_1450, %mul3A_1561 : i32
      %add3A_1563 = arith.addi %mul3A_4, %mul3A_1562 : i32
      %add3A_1564 = arith.constant 5 : i32
      %add3A_1565 = arith.addi %add3A_1563, %add3A_1564 : i32
      %dma_start3A_1566 = arith.constant 0 : i32
      %dma_start3A_1567 = arith.constant 130 : i32
      %dma_start3A_1568 = arith.constant 0 : i32
      %dma_start3A_1569 = tpu.memref_slice %arg6[%dma_start3A_1566, %dma_start3A_1567, %dma_start3A_1568] : memref<4x208x128xf32, #tpu.memory_space<vmem>> -> memref<1x26x128xf32, #tpu.memory_space<vmem>>
      %dma_start3A_1570 = tpu.memref_squeeze %dma_start3A_1569 : memref<1x26x128xf32, #tpu.memory_space<vmem>> -> memref<26x128xf32, #tpu.memory_space<vmem>>
      %dma_start3A_1571 = arith.constant 0 : i32
      %dma_start3A_1572 = arith.constant 0 : i32
      %dma_start3A_1573 = tpu.memref_slice %arg4[%add3A_1565, %dma_start3A_1571, %dma_start3A_1572] : memref<16384x26x128xf32, #tpu.memory_space<hbm>> -> memref<1x26x128xf32, #tpu.memory_space<hbm>>
      %dma_start3A_1574 = tpu.memref_squeeze %dma_start3A_1573 : memref<1x26x128xf32, #tpu.memory_space<hbm>> -> memref<26x128xf32, #tpu.memory_space<hbm>>
      %dma_start3A_1575 = arith.constant 0 : i32
      %dma_start3A_1576 = arith.constant 0 : i32
      %dma_start3A_1577 = tpu.memref_slice %arg4[%add3A_1565, %dma_start3A_1575, %dma_start3A_1576] : memref<16384x26x128xf32, #tpu.memory_space<hbm>> -> memref<1x26x128xf32, #tpu.memory_space<hbm>>
      %dma_start3A_1578 = tpu.memref_squeeze %dma_start3A_1577 : memref<1x26x128xf32, #tpu.memory_space<hbm>> -> memref<26x128xf32, #tpu.memory_space<hbm>>
      %dma_start3A_1579 = arith.constant 130 : i32
      %dma_start3A_1580 = arith.constant 0 : i32
      %dma_start3A_1581 = tpu.memref_slice %arg6[%dma_start3A_1566, %dma_start3A_1579, %dma_start3A_1580] : memref<4x208x128xf32, #tpu.memory_space<vmem>> -> memref<1x26x128xf32, #tpu.memory_space<vmem>>
      %dma_start3A_1582 = tpu.memref_squeeze %dma_start3A_1581 : memref<1x26x128xf32, #tpu.memory_space<vmem>> -> memref<26x128xf32, #tpu.memory_space<vmem>>
      tpu.enqueue_dma source(%dma_start3A_1582 : memref<26x128xf32, #tpu.memory_space<vmem>>) target(%dma_start3A_1578 : memref<26x128xf32, #tpu.memory_space<hbm>>) target_semaphore(%arg11 : memref<!tpu.dma_semaphore, #tpu.memory_space<semaphore_mem>>)
      %mul3A_1583 = arith.constant 8 : i32
      %mul3A_1584 = arith.muli %add3A_1450, %mul3A_1583 : i32
      %add3A_1585 = arith.addi %mul3A_4, %mul3A_1584 : i32
      %add3A_1586 = arith.constant 6 : i32
      %add3A_1587 = arith.addi %add3A_1585, %add3A_1586 : i32
      %dma_start3A_1588 = arith.constant 0 : i32
      %dma_start3A_1589 = arith.constant 156 : i32
      %dma_start3A_1590 = arith.constant 0 : i32
      %dma_start3A_1591 = tpu.memref_slice %arg6[%dma_start3A_1588, %dma_start3A_1589, %dma_start3A_1590] : memref<4x208x128xf32, #tpu.memory_space<vmem>> -> memref<1x26x128xf32, #tpu.memory_space<vmem>>
      %dma_start3A_1592 = tpu.memref_squeeze %dma_start3A_1591 : memref<1x26x128xf32, #tpu.memory_space<vmem>> -> memref<26x128xf32, #tpu.memory_space<vmem>>
      %dma_start3A_1593 = arith.constant 0 : i32
      %dma_start3A_1594 = arith.constant 0 : i32
      %dma_start3A_1595 = tpu.memref_slice %arg4[%add3A_1587, %dma_start3A_1593, %dma_start3A_1594] : memref<16384x26x128xf32, #tpu.memory_space<hbm>> -> memref<1x26x128xf32, #tpu.memory_space<hbm>>
      %dma_start3A_1596 = tpu.memref_squeeze %dma_start3A_1595 : memref<1x26x128xf32, #tpu.memory_space<hbm>> -> memref<26x128xf32, #tpu.memory_space<hbm>>
      %dma_start3A_1597 = arith.constant 0 : i32
      %dma_start3A_1598 = arith.constant 0 : i32
      %dma_start3A_1599 = tpu.memref_slice %arg4[%add3A_1587, %dma_start3A_1597, %dma_start3A_1598] : memref<16384x26x128xf32, #tpu.memory_space<hbm>> -> memref<1x26x128xf32, #tpu.memory_space<hbm>>
      %dma_start3A_1600 = tpu.memref_squeeze %dma_start3A_1599 : memref<1x26x128xf32, #tpu.memory_space<hbm>> -> memref<26x128xf32, #tpu.memory_space<hbm>>
      %dma_start3A_1601 = arith.constant 156 : i32
      %dma_start3A_1602 = arith.constant 0 : i32
      %dma_start3A_1603 = tpu.memref_slice %arg6[%dma_start3A_1588, %dma_start3A_1601, %dma_start3A_1602] : memref<4x208x128xf32, #tpu.memory_space<vmem>> -> memref<1x26x128xf32, #tpu.memory_space<vmem>>
      %dma_start3A_1604 = tpu.memref_squeeze %dma_start3A_1603 : memref<1x26x128xf32, #tpu.memory_space<vmem>> -> memref<26x128xf32, #tpu.memory_space<vmem>>
      tpu.enqueue_dma source(%dma_start3A_1604 : memref<26x128xf32, #tpu.memory_space<vmem>>) target(%dma_start3A_1600 : memref<26x128xf32, #tpu.memory_space<hbm>>) target_semaphore(%arg11 : memref<!tpu.dma_semaphore, #tpu.memory_space<semaphore_mem>>)
      %mul3A_1605 = arith.constant 8 : i32
      %mul3A_1606 = arith.muli %add3A_1450, %mul3A_1605 : i32
      %add3A_1607 = arith.addi %mul3A_4, %mul3A_1606 : i32
      %add3A_1608 = arith.constant 7 : i32
      %add3A_1609 = arith.addi %add3A_1607, %add3A_1608 : i32
      %dma_start3A_1610 = arith.constant 0 : i32
      %dma_start3A_1611 = arith.constant 182 : i32
      %dma_start3A_1612 = arith.constant 0 : i32
      %dma_start3A_1613 = tpu.memref_slice %arg6[%dma_start3A_1610, %dma_start3A_1611, %dma_start3A_1612] : memref<4x208x128xf32, #tpu.memory_space<vmem>> -> memref<1x26x128xf32, #tpu.memory_space<vmem>>
      %dma_start3A_1614 = tpu.memref_squeeze %dma_start3A_1613 : memref<1x26x128xf32, #tpu.memory_space<vmem>> -> memref<26x128xf32, #tpu.memory_space<vmem>>
      %dma_start3A_1615 = arith.constant 0 : i32
      %dma_start3A_1616 = arith.constant 0 : i32
      %dma_start3A_1617 = tpu.memref_slice %arg4[%add3A_1609, %dma_start3A_1615, %dma_start3A_1616] : memref<16384x26x128xf32, #tpu.memory_space<hbm>> -> memref<1x26x128xf32, #tpu.memory_space<hbm>>
      %dma_start3A_1618 = tpu.memref_squeeze %dma_start3A_1617 : memref<1x26x128xf32, #tpu.memory_space<hbm>> -> memref<26x128xf32, #tpu.memory_space<hbm>>
      %dma_start3A_1619 = arith.constant 0 : i32
      %dma_start3A_1620 = arith.constant 0 : i32
      %dma_start3A_1621 = tpu.memref_slice %arg4[%add3A_1609, %dma_start3A_1619, %dma_start3A_1620] : memref<16384x26x128xf32, #tpu.memory_space<hbm>> -> memref<1x26x128xf32, #tpu.memory_space<hbm>>
      %dma_start3A_1622 = tpu.memref_squeeze %dma_start3A_1621 : memref<1x26x128xf32, #tpu.memory_space<hbm>> -> memref<26x128xf32, #tpu.memory_space<hbm>>
      %dma_start3A_1623 = arith.constant 182 : i32
      %dma_start3A_1624 = arith.constant 0 : i32
      %dma_start3A_1625 = tpu.memref_slice %arg6[%dma_start3A_1610, %dma_start3A_1623, %dma_start3A_1624] : memref<4x208x128xf32, #tpu.memory_space<vmem>> -> memref<1x26x128xf32, #tpu.memory_space<vmem>>
      %dma_start3A_1626 = tpu.memref_squeeze %dma_start3A_1625 : memref<1x26x128xf32, #tpu.memory_space<vmem>> -> memref<26x128xf32, #tpu.memory_space<vmem>>
      tpu.enqueue_dma source(%dma_start3A_1626 : memref<26x128xf32, #tpu.memory_space<vmem>>) target(%dma_start3A_1622 : memref<26x128xf32, #tpu.memory_space<hbm>>) target_semaphore(%arg11 : memref<!tpu.dma_semaphore, #tpu.memory_space<semaphore_mem>>)
      %add3A_1627 = arith.constant 1 : i32
      %add3A_1628 = arith.addi %add3A_1435, %add3A_1627 : i32
      %mul3A_1629 = arith.constant 208 : i32
      %mul3A_1630 = arith.muli %add3A_1628, %mul3A_1629 : i32
      %dma_wait3A_1631 = arith.constant 1 : i32
      %dma_wait3A_1632 = arith.constant 0 : i32
      %dma_wait3A_1633 = arith.constant 0 : i32
      %dma_wait3A_1634 = tpu.memref_slice %arg6[%dma_wait3A_1631, %dma_wait3A_1632, %dma_wait3A_1633] : memref<4x208x128xf32, #tpu.memory_space<vmem>> -> memref<1x208x128xf32, #tpu.memory_space<vmem>>
      %dma_wait3A_1635 = tpu.memref_squeeze %dma_wait3A_1634 : memref<1x208x128xf32, #tpu.memory_space<vmem>> -> memref<208x128xf32, #tpu.memory_space<vmem>>
      %dma_wait3A_1636 = tpu.memref_slice %arg5[%mul3A_1630] : memref<13312xi32, #tpu.memory_space<vmem>> -> memref<208xi32, #tpu.memory_space<vmem>>
      %dma_wait3A_1637 = arith.constant 0 : i32
      %dma_wait3A_1638 = arith.constant 0 : i32
      %dma_wait3A_1639 = tpu.memref_slice %arg2[%dma_wait3A_1637, %dma_wait3A_1638] : memref<100000x128xf32, #tpu.memory_space<hbm>> -> memref<100000x128xf32, #tpu.memory_space<hbm>>
      tpu.wait_indirect_dma semaphore(%arg8 : memref<!tpu.dma_semaphore, #tpu.memory_space<semaphore_mem>>) src(%dma_wait3A_1639 : memref<100000x128xf32, #tpu.memory_space<hbm>>) dst(%dma_wait3A_1635 : memref<208x128xf32, #tpu.memory_space<vmem>>)
      %add3A_1640 = arith.constant 1 : i32
      %add3A_1641 = arith.addi %add3A_1435, %add3A_1640 : i32
      %mul3A_1642 = arith.constant 8 : i32
      %mul3A_1643 = arith.muli %add3A_1641, %mul3A_1642 : i32
      %add3A_1644 = arith.addi %mul3A_4, %mul3A_1643 : i32
      %add3A_1645 = arith.constant 0 : i32
      %add3A_1646 = arith.addi %add3A_1644, %add3A_1645 : i32
      %dma_start3A_1647 = arith.constant 1 : i32
      %dma_start3A_1648 = arith.constant 0 : i32
      %dma_start3A_1649 = arith.constant 0 : i32
      %dma_start3A_1650 = tpu.memref_slice %arg6[%dma_start3A_1647, %dma_start3A_1648, %dma_start3A_1649] : memref<4x208x128xf32, #tpu.memory_space<vmem>> -> memref<1x26x128xf32, #tpu.memory_space<vmem>>
      %dma_start3A_1651 = tpu.memref_squeeze %dma_start3A_1650 : memref<1x26x128xf32, #tpu.memory_space<vmem>> -> memref<26x128xf32, #tpu.memory_space<vmem>>
      %dma_start3A_1652 = arith.constant 0 : i32
      %dma_start3A_1653 = arith.constant 0 : i32
      %dma_start3A_1654 = tpu.memref_slice %arg4[%add3A_1646, %dma_start3A_1652, %dma_start3A_1653] : memref<16384x26x128xf32, #tpu.memory_space<hbm>> -> memref<1x26x128xf32, #tpu.memory_space<hbm>>
      %dma_start3A_1655 = tpu.memref_squeeze %dma_start3A_1654 : memref<1x26x128xf32, #tpu.memory_space<hbm>> -> memref<26x128xf32, #tpu.memory_space<hbm>>
      %dma_start3A_1656 = arith.constant 0 : i32
      %dma_start3A_1657 = arith.constant 0 : i32
      %dma_start3A_1658 = tpu.memref_slice %arg4[%add3A_1646, %dma_start3A_1656, %dma_start3A_1657] : memref<16384x26x128xf32, #tpu.memory_space<hbm>> -> memref<1x26x128xf32, #tpu.memory_space<hbm>>
      %dma_start3A_1659 = tpu.memref_squeeze %dma_start3A_1658 : memref<1x26x128xf32, #tpu.memory_space<hbm>> -> memref<26x128xf32, #tpu.memory_space<hbm>>
      %dma_start3A_1660 = arith.constant 0 : i32
      %dma_start3A_1661 = arith.constant 0 : i32
      %dma_start3A_1662 = tpu.memref_slice %arg6[%dma_start3A_1647, %dma_start3A_1660, %dma_start3A_1661] : memref<4x208x128xf32, #tpu.memory_space<vmem>> -> memref<1x26x128xf32, #tpu.memory_space<vmem>>
      %dma_start3A_1663 = tpu.memref_squeeze %dma_start3A_1662 : memref<1x26x128xf32, #tpu.memory_space<vmem>> -> memref<26x128xf32, #tpu.memory_space<vmem>>
      tpu.enqueue_dma source(%dma_start3A_1663 : memref<26x128xf32, #tpu.memory_space<vmem>>) target(%dma_start3A_1659 : memref<26x128xf32, #tpu.memory_space<hbm>>) target_semaphore(%arg12 : memref<!tpu.dma_semaphore, #tpu.memory_space<semaphore_mem>>)
      %mul3A_1664 = arith.constant 8 : i32
      %mul3A_1665 = arith.muli %add3A_1641, %mul3A_1664 : i32
      %add3A_1666 = arith.addi %mul3A_4, %mul3A_1665 : i32
      %add3A_1667 = arith.constant 1 : i32
      %add3A_1668 = arith.addi %add3A_1666, %add3A_1667 : i32
      %dma_start3A_1669 = arith.constant 1 : i32
      %dma_start3A_1670 = arith.constant 26 : i32
      %dma_start3A_1671 = arith.constant 0 : i32
      %dma_start3A_1672 = tpu.memref_slice %arg6[%dma_start3A_1669, %dma_start3A_1670, %dma_start3A_1671] : memref<4x208x128xf32, #tpu.memory_space<vmem>> -> memref<1x26x128xf32, #tpu.memory_space<vmem>>
      %dma_start3A_1673 = tpu.memref_squeeze %dma_start3A_1672 : memref<1x26x128xf32, #tpu.memory_space<vmem>> -> memref<26x128xf32, #tpu.memory_space<vmem>>
      %dma_start3A_1674 = arith.constant 0 : i32
      %dma_start3A_1675 = arith.constant 0 : i32
      %dma_start3A_1676 = tpu.memref_slice %arg4[%add3A_1668, %dma_start3A_1674, %dma_start3A_1675] : memref<16384x26x128xf32, #tpu.memory_space<hbm>> -> memref<1x26x128xf32, #tpu.memory_space<hbm>>
      %dma_start3A_1677 = tpu.memref_squeeze %dma_start3A_1676 : memref<1x26x128xf32, #tpu.memory_space<hbm>> -> memref<26x128xf32, #tpu.memory_space<hbm>>
      %dma_start3A_1678 = arith.constant 0 : i32
      %dma_start3A_1679 = arith.constant 0 : i32
      %dma_start3A_1680 = tpu.memref_slice %arg4[%add3A_1668, %dma_start3A_1678, %dma_start3A_1679] : memref<16384x26x128xf32, #tpu.memory_space<hbm>> -> memref<1x26x128xf32, #tpu.memory_space<hbm>>
      %dma_start3A_1681 = tpu.memref_squeeze %dma_start3A_1680 : memref<1x26x128xf32, #tpu.memory_space<hbm>> -> memref<26x128xf32, #tpu.memory_space<hbm>>
      %dma_start3A_1682 = arith.constant 26 : i32
      %dma_start3A_1683 = arith.constant 0 : i32
      %dma_start3A_1684 = tpu.memref_slice %arg6[%dma_start3A_1669, %dma_start3A_1682, %dma_start3A_1683] : memref<4x208x128xf32, #tpu.memory_space<vmem>> -> memref<1x26x128xf32, #tpu.memory_space<vmem>>
      %dma_start3A_1685 = tpu.memref_squeeze %dma_start3A_1684 : memref<1x26x128xf32, #tpu.memory_space<vmem>> -> memref<26x128xf32, #tpu.memory_space<vmem>>
      tpu.enqueue_dma source(%dma_start3A_1685 : memref<26x128xf32, #tpu.memory_space<vmem>>) target(%dma_start3A_1681 : memref<26x128xf32, #tpu.memory_space<hbm>>) target_semaphore(%arg12 : memref<!tpu.dma_semaphore, #tpu.memory_space<semaphore_mem>>)
      %mul3A_1686 = arith.constant 8 : i32
      %mul3A_1687 = arith.muli %add3A_1641, %mul3A_1686 : i32
      %add3A_1688 = arith.addi %mul3A_4, %mul3A_1687 : i32
      %add3A_1689 = arith.constant 2 : i32
      %add3A_1690 = arith.addi %add3A_1688, %add3A_1689 : i32
      %dma_start3A_1691 = arith.constant 1 : i32
      %dma_start3A_1692 = arith.constant 52 : i32
      %dma_start3A_1693 = arith.constant 0 : i32
      %dma_start3A_1694 = tpu.memref_slice %arg6[%dma_start3A_1691, %dma_start3A_1692, %dma_start3A_1693] : memref<4x208x128xf32, #tpu.memory_space<vmem>> -> memref<1x26x128xf32, #tpu.memory_space<vmem>>
      %dma_start3A_1695 = tpu.memref_squeeze %dma_start3A_1694 : memref<1x26x128xf32, #tpu.memory_space<vmem>> -> memref<26x128xf32, #tpu.memory_space<vmem>>
      %dma_start3A_1696 = arith.constant 0 : i32
      %dma_start3A_1697 = arith.constant 0 : i32
      %dma_start3A_1698 = tpu.memref_slice %arg4[%add3A_1690, %dma_start3A_1696, %dma_start3A_1697] : memref<16384x26x128xf32, #tpu.memory_space<hbm>> -> memref<1x26x128xf32, #tpu.memory_space<hbm>>
      %dma_start3A_1699 = tpu.memref_squeeze %dma_start3A_1698 : memref<1x26x128xf32, #tpu.memory_space<hbm>> -> memref<26x128xf32, #tpu.memory_space<hbm>>
      %dma_start3A_1700 = arith.constant 0 : i32
      %dma_start3A_1701 = arith.constant 0 : i32
      %dma_start3A_1702 = tpu.memref_slice %arg4[%add3A_1690, %dma_start3A_1700, %dma_start3A_1701] : memref<16384x26x128xf32, #tpu.memory_space<hbm>> -> memref<1x26x128xf32, #tpu.memory_space<hbm>>
      %dma_start3A_1703 = tpu.memref_squeeze %dma_start3A_1702 : memref<1x26x128xf32, #tpu.memory_space<hbm>> -> memref<26x128xf32, #tpu.memory_space<hbm>>
      %dma_start3A_1704 = arith.constant 52 : i32
      %dma_start3A_1705 = arith.constant 0 : i32
      %dma_start3A_1706 = tpu.memref_slice %arg6[%dma_start3A_1691, %dma_start3A_1704, %dma_start3A_1705] : memref<4x208x128xf32, #tpu.memory_space<vmem>> -> memref<1x26x128xf32, #tpu.memory_space<vmem>>
      %dma_start3A_1707 = tpu.memref_squeeze %dma_start3A_1706 : memref<1x26x128xf32, #tpu.memory_space<vmem>> -> memref<26x128xf32, #tpu.memory_space<vmem>>
      tpu.enqueue_dma source(%dma_start3A_1707 : memref<26x128xf32, #tpu.memory_space<vmem>>) target(%dma_start3A_1703 : memref<26x128xf32, #tpu.memory_space<hbm>>) target_semaphore(%arg12 : memref<!tpu.dma_semaphore, #tpu.memory_space<semaphore_mem>>)
      %mul3A_1708 = arith.constant 8 : i32
      %mul3A_1709 = arith.muli %add3A_1641, %mul3A_1708 : i32
      %add3A_1710 = arith.addi %mul3A_4, %mul3A_1709 : i32
      %add3A_1711 = arith.constant 3 : i32
      %add3A_1712 = arith.addi %add3A_1710, %add3A_1711 : i32
      %dma_start3A_1713 = arith.constant 1 : i32
      %dma_start3A_1714 = arith.constant 78 : i32
      %dma_start3A_1715 = arith.constant 0 : i32
      %dma_start3A_1716 = tpu.memref_slice %arg6[%dma_start3A_1713, %dma_start3A_1714, %dma_start3A_1715] : memref<4x208x128xf32, #tpu.memory_space<vmem>> -> memref<1x26x128xf32, #tpu.memory_space<vmem>>
      %dma_start3A_1717 = tpu.memref_squeeze %dma_start3A_1716 : memref<1x26x128xf32, #tpu.memory_space<vmem>> -> memref<26x128xf32, #tpu.memory_space<vmem>>
      %dma_start3A_1718 = arith.constant 0 : i32
      %dma_start3A_1719 = arith.constant 0 : i32
      %dma_start3A_1720 = tpu.memref_slice %arg4[%add3A_1712, %dma_start3A_1718, %dma_start3A_1719] : memref<16384x26x128xf32, #tpu.memory_space<hbm>> -> memref<1x26x128xf32, #tpu.memory_space<hbm>>
      %dma_start3A_1721 = tpu.memref_squeeze %dma_start3A_1720 : memref<1x26x128xf32, #tpu.memory_space<hbm>> -> memref<26x128xf32, #tpu.memory_space<hbm>>
      %dma_start3A_1722 = arith.constant 0 : i32
      %dma_start3A_1723 = arith.constant 0 : i32
      %dma_start3A_1724 = tpu.memref_slice %arg4[%add3A_1712, %dma_start3A_1722, %dma_start3A_1723] : memref<16384x26x128xf32, #tpu.memory_space<hbm>> -> memref<1x26x128xf32, #tpu.memory_space<hbm>>
      %dma_start3A_1725 = tpu.memref_squeeze %dma_start3A_1724 : memref<1x26x128xf32, #tpu.memory_space<hbm>> -> memref<26x128xf32, #tpu.memory_space<hbm>>
      %dma_start3A_1726 = arith.constant 78 : i32
      %dma_start3A_1727 = arith.constant 0 : i32
      %dma_start3A_1728 = tpu.memref_slice %arg6[%dma_start3A_1713, %dma_start3A_1726, %dma_start3A_1727] : memref<4x208x128xf32, #tpu.memory_space<vmem>> -> memref<1x26x128xf32, #tpu.memory_space<vmem>>
      %dma_start3A_1729 = tpu.memref_squeeze %dma_start3A_1728 : memref<1x26x128xf32, #tpu.memory_space<vmem>> -> memref<26x128xf32, #tpu.memory_space<vmem>>
      tpu.enqueue_dma source(%dma_start3A_1729 : memref<26x128xf32, #tpu.memory_space<vmem>>) target(%dma_start3A_1725 : memref<26x128xf32, #tpu.memory_space<hbm>>) target_semaphore(%arg12 : memref<!tpu.dma_semaphore, #tpu.memory_space<semaphore_mem>>)
      %mul3A_1730 = arith.constant 8 : i32
      %mul3A_1731 = arith.muli %add3A_1641, %mul3A_1730 : i32
      %add3A_1732 = arith.addi %mul3A_4, %mul3A_1731 : i32
      %add3A_1733 = arith.constant 4 : i32
      %add3A_1734 = arith.addi %add3A_1732, %add3A_1733 : i32
      %dma_start3A_1735 = arith.constant 1 : i32
      %dma_start3A_1736 = arith.constant 104 : i32
      %dma_start3A_1737 = arith.constant 0 : i32
      %dma_start3A_1738 = tpu.memref_slice %arg6[%dma_start3A_1735, %dma_start3A_1736, %dma_start3A_1737] : memref<4x208x128xf32, #tpu.memory_space<vmem>> -> memref<1x26x128xf32, #tpu.memory_space<vmem>>
      %dma_start3A_1739 = tpu.memref_squeeze %dma_start3A_1738 : memref<1x26x128xf32, #tpu.memory_space<vmem>> -> memref<26x128xf32, #tpu.memory_space<vmem>>
      %dma_start3A_1740 = arith.constant 0 : i32
      %dma_start3A_1741 = arith.constant 0 : i32
      %dma_start3A_1742 = tpu.memref_slice %arg4[%add3A_1734, %dma_start3A_1740, %dma_start3A_1741] : memref<16384x26x128xf32, #tpu.memory_space<hbm>> -> memref<1x26x128xf32, #tpu.memory_space<hbm>>
      %dma_start3A_1743 = tpu.memref_squeeze %dma_start3A_1742 : memref<1x26x128xf32, #tpu.memory_space<hbm>> -> memref<26x128xf32, #tpu.memory_space<hbm>>
      %dma_start3A_1744 = arith.constant 0 : i32
      %dma_start3A_1745 = arith.constant 0 : i32
      %dma_start3A_1746 = tpu.memref_slice %arg4[%add3A_1734, %dma_start3A_1744, %dma_start3A_1745] : memref<16384x26x128xf32, #tpu.memory_space<hbm>> -> memref<1x26x128xf32, #tpu.memory_space<hbm>>
      %dma_start3A_1747 = tpu.memref_squeeze %dma_start3A_1746 : memref<1x26x128xf32, #tpu.memory_space<hbm>> -> memref<26x128xf32, #tpu.memory_space<hbm>>
      %dma_start3A_1748 = arith.constant 104 : i32
      %dma_start3A_1749 = arith.constant 0 : i32
      %dma_start3A_1750 = tpu.memref_slice %arg6[%dma_start3A_1735, %dma_start3A_1748, %dma_start3A_1749] : memref<4x208x128xf32, #tpu.memory_space<vmem>> -> memref<1x26x128xf32, #tpu.memory_space<vmem>>
      %dma_start3A_1751 = tpu.memref_squeeze %dma_start3A_1750 : memref<1x26x128xf32, #tpu.memory_space<vmem>> -> memref<26x128xf32, #tpu.memory_space<vmem>>
      tpu.enqueue_dma source(%dma_start3A_1751 : memref<26x128xf32, #tpu.memory_space<vmem>>) target(%dma_start3A_1747 : memref<26x128xf32, #tpu.memory_space<hbm>>) target_semaphore(%arg12 : memref<!tpu.dma_semaphore, #tpu.memory_space<semaphore_mem>>)
      %mul3A_1752 = arith.constant 8 : i32
      %mul3A_1753 = arith.muli %add3A_1641, %mul3A_1752 : i32
      %add3A_1754 = arith.addi %mul3A_4, %mul3A_1753 : i32
      %add3A_1755 = arith.constant 5 : i32
      %add3A_1756 = arith.addi %add3A_1754, %add3A_1755 : i32
      %dma_start3A_1757 = arith.constant 1 : i32
      %dma_start3A_1758 = arith.constant 130 : i32
      %dma_start3A_1759 = arith.constant 0 : i32
      %dma_start3A_1760 = tpu.memref_slice %arg6[%dma_start3A_1757, %dma_start3A_1758, %dma_start3A_1759] : memref<4x208x128xf32, #tpu.memory_space<vmem>> -> memref<1x26x128xf32, #tpu.memory_space<vmem>>
      %dma_start3A_1761 = tpu.memref_squeeze %dma_start3A_1760 : memref<1x26x128xf32, #tpu.memory_space<vmem>> -> memref<26x128xf32, #tpu.memory_space<vmem>>
      %dma_start3A_1762 = arith.constant 0 : i32
      %dma_start3A_1763 = arith.constant 0 : i32
      %dma_start3A_1764 = tpu.memref_slice %arg4[%add3A_1756, %dma_start3A_1762, %dma_start3A_1763] : memref<16384x26x128xf32, #tpu.memory_space<hbm>> -> memref<1x26x128xf32, #tpu.memory_space<hbm>>
      %dma_start3A_1765 = tpu.memref_squeeze %dma_start3A_1764 : memref<1x26x128xf32, #tpu.memory_space<hbm>> -> memref<26x128xf32, #tpu.memory_space<hbm>>
      %dma_start3A_1766 = arith.constant 0 : i32
      %dma_start3A_1767 = arith.constant 0 : i32
      %dma_start3A_1768 = tpu.memref_slice %arg4[%add3A_1756, %dma_start3A_1766, %dma_start3A_1767] : memref<16384x26x128xf32, #tpu.memory_space<hbm>> -> memref<1x26x128xf32, #tpu.memory_space<hbm>>
      %dma_start3A_1769 = tpu.memref_squeeze %dma_start3A_1768 : memref<1x26x128xf32, #tpu.memory_space<hbm>> -> memref<26x128xf32, #tpu.memory_space<hbm>>
      %dma_start3A_1770 = arith.constant 130 : i32
      %dma_start3A_1771 = arith.constant 0 : i32
      %dma_start3A_1772 = tpu.memref_slice %arg6[%dma_start3A_1757, %dma_start3A_1770, %dma_start3A_1771] : memref<4x208x128xf32, #tpu.memory_space<vmem>> -> memref<1x26x128xf32, #tpu.memory_space<vmem>>
      %dma_start3A_1773 = tpu.memref_squeeze %dma_start3A_1772 : memref<1x26x128xf32, #tpu.memory_space<vmem>> -> memref<26x128xf32, #tpu.memory_space<vmem>>
      tpu.enqueue_dma source(%dma_start3A_1773 : memref<26x128xf32, #tpu.memory_space<vmem>>) target(%dma_start3A_1769 : memref<26x128xf32, #tpu.memory_space<hbm>>) target_semaphore(%arg12 : memref<!tpu.dma_semaphore, #tpu.memory_space<semaphore_mem>>)
      %mul3A_1774 = arith.constant 8 : i32
      %mul3A_1775 = arith.muli %add3A_1641, %mul3A_1774 : i32
      %add3A_1776 = arith.addi %mul3A_4, %mul3A_1775 : i32
      %add3A_1777 = arith.constant 6 : i32
      %add3A_1778 = arith.addi %add3A_1776, %add3A_1777 : i32
      %dma_start3A_1779 = arith.constant 1 : i32
      %dma_start3A_1780 = arith.constant 156 : i32
      %dma_start3A_1781 = arith.constant 0 : i32
      %dma_start3A_1782 = tpu.memref_slice %arg6[%dma_start3A_1779, %dma_start3A_1780, %dma_start3A_1781] : memref<4x208x128xf32, #tpu.memory_space<vmem>> -> memref<1x26x128xf32, #tpu.memory_space<vmem>>
      %dma_start3A_1783 = tpu.memref_squeeze %dma_start3A_1782 : memref<1x26x128xf32, #tpu.memory_space<vmem>> -> memref<26x128xf32, #tpu.memory_space<vmem>>
      %dma_start3A_1784 = arith.constant 0 : i32
      %dma_start3A_1785 = arith.constant 0 : i32
      %dma_start3A_1786 = tpu.memref_slice %arg4[%add3A_1778, %dma_start3A_1784, %dma_start3A_1785] : memref<16384x26x128xf32, #tpu.memory_space<hbm>> -> memref<1x26x128xf32, #tpu.memory_space<hbm>>
      %dma_start3A_1787 = tpu.memref_squeeze %dma_start3A_1786 : memref<1x26x128xf32, #tpu.memory_space<hbm>> -> memref<26x128xf32, #tpu.memory_space<hbm>>
      %dma_start3A_1788 = arith.constant 0 : i32
      %dma_start3A_1789 = arith.constant 0 : i32
      %dma_start3A_1790 = tpu.memref_slice %arg4[%add3A_1778, %dma_start3A_1788, %dma_start3A_1789] : memref<16384x26x128xf32, #tpu.memory_space<hbm>> -> memref<1x26x128xf32, #tpu.memory_space<hbm>>
      %dma_start3A_1791 = tpu.memref_squeeze %dma_start3A_1790 : memref<1x26x128xf32, #tpu.memory_space<hbm>> -> memref<26x128xf32, #tpu.memory_space<hbm>>
      %dma_start3A_1792 = arith.constant 156 : i32
      %dma_start3A_1793 = arith.constant 0 : i32
      %dma_start3A_1794 = tpu.memref_slice %arg6[%dma_start3A_1779, %dma_start3A_1792, %dma_start3A_1793] : memref<4x208x128xf32, #tpu.memory_space<vmem>> -> memref<1x26x128xf32, #tpu.memory_space<vmem>>
      %dma_start3A_1795 = tpu.memref_squeeze %dma_start3A_1794 : memref<1x26x128xf32, #tpu.memory_space<vmem>> -> memref<26x128xf32, #tpu.memory_space<vmem>>
      tpu.enqueue_dma source(%dma_start3A_1795 : memref<26x128xf32, #tpu.memory_space<vmem>>) target(%dma_start3A_1791 : memref<26x128xf32, #tpu.memory_space<hbm>>) target_semaphore(%arg12 : memref<!tpu.dma_semaphore, #tpu.memory_space<semaphore_mem>>)
      %mul3A_1796 = arith.constant 8 : i32
      %mul3A_1797 = arith.muli %add3A_1641, %mul3A_1796 : i32
      %add3A_1798 = arith.addi %mul3A_4, %mul3A_1797 : i32
      %add3A_1799 = arith.constant 7 : i32
      %add3A_1800 = arith.addi %add3A_1798, %add3A_1799 : i32
      %dma_start3A_1801 = arith.constant 1 : i32
      %dma_start3A_1802 = arith.constant 182 : i32
      %dma_start3A_1803 = arith.constant 0 : i32
      %dma_start3A_1804 = tpu.memref_slice %arg6[%dma_start3A_1801, %dma_start3A_1802, %dma_start3A_1803] : memref<4x208x128xf32, #tpu.memory_space<vmem>> -> memref<1x26x128xf32, #tpu.memory_space<vmem>>
      %dma_start3A_1805 = tpu.memref_squeeze %dma_start3A_1804 : memref<1x26x128xf32, #tpu.memory_space<vmem>> -> memref<26x128xf32, #tpu.memory_space<vmem>>
      %dma_start3A_1806 = arith.constant 0 : i32
      %dma_start3A_1807 = arith.constant 0 : i32
      %dma_start3A_1808 = tpu.memref_slice %arg4[%add3A_1800, %dma_start3A_1806, %dma_start3A_1807] : memref<16384x26x128xf32, #tpu.memory_space<hbm>> -> memref<1x26x128xf32, #tpu.memory_space<hbm>>
      %dma_start3A_1809 = tpu.memref_squeeze %dma_start3A_1808 : memref<1x26x128xf32, #tpu.memory_space<hbm>> -> memref<26x128xf32, #tpu.memory_space<hbm>>
      %dma_start3A_1810 = arith.constant 0 : i32
      %dma_start3A_1811 = arith.constant 0 : i32
      %dma_start3A_1812 = tpu.memref_slice %arg4[%add3A_1800, %dma_start3A_1810, %dma_start3A_1811] : memref<16384x26x128xf32, #tpu.memory_space<hbm>> -> memref<1x26x128xf32, #tpu.memory_space<hbm>>
      %dma_start3A_1813 = tpu.memref_squeeze %dma_start3A_1812 : memref<1x26x128xf32, #tpu.memory_space<hbm>> -> memref<26x128xf32, #tpu.memory_space<hbm>>
      %dma_start3A_1814 = arith.constant 182 : i32
      %dma_start3A_1815 = arith.constant 0 : i32
      %dma_start3A_1816 = tpu.memref_slice %arg6[%dma_start3A_1801, %dma_start3A_1814, %dma_start3A_1815] : memref<4x208x128xf32, #tpu.memory_space<vmem>> -> memref<1x26x128xf32, #tpu.memory_space<vmem>>
      %dma_start3A_1817 = tpu.memref_squeeze %dma_start3A_1816 : memref<1x26x128xf32, #tpu.memory_space<vmem>> -> memref<26x128xf32, #tpu.memory_space<vmem>>
      tpu.enqueue_dma source(%dma_start3A_1817 : memref<26x128xf32, #tpu.memory_space<vmem>>) target(%dma_start3A_1813 : memref<26x128xf32, #tpu.memory_space<hbm>>) target_semaphore(%arg12 : memref<!tpu.dma_semaphore, #tpu.memory_space<semaphore_mem>>)
      %add3A_1818 = arith.constant 2 : i32
      %add3A_1819 = arith.addi %add3A_1435, %add3A_1818 : i32
      %mul3A_1820 = arith.constant 208 : i32
      %mul3A_1821 = arith.muli %add3A_1819, %mul3A_1820 : i32
      %dma_wait3A_1822 = arith.constant 2 : i32
      %dma_wait3A_1823 = arith.constant 0 : i32
      %dma_wait3A_1824 = arith.constant 0 : i32
      %dma_wait3A_1825 = tpu.memref_slice %arg6[%dma_wait3A_1822, %dma_wait3A_1823, %dma_wait3A_1824] : memref<4x208x128xf32, #tpu.memory_space<vmem>> -> memref<1x208x128xf32, #tpu.memory_space<vmem>>
      %dma_wait3A_1826 = tpu.memref_squeeze %dma_wait3A_1825 : memref<1x208x128xf32, #tpu.memory_space<vmem>> -> memref<208x128xf32, #tpu.memory_space<vmem>>
      %dma_wait3A_1827 = tpu.memref_slice %arg5[%mul3A_1821] : memref<13312xi32, #tpu.memory_space<vmem>> -> memref<208xi32, #tpu.memory_space<vmem>>
      %dma_wait3A_1828 = arith.constant 0 : i32
      %dma_wait3A_1829 = arith.constant 0 : i32
      %dma_wait3A_1830 = tpu.memref_slice %arg2[%dma_wait3A_1828, %dma_wait3A_1829] : memref<100000x128xf32, #tpu.memory_space<hbm>> -> memref<100000x128xf32, #tpu.memory_space<hbm>>
      tpu.wait_indirect_dma semaphore(%arg9 : memref<!tpu.dma_semaphore, #tpu.memory_space<semaphore_mem>>) src(%dma_wait3A_1830 : memref<100000x128xf32, #tpu.memory_space<hbm>>) dst(%dma_wait3A_1826 : memref<208x128xf32, #tpu.memory_space<vmem>>)
      %add3A_1831 = arith.constant 2 : i32
      %add3A_1832 = arith.addi %add3A_1435, %add3A_1831 : i32
      %mul3A_1833 = arith.constant 8 : i32
      %mul3A_1834 = arith.muli %add3A_1832, %mul3A_1833 : i32
      %add3A_1835 = arith.addi %mul3A_4, %mul3A_1834 : i32
      %add3A_1836 = arith.constant 0 : i32
      %add3A_1837 = arith.addi %add3A_1835, %add3A_1836 : i32
      %dma_start3A_1838 = arith.constant 2 : i32
      %dma_start3A_1839 = arith.constant 0 : i32
      %dma_start3A_1840 = arith.constant 0 : i32
      %dma_start3A_1841 = tpu.memref_slice %arg6[%dma_start3A_1838, %dma_start3A_1839, %dma_start3A_1840] : memref<4x208x128xf32, #tpu.memory_space<vmem>> -> memref<1x26x128xf32, #tpu.memory_space<vmem>>
      %dma_start3A_1842 = tpu.memref_squeeze %dma_start3A_1841 : memref<1x26x128xf32, #tpu.memory_space<vmem>> -> memref<26x128xf32, #tpu.memory_space<vmem>>
      %dma_start3A_1843 = arith.constant 0 : i32
      %dma_start3A_1844 = arith.constant 0 : i32
      %dma_start3A_1845 = tpu.memref_slice %arg4[%add3A_1837, %dma_start3A_1843, %dma_start3A_1844] : memref<16384x26x128xf32, #tpu.memory_space<hbm>> -> memref<1x26x128xf32, #tpu.memory_space<hbm>>
      %dma_start3A_1846 = tpu.memref_squeeze %dma_start3A_1845 : memref<1x26x128xf32, #tpu.memory_space<hbm>> -> memref<26x128xf32, #tpu.memory_space<hbm>>
      %dma_start3A_1847 = arith.constant 0 : i32
      %dma_start3A_1848 = arith.constant 0 : i32
      %dma_start3A_1849 = tpu.memref_slice %arg4[%add3A_1837, %dma_start3A_1847, %dma_start3A_1848] : memref<16384x26x128xf32, #tpu.memory_space<hbm>> -> memref<1x26x128xf32, #tpu.memory_space<hbm>>
      %dma_start3A_1850 = tpu.memref_squeeze %dma_start3A_1849 : memref<1x26x128xf32, #tpu.memory_space<hbm>> -> memref<26x128xf32, #tpu.memory_space<hbm>>
      %dma_start3A_1851 = arith.constant 0 : i32
      %dma_start3A_1852 = arith.constant 0 : i32
      %dma_start3A_1853 = tpu.memref_slice %arg6[%dma_start3A_1838, %dma_start3A_1851, %dma_start3A_1852] : memref<4x208x128xf32, #tpu.memory_space<vmem>> -> memref<1x26x128xf32, #tpu.memory_space<vmem>>
      %dma_start3A_1854 = tpu.memref_squeeze %dma_start3A_1853 : memref<1x26x128xf32, #tpu.memory_space<vmem>> -> memref<26x128xf32, #tpu.memory_space<vmem>>
      tpu.enqueue_dma source(%dma_start3A_1854 : memref<26x128xf32, #tpu.memory_space<vmem>>) target(%dma_start3A_1850 : memref<26x128xf32, #tpu.memory_space<hbm>>) target_semaphore(%arg13 : memref<!tpu.dma_semaphore, #tpu.memory_space<semaphore_mem>>)
      %mul3A_1855 = arith.constant 8 : i32
      %mul3A_1856 = arith.muli %add3A_1832, %mul3A_1855 : i32
      %add3A_1857 = arith.addi %mul3A_4, %mul3A_1856 : i32
      %add3A_1858 = arith.constant 1 : i32
      %add3A_1859 = arith.addi %add3A_1857, %add3A_1858 : i32
      %dma_start3A_1860 = arith.constant 2 : i32
      %dma_start3A_1861 = arith.constant 26 : i32
      %dma_start3A_1862 = arith.constant 0 : i32
      %dma_start3A_1863 = tpu.memref_slice %arg6[%dma_start3A_1860, %dma_start3A_1861, %dma_start3A_1862] : memref<4x208x128xf32, #tpu.memory_space<vmem>> -> memref<1x26x128xf32, #tpu.memory_space<vmem>>
      %dma_start3A_1864 = tpu.memref_squeeze %dma_start3A_1863 : memref<1x26x128xf32, #tpu.memory_space<vmem>> -> memref<26x128xf32, #tpu.memory_space<vmem>>
      %dma_start3A_1865 = arith.constant 0 : i32
      %dma_start3A_1866 = arith.constant 0 : i32
      %dma_start3A_1867 = tpu.memref_slice %arg4[%add3A_1859, %dma_start3A_1865, %dma_start3A_1866] : memref<16384x26x128xf32, #tpu.memory_space<hbm>> -> memref<1x26x128xf32, #tpu.memory_space<hbm>>
      %dma_start3A_1868 = tpu.memref_squeeze %dma_start3A_1867 : memref<1x26x128xf32, #tpu.memory_space<hbm>> -> memref<26x128xf32, #tpu.memory_space<hbm>>
      %dma_start3A_1869 = arith.constant 0 : i32
      %dma_start3A_1870 = arith.constant 0 : i32
      %dma_start3A_1871 = tpu.memref_slice %arg4[%add3A_1859, %dma_start3A_1869, %dma_start3A_1870] : memref<16384x26x128xf32, #tpu.memory_space<hbm>> -> memref<1x26x128xf32, #tpu.memory_space<hbm>>
      %dma_start3A_1872 = tpu.memref_squeeze %dma_start3A_1871 : memref<1x26x128xf32, #tpu.memory_space<hbm>> -> memref<26x128xf32, #tpu.memory_space<hbm>>
      %dma_start3A_1873 = arith.constant 26 : i32
      %dma_start3A_1874 = arith.constant 0 : i32
      %dma_start3A_1875 = tpu.memref_slice %arg6[%dma_start3A_1860, %dma_start3A_1873, %dma_start3A_1874] : memref<4x208x128xf32, #tpu.memory_space<vmem>> -> memref<1x26x128xf32, #tpu.memory_space<vmem>>
      %dma_start3A_1876 = tpu.memref_squeeze %dma_start3A_1875 : memref<1x26x128xf32, #tpu.memory_space<vmem>> -> memref<26x128xf32, #tpu.memory_space<vmem>>
      tpu.enqueue_dma source(%dma_start3A_1876 : memref<26x128xf32, #tpu.memory_space<vmem>>) target(%dma_start3A_1872 : memref<26x128xf32, #tpu.memory_space<hbm>>) target_semaphore(%arg13 : memref<!tpu.dma_semaphore, #tpu.memory_space<semaphore_mem>>)
      %mul3A_1877 = arith.constant 8 : i32
      %mul3A_1878 = arith.muli %add3A_1832, %mul3A_1877 : i32
      %add3A_1879 = arith.addi %mul3A_4, %mul3A_1878 : i32
      %add3A_1880 = arith.constant 2 : i32
      %add3A_1881 = arith.addi %add3A_1879, %add3A_1880 : i32
      %dma_start3A_1882 = arith.constant 2 : i32
      %dma_start3A_1883 = arith.constant 52 : i32
      %dma_start3A_1884 = arith.constant 0 : i32
      %dma_start3A_1885 = tpu.memref_slice %arg6[%dma_start3A_1882, %dma_start3A_1883, %dma_start3A_1884] : memref<4x208x128xf32, #tpu.memory_space<vmem>> -> memref<1x26x128xf32, #tpu.memory_space<vmem>>
      %dma_start3A_1886 = tpu.memref_squeeze %dma_start3A_1885 : memref<1x26x128xf32, #tpu.memory_space<vmem>> -> memref<26x128xf32, #tpu.memory_space<vmem>>
      %dma_start3A_1887 = arith.constant 0 : i32
      %dma_start3A_1888 = arith.constant 0 : i32
      %dma_start3A_1889 = tpu.memref_slice %arg4[%add3A_1881, %dma_start3A_1887, %dma_start3A_1888] : memref<16384x26x128xf32, #tpu.memory_space<hbm>> -> memref<1x26x128xf32, #tpu.memory_space<hbm>>
      %dma_start3A_1890 = tpu.memref_squeeze %dma_start3A_1889 : memref<1x26x128xf32, #tpu.memory_space<hbm>> -> memref<26x128xf32, #tpu.memory_space<hbm>>
      %dma_start3A_1891 = arith.constant 0 : i32
      %dma_start3A_1892 = arith.constant 0 : i32
      %dma_start3A_1893 = tpu.memref_slice %arg4[%add3A_1881, %dma_start3A_1891, %dma_start3A_1892] : memref<16384x26x128xf32, #tpu.memory_space<hbm>> -> memref<1x26x128xf32, #tpu.memory_space<hbm>>
      %dma_start3A_1894 = tpu.memref_squeeze %dma_start3A_1893 : memref<1x26x128xf32, #tpu.memory_space<hbm>> -> memref<26x128xf32, #tpu.memory_space<hbm>>
      %dma_start3A_1895 = arith.constant 52 : i32
      %dma_start3A_1896 = arith.constant 0 : i32
      %dma_start3A_1897 = tpu.memref_slice %arg6[%dma_start3A_1882, %dma_start3A_1895, %dma_start3A_1896] : memref<4x208x128xf32, #tpu.memory_space<vmem>> -> memref<1x26x128xf32, #tpu.memory_space<vmem>>
      %dma_start3A_1898 = tpu.memref_squeeze %dma_start3A_1897 : memref<1x26x128xf32, #tpu.memory_space<vmem>> -> memref<26x128xf32, #tpu.memory_space<vmem>>
      tpu.enqueue_dma source(%dma_start3A_1898 : memref<26x128xf32, #tpu.memory_space<vmem>>) target(%dma_start3A_1894 : memref<26x128xf32, #tpu.memory_space<hbm>>) target_semaphore(%arg13 : memref<!tpu.dma_semaphore, #tpu.memory_space<semaphore_mem>>)
      %mul3A_1899 = arith.constant 8 : i32
      %mul3A_1900 = arith.muli %add3A_1832, %mul3A_1899 : i32
      %add3A_1901 = arith.addi %mul3A_4, %mul3A_1900 : i32
      %add3A_1902 = arith.constant 3 : i32
      %add3A_1903 = arith.addi %add3A_1901, %add3A_1902 : i32
      %dma_start3A_1904 = arith.constant 2 : i32
      %dma_start3A_1905 = arith.constant 78 : i32
      %dma_start3A_1906 = arith.constant 0 : i32
      %dma_start3A_1907 = tpu.memref_slice %arg6[%dma_start3A_1904, %dma_start3A_1905, %dma_start3A_1906] : memref<4x208x128xf32, #tpu.memory_space<vmem>> -> memref<1x26x128xf32, #tpu.memory_space<vmem>>
      %dma_start3A_1908 = tpu.memref_squeeze %dma_start3A_1907 : memref<1x26x128xf32, #tpu.memory_space<vmem>> -> memref<26x128xf32, #tpu.memory_space<vmem>>
      %dma_start3A_1909 = arith.constant 0 : i32
      %dma_start3A_1910 = arith.constant 0 : i32
      %dma_start3A_1911 = tpu.memref_slice %arg4[%add3A_1903, %dma_start3A_1909, %dma_start3A_1910] : memref<16384x26x128xf32, #tpu.memory_space<hbm>> -> memref<1x26x128xf32, #tpu.memory_space<hbm>>
      %dma_start3A_1912 = tpu.memref_squeeze %dma_start3A_1911 : memref<1x26x128xf32, #tpu.memory_space<hbm>> -> memref<26x128xf32, #tpu.memory_space<hbm>>
      %dma_start3A_1913 = arith.constant 0 : i32
      %dma_start3A_1914 = arith.constant 0 : i32
      %dma_start3A_1915 = tpu.memref_slice %arg4[%add3A_1903, %dma_start3A_1913, %dma_start3A_1914] : memref<16384x26x128xf32, #tpu.memory_space<hbm>> -> memref<1x26x128xf32, #tpu.memory_space<hbm>>
      %dma_start3A_1916 = tpu.memref_squeeze %dma_start3A_1915 : memref<1x26x128xf32, #tpu.memory_space<hbm>> -> memref<26x128xf32, #tpu.memory_space<hbm>>
      %dma_start3A_1917 = arith.constant 78 : i32
      %dma_start3A_1918 = arith.constant 0 : i32
      %dma_start3A_1919 = tpu.memref_slice %arg6[%dma_start3A_1904, %dma_start3A_1917, %dma_start3A_1918] : memref<4x208x128xf32, #tpu.memory_space<vmem>> -> memref<1x26x128xf32, #tpu.memory_space<vmem>>
      %dma_start3A_1920 = tpu.memref_squeeze %dma_start3A_1919 : memref<1x26x128xf32, #tpu.memory_space<vmem>> -> memref<26x128xf32, #tpu.memory_space<vmem>>
      tpu.enqueue_dma source(%dma_start3A_1920 : memref<26x128xf32, #tpu.memory_space<vmem>>) target(%dma_start3A_1916 : memref<26x128xf32, #tpu.memory_space<hbm>>) target_semaphore(%arg13 : memref<!tpu.dma_semaphore, #tpu.memory_space<semaphore_mem>>)
      %mul3A_1921 = arith.constant 8 : i32
      %mul3A_1922 = arith.muli %add3A_1832, %mul3A_1921 : i32
      %add3A_1923 = arith.addi %mul3A_4, %mul3A_1922 : i32
      %add3A_1924 = arith.constant 4 : i32
      %add3A_1925 = arith.addi %add3A_1923, %add3A_1924 : i32
      %dma_start3A_1926 = arith.constant 2 : i32
      %dma_start3A_1927 = arith.constant 104 : i32
      %dma_start3A_1928 = arith.constant 0 : i32
      %dma_start3A_1929 = tpu.memref_slice %arg6[%dma_start3A_1926, %dma_start3A_1927, %dma_start3A_1928] : memref<4x208x128xf32, #tpu.memory_space<vmem>> -> memref<1x26x128xf32, #tpu.memory_space<vmem>>
      %dma_start3A_1930 = tpu.memref_squeeze %dma_start3A_1929 : memref<1x26x128xf32, #tpu.memory_space<vmem>> -> memref<26x128xf32, #tpu.memory_space<vmem>>
      %dma_start3A_1931 = arith.constant 0 : i32
      %dma_start3A_1932 = arith.constant 0 : i32
      %dma_start3A_1933 = tpu.memref_slice %arg4[%add3A_1925, %dma_start3A_1931, %dma_start3A_1932] : memref<16384x26x128xf32, #tpu.memory_space<hbm>> -> memref<1x26x128xf32, #tpu.memory_space<hbm>>
      %dma_start3A_1934 = tpu.memref_squeeze %dma_start3A_1933 : memref<1x26x128xf32, #tpu.memory_space<hbm>> -> memref<26x128xf32, #tpu.memory_space<hbm>>
      %dma_start3A_1935 = arith.constant 0 : i32
      %dma_start3A_1936 = arith.constant 0 : i32
      %dma_start3A_1937 = tpu.memref_slice %arg4[%add3A_1925, %dma_start3A_1935, %dma_start3A_1936] : memref<16384x26x128xf32, #tpu.memory_space<hbm>> -> memref<1x26x128xf32, #tpu.memory_space<hbm>>
      %dma_start3A_1938 = tpu.memref_squeeze %dma_start3A_1937 : memref<1x26x128xf32, #tpu.memory_space<hbm>> -> memref<26x128xf32, #tpu.memory_space<hbm>>
      %dma_start3A_1939 = arith.constant 104 : i32
      %dma_start3A_1940 = arith.constant 0 : i32
      %dma_start3A_1941 = tpu.memref_slice %arg6[%dma_start3A_1926, %dma_start3A_1939, %dma_start3A_1940] : memref<4x208x128xf32, #tpu.memory_space<vmem>> -> memref<1x26x128xf32, #tpu.memory_space<vmem>>
      %dma_start3A_1942 = tpu.memref_squeeze %dma_start3A_1941 : memref<1x26x128xf32, #tpu.memory_space<vmem>> -> memref<26x128xf32, #tpu.memory_space<vmem>>
      tpu.enqueue_dma source(%dma_start3A_1942 : memref<26x128xf32, #tpu.memory_space<vmem>>) target(%dma_start3A_1938 : memref<26x128xf32, #tpu.memory_space<hbm>>) target_semaphore(%arg13 : memref<!tpu.dma_semaphore, #tpu.memory_space<semaphore_mem>>)
      %mul3A_1943 = arith.constant 8 : i32
      %mul3A_1944 = arith.muli %add3A_1832, %mul3A_1943 : i32
      %add3A_1945 = arith.addi %mul3A_4, %mul3A_1944 : i32
      %add3A_1946 = arith.constant 5 : i32
      %add3A_1947 = arith.addi %add3A_1945, %add3A_1946 : i32
      %dma_start3A_1948 = arith.constant 2 : i32
      %dma_start3A_1949 = arith.constant 130 : i32
      %dma_start3A_1950 = arith.constant 0 : i32
      %dma_start3A_1951 = tpu.memref_slice %arg6[%dma_start3A_1948, %dma_start3A_1949, %dma_start3A_1950] : memref<4x208x128xf32, #tpu.memory_space<vmem>> -> memref<1x26x128xf32, #tpu.memory_space<vmem>>
      %dma_start3A_1952 = tpu.memref_squeeze %dma_start3A_1951 : memref<1x26x128xf32, #tpu.memory_space<vmem>> -> memref<26x128xf32, #tpu.memory_space<vmem>>
      %dma_start3A_1953 = arith.constant 0 : i32
      %dma_start3A_1954 = arith.constant 0 : i32
      %dma_start3A_1955 = tpu.memref_slice %arg4[%add3A_1947, %dma_start3A_1953, %dma_start3A_1954] : memref<16384x26x128xf32, #tpu.memory_space<hbm>> -> memref<1x26x128xf32, #tpu.memory_space<hbm>>
      %dma_start3A_1956 = tpu.memref_squeeze %dma_start3A_1955 : memref<1x26x128xf32, #tpu.memory_space<hbm>> -> memref<26x128xf32, #tpu.memory_space<hbm>>
      %dma_start3A_1957 = arith.constant 0 : i32
      %dma_start3A_1958 = arith.constant 0 : i32
      %dma_start3A_1959 = tpu.memref_slice %arg4[%add3A_1947, %dma_start3A_1957, %dma_start3A_1958] : memref<16384x26x128xf32, #tpu.memory_space<hbm>> -> memref<1x26x128xf32, #tpu.memory_space<hbm>>
      %dma_start3A_1960 = tpu.memref_squeeze %dma_start3A_1959 : memref<1x26x128xf32, #tpu.memory_space<hbm>> -> memref<26x128xf32, #tpu.memory_space<hbm>>
      %dma_start3A_1961 = arith.constant 130 : i32
      %dma_start3A_1962 = arith.constant 0 : i32
      %dma_start3A_1963 = tpu.memref_slice %arg6[%dma_start3A_1948, %dma_start3A_1961, %dma_start3A_1962] : memref<4x208x128xf32, #tpu.memory_space<vmem>> -> memref<1x26x128xf32, #tpu.memory_space<vmem>>
      %dma_start3A_1964 = tpu.memref_squeeze %dma_start3A_1963 : memref<1x26x128xf32, #tpu.memory_space<vmem>> -> memref<26x128xf32, #tpu.memory_space<vmem>>
      tpu.enqueue_dma source(%dma_start3A_1964 : memref<26x128xf32, #tpu.memory_space<vmem>>) target(%dma_start3A_1960 : memref<26x128xf32, #tpu.memory_space<hbm>>) target_semaphore(%arg13 : memref<!tpu.dma_semaphore, #tpu.memory_space<semaphore_mem>>)
      %mul3A_1965 = arith.constant 8 : i32
      %mul3A_1966 = arith.muli %add3A_1832, %mul3A_1965 : i32
      %add3A_1967 = arith.addi %mul3A_4, %mul3A_1966 : i32
      %add3A_1968 = arith.constant 6 : i32
      %add3A_1969 = arith.addi %add3A_1967, %add3A_1968 : i32
      %dma_start3A_1970 = arith.constant 2 : i32
      %dma_start3A_1971 = arith.constant 156 : i32
      %dma_start3A_1972 = arith.constant 0 : i32
      %dma_start3A_1973 = tpu.memref_slice %arg6[%dma_start3A_1970, %dma_start3A_1971, %dma_start3A_1972] : memref<4x208x128xf32, #tpu.memory_space<vmem>> -> memref<1x26x128xf32, #tpu.memory_space<vmem>>
      %dma_start3A_1974 = tpu.memref_squeeze %dma_start3A_1973 : memref<1x26x128xf32, #tpu.memory_space<vmem>> -> memref<26x128xf32, #tpu.memory_space<vmem>>
      %dma_start3A_1975 = arith.constant 0 : i32
      %dma_start3A_1976 = arith.constant 0 : i32
      %dma_start3A_1977 = tpu.memref_slice %arg4[%add3A_1969, %dma_start3A_1975, %dma_start3A_1976] : memref<16384x26x128xf32, #tpu.memory_space<hbm>> -> memref<1x26x128xf32, #tpu.memory_space<hbm>>
      %dma_start3A_1978 = tpu.memref_squeeze %dma_start3A_1977 : memref<1x26x128xf32, #tpu.memory_space<hbm>> -> memref<26x128xf32, #tpu.memory_space<hbm>>
      %dma_start3A_1979 = arith.constant 0 : i32
      %dma_start3A_1980 = arith.constant 0 : i32
      %dma_start3A_1981 = tpu.memref_slice %arg4[%add3A_1969, %dma_start3A_1979, %dma_start3A_1980] : memref<16384x26x128xf32, #tpu.memory_space<hbm>> -> memref<1x26x128xf32, #tpu.memory_space<hbm>>
      %dma_start3A_1982 = tpu.memref_squeeze %dma_start3A_1981 : memref<1x26x128xf32, #tpu.memory_space<hbm>> -> memref<26x128xf32, #tpu.memory_space<hbm>>
      %dma_start3A_1983 = arith.constant 156 : i32
      %dma_start3A_1984 = arith.constant 0 : i32
      %dma_start3A_1985 = tpu.memref_slice %arg6[%dma_start3A_1970, %dma_start3A_1983, %dma_start3A_1984] : memref<4x208x128xf32, #tpu.memory_space<vmem>> -> memref<1x26x128xf32, #tpu.memory_space<vmem>>
      %dma_start3A_1986 = tpu.memref_squeeze %dma_start3A_1985 : memref<1x26x128xf32, #tpu.memory_space<vmem>> -> memref<26x128xf32, #tpu.memory_space<vmem>>
      tpu.enqueue_dma source(%dma_start3A_1986 : memref<26x128xf32, #tpu.memory_space<vmem>>) target(%dma_start3A_1982 : memref<26x128xf32, #tpu.memory_space<hbm>>) target_semaphore(%arg13 : memref<!tpu.dma_semaphore, #tpu.memory_space<semaphore_mem>>)
      %mul3A_1987 = arith.constant 8 : i32
      %mul3A_1988 = arith.muli %add3A_1832, %mul3A_1987 : i32
      %add3A_1989 = arith.addi %mul3A_4, %mul3A_1988 : i32
      %add3A_1990 = arith.constant 7 : i32
      %add3A_1991 = arith.addi %add3A_1989, %add3A_1990 : i32
      %dma_start3A_1992 = arith.constant 2 : i32
      %dma_start3A_1993 = arith.constant 182 : i32
      %dma_start3A_1994 = arith.constant 0 : i32
      %dma_start3A_1995 = tpu.memref_slice %arg6[%dma_start3A_1992, %dma_start3A_1993, %dma_start3A_1994] : memref<4x208x128xf32, #tpu.memory_space<vmem>> -> memref<1x26x128xf32, #tpu.memory_space<vmem>>
      %dma_start3A_1996 = tpu.memref_squeeze %dma_start3A_1995 : memref<1x26x128xf32, #tpu.memory_space<vmem>> -> memref<26x128xf32, #tpu.memory_space<vmem>>
      %dma_start3A_1997 = arith.constant 0 : i32
      %dma_start3A_1998 = arith.constant 0 : i32
      %dma_start3A_1999 = tpu.memref_slice %arg4[%add3A_1991, %dma_start3A_1997, %dma_start3A_1998] : memref<16384x26x128xf32, #tpu.memory_space<hbm>> -> memref<1x26x128xf32, #tpu.memory_space<hbm>>
      %dma_start3A_2000 = tpu.memref_squeeze %dma_start3A_1999 : memref<1x26x128xf32, #tpu.memory_space<hbm>> -> memref<26x128xf32, #tpu.memory_space<hbm>>
      %dma_start3A_2001 = arith.constant 0 : i32
      %dma_start3A_2002 = arith.constant 0 : i32
      %dma_start3A_2003 = tpu.memref_slice %arg4[%add3A_1991, %dma_start3A_2001, %dma_start3A_2002] : memref<16384x26x128xf32, #tpu.memory_space<hbm>> -> memref<1x26x128xf32, #tpu.memory_space<hbm>>
      %dma_start3A_2004 = tpu.memref_squeeze %dma_start3A_2003 : memref<1x26x128xf32, #tpu.memory_space<hbm>> -> memref<26x128xf32, #tpu.memory_space<hbm>>
      %dma_start3A_2005 = arith.constant 182 : i32
      %dma_start3A_2006 = arith.constant 0 : i32
      %dma_start3A_2007 = tpu.memref_slice %arg6[%dma_start3A_1992, %dma_start3A_2005, %dma_start3A_2006] : memref<4x208x128xf32, #tpu.memory_space<vmem>> -> memref<1x26x128xf32, #tpu.memory_space<vmem>>
      %dma_start3A_2008 = tpu.memref_squeeze %dma_start3A_2007 : memref<1x26x128xf32, #tpu.memory_space<vmem>> -> memref<26x128xf32, #tpu.memory_space<vmem>>
      tpu.enqueue_dma source(%dma_start3A_2008 : memref<26x128xf32, #tpu.memory_space<vmem>>) target(%dma_start3A_2004 : memref<26x128xf32, #tpu.memory_space<hbm>>) target_semaphore(%arg13 : memref<!tpu.dma_semaphore, #tpu.memory_space<semaphore_mem>>)
      %add3A_2009 = arith.constant 3 : i32
      %add3A_2010 = arith.addi %add3A_1435, %add3A_2009 : i32
      %mul3A_2011 = arith.constant 208 : i32
      %mul3A_2012 = arith.muli %add3A_2010, %mul3A_2011 : i32
      %dma_wait3A_2013 = arith.constant 3 : i32
      %dma_wait3A_2014 = arith.constant 0 : i32
      %dma_wait3A_2015 = arith.constant 0 : i32
      %dma_wait3A_2016 = tpu.memref_slice %arg6[%dma_wait3A_2013, %dma_wait3A_2014, %dma_wait3A_2015] : memref<4x208x128xf32, #tpu.memory_space<vmem>> -> memref<1x208x128xf32, #tpu.memory_space<vmem>>
      %dma_wait3A_2017 = tpu.memref_squeeze %dma_wait3A_2016 : memref<1x208x128xf32, #tpu.memory_space<vmem>> -> memref<208x128xf32, #tpu.memory_space<vmem>>
      %dma_wait3A_2018 = tpu.memref_slice %arg5[%mul3A_2012] : memref<13312xi32, #tpu.memory_space<vmem>> -> memref<208xi32, #tpu.memory_space<vmem>>
      %dma_wait3A_2019 = arith.constant 0 : i32
      %dma_wait3A_2020 = arith.constant 0 : i32
      %dma_wait3A_2021 = tpu.memref_slice %arg2[%dma_wait3A_2019, %dma_wait3A_2020] : memref<100000x128xf32, #tpu.memory_space<hbm>> -> memref<100000x128xf32, #tpu.memory_space<hbm>>
      tpu.wait_indirect_dma semaphore(%arg10 : memref<!tpu.dma_semaphore, #tpu.memory_space<semaphore_mem>>) src(%dma_wait3A_2021 : memref<100000x128xf32, #tpu.memory_space<hbm>>) dst(%dma_wait3A_2017 : memref<208x128xf32, #tpu.memory_space<vmem>>)
      %add3A_2022 = arith.constant 3 : i32
      %add3A_2023 = arith.addi %add3A_1435, %add3A_2022 : i32
      %mul3A_2024 = arith.constant 8 : i32
      %mul3A_2025 = arith.muli %add3A_2023, %mul3A_2024 : i32
      %add3A_2026 = arith.addi %mul3A_4, %mul3A_2025 : i32
      %add3A_2027 = arith.constant 0 : i32
      %add3A_2028 = arith.addi %add3A_2026, %add3A_2027 : i32
      %dma_start3A_2029 = arith.constant 3 : i32
      %dma_start3A_2030 = arith.constant 0 : i32
      %dma_start3A_2031 = arith.constant 0 : i32
      %dma_start3A_2032 = tpu.memref_slice %arg6[%dma_start3A_2029, %dma_start3A_2030, %dma_start3A_2031] : memref<4x208x128xf32, #tpu.memory_space<vmem>> -> memref<1x26x128xf32, #tpu.memory_space<vmem>>
      %dma_start3A_2033 = tpu.memref_squeeze %dma_start3A_2032 : memref<1x26x128xf32, #tpu.memory_space<vmem>> -> memref<26x128xf32, #tpu.memory_space<vmem>>
      %dma_start3A_2034 = arith.constant 0 : i32
      %dma_start3A_2035 = arith.constant 0 : i32
      %dma_start3A_2036 = tpu.memref_slice %arg4[%add3A_2028, %dma_start3A_2034, %dma_start3A_2035] : memref<16384x26x128xf32, #tpu.memory_space<hbm>> -> memref<1x26x128xf32, #tpu.memory_space<hbm>>
      %dma_start3A_2037 = tpu.memref_squeeze %dma_start3A_2036 : memref<1x26x128xf32, #tpu.memory_space<hbm>> -> memref<26x128xf32, #tpu.memory_space<hbm>>
      %dma_start3A_2038 = arith.constant 0 : i32
      %dma_start3A_2039 = arith.constant 0 : i32
      %dma_start3A_2040 = tpu.memref_slice %arg4[%add3A_2028, %dma_start3A_2038, %dma_start3A_2039] : memref<16384x26x128xf32, #tpu.memory_space<hbm>> -> memref<1x26x128xf32, #tpu.memory_space<hbm>>
      %dma_start3A_2041 = tpu.memref_squeeze %dma_start3A_2040 : memref<1x26x128xf32, #tpu.memory_space<hbm>> -> memref<26x128xf32, #tpu.memory_space<hbm>>
      %dma_start3A_2042 = arith.constant 0 : i32
      %dma_start3A_2043 = arith.constant 0 : i32
      %dma_start3A_2044 = tpu.memref_slice %arg6[%dma_start3A_2029, %dma_start3A_2042, %dma_start3A_2043] : memref<4x208x128xf32, #tpu.memory_space<vmem>> -> memref<1x26x128xf32, #tpu.memory_space<vmem>>
      %dma_start3A_2045 = tpu.memref_squeeze %dma_start3A_2044 : memref<1x26x128xf32, #tpu.memory_space<vmem>> -> memref<26x128xf32, #tpu.memory_space<vmem>>
      tpu.enqueue_dma source(%dma_start3A_2045 : memref<26x128xf32, #tpu.memory_space<vmem>>) target(%dma_start3A_2041 : memref<26x128xf32, #tpu.memory_space<hbm>>) target_semaphore(%arg14 : memref<!tpu.dma_semaphore, #tpu.memory_space<semaphore_mem>>)
      %mul3A_2046 = arith.constant 8 : i32
      %mul3A_2047 = arith.muli %add3A_2023, %mul3A_2046 : i32
      %add3A_2048 = arith.addi %mul3A_4, %mul3A_2047 : i32
      %add3A_2049 = arith.constant 1 : i32
      %add3A_2050 = arith.addi %add3A_2048, %add3A_2049 : i32
      %dma_start3A_2051 = arith.constant 3 : i32
      %dma_start3A_2052 = arith.constant 26 : i32
      %dma_start3A_2053 = arith.constant 0 : i32
      %dma_start3A_2054 = tpu.memref_slice %arg6[%dma_start3A_2051, %dma_start3A_2052, %dma_start3A_2053] : memref<4x208x128xf32, #tpu.memory_space<vmem>> -> memref<1x26x128xf32, #tpu.memory_space<vmem>>
      %dma_start3A_2055 = tpu.memref_squeeze %dma_start3A_2054 : memref<1x26x128xf32, #tpu.memory_space<vmem>> -> memref<26x128xf32, #tpu.memory_space<vmem>>
      %dma_start3A_2056 = arith.constant 0 : i32
      %dma_start3A_2057 = arith.constant 0 : i32
      %dma_start3A_2058 = tpu.memref_slice %arg4[%add3A_2050, %dma_start3A_2056, %dma_start3A_2057] : memref<16384x26x128xf32, #tpu.memory_space<hbm>> -> memref<1x26x128xf32, #tpu.memory_space<hbm>>
      %dma_start3A_2059 = tpu.memref_squeeze %dma_start3A_2058 : memref<1x26x128xf32, #tpu.memory_space<hbm>> -> memref<26x128xf32, #tpu.memory_space<hbm>>
      %dma_start3A_2060 = arith.constant 0 : i32
      %dma_start3A_2061 = arith.constant 0 : i32
      %dma_start3A_2062 = tpu.memref_slice %arg4[%add3A_2050, %dma_start3A_2060, %dma_start3A_2061] : memref<16384x26x128xf32, #tpu.memory_space<hbm>> -> memref<1x26x128xf32, #tpu.memory_space<hbm>>
      %dma_start3A_2063 = tpu.memref_squeeze %dma_start3A_2062 : memref<1x26x128xf32, #tpu.memory_space<hbm>> -> memref<26x128xf32, #tpu.memory_space<hbm>>
      %dma_start3A_2064 = arith.constant 26 : i32
      %dma_start3A_2065 = arith.constant 0 : i32
      %dma_start3A_2066 = tpu.memref_slice %arg6[%dma_start3A_2051, %dma_start3A_2064, %dma_start3A_2065] : memref<4x208x128xf32, #tpu.memory_space<vmem>> -> memref<1x26x128xf32, #tpu.memory_space<vmem>>
      %dma_start3A_2067 = tpu.memref_squeeze %dma_start3A_2066 : memref<1x26x128xf32, #tpu.memory_space<vmem>> -> memref<26x128xf32, #tpu.memory_space<vmem>>
      tpu.enqueue_dma source(%dma_start3A_2067 : memref<26x128xf32, #tpu.memory_space<vmem>>) target(%dma_start3A_2063 : memref<26x128xf32, #tpu.memory_space<hbm>>) target_semaphore(%arg14 : memref<!tpu.dma_semaphore, #tpu.memory_space<semaphore_mem>>)
      %mul3A_2068 = arith.constant 8 : i32
      %mul3A_2069 = arith.muli %add3A_2023, %mul3A_2068 : i32
      %add3A_2070 = arith.addi %mul3A_4, %mul3A_2069 : i32
      %add3A_2071 = arith.constant 2 : i32
      %add3A_2072 = arith.addi %add3A_2070, %add3A_2071 : i32
      %dma_start3A_2073 = arith.constant 3 : i32
      %dma_start3A_2074 = arith.constant 52 : i32
      %dma_start3A_2075 = arith.constant 0 : i32
      %dma_start3A_2076 = tpu.memref_slice %arg6[%dma_start3A_2073, %dma_start3A_2074, %dma_start3A_2075] : memref<4x208x128xf32, #tpu.memory_space<vmem>> -> memref<1x26x128xf32, #tpu.memory_space<vmem>>
      %dma_start3A_2077 = tpu.memref_squeeze %dma_start3A_2076 : memref<1x26x128xf32, #tpu.memory_space<vmem>> -> memref<26x128xf32, #tpu.memory_space<vmem>>
      %dma_start3A_2078 = arith.constant 0 : i32
      %dma_start3A_2079 = arith.constant 0 : i32
      %dma_start3A_2080 = tpu.memref_slice %arg4[%add3A_2072, %dma_start3A_2078, %dma_start3A_2079] : memref<16384x26x128xf32, #tpu.memory_space<hbm>> -> memref<1x26x128xf32, #tpu.memory_space<hbm>>
      %dma_start3A_2081 = tpu.memref_squeeze %dma_start3A_2080 : memref<1x26x128xf32, #tpu.memory_space<hbm>> -> memref<26x128xf32, #tpu.memory_space<hbm>>
      %dma_start3A_2082 = arith.constant 0 : i32
      %dma_start3A_2083 = arith.constant 0 : i32
      %dma_start3A_2084 = tpu.memref_slice %arg4[%add3A_2072, %dma_start3A_2082, %dma_start3A_2083] : memref<16384x26x128xf32, #tpu.memory_space<hbm>> -> memref<1x26x128xf32, #tpu.memory_space<hbm>>
      %dma_start3A_2085 = tpu.memref_squeeze %dma_start3A_2084 : memref<1x26x128xf32, #tpu.memory_space<hbm>> -> memref<26x128xf32, #tpu.memory_space<hbm>>
      %dma_start3A_2086 = arith.constant 52 : i32
      %dma_start3A_2087 = arith.constant 0 : i32
      %dma_start3A_2088 = tpu.memref_slice %arg6[%dma_start3A_2073, %dma_start3A_2086, %dma_start3A_2087] : memref<4x208x128xf32, #tpu.memory_space<vmem>> -> memref<1x26x128xf32, #tpu.memory_space<vmem>>
      %dma_start3A_2089 = tpu.memref_squeeze %dma_start3A_2088 : memref<1x26x128xf32, #tpu.memory_space<vmem>> -> memref<26x128xf32, #tpu.memory_space<vmem>>
      tpu.enqueue_dma source(%dma_start3A_2089 : memref<26x128xf32, #tpu.memory_space<vmem>>) target(%dma_start3A_2085 : memref<26x128xf32, #tpu.memory_space<hbm>>) target_semaphore(%arg14 : memref<!tpu.dma_semaphore, #tpu.memory_space<semaphore_mem>>)
      %mul3A_2090 = arith.constant 8 : i32
      %mul3A_2091 = arith.muli %add3A_2023, %mul3A_2090 : i32
      %add3A_2092 = arith.addi %mul3A_4, %mul3A_2091 : i32
      %add3A_2093 = arith.constant 3 : i32
      %add3A_2094 = arith.addi %add3A_2092, %add3A_2093 : i32
      %dma_start3A_2095 = arith.constant 3 : i32
      %dma_start3A_2096 = arith.constant 78 : i32
      %dma_start3A_2097 = arith.constant 0 : i32
      %dma_start3A_2098 = tpu.memref_slice %arg6[%dma_start3A_2095, %dma_start3A_2096, %dma_start3A_2097] : memref<4x208x128xf32, #tpu.memory_space<vmem>> -> memref<1x26x128xf32, #tpu.memory_space<vmem>>
      %dma_start3A_2099 = tpu.memref_squeeze %dma_start3A_2098 : memref<1x26x128xf32, #tpu.memory_space<vmem>> -> memref<26x128xf32, #tpu.memory_space<vmem>>
      %dma_start3A_2100 = arith.constant 0 : i32
      %dma_start3A_2101 = arith.constant 0 : i32
      %dma_start3A_2102 = tpu.memref_slice %arg4[%add3A_2094, %dma_start3A_2100, %dma_start3A_2101] : memref<16384x26x128xf32, #tpu.memory_space<hbm>> -> memref<1x26x128xf32, #tpu.memory_space<hbm>>
      %dma_start3A_2103 = tpu.memref_squeeze %dma_start3A_2102 : memref<1x26x128xf32, #tpu.memory_space<hbm>> -> memref<26x128xf32, #tpu.memory_space<hbm>>
      %dma_start3A_2104 = arith.constant 0 : i32
      %dma_start3A_2105 = arith.constant 0 : i32
      %dma_start3A_2106 = tpu.memref_slice %arg4[%add3A_2094, %dma_start3A_2104, %dma_start3A_2105] : memref<16384x26x128xf32, #tpu.memory_space<hbm>> -> memref<1x26x128xf32, #tpu.memory_space<hbm>>
      %dma_start3A_2107 = tpu.memref_squeeze %dma_start3A_2106 : memref<1x26x128xf32, #tpu.memory_space<hbm>> -> memref<26x128xf32, #tpu.memory_space<hbm>>
      %dma_start3A_2108 = arith.constant 78 : i32
      %dma_start3A_2109 = arith.constant 0 : i32
      %dma_start3A_2110 = tpu.memref_slice %arg6[%dma_start3A_2095, %dma_start3A_2108, %dma_start3A_2109] : memref<4x208x128xf32, #tpu.memory_space<vmem>> -> memref<1x26x128xf32, #tpu.memory_space<vmem>>
      %dma_start3A_2111 = tpu.memref_squeeze %dma_start3A_2110 : memref<1x26x128xf32, #tpu.memory_space<vmem>> -> memref<26x128xf32, #tpu.memory_space<vmem>>
      tpu.enqueue_dma source(%dma_start3A_2111 : memref<26x128xf32, #tpu.memory_space<vmem>>) target(%dma_start3A_2107 : memref<26x128xf32, #tpu.memory_space<hbm>>) target_semaphore(%arg14 : memref<!tpu.dma_semaphore, #tpu.memory_space<semaphore_mem>>)
      %mul3A_2112 = arith.constant 8 : i32
      %mul3A_2113 = arith.muli %add3A_2023, %mul3A_2112 : i32
      %add3A_2114 = arith.addi %mul3A_4, %mul3A_2113 : i32
      %add3A_2115 = arith.constant 4 : i32
      %add3A_2116 = arith.addi %add3A_2114, %add3A_2115 : i32
      %dma_start3A_2117 = arith.constant 3 : i32
      %dma_start3A_2118 = arith.constant 104 : i32
      %dma_start3A_2119 = arith.constant 0 : i32
      %dma_start3A_2120 = tpu.memref_slice %arg6[%dma_start3A_2117, %dma_start3A_2118, %dma_start3A_2119] : memref<4x208x128xf32, #tpu.memory_space<vmem>> -> memref<1x26x128xf32, #tpu.memory_space<vmem>>
      %dma_start3A_2121 = tpu.memref_squeeze %dma_start3A_2120 : memref<1x26x128xf32, #tpu.memory_space<vmem>> -> memref<26x128xf32, #tpu.memory_space<vmem>>
      %dma_start3A_2122 = arith.constant 0 : i32
      %dma_start3A_2123 = arith.constant 0 : i32
      %dma_start3A_2124 = tpu.memref_slice %arg4[%add3A_2116, %dma_start3A_2122, %dma_start3A_2123] : memref<16384x26x128xf32, #tpu.memory_space<hbm>> -> memref<1x26x128xf32, #tpu.memory_space<hbm>>
      %dma_start3A_2125 = tpu.memref_squeeze %dma_start3A_2124 : memref<1x26x128xf32, #tpu.memory_space<hbm>> -> memref<26x128xf32, #tpu.memory_space<hbm>>
      %dma_start3A_2126 = arith.constant 0 : i32
      %dma_start3A_2127 = arith.constant 0 : i32
      %dma_start3A_2128 = tpu.memref_slice %arg4[%add3A_2116, %dma_start3A_2126, %dma_start3A_2127] : memref<16384x26x128xf32, #tpu.memory_space<hbm>> -> memref<1x26x128xf32, #tpu.memory_space<hbm>>
      %dma_start3A_2129 = tpu.memref_squeeze %dma_start3A_2128 : memref<1x26x128xf32, #tpu.memory_space<hbm>> -> memref<26x128xf32, #tpu.memory_space<hbm>>
      %dma_start3A_2130 = arith.constant 104 : i32
      %dma_start3A_2131 = arith.constant 0 : i32
      %dma_start3A_2132 = tpu.memref_slice %arg6[%dma_start3A_2117, %dma_start3A_2130, %dma_start3A_2131] : memref<4x208x128xf32, #tpu.memory_space<vmem>> -> memref<1x26x128xf32, #tpu.memory_space<vmem>>
      %dma_start3A_2133 = tpu.memref_squeeze %dma_start3A_2132 : memref<1x26x128xf32, #tpu.memory_space<vmem>> -> memref<26x128xf32, #tpu.memory_space<vmem>>
      tpu.enqueue_dma source(%dma_start3A_2133 : memref<26x128xf32, #tpu.memory_space<vmem>>) target(%dma_start3A_2129 : memref<26x128xf32, #tpu.memory_space<hbm>>) target_semaphore(%arg14 : memref<!tpu.dma_semaphore, #tpu.memory_space<semaphore_mem>>)
      %mul3A_2134 = arith.constant 8 : i32
      %mul3A_2135 = arith.muli %add3A_2023, %mul3A_2134 : i32
      %add3A_2136 = arith.addi %mul3A_4, %mul3A_2135 : i32
      %add3A_2137 = arith.constant 5 : i32
      %add3A_2138 = arith.addi %add3A_2136, %add3A_2137 : i32
      %dma_start3A_2139 = arith.constant 3 : i32
      %dma_start3A_2140 = arith.constant 130 : i32
      %dma_start3A_2141 = arith.constant 0 : i32
      %dma_start3A_2142 = tpu.memref_slice %arg6[%dma_start3A_2139, %dma_start3A_2140, %dma_start3A_2141] : memref<4x208x128xf32, #tpu.memory_space<vmem>> -> memref<1x26x128xf32, #tpu.memory_space<vmem>>
      %dma_start3A_2143 = tpu.memref_squeeze %dma_start3A_2142 : memref<1x26x128xf32, #tpu.memory_space<vmem>> -> memref<26x128xf32, #tpu.memory_space<vmem>>
      %dma_start3A_2144 = arith.constant 0 : i32
      %dma_start3A_2145 = arith.constant 0 : i32
      %dma_start3A_2146 = tpu.memref_slice %arg4[%add3A_2138, %dma_start3A_2144, %dma_start3A_2145] : memref<16384x26x128xf32, #tpu.memory_space<hbm>> -> memref<1x26x128xf32, #tpu.memory_space<hbm>>
      %dma_start3A_2147 = tpu.memref_squeeze %dma_start3A_2146 : memref<1x26x128xf32, #tpu.memory_space<hbm>> -> memref<26x128xf32, #tpu.memory_space<hbm>>
      %dma_start3A_2148 = arith.constant 0 : i32
      %dma_start3A_2149 = arith.constant 0 : i32
      %dma_start3A_2150 = tpu.memref_slice %arg4[%add3A_2138, %dma_start3A_2148, %dma_start3A_2149] : memref<16384x26x128xf32, #tpu.memory_space<hbm>> -> memref<1x26x128xf32, #tpu.memory_space<hbm>>
      %dma_start3A_2151 = tpu.memref_squeeze %dma_start3A_2150 : memref<1x26x128xf32, #tpu.memory_space<hbm>> -> memref<26x128xf32, #tpu.memory_space<hbm>>
      %dma_start3A_2152 = arith.constant 130 : i32
      %dma_start3A_2153 = arith.constant 0 : i32
      %dma_start3A_2154 = tpu.memref_slice %arg6[%dma_start3A_2139, %dma_start3A_2152, %dma_start3A_2153] : memref<4x208x128xf32, #tpu.memory_space<vmem>> -> memref<1x26x128xf32, #tpu.memory_space<vmem>>
      %dma_start3A_2155 = tpu.memref_squeeze %dma_start3A_2154 : memref<1x26x128xf32, #tpu.memory_space<vmem>> -> memref<26x128xf32, #tpu.memory_space<vmem>>
      tpu.enqueue_dma source(%dma_start3A_2155 : memref<26x128xf32, #tpu.memory_space<vmem>>) target(%dma_start3A_2151 : memref<26x128xf32, #tpu.memory_space<hbm>>) target_semaphore(%arg14 : memref<!tpu.dma_semaphore, #tpu.memory_space<semaphore_mem>>)
      %mul3A_2156 = arith.constant 8 : i32
      %mul3A_2157 = arith.muli %add3A_2023, %mul3A_2156 : i32
      %add3A_2158 = arith.addi %mul3A_4, %mul3A_2157 : i32
      %add3A_2159 = arith.constant 6 : i32
      %add3A_2160 = arith.addi %add3A_2158, %add3A_2159 : i32
      %dma_start3A_2161 = arith.constant 3 : i32
      %dma_start3A_2162 = arith.constant 156 : i32
      %dma_start3A_2163 = arith.constant 0 : i32
      %dma_start3A_2164 = tpu.memref_slice %arg6[%dma_start3A_2161, %dma_start3A_2162, %dma_start3A_2163] : memref<4x208x128xf32, #tpu.memory_space<vmem>> -> memref<1x26x128xf32, #tpu.memory_space<vmem>>
      %dma_start3A_2165 = tpu.memref_squeeze %dma_start3A_2164 : memref<1x26x128xf32, #tpu.memory_space<vmem>> -> memref<26x128xf32, #tpu.memory_space<vmem>>
      %dma_start3A_2166 = arith.constant 0 : i32
      %dma_start3A_2167 = arith.constant 0 : i32
      %dma_start3A_2168 = tpu.memref_slice %arg4[%add3A_2160, %dma_start3A_2166, %dma_start3A_2167] : memref<16384x26x128xf32, #tpu.memory_space<hbm>> -> memref<1x26x128xf32, #tpu.memory_space<hbm>>
      %dma_start3A_2169 = tpu.memref_squeeze %dma_start3A_2168 : memref<1x26x128xf32, #tpu.memory_space<hbm>> -> memref<26x128xf32, #tpu.memory_space<hbm>>
      %dma_start3A_2170 = arith.constant 0 : i32
      %dma_start3A_2171 = arith.constant 0 : i32
      %dma_start3A_2172 = tpu.memref_slice %arg4[%add3A_2160, %dma_start3A_2170, %dma_start3A_2171] : memref<16384x26x128xf32, #tpu.memory_space<hbm>> -> memref<1x26x128xf32, #tpu.memory_space<hbm>>
      %dma_start3A_2173 = tpu.memref_squeeze %dma_start3A_2172 : memref<1x26x128xf32, #tpu.memory_space<hbm>> -> memref<26x128xf32, #tpu.memory_space<hbm>>
      %dma_start3A_2174 = arith.constant 156 : i32
      %dma_start3A_2175 = arith.constant 0 : i32
      %dma_start3A_2176 = tpu.memref_slice %arg6[%dma_start3A_2161, %dma_start3A_2174, %dma_start3A_2175] : memref<4x208x128xf32, #tpu.memory_space<vmem>> -> memref<1x26x128xf32, #tpu.memory_space<vmem>>
      %dma_start3A_2177 = tpu.memref_squeeze %dma_start3A_2176 : memref<1x26x128xf32, #tpu.memory_space<vmem>> -> memref<26x128xf32, #tpu.memory_space<vmem>>
      tpu.enqueue_dma source(%dma_start3A_2177 : memref<26x128xf32, #tpu.memory_space<vmem>>) target(%dma_start3A_2173 : memref<26x128xf32, #tpu.memory_space<hbm>>) target_semaphore(%arg14 : memref<!tpu.dma_semaphore, #tpu.memory_space<semaphore_mem>>)
      %mul3A_2178 = arith.constant 8 : i32
      %mul3A_2179 = arith.muli %add3A_2023, %mul3A_2178 : i32
      %add3A_2180 = arith.addi %mul3A_4, %mul3A_2179 : i32
      %add3A_2181 = arith.constant 7 : i32
      %add3A_2182 = arith.addi %add3A_2180, %add3A_2181 : i32
      %dma_start3A_2183 = arith.constant 3 : i32
      %dma_start3A_2184 = arith.constant 182 : i32
      %dma_start3A_2185 = arith.constant 0 : i32
      %dma_start3A_2186 = tpu.memref_slice %arg6[%dma_start3A_2183, %dma_start3A_2184, %dma_start3A_2185] : memref<4x208x128xf32, #tpu.memory_space<vmem>> -> memref<1x26x128xf32, #tpu.memory_space<vmem>>
      %dma_start3A_2187 = tpu.memref_squeeze %dma_start3A_2186 : memref<1x26x128xf32, #tpu.memory_space<vmem>> -> memref<26x128xf32, #tpu.memory_space<vmem>>
      %dma_start3A_2188 = arith.constant 0 : i32
      %dma_start3A_2189 = arith.constant 0 : i32
      %dma_start3A_2190 = tpu.memref_slice %arg4[%add3A_2182, %dma_start3A_2188, %dma_start3A_2189] : memref<16384x26x128xf32, #tpu.memory_space<hbm>> -> memref<1x26x128xf32, #tpu.memory_space<hbm>>
      %dma_start3A_2191 = tpu.memref_squeeze %dma_start3A_2190 : memref<1x26x128xf32, #tpu.memory_space<hbm>> -> memref<26x128xf32, #tpu.memory_space<hbm>>
      %dma_start3A_2192 = arith.constant 0 : i32
      %dma_start3A_2193 = arith.constant 0 : i32
      %dma_start3A_2194 = tpu.memref_slice %arg4[%add3A_2182, %dma_start3A_2192, %dma_start3A_2193] : memref<16384x26x128xf32, #tpu.memory_space<hbm>> -> memref<1x26x128xf32, #tpu.memory_space<hbm>>
      %dma_start3A_2195 = tpu.memref_squeeze %dma_start3A_2194 : memref<1x26x128xf32, #tpu.memory_space<hbm>> -> memref<26x128xf32, #tpu.memory_space<hbm>>
      %dma_start3A_2196 = arith.constant 182 : i32
      %dma_start3A_2197 = arith.constant 0 : i32
      %dma_start3A_2198 = tpu.memref_slice %arg6[%dma_start3A_2183, %dma_start3A_2196, %dma_start3A_2197] : memref<4x208x128xf32, #tpu.memory_space<vmem>> -> memref<1x26x128xf32, #tpu.memory_space<vmem>>
      %dma_start3A_2199 = tpu.memref_squeeze %dma_start3A_2198 : memref<1x26x128xf32, #tpu.memory_space<vmem>> -> memref<26x128xf32, #tpu.memory_space<vmem>>
      tpu.enqueue_dma source(%dma_start3A_2199 : memref<26x128xf32, #tpu.memory_space<vmem>>) target(%dma_start3A_2195 : memref<26x128xf32, #tpu.memory_space<hbm>>) target_semaphore(%arg14 : memref<!tpu.dma_semaphore, #tpu.memory_space<semaphore_mem>>)
      %add3A_2200 = arith.constant 0 : i32
      %add3A_2201 = arith.addi %add3A_1435, %add3A_2200 : i32
      %mul3A_2202 = arith.constant 8 : i32
      %mul3A_2203 = arith.muli %add3A_2201, %mul3A_2202 : i32
      %add3A_2204 = arith.addi %mul3A_4, %mul3A_2203 : i32
      %add3A_2205 = arith.constant 0 : i32
      %add3A_2206 = arith.addi %add3A_2204, %add3A_2205 : i32
      %dma_wait3A_2207 = arith.constant 0 : i32
      %dma_wait3A_2208 = arith.constant 0 : i32
      %dma_wait3A_2209 = arith.constant 0 : i32
      %dma_wait3A_2210 = tpu.memref_slice %arg6[%dma_wait3A_2207, %dma_wait3A_2208, %dma_wait3A_2209] : memref<4x208x128xf32, #tpu.memory_space<vmem>> -> memref<1x26x128xf32, #tpu.memory_space<vmem>>
      %dma_wait3A_2211 = tpu.memref_squeeze %dma_wait3A_2210 : memref<1x26x128xf32, #tpu.memory_space<vmem>> -> memref<26x128xf32, #tpu.memory_space<vmem>>
      %dma_wait3A_2212 = arith.constant 0 : i32
      %dma_wait3A_2213 = arith.constant 0 : i32
      %dma_wait3A_2214 = tpu.memref_slice %arg4[%add3A_2206, %dma_wait3A_2212, %dma_wait3A_2213] : memref<16384x26x128xf32, #tpu.memory_space<hbm>> -> memref<1x26x128xf32, #tpu.memory_space<hbm>>
      %dma_wait3A_2215 = tpu.memref_squeeze %dma_wait3A_2214 : memref<1x26x128xf32, #tpu.memory_space<hbm>> -> memref<26x128xf32, #tpu.memory_space<hbm>>
      %dma_wait3A_2216 = arith.constant 0 : i32
      %dma_wait3A_2217 = arith.constant 0 : i32
      %dma_wait3A_2218 = tpu.memref_slice %arg4[%add3A_2206, %dma_wait3A_2216, %dma_wait3A_2217] : memref<16384x26x128xf32, #tpu.memory_space<hbm>> -> memref<1x26x128xf32, #tpu.memory_space<hbm>>
      %dma_wait3A_2219 = tpu.memref_squeeze %dma_wait3A_2218 : memref<1x26x128xf32, #tpu.memory_space<hbm>> -> memref<26x128xf32, #tpu.memory_space<hbm>>
      %dma_wait3A_2220 = arith.constant 0 : i32
      %dma_wait3A_2221 = arith.constant 0 : i32
      %dma_wait3A_2222 = tpu.memref_slice %arg6[%dma_wait3A_2207, %dma_wait3A_2220, %dma_wait3A_2221] : memref<4x208x128xf32, #tpu.memory_space<vmem>> -> memref<1x26x128xf32, #tpu.memory_space<vmem>>
      %dma_wait3A_2223 = tpu.memref_squeeze %dma_wait3A_2222 : memref<1x26x128xf32, #tpu.memory_space<vmem>> -> memref<26x128xf32, #tpu.memory_space<vmem>>
      tpu.wait_dma2 semaphore(%arg11 : memref<!tpu.dma_semaphore, #tpu.memory_space<semaphore_mem>>) src(%dma_wait3A_2223 : memref<26x128xf32, #tpu.memory_space<vmem>>) dst(%dma_wait3A_2219 : memref<26x128xf32, #tpu.memory_space<hbm>>)
      %mul3A_2224 = arith.constant 8 : i32
      %mul3A_2225 = arith.muli %add3A_2201, %mul3A_2224 : i32
      %add3A_2226 = arith.addi %mul3A_4, %mul3A_2225 : i32
      %add3A_2227 = arith.constant 1 : i32
      %add3A_2228 = arith.addi %add3A_2226, %add3A_2227 : i32
      %dma_wait3A_2229 = arith.constant 0 : i32
      %dma_wait3A_2230 = arith.constant 26 : i32
      %dma_wait3A_2231 = arith.constant 0 : i32
      %dma_wait3A_2232 = tpu.memref_slice %arg6[%dma_wait3A_2229, %dma_wait3A_2230, %dma_wait3A_2231] : memref<4x208x128xf32, #tpu.memory_space<vmem>> -> memref<1x26x128xf32, #tpu.memory_space<vmem>>
      %dma_wait3A_2233 = tpu.memref_squeeze %dma_wait3A_2232 : memref<1x26x128xf32, #tpu.memory_space<vmem>> -> memref<26x128xf32, #tpu.memory_space<vmem>>
      %dma_wait3A_2234 = arith.constant 0 : i32
      %dma_wait3A_2235 = arith.constant 0 : i32
      %dma_wait3A_2236 = tpu.memref_slice %arg4[%add3A_2228, %dma_wait3A_2234, %dma_wait3A_2235] : memref<16384x26x128xf32, #tpu.memory_space<hbm>> -> memref<1x26x128xf32, #tpu.memory_space<hbm>>
      %dma_wait3A_2237 = tpu.memref_squeeze %dma_wait3A_2236 : memref<1x26x128xf32, #tpu.memory_space<hbm>> -> memref<26x128xf32, #tpu.memory_space<hbm>>
      %dma_wait3A_2238 = arith.constant 0 : i32
      %dma_wait3A_2239 = arith.constant 0 : i32
      %dma_wait3A_2240 = tpu.memref_slice %arg4[%add3A_2228, %dma_wait3A_2238, %dma_wait3A_2239] : memref<16384x26x128xf32, #tpu.memory_space<hbm>> -> memref<1x26x128xf32, #tpu.memory_space<hbm>>
      %dma_wait3A_2241 = tpu.memref_squeeze %dma_wait3A_2240 : memref<1x26x128xf32, #tpu.memory_space<hbm>> -> memref<26x128xf32, #tpu.memory_space<hbm>>
      %dma_wait3A_2242 = arith.constant 26 : i32
      %dma_wait3A_2243 = arith.constant 0 : i32
      %dma_wait3A_2244 = tpu.memref_slice %arg6[%dma_wait3A_2229, %dma_wait3A_2242, %dma_wait3A_2243] : memref<4x208x128xf32, #tpu.memory_space<vmem>> -> memref<1x26x128xf32, #tpu.memory_space<vmem>>
      %dma_wait3A_2245 = tpu.memref_squeeze %dma_wait3A_2244 : memref<1x26x128xf32, #tpu.memory_space<vmem>> -> memref<26x128xf32, #tpu.memory_space<vmem>>
      tpu.wait_dma2 semaphore(%arg11 : memref<!tpu.dma_semaphore, #tpu.memory_space<semaphore_mem>>) src(%dma_wait3A_2245 : memref<26x128xf32, #tpu.memory_space<vmem>>) dst(%dma_wait3A_2241 : memref<26x128xf32, #tpu.memory_space<hbm>>)
      %mul3A_2246 = arith.constant 8 : i32
      %mul3A_2247 = arith.muli %add3A_2201, %mul3A_2246 : i32
      %add3A_2248 = arith.addi %mul3A_4, %mul3A_2247 : i32
      %add3A_2249 = arith.constant 2 : i32
      %add3A_2250 = arith.addi %add3A_2248, %add3A_2249 : i32
      %dma_wait3A_2251 = arith.constant 0 : i32
      %dma_wait3A_2252 = arith.constant 52 : i32
      %dma_wait3A_2253 = arith.constant 0 : i32
      %dma_wait3A_2254 = tpu.memref_slice %arg6[%dma_wait3A_2251, %dma_wait3A_2252, %dma_wait3A_2253] : memref<4x208x128xf32, #tpu.memory_space<vmem>> -> memref<1x26x128xf32, #tpu.memory_space<vmem>>
      %dma_wait3A_2255 = tpu.memref_squeeze %dma_wait3A_2254 : memref<1x26x128xf32, #tpu.memory_space<vmem>> -> memref<26x128xf32, #tpu.memory_space<vmem>>
      %dma_wait3A_2256 = arith.constant 0 : i32
      %dma_wait3A_2257 = arith.constant 0 : i32
      %dma_wait3A_2258 = tpu.memref_slice %arg4[%add3A_2250, %dma_wait3A_2256, %dma_wait3A_2257] : memref<16384x26x128xf32, #tpu.memory_space<hbm>> -> memref<1x26x128xf32, #tpu.memory_space<hbm>>
      %dma_wait3A_2259 = tpu.memref_squeeze %dma_wait3A_2258 : memref<1x26x128xf32, #tpu.memory_space<hbm>> -> memref<26x128xf32, #tpu.memory_space<hbm>>
      %dma_wait3A_2260 = arith.constant 0 : i32
      %dma_wait3A_2261 = arith.constant 0 : i32
      %dma_wait3A_2262 = tpu.memref_slice %arg4[%add3A_2250, %dma_wait3A_2260, %dma_wait3A_2261] : memref<16384x26x128xf32, #tpu.memory_space<hbm>> -> memref<1x26x128xf32, #tpu.memory_space<hbm>>
      %dma_wait3A_2263 = tpu.memref_squeeze %dma_wait3A_2262 : memref<1x26x128xf32, #tpu.memory_space<hbm>> -> memref<26x128xf32, #tpu.memory_space<hbm>>
      %dma_wait3A_2264 = arith.constant 52 : i32
      %dma_wait3A_2265 = arith.constant 0 : i32
      %dma_wait3A_2266 = tpu.memref_slice %arg6[%dma_wait3A_2251, %dma_wait3A_2264, %dma_wait3A_2265] : memref<4x208x128xf32, #tpu.memory_space<vmem>> -> memref<1x26x128xf32, #tpu.memory_space<vmem>>
      %dma_wait3A_2267 = tpu.memref_squeeze %dma_wait3A_2266 : memref<1x26x128xf32, #tpu.memory_space<vmem>> -> memref<26x128xf32, #tpu.memory_space<vmem>>
      tpu.wait_dma2 semaphore(%arg11 : memref<!tpu.dma_semaphore, #tpu.memory_space<semaphore_mem>>) src(%dma_wait3A_2267 : memref<26x128xf32, #tpu.memory_space<vmem>>) dst(%dma_wait3A_2263 : memref<26x128xf32, #tpu.memory_space<hbm>>)
      %mul3A_2268 = arith.constant 8 : i32
      %mul3A_2269 = arith.muli %add3A_2201, %mul3A_2268 : i32
      %add3A_2270 = arith.addi %mul3A_4, %mul3A_2269 : i32
      %add3A_2271 = arith.constant 3 : i32
      %add3A_2272 = arith.addi %add3A_2270, %add3A_2271 : i32
      %dma_wait3A_2273 = arith.constant 0 : i32
      %dma_wait3A_2274 = arith.constant 78 : i32
      %dma_wait3A_2275 = arith.constant 0 : i32
      %dma_wait3A_2276 = tpu.memref_slice %arg6[%dma_wait3A_2273, %dma_wait3A_2274, %dma_wait3A_2275] : memref<4x208x128xf32, #tpu.memory_space<vmem>> -> memref<1x26x128xf32, #tpu.memory_space<vmem>>
      %dma_wait3A_2277 = tpu.memref_squeeze %dma_wait3A_2276 : memref<1x26x128xf32, #tpu.memory_space<vmem>> -> memref<26x128xf32, #tpu.memory_space<vmem>>
      %dma_wait3A_2278 = arith.constant 0 : i32
      %dma_wait3A_2279 = arith.constant 0 : i32
      %dma_wait3A_2280 = tpu.memref_slice %arg4[%add3A_2272, %dma_wait3A_2278, %dma_wait3A_2279] : memref<16384x26x128xf32, #tpu.memory_space<hbm>> -> memref<1x26x128xf32, #tpu.memory_space<hbm>>
      %dma_wait3A_2281 = tpu.memref_squeeze %dma_wait3A_2280 : memref<1x26x128xf32, #tpu.memory_space<hbm>> -> memref<26x128xf32, #tpu.memory_space<hbm>>
      %dma_wait3A_2282 = arith.constant 0 : i32
      %dma_wait3A_2283 = arith.constant 0 : i32
      %dma_wait3A_2284 = tpu.memref_slice %arg4[%add3A_2272, %dma_wait3A_2282, %dma_wait3A_2283] : memref<16384x26x128xf32, #tpu.memory_space<hbm>> -> memref<1x26x128xf32, #tpu.memory_space<hbm>>
      %dma_wait3A_2285 = tpu.memref_squeeze %dma_wait3A_2284 : memref<1x26x128xf32, #tpu.memory_space<hbm>> -> memref<26x128xf32, #tpu.memory_space<hbm>>
      %dma_wait3A_2286 = arith.constant 78 : i32
      %dma_wait3A_2287 = arith.constant 0 : i32
      %dma_wait3A_2288 = tpu.memref_slice %arg6[%dma_wait3A_2273, %dma_wait3A_2286, %dma_wait3A_2287] : memref<4x208x128xf32, #tpu.memory_space<vmem>> -> memref<1x26x128xf32, #tpu.memory_space<vmem>>
      %dma_wait3A_2289 = tpu.memref_squeeze %dma_wait3A_2288 : memref<1x26x128xf32, #tpu.memory_space<vmem>> -> memref<26x128xf32, #tpu.memory_space<vmem>>
      tpu.wait_dma2 semaphore(%arg11 : memref<!tpu.dma_semaphore, #tpu.memory_space<semaphore_mem>>) src(%dma_wait3A_2289 : memref<26x128xf32, #tpu.memory_space<vmem>>) dst(%dma_wait3A_2285 : memref<26x128xf32, #tpu.memory_space<hbm>>)
      %mul3A_2290 = arith.constant 8 : i32
      %mul3A_2291 = arith.muli %add3A_2201, %mul3A_2290 : i32
      %add3A_2292 = arith.addi %mul3A_4, %mul3A_2291 : i32
      %add3A_2293 = arith.constant 4 : i32
      %add3A_2294 = arith.addi %add3A_2292, %add3A_2293 : i32
      %dma_wait3A_2295 = arith.constant 0 : i32
      %dma_wait3A_2296 = arith.constant 104 : i32
      %dma_wait3A_2297 = arith.constant 0 : i32
      %dma_wait3A_2298 = tpu.memref_slice %arg6[%dma_wait3A_2295, %dma_wait3A_2296, %dma_wait3A_2297] : memref<4x208x128xf32, #tpu.memory_space<vmem>> -> memref<1x26x128xf32, #tpu.memory_space<vmem>>
      %dma_wait3A_2299 = tpu.memref_squeeze %dma_wait3A_2298 : memref<1x26x128xf32, #tpu.memory_space<vmem>> -> memref<26x128xf32, #tpu.memory_space<vmem>>
      %dma_wait3A_2300 = arith.constant 0 : i32
      %dma_wait3A_2301 = arith.constant 0 : i32
      %dma_wait3A_2302 = tpu.memref_slice %arg4[%add3A_2294, %dma_wait3A_2300, %dma_wait3A_2301] : memref<16384x26x128xf32, #tpu.memory_space<hbm>> -> memref<1x26x128xf32, #tpu.memory_space<hbm>>
      %dma_wait3A_2303 = tpu.memref_squeeze %dma_wait3A_2302 : memref<1x26x128xf32, #tpu.memory_space<hbm>> -> memref<26x128xf32, #tpu.memory_space<hbm>>
      %dma_wait3A_2304 = arith.constant 0 : i32
      %dma_wait3A_2305 = arith.constant 0 : i32
      %dma_wait3A_2306 = tpu.memref_slice %arg4[%add3A_2294, %dma_wait3A_2304, %dma_wait3A_2305] : memref<16384x26x128xf32, #tpu.memory_space<hbm>> -> memref<1x26x128xf32, #tpu.memory_space<hbm>>
      %dma_wait3A_2307 = tpu.memref_squeeze %dma_wait3A_2306 : memref<1x26x128xf32, #tpu.memory_space<hbm>> -> memref<26x128xf32, #tpu.memory_space<hbm>>
      %dma_wait3A_2308 = arith.constant 104 : i32
      %dma_wait3A_2309 = arith.constant 0 : i32
      %dma_wait3A_2310 = tpu.memref_slice %arg6[%dma_wait3A_2295, %dma_wait3A_2308, %dma_wait3A_2309] : memref<4x208x128xf32, #tpu.memory_space<vmem>> -> memref<1x26x128xf32, #tpu.memory_space<vmem>>
      %dma_wait3A_2311 = tpu.memref_squeeze %dma_wait3A_2310 : memref<1x26x128xf32, #tpu.memory_space<vmem>> -> memref<26x128xf32, #tpu.memory_space<vmem>>
      tpu.wait_dma2 semaphore(%arg11 : memref<!tpu.dma_semaphore, #tpu.memory_space<semaphore_mem>>) src(%dma_wait3A_2311 : memref<26x128xf32, #tpu.memory_space<vmem>>) dst(%dma_wait3A_2307 : memref<26x128xf32, #tpu.memory_space<hbm>>)
      %mul3A_2312 = arith.constant 8 : i32
      %mul3A_2313 = arith.muli %add3A_2201, %mul3A_2312 : i32
      %add3A_2314 = arith.addi %mul3A_4, %mul3A_2313 : i32
      %add3A_2315 = arith.constant 5 : i32
      %add3A_2316 = arith.addi %add3A_2314, %add3A_2315 : i32
      %dma_wait3A_2317 = arith.constant 0 : i32
      %dma_wait3A_2318 = arith.constant 130 : i32
      %dma_wait3A_2319 = arith.constant 0 : i32
      %dma_wait3A_2320 = tpu.memref_slice %arg6[%dma_wait3A_2317, %dma_wait3A_2318, %dma_wait3A_2319] : memref<4x208x128xf32, #tpu.memory_space<vmem>> -> memref<1x26x128xf32, #tpu.memory_space<vmem>>
      %dma_wait3A_2321 = tpu.memref_squeeze %dma_wait3A_2320 : memref<1x26x128xf32, #tpu.memory_space<vmem>> -> memref<26x128xf32, #tpu.memory_space<vmem>>
      %dma_wait3A_2322 = arith.constant 0 : i32
      %dma_wait3A_2323 = arith.constant 0 : i32
      %dma_wait3A_2324 = tpu.memref_slice %arg4[%add3A_2316, %dma_wait3A_2322, %dma_wait3A_2323] : memref<16384x26x128xf32, #tpu.memory_space<hbm>> -> memref<1x26x128xf32, #tpu.memory_space<hbm>>
      %dma_wait3A_2325 = tpu.memref_squeeze %dma_wait3A_2324 : memref<1x26x128xf32, #tpu.memory_space<hbm>> -> memref<26x128xf32, #tpu.memory_space<hbm>>
      %dma_wait3A_2326 = arith.constant 0 : i32
      %dma_wait3A_2327 = arith.constant 0 : i32
      %dma_wait3A_2328 = tpu.memref_slice %arg4[%add3A_2316, %dma_wait3A_2326, %dma_wait3A_2327] : memref<16384x26x128xf32, #tpu.memory_space<hbm>> -> memref<1x26x128xf32, #tpu.memory_space<hbm>>
      %dma_wait3A_2329 = tpu.memref_squeeze %dma_wait3A_2328 : memref<1x26x128xf32, #tpu.memory_space<hbm>> -> memref<26x128xf32, #tpu.memory_space<hbm>>
      %dma_wait3A_2330 = arith.constant 130 : i32
      %dma_wait3A_2331 = arith.constant 0 : i32
      %dma_wait3A_2332 = tpu.memref_slice %arg6[%dma_wait3A_2317, %dma_wait3A_2330, %dma_wait3A_2331] : memref<4x208x128xf32, #tpu.memory_space<vmem>> -> memref<1x26x128xf32, #tpu.memory_space<vmem>>
      %dma_wait3A_2333 = tpu.memref_squeeze %dma_wait3A_2332 : memref<1x26x128xf32, #tpu.memory_space<vmem>> -> memref<26x128xf32, #tpu.memory_space<vmem>>
      tpu.wait_dma2 semaphore(%arg11 : memref<!tpu.dma_semaphore, #tpu.memory_space<semaphore_mem>>) src(%dma_wait3A_2333 : memref<26x128xf32, #tpu.memory_space<vmem>>) dst(%dma_wait3A_2329 : memref<26x128xf32, #tpu.memory_space<hbm>>)
      %mul3A_2334 = arith.constant 8 : i32
      %mul3A_2335 = arith.muli %add3A_2201, %mul3A_2334 : i32
      %add3A_2336 = arith.addi %mul3A_4, %mul3A_2335 : i32
      %add3A_2337 = arith.constant 6 : i32
      %add3A_2338 = arith.addi %add3A_2336, %add3A_2337 : i32
      %dma_wait3A_2339 = arith.constant 0 : i32
      %dma_wait3A_2340 = arith.constant 156 : i32
      %dma_wait3A_2341 = arith.constant 0 : i32
      %dma_wait3A_2342 = tpu.memref_slice %arg6[%dma_wait3A_2339, %dma_wait3A_2340, %dma_wait3A_2341] : memref<4x208x128xf32, #tpu.memory_space<vmem>> -> memref<1x26x128xf32, #tpu.memory_space<vmem>>
      %dma_wait3A_2343 = tpu.memref_squeeze %dma_wait3A_2342 : memref<1x26x128xf32, #tpu.memory_space<vmem>> -> memref<26x128xf32, #tpu.memory_space<vmem>>
      %dma_wait3A_2344 = arith.constant 0 : i32
      %dma_wait3A_2345 = arith.constant 0 : i32
      %dma_wait3A_2346 = tpu.memref_slice %arg4[%add3A_2338, %dma_wait3A_2344, %dma_wait3A_2345] : memref<16384x26x128xf32, #tpu.memory_space<hbm>> -> memref<1x26x128xf32, #tpu.memory_space<hbm>>
      %dma_wait3A_2347 = tpu.memref_squeeze %dma_wait3A_2346 : memref<1x26x128xf32, #tpu.memory_space<hbm>> -> memref<26x128xf32, #tpu.memory_space<hbm>>
      %dma_wait3A_2348 = arith.constant 0 : i32
      %dma_wait3A_2349 = arith.constant 0 : i32
      %dma_wait3A_2350 = tpu.memref_slice %arg4[%add3A_2338, %dma_wait3A_2348, %dma_wait3A_2349] : memref<16384x26x128xf32, #tpu.memory_space<hbm>> -> memref<1x26x128xf32, #tpu.memory_space<hbm>>
      %dma_wait3A_2351 = tpu.memref_squeeze %dma_wait3A_2350 : memref<1x26x128xf32, #tpu.memory_space<hbm>> -> memref<26x128xf32, #tpu.memory_space<hbm>>
      %dma_wait3A_2352 = arith.constant 156 : i32
      %dma_wait3A_2353 = arith.constant 0 : i32
      %dma_wait3A_2354 = tpu.memref_slice %arg6[%dma_wait3A_2339, %dma_wait3A_2352, %dma_wait3A_2353] : memref<4x208x128xf32, #tpu.memory_space<vmem>> -> memref<1x26x128xf32, #tpu.memory_space<vmem>>
      %dma_wait3A_2355 = tpu.memref_squeeze %dma_wait3A_2354 : memref<1x26x128xf32, #tpu.memory_space<vmem>> -> memref<26x128xf32, #tpu.memory_space<vmem>>
      tpu.wait_dma2 semaphore(%arg11 : memref<!tpu.dma_semaphore, #tpu.memory_space<semaphore_mem>>) src(%dma_wait3A_2355 : memref<26x128xf32, #tpu.memory_space<vmem>>) dst(%dma_wait3A_2351 : memref<26x128xf32, #tpu.memory_space<hbm>>)
      %mul3A_2356 = arith.constant 8 : i32
      %mul3A_2357 = arith.muli %add3A_2201, %mul3A_2356 : i32
      %add3A_2358 = arith.addi %mul3A_4, %mul3A_2357 : i32
      %add3A_2359 = arith.constant 7 : i32
      %add3A_2360 = arith.addi %add3A_2358, %add3A_2359 : i32
      %dma_wait3A_2361 = arith.constant 0 : i32
      %dma_wait3A_2362 = arith.constant 182 : i32
      %dma_wait3A_2363 = arith.constant 0 : i32
      %dma_wait3A_2364 = tpu.memref_slice %arg6[%dma_wait3A_2361, %dma_wait3A_2362, %dma_wait3A_2363] : memref<4x208x128xf32, #tpu.memory_space<vmem>> -> memref<1x26x128xf32, #tpu.memory_space<vmem>>
      %dma_wait3A_2365 = tpu.memref_squeeze %dma_wait3A_2364 : memref<1x26x128xf32, #tpu.memory_space<vmem>> -> memref<26x128xf32, #tpu.memory_space<vmem>>
      %dma_wait3A_2366 = arith.constant 0 : i32
      %dma_wait3A_2367 = arith.constant 0 : i32
      %dma_wait3A_2368 = tpu.memref_slice %arg4[%add3A_2360, %dma_wait3A_2366, %dma_wait3A_2367] : memref<16384x26x128xf32, #tpu.memory_space<hbm>> -> memref<1x26x128xf32, #tpu.memory_space<hbm>>
      %dma_wait3A_2369 = tpu.memref_squeeze %dma_wait3A_2368 : memref<1x26x128xf32, #tpu.memory_space<hbm>> -> memref<26x128xf32, #tpu.memory_space<hbm>>
      %dma_wait3A_2370 = arith.constant 0 : i32
      %dma_wait3A_2371 = arith.constant 0 : i32
      %dma_wait3A_2372 = tpu.memref_slice %arg4[%add3A_2360, %dma_wait3A_2370, %dma_wait3A_2371] : memref<16384x26x128xf32, #tpu.memory_space<hbm>> -> memref<1x26x128xf32, #tpu.memory_space<hbm>>
      %dma_wait3A_2373 = tpu.memref_squeeze %dma_wait3A_2372 : memref<1x26x128xf32, #tpu.memory_space<hbm>> -> memref<26x128xf32, #tpu.memory_space<hbm>>
      %dma_wait3A_2374 = arith.constant 182 : i32
      %dma_wait3A_2375 = arith.constant 0 : i32
      %dma_wait3A_2376 = tpu.memref_slice %arg6[%dma_wait3A_2361, %dma_wait3A_2374, %dma_wait3A_2375] : memref<4x208x128xf32, #tpu.memory_space<vmem>> -> memref<1x26x128xf32, #tpu.memory_space<vmem>>
      %dma_wait3A_2377 = tpu.memref_squeeze %dma_wait3A_2376 : memref<1x26x128xf32, #tpu.memory_space<vmem>> -> memref<26x128xf32, #tpu.memory_space<vmem>>
      tpu.wait_dma2 semaphore(%arg11 : memref<!tpu.dma_semaphore, #tpu.memory_space<semaphore_mem>>) src(%dma_wait3A_2377 : memref<26x128xf32, #tpu.memory_space<vmem>>) dst(%dma_wait3A_2373 : memref<26x128xf32, #tpu.memory_space<hbm>>)
      %add3A_2378 = arith.constant 4 : i32
      %add3A_2379 = arith.addi %add3A_1435, %add3A_2378 : i32
      %add3A_2380 = arith.constant 0 : i32
      %add3A_2381 = arith.addi %add3A_2379, %add3A_2380 : i32
      %mul3A_2382 = arith.constant 208 : i32
      %mul3A_2383 = arith.muli %add3A_2381, %mul3A_2382 : i32
      %dma_start3A_2384 = arith.constant 0 : i32
      %dma_start3A_2385 = arith.constant 0 : i32
      %dma_start3A_2386 = arith.constant 0 : i32
      %dma_start3A_2387 = tpu.memref_slice %arg6[%dma_start3A_2384, %dma_start3A_2385, %dma_start3A_2386] : memref<4x208x128xf32, #tpu.memory_space<vmem>> -> memref<1x208x128xf32, #tpu.memory_space<vmem>>
      %dma_start3A_2388 = tpu.memref_squeeze %dma_start3A_2387 : memref<1x208x128xf32, #tpu.memory_space<vmem>> -> memref<208x128xf32, #tpu.memory_space<vmem>>
      %dma_start3A_2389 = tpu.memref_slice %arg5[%mul3A_2383] : memref<13312xi32, #tpu.memory_space<vmem>> -> memref<208xi32, #tpu.memory_space<vmem>>
      %dma_start3A_2390 = arith.constant 0 : i32
      %dma_start3A_2391 = arith.constant 0 : i32
      %dma_start3A_2392 = tpu.memref_slice %arg2[%dma_start3A_2390, %dma_start3A_2391] : memref<100000x128xf32, #tpu.memory_space<hbm>> -> memref<100000x128xf32, #tpu.memory_space<hbm>>
      tpu.enqueue_indirect_dma source(%dma_start3A_2392 : memref<100000x128xf32, #tpu.memory_space<hbm>>) target(%dma_start3A_2388 : memref<208x128xf32, #tpu.memory_space<vmem>>) offsets(%dma_start3A_2389 : memref<208xi32, #tpu.memory_space<vmem>>) semaphore(%arg7 : memref<!tpu.dma_semaphore, #tpu.memory_space<semaphore_mem>>)
      %add3A_2393 = arith.constant 1 : i32
      %add3A_2394 = arith.addi %add3A_1435, %add3A_2393 : i32
      %mul3A_2395 = arith.constant 8 : i32
      %mul3A_2396 = arith.muli %add3A_2394, %mul3A_2395 : i32
      %add3A_2397 = arith.addi %mul3A_4, %mul3A_2396 : i32
      %add3A_2398 = arith.constant 0 : i32
      %add3A_2399 = arith.addi %add3A_2397, %add3A_2398 : i32
      %dma_wait3A_2400 = arith.constant 1 : i32
      %dma_wait3A_2401 = arith.constant 0 : i32
      %dma_wait3A_2402 = arith.constant 0 : i32
      %dma_wait3A_2403 = tpu.memref_slice %arg6[%dma_wait3A_2400, %dma_wait3A_2401, %dma_wait3A_2402] : memref<4x208x128xf32, #tpu.memory_space<vmem>> -> memref<1x26x128xf32, #tpu.memory_space<vmem>>
      %dma_wait3A_2404 = tpu.memref_squeeze %dma_wait3A_2403 : memref<1x26x128xf32, #tpu.memory_space<vmem>> -> memref<26x128xf32, #tpu.memory_space<vmem>>
      %dma_wait3A_2405 = arith.constant 0 : i32
      %dma_wait3A_2406 = arith.constant 0 : i32
      %dma_wait3A_2407 = tpu.memref_slice %arg4[%add3A_2399, %dma_wait3A_2405, %dma_wait3A_2406] : memref<16384x26x128xf32, #tpu.memory_space<hbm>> -> memref<1x26x128xf32, #tpu.memory_space<hbm>>
      %dma_wait3A_2408 = tpu.memref_squeeze %dma_wait3A_2407 : memref<1x26x128xf32, #tpu.memory_space<hbm>> -> memref<26x128xf32, #tpu.memory_space<hbm>>
      %dma_wait3A_2409 = arith.constant 0 : i32
      %dma_wait3A_2410 = arith.constant 0 : i32
      %dma_wait3A_2411 = tpu.memref_slice %arg4[%add3A_2399, %dma_wait3A_2409, %dma_wait3A_2410] : memref<16384x26x128xf32, #tpu.memory_space<hbm>> -> memref<1x26x128xf32, #tpu.memory_space<hbm>>
      %dma_wait3A_2412 = tpu.memref_squeeze %dma_wait3A_2411 : memref<1x26x128xf32, #tpu.memory_space<hbm>> -> memref<26x128xf32, #tpu.memory_space<hbm>>
      %dma_wait3A_2413 = arith.constant 0 : i32
      %dma_wait3A_2414 = arith.constant 0 : i32
      %dma_wait3A_2415 = tpu.memref_slice %arg6[%dma_wait3A_2400, %dma_wait3A_2413, %dma_wait3A_2414] : memref<4x208x128xf32, #tpu.memory_space<vmem>> -> memref<1x26x128xf32, #tpu.memory_space<vmem>>
      %dma_wait3A_2416 = tpu.memref_squeeze %dma_wait3A_2415 : memref<1x26x128xf32, #tpu.memory_space<vmem>> -> memref<26x128xf32, #tpu.memory_space<vmem>>
      tpu.wait_dma2 semaphore(%arg12 : memref<!tpu.dma_semaphore, #tpu.memory_space<semaphore_mem>>) src(%dma_wait3A_2416 : memref<26x128xf32, #tpu.memory_space<vmem>>) dst(%dma_wait3A_2412 : memref<26x128xf32, #tpu.memory_space<hbm>>)
      %mul3A_2417 = arith.constant 8 : i32
      %mul3A_2418 = arith.muli %add3A_2394, %mul3A_2417 : i32
      %add3A_2419 = arith.addi %mul3A_4, %mul3A_2418 : i32
      %add3A_2420 = arith.constant 1 : i32
      %add3A_2421 = arith.addi %add3A_2419, %add3A_2420 : i32
      %dma_wait3A_2422 = arith.constant 1 : i32
      %dma_wait3A_2423 = arith.constant 26 : i32
      %dma_wait3A_2424 = arith.constant 0 : i32
      %dma_wait3A_2425 = tpu.memref_slice %arg6[%dma_wait3A_2422, %dma_wait3A_2423, %dma_wait3A_2424] : memref<4x208x128xf32, #tpu.memory_space<vmem>> -> memref<1x26x128xf32, #tpu.memory_space<vmem>>
      %dma_wait3A_2426 = tpu.memref_squeeze %dma_wait3A_2425 : memref<1x26x128xf32, #tpu.memory_space<vmem>> -> memref<26x128xf32, #tpu.memory_space<vmem>>
      %dma_wait3A_2427 = arith.constant 0 : i32
      %dma_wait3A_2428 = arith.constant 0 : i32
      %dma_wait3A_2429 = tpu.memref_slice %arg4[%add3A_2421, %dma_wait3A_2427, %dma_wait3A_2428] : memref<16384x26x128xf32, #tpu.memory_space<hbm>> -> memref<1x26x128xf32, #tpu.memory_space<hbm>>
      %dma_wait3A_2430 = tpu.memref_squeeze %dma_wait3A_2429 : memref<1x26x128xf32, #tpu.memory_space<hbm>> -> memref<26x128xf32, #tpu.memory_space<hbm>>
      %dma_wait3A_2431 = arith.constant 0 : i32
      %dma_wait3A_2432 = arith.constant 0 : i32
      %dma_wait3A_2433 = tpu.memref_slice %arg4[%add3A_2421, %dma_wait3A_2431, %dma_wait3A_2432] : memref<16384x26x128xf32, #tpu.memory_space<hbm>> -> memref<1x26x128xf32, #tpu.memory_space<hbm>>
      %dma_wait3A_2434 = tpu.memref_squeeze %dma_wait3A_2433 : memref<1x26x128xf32, #tpu.memory_space<hbm>> -> memref<26x128xf32, #tpu.memory_space<hbm>>
      %dma_wait3A_2435 = arith.constant 26 : i32
      %dma_wait3A_2436 = arith.constant 0 : i32
      %dma_wait3A_2437 = tpu.memref_slice %arg6[%dma_wait3A_2422, %dma_wait3A_2435, %dma_wait3A_2436] : memref<4x208x128xf32, #tpu.memory_space<vmem>> -> memref<1x26x128xf32, #tpu.memory_space<vmem>>
      %dma_wait3A_2438 = tpu.memref_squeeze %dma_wait3A_2437 : memref<1x26x128xf32, #tpu.memory_space<vmem>> -> memref<26x128xf32, #tpu.memory_space<vmem>>
      tpu.wait_dma2 semaphore(%arg12 : memref<!tpu.dma_semaphore, #tpu.memory_space<semaphore_mem>>) src(%dma_wait3A_2438 : memref<26x128xf32, #tpu.memory_space<vmem>>) dst(%dma_wait3A_2434 : memref<26x128xf32, #tpu.memory_space<hbm>>)
      %mul3A_2439 = arith.constant 8 : i32
      %mul3A_2440 = arith.muli %add3A_2394, %mul3A_2439 : i32
      %add3A_2441 = arith.addi %mul3A_4, %mul3A_2440 : i32
      %add3A_2442 = arith.constant 2 : i32
      %add3A_2443 = arith.addi %add3A_2441, %add3A_2442 : i32
      %dma_wait3A_2444 = arith.constant 1 : i32
      %dma_wait3A_2445 = arith.constant 52 : i32
      %dma_wait3A_2446 = arith.constant 0 : i32
      %dma_wait3A_2447 = tpu.memref_slice %arg6[%dma_wait3A_2444, %dma_wait3A_2445, %dma_wait3A_2446] : memref<4x208x128xf32, #tpu.memory_space<vmem>> -> memref<1x26x128xf32, #tpu.memory_space<vmem>>
      %dma_wait3A_2448 = tpu.memref_squeeze %dma_wait3A_2447 : memref<1x26x128xf32, #tpu.memory_space<vmem>> -> memref<26x128xf32, #tpu.memory_space<vmem>>
      %dma_wait3A_2449 = arith.constant 0 : i32
      %dma_wait3A_2450 = arith.constant 0 : i32
      %dma_wait3A_2451 = tpu.memref_slice %arg4[%add3A_2443, %dma_wait3A_2449, %dma_wait3A_2450] : memref<16384x26x128xf32, #tpu.memory_space<hbm>> -> memref<1x26x128xf32, #tpu.memory_space<hbm>>
      %dma_wait3A_2452 = tpu.memref_squeeze %dma_wait3A_2451 : memref<1x26x128xf32, #tpu.memory_space<hbm>> -> memref<26x128xf32, #tpu.memory_space<hbm>>
      %dma_wait3A_2453 = arith.constant 0 : i32
      %dma_wait3A_2454 = arith.constant 0 : i32
      %dma_wait3A_2455 = tpu.memref_slice %arg4[%add3A_2443, %dma_wait3A_2453, %dma_wait3A_2454] : memref<16384x26x128xf32, #tpu.memory_space<hbm>> -> memref<1x26x128xf32, #tpu.memory_space<hbm>>
      %dma_wait3A_2456 = tpu.memref_squeeze %dma_wait3A_2455 : memref<1x26x128xf32, #tpu.memory_space<hbm>> -> memref<26x128xf32, #tpu.memory_space<hbm>>
      %dma_wait3A_2457 = arith.constant 52 : i32
      %dma_wait3A_2458 = arith.constant 0 : i32
      %dma_wait3A_2459 = tpu.memref_slice %arg6[%dma_wait3A_2444, %dma_wait3A_2457, %dma_wait3A_2458] : memref<4x208x128xf32, #tpu.memory_space<vmem>> -> memref<1x26x128xf32, #tpu.memory_space<vmem>>
      %dma_wait3A_2460 = tpu.memref_squeeze %dma_wait3A_2459 : memref<1x26x128xf32, #tpu.memory_space<vmem>> -> memref<26x128xf32, #tpu.memory_space<vmem>>
      tpu.wait_dma2 semaphore(%arg12 : memref<!tpu.dma_semaphore, #tpu.memory_space<semaphore_mem>>) src(%dma_wait3A_2460 : memref<26x128xf32, #tpu.memory_space<vmem>>) dst(%dma_wait3A_2456 : memref<26x128xf32, #tpu.memory_space<hbm>>)
      %mul3A_2461 = arith.constant 8 : i32
      %mul3A_2462 = arith.muli %add3A_2394, %mul3A_2461 : i32
      %add3A_2463 = arith.addi %mul3A_4, %mul3A_2462 : i32
      %add3A_2464 = arith.constant 3 : i32
      %add3A_2465 = arith.addi %add3A_2463, %add3A_2464 : i32
      %dma_wait3A_2466 = arith.constant 1 : i32
      %dma_wait3A_2467 = arith.constant 78 : i32
      %dma_wait3A_2468 = arith.constant 0 : i32
      %dma_wait3A_2469 = tpu.memref_slice %arg6[%dma_wait3A_2466, %dma_wait3A_2467, %dma_wait3A_2468] : memref<4x208x128xf32, #tpu.memory_space<vmem>> -> memref<1x26x128xf32, #tpu.memory_space<vmem>>
      %dma_wait3A_2470 = tpu.memref_squeeze %dma_wait3A_2469 : memref<1x26x128xf32, #tpu.memory_space<vmem>> -> memref<26x128xf32, #tpu.memory_space<vmem>>
      %dma_wait3A_2471 = arith.constant 0 : i32
      %dma_wait3A_2472 = arith.constant 0 : i32
      %dma_wait3A_2473 = tpu.memref_slice %arg4[%add3A_2465, %dma_wait3A_2471, %dma_wait3A_2472] : memref<16384x26x128xf32, #tpu.memory_space<hbm>> -> memref<1x26x128xf32, #tpu.memory_space<hbm>>
      %dma_wait3A_2474 = tpu.memref_squeeze %dma_wait3A_2473 : memref<1x26x128xf32, #tpu.memory_space<hbm>> -> memref<26x128xf32, #tpu.memory_space<hbm>>
      %dma_wait3A_2475 = arith.constant 0 : i32
      %dma_wait3A_2476 = arith.constant 0 : i32
      %dma_wait3A_2477 = tpu.memref_slice %arg4[%add3A_2465, %dma_wait3A_2475, %dma_wait3A_2476] : memref<16384x26x128xf32, #tpu.memory_space<hbm>> -> memref<1x26x128xf32, #tpu.memory_space<hbm>>
      %dma_wait3A_2478 = tpu.memref_squeeze %dma_wait3A_2477 : memref<1x26x128xf32, #tpu.memory_space<hbm>> -> memref<26x128xf32, #tpu.memory_space<hbm>>
      %dma_wait3A_2479 = arith.constant 78 : i32
      %dma_wait3A_2480 = arith.constant 0 : i32
      %dma_wait3A_2481 = tpu.memref_slice %arg6[%dma_wait3A_2466, %dma_wait3A_2479, %dma_wait3A_2480] : memref<4x208x128xf32, #tpu.memory_space<vmem>> -> memref<1x26x128xf32, #tpu.memory_space<vmem>>
      %dma_wait3A_2482 = tpu.memref_squeeze %dma_wait3A_2481 : memref<1x26x128xf32, #tpu.memory_space<vmem>> -> memref<26x128xf32, #tpu.memory_space<vmem>>
      tpu.wait_dma2 semaphore(%arg12 : memref<!tpu.dma_semaphore, #tpu.memory_space<semaphore_mem>>) src(%dma_wait3A_2482 : memref<26x128xf32, #tpu.memory_space<vmem>>) dst(%dma_wait3A_2478 : memref<26x128xf32, #tpu.memory_space<hbm>>)
      %mul3A_2483 = arith.constant 8 : i32
      %mul3A_2484 = arith.muli %add3A_2394, %mul3A_2483 : i32
      %add3A_2485 = arith.addi %mul3A_4, %mul3A_2484 : i32
      %add3A_2486 = arith.constant 4 : i32
      %add3A_2487 = arith.addi %add3A_2485, %add3A_2486 : i32
      %dma_wait3A_2488 = arith.constant 1 : i32
      %dma_wait3A_2489 = arith.constant 104 : i32
      %dma_wait3A_2490 = arith.constant 0 : i32
      %dma_wait3A_2491 = tpu.memref_slice %arg6[%dma_wait3A_2488, %dma_wait3A_2489, %dma_wait3A_2490] : memref<4x208x128xf32, #tpu.memory_space<vmem>> -> memref<1x26x128xf32, #tpu.memory_space<vmem>>
      %dma_wait3A_2492 = tpu.memref_squeeze %dma_wait3A_2491 : memref<1x26x128xf32, #tpu.memory_space<vmem>> -> memref<26x128xf32, #tpu.memory_space<vmem>>
      %dma_wait3A_2493 = arith.constant 0 : i32
      %dma_wait3A_2494 = arith.constant 0 : i32
      %dma_wait3A_2495 = tpu.memref_slice %arg4[%add3A_2487, %dma_wait3A_2493, %dma_wait3A_2494] : memref<16384x26x128xf32, #tpu.memory_space<hbm>> -> memref<1x26x128xf32, #tpu.memory_space<hbm>>
      %dma_wait3A_2496 = tpu.memref_squeeze %dma_wait3A_2495 : memref<1x26x128xf32, #tpu.memory_space<hbm>> -> memref<26x128xf32, #tpu.memory_space<hbm>>
      %dma_wait3A_2497 = arith.constant 0 : i32
      %dma_wait3A_2498 = arith.constant 0 : i32
      %dma_wait3A_2499 = tpu.memref_slice %arg4[%add3A_2487, %dma_wait3A_2497, %dma_wait3A_2498] : memref<16384x26x128xf32, #tpu.memory_space<hbm>> -> memref<1x26x128xf32, #tpu.memory_space<hbm>>
      %dma_wait3A_2500 = tpu.memref_squeeze %dma_wait3A_2499 : memref<1x26x128xf32, #tpu.memory_space<hbm>> -> memref<26x128xf32, #tpu.memory_space<hbm>>
      %dma_wait3A_2501 = arith.constant 104 : i32
      %dma_wait3A_2502 = arith.constant 0 : i32
      %dma_wait3A_2503 = tpu.memref_slice %arg6[%dma_wait3A_2488, %dma_wait3A_2501, %dma_wait3A_2502] : memref<4x208x128xf32, #tpu.memory_space<vmem>> -> memref<1x26x128xf32, #tpu.memory_space<vmem>>
      %dma_wait3A_2504 = tpu.memref_squeeze %dma_wait3A_2503 : memref<1x26x128xf32, #tpu.memory_space<vmem>> -> memref<26x128xf32, #tpu.memory_space<vmem>>
      tpu.wait_dma2 semaphore(%arg12 : memref<!tpu.dma_semaphore, #tpu.memory_space<semaphore_mem>>) src(%dma_wait3A_2504 : memref<26x128xf32, #tpu.memory_space<vmem>>) dst(%dma_wait3A_2500 : memref<26x128xf32, #tpu.memory_space<hbm>>)
      %mul3A_2505 = arith.constant 8 : i32
      %mul3A_2506 = arith.muli %add3A_2394, %mul3A_2505 : i32
      %add3A_2507 = arith.addi %mul3A_4, %mul3A_2506 : i32
      %add3A_2508 = arith.constant 5 : i32
      %add3A_2509 = arith.addi %add3A_2507, %add3A_2508 : i32
      %dma_wait3A_2510 = arith.constant 1 : i32
      %dma_wait3A_2511 = arith.constant 130 : i32
      %dma_wait3A_2512 = arith.constant 0 : i32
      %dma_wait3A_2513 = tpu.memref_slice %arg6[%dma_wait3A_2510, %dma_wait3A_2511, %dma_wait3A_2512] : memref<4x208x128xf32, #tpu.memory_space<vmem>> -> memref<1x26x128xf32, #tpu.memory_space<vmem>>
      %dma_wait3A_2514 = tpu.memref_squeeze %dma_wait3A_2513 : memref<1x26x128xf32, #tpu.memory_space<vmem>> -> memref<26x128xf32, #tpu.memory_space<vmem>>
      %dma_wait3A_2515 = arith.constant 0 : i32
      %dma_wait3A_2516 = arith.constant 0 : i32
      %dma_wait3A_2517 = tpu.memref_slice %arg4[%add3A_2509, %dma_wait3A_2515, %dma_wait3A_2516] : memref<16384x26x128xf32, #tpu.memory_space<hbm>> -> memref<1x26x128xf32, #tpu.memory_space<hbm>>
      %dma_wait3A_2518 = tpu.memref_squeeze %dma_wait3A_2517 : memref<1x26x128xf32, #tpu.memory_space<hbm>> -> memref<26x128xf32, #tpu.memory_space<hbm>>
      %dma_wait3A_2519 = arith.constant 0 : i32
      %dma_wait3A_2520 = arith.constant 0 : i32
      %dma_wait3A_2521 = tpu.memref_slice %arg4[%add3A_2509, %dma_wait3A_2519, %dma_wait3A_2520] : memref<16384x26x128xf32, #tpu.memory_space<hbm>> -> memref<1x26x128xf32, #tpu.memory_space<hbm>>
      %dma_wait3A_2522 = tpu.memref_squeeze %dma_wait3A_2521 : memref<1x26x128xf32, #tpu.memory_space<hbm>> -> memref<26x128xf32, #tpu.memory_space<hbm>>
      %dma_wait3A_2523 = arith.constant 130 : i32
      %dma_wait3A_2524 = arith.constant 0 : i32
      %dma_wait3A_2525 = tpu.memref_slice %arg6[%dma_wait3A_2510, %dma_wait3A_2523, %dma_wait3A_2524] : memref<4x208x128xf32, #tpu.memory_space<vmem>> -> memref<1x26x128xf32, #tpu.memory_space<vmem>>
      %dma_wait3A_2526 = tpu.memref_squeeze %dma_wait3A_2525 : memref<1x26x128xf32, #tpu.memory_space<vmem>> -> memref<26x128xf32, #tpu.memory_space<vmem>>
      tpu.wait_dma2 semaphore(%arg12 : memref<!tpu.dma_semaphore, #tpu.memory_space<semaphore_mem>>) src(%dma_wait3A_2526 : memref<26x128xf32, #tpu.memory_space<vmem>>) dst(%dma_wait3A_2522 : memref<26x128xf32, #tpu.memory_space<hbm>>)
      %mul3A_2527 = arith.constant 8 : i32
      %mul3A_2528 = arith.muli %add3A_2394, %mul3A_2527 : i32
      %add3A_2529 = arith.addi %mul3A_4, %mul3A_2528 : i32
      %add3A_2530 = arith.constant 6 : i32
      %add3A_2531 = arith.addi %add3A_2529, %add3A_2530 : i32
      %dma_wait3A_2532 = arith.constant 1 : i32
      %dma_wait3A_2533 = arith.constant 156 : i32
      %dma_wait3A_2534 = arith.constant 0 : i32
      %dma_wait3A_2535 = tpu.memref_slice %arg6[%dma_wait3A_2532, %dma_wait3A_2533, %dma_wait3A_2534] : memref<4x208x128xf32, #tpu.memory_space<vmem>> -> memref<1x26x128xf32, #tpu.memory_space<vmem>>
      %dma_wait3A_2536 = tpu.memref_squeeze %dma_wait3A_2535 : memref<1x26x128xf32, #tpu.memory_space<vmem>> -> memref<26x128xf32, #tpu.memory_space<vmem>>
      %dma_wait3A_2537 = arith.constant 0 : i32
      %dma_wait3A_2538 = arith.constant 0 : i32
      %dma_wait3A_2539 = tpu.memref_slice %arg4[%add3A_2531, %dma_wait3A_2537, %dma_wait3A_2538] : memref<16384x26x128xf32, #tpu.memory_space<hbm>> -> memref<1x26x128xf32, #tpu.memory_space<hbm>>
      %dma_wait3A_2540 = tpu.memref_squeeze %dma_wait3A_2539 : memref<1x26x128xf32, #tpu.memory_space<hbm>> -> memref<26x128xf32, #tpu.memory_space<hbm>>
      %dma_wait3A_2541 = arith.constant 0 : i32
      %dma_wait3A_2542 = arith.constant 0 : i32
      %dma_wait3A_2543 = tpu.memref_slice %arg4[%add3A_2531, %dma_wait3A_2541, %dma_wait3A_2542] : memref<16384x26x128xf32, #tpu.memory_space<hbm>> -> memref<1x26x128xf32, #tpu.memory_space<hbm>>
      %dma_wait3A_2544 = tpu.memref_squeeze %dma_wait3A_2543 : memref<1x26x128xf32, #tpu.memory_space<hbm>> -> memref<26x128xf32, #tpu.memory_space<hbm>>
      %dma_wait3A_2545 = arith.constant 156 : i32
      %dma_wait3A_2546 = arith.constant 0 : i32
      %dma_wait3A_2547 = tpu.memref_slice %arg6[%dma_wait3A_2532, %dma_wait3A_2545, %dma_wait3A_2546] : memref<4x208x128xf32, #tpu.memory_space<vmem>> -> memref<1x26x128xf32, #tpu.memory_space<vmem>>
      %dma_wait3A_2548 = tpu.memref_squeeze %dma_wait3A_2547 : memref<1x26x128xf32, #tpu.memory_space<vmem>> -> memref<26x128xf32, #tpu.memory_space<vmem>>
      tpu.wait_dma2 semaphore(%arg12 : memref<!tpu.dma_semaphore, #tpu.memory_space<semaphore_mem>>) src(%dma_wait3A_2548 : memref<26x128xf32, #tpu.memory_space<vmem>>) dst(%dma_wait3A_2544 : memref<26x128xf32, #tpu.memory_space<hbm>>)
      %mul3A_2549 = arith.constant 8 : i32
      %mul3A_2550 = arith.muli %add3A_2394, %mul3A_2549 : i32
      %add3A_2551 = arith.addi %mul3A_4, %mul3A_2550 : i32
      %add3A_2552 = arith.constant 7 : i32
      %add3A_2553 = arith.addi %add3A_2551, %add3A_2552 : i32
      %dma_wait3A_2554 = arith.constant 1 : i32
      %dma_wait3A_2555 = arith.constant 182 : i32
      %dma_wait3A_2556 = arith.constant 0 : i32
      %dma_wait3A_2557 = tpu.memref_slice %arg6[%dma_wait3A_2554, %dma_wait3A_2555, %dma_wait3A_2556] : memref<4x208x128xf32, #tpu.memory_space<vmem>> -> memref<1x26x128xf32, #tpu.memory_space<vmem>>
      %dma_wait3A_2558 = tpu.memref_squeeze %dma_wait3A_2557 : memref<1x26x128xf32, #tpu.memory_space<vmem>> -> memref<26x128xf32, #tpu.memory_space<vmem>>
      %dma_wait3A_2559 = arith.constant 0 : i32
      %dma_wait3A_2560 = arith.constant 0 : i32
      %dma_wait3A_2561 = tpu.memref_slice %arg4[%add3A_2553, %dma_wait3A_2559, %dma_wait3A_2560] : memref<16384x26x128xf32, #tpu.memory_space<hbm>> -> memref<1x26x128xf32, #tpu.memory_space<hbm>>
      %dma_wait3A_2562 = tpu.memref_squeeze %dma_wait3A_2561 : memref<1x26x128xf32, #tpu.memory_space<hbm>> -> memref<26x128xf32, #tpu.memory_space<hbm>>
      %dma_wait3A_2563 = arith.constant 0 : i32
      %dma_wait3A_2564 = arith.constant 0 : i32
      %dma_wait3A_2565 = tpu.memref_slice %arg4[%add3A_2553, %dma_wait3A_2563, %dma_wait3A_2564] : memref<16384x26x128xf32, #tpu.memory_space<hbm>> -> memref<1x26x128xf32, #tpu.memory_space<hbm>>
      %dma_wait3A_2566 = tpu.memref_squeeze %dma_wait3A_2565 : memref<1x26x128xf32, #tpu.memory_space<hbm>> -> memref<26x128xf32, #tpu.memory_space<hbm>>
      %dma_wait3A_2567 = arith.constant 182 : i32
      %dma_wait3A_2568 = arith.constant 0 : i32
      %dma_wait3A_2569 = tpu.memref_slice %arg6[%dma_wait3A_2554, %dma_wait3A_2567, %dma_wait3A_2568] : memref<4x208x128xf32, #tpu.memory_space<vmem>> -> memref<1x26x128xf32, #tpu.memory_space<vmem>>
      %dma_wait3A_2570 = tpu.memref_squeeze %dma_wait3A_2569 : memref<1x26x128xf32, #tpu.memory_space<vmem>> -> memref<26x128xf32, #tpu.memory_space<vmem>>
      tpu.wait_dma2 semaphore(%arg12 : memref<!tpu.dma_semaphore, #tpu.memory_space<semaphore_mem>>) src(%dma_wait3A_2570 : memref<26x128xf32, #tpu.memory_space<vmem>>) dst(%dma_wait3A_2566 : memref<26x128xf32, #tpu.memory_space<hbm>>)
      %add3A_2571 = arith.constant 4 : i32
      %add3A_2572 = arith.addi %add3A_1435, %add3A_2571 : i32
      %add3A_2573 = arith.constant 1 : i32
      %add3A_2574 = arith.addi %add3A_2572, %add3A_2573 : i32
      %mul3A_2575 = arith.constant 208 : i32
      %mul3A_2576 = arith.muli %add3A_2574, %mul3A_2575 : i32
      %dma_start3A_2577 = arith.constant 1 : i32
      %dma_start3A_2578 = arith.constant 0 : i32
      %dma_start3A_2579 = arith.constant 0 : i32
      %dma_start3A_2580 = tpu.memref_slice %arg6[%dma_start3A_2577, %dma_start3A_2578, %dma_start3A_2579] : memref<4x208x128xf32, #tpu.memory_space<vmem>> -> memref<1x208x128xf32, #tpu.memory_space<vmem>>
      %dma_start3A_2581 = tpu.memref_squeeze %dma_start3A_2580 : memref<1x208x128xf32, #tpu.memory_space<vmem>> -> memref<208x128xf32, #tpu.memory_space<vmem>>
      %dma_start3A_2582 = tpu.memref_slice %arg5[%mul3A_2576] : memref<13312xi32, #tpu.memory_space<vmem>> -> memref<208xi32, #tpu.memory_space<vmem>>
      %dma_start3A_2583 = arith.constant 0 : i32
      %dma_start3A_2584 = arith.constant 0 : i32
      %dma_start3A_2585 = tpu.memref_slice %arg2[%dma_start3A_2583, %dma_start3A_2584] : memref<100000x128xf32, #tpu.memory_space<hbm>> -> memref<100000x128xf32, #tpu.memory_space<hbm>>
      tpu.enqueue_indirect_dma source(%dma_start3A_2585 : memref<100000x128xf32, #tpu.memory_space<hbm>>) target(%dma_start3A_2581 : memref<208x128xf32, #tpu.memory_space<vmem>>) offsets(%dma_start3A_2582 : memref<208xi32, #tpu.memory_space<vmem>>) semaphore(%arg8 : memref<!tpu.dma_semaphore, #tpu.memory_space<semaphore_mem>>)
      %add3A_2586 = arith.constant 2 : i32
      %add3A_2587 = arith.addi %add3A_1435, %add3A_2586 : i32
      %mul3A_2588 = arith.constant 8 : i32
      %mul3A_2589 = arith.muli %add3A_2587, %mul3A_2588 : i32
      %add3A_2590 = arith.addi %mul3A_4, %mul3A_2589 : i32
      %add3A_2591 = arith.constant 0 : i32
      %add3A_2592 = arith.addi %add3A_2590, %add3A_2591 : i32
      %dma_wait3A_2593 = arith.constant 2 : i32
      %dma_wait3A_2594 = arith.constant 0 : i32
      %dma_wait3A_2595 = arith.constant 0 : i32
      %dma_wait3A_2596 = tpu.memref_slice %arg6[%dma_wait3A_2593, %dma_wait3A_2594, %dma_wait3A_2595] : memref<4x208x128xf32, #tpu.memory_space<vmem>> -> memref<1x26x128xf32, #tpu.memory_space<vmem>>
      %dma_wait3A_2597 = tpu.memref_squeeze %dma_wait3A_2596 : memref<1x26x128xf32, #tpu.memory_space<vmem>> -> memref<26x128xf32, #tpu.memory_space<vmem>>
      %dma_wait3A_2598 = arith.constant 0 : i32
      %dma_wait3A_2599 = arith.constant 0 : i32
      %dma_wait3A_2600 = tpu.memref_slice %arg4[%add3A_2592, %dma_wait3A_2598, %dma_wait3A_2599] : memref<16384x26x128xf32, #tpu.memory_space<hbm>> -> memref<1x26x128xf32, #tpu.memory_space<hbm>>
      %dma_wait3A_2601 = tpu.memref_squeeze %dma_wait3A_2600 : memref<1x26x128xf32, #tpu.memory_space<hbm>> -> memref<26x128xf32, #tpu.memory_space<hbm>>
      %dma_wait3A_2602 = arith.constant 0 : i32
      %dma_wait3A_2603 = arith.constant 0 : i32
      %dma_wait3A_2604 = tpu.memref_slice %arg4[%add3A_2592, %dma_wait3A_2602, %dma_wait3A_2603] : memref<16384x26x128xf32, #tpu.memory_space<hbm>> -> memref<1x26x128xf32, #tpu.memory_space<hbm>>
      %dma_wait3A_2605 = tpu.memref_squeeze %dma_wait3A_2604 : memref<1x26x128xf32, #tpu.memory_space<hbm>> -> memref<26x128xf32, #tpu.memory_space<hbm>>
      %dma_wait3A_2606 = arith.constant 0 : i32
      %dma_wait3A_2607 = arith.constant 0 : i32
      %dma_wait3A_2608 = tpu.memref_slice %arg6[%dma_wait3A_2593, %dma_wait3A_2606, %dma_wait3A_2607] : memref<4x208x128xf32, #tpu.memory_space<vmem>> -> memref<1x26x128xf32, #tpu.memory_space<vmem>>
      %dma_wait3A_2609 = tpu.memref_squeeze %dma_wait3A_2608 : memref<1x26x128xf32, #tpu.memory_space<vmem>> -> memref<26x128xf32, #tpu.memory_space<vmem>>
      tpu.wait_dma2 semaphore(%arg13 : memref<!tpu.dma_semaphore, #tpu.memory_space<semaphore_mem>>) src(%dma_wait3A_2609 : memref<26x128xf32, #tpu.memory_space<vmem>>) dst(%dma_wait3A_2605 : memref<26x128xf32, #tpu.memory_space<hbm>>)
      %mul3A_2610 = arith.constant 8 : i32
      %mul3A_2611 = arith.muli %add3A_2587, %mul3A_2610 : i32
      %add3A_2612 = arith.addi %mul3A_4, %mul3A_2611 : i32
      %add3A_2613 = arith.constant 1 : i32
      %add3A_2614 = arith.addi %add3A_2612, %add3A_2613 : i32
      %dma_wait3A_2615 = arith.constant 2 : i32
      %dma_wait3A_2616 = arith.constant 26 : i32
      %dma_wait3A_2617 = arith.constant 0 : i32
      %dma_wait3A_2618 = tpu.memref_slice %arg6[%dma_wait3A_2615, %dma_wait3A_2616, %dma_wait3A_2617] : memref<4x208x128xf32, #tpu.memory_space<vmem>> -> memref<1x26x128xf32, #tpu.memory_space<vmem>>
      %dma_wait3A_2619 = tpu.memref_squeeze %dma_wait3A_2618 : memref<1x26x128xf32, #tpu.memory_space<vmem>> -> memref<26x128xf32, #tpu.memory_space<vmem>>
      %dma_wait3A_2620 = arith.constant 0 : i32
      %dma_wait3A_2621 = arith.constant 0 : i32
      %dma_wait3A_2622 = tpu.memref_slice %arg4[%add3A_2614, %dma_wait3A_2620, %dma_wait3A_2621] : memref<16384x26x128xf32, #tpu.memory_space<hbm>> -> memref<1x26x128xf32, #tpu.memory_space<hbm>>
      %dma_wait3A_2623 = tpu.memref_squeeze %dma_wait3A_2622 : memref<1x26x128xf32, #tpu.memory_space<hbm>> -> memref<26x128xf32, #tpu.memory_space<hbm>>
      %dma_wait3A_2624 = arith.constant 0 : i32
      %dma_wait3A_2625 = arith.constant 0 : i32
      %dma_wait3A_2626 = tpu.memref_slice %arg4[%add3A_2614, %dma_wait3A_2624, %dma_wait3A_2625] : memref<16384x26x128xf32, #tpu.memory_space<hbm>> -> memref<1x26x128xf32, #tpu.memory_space<hbm>>
      %dma_wait3A_2627 = tpu.memref_squeeze %dma_wait3A_2626 : memref<1x26x128xf32, #tpu.memory_space<hbm>> -> memref<26x128xf32, #tpu.memory_space<hbm>>
      %dma_wait3A_2628 = arith.constant 26 : i32
      %dma_wait3A_2629 = arith.constant 0 : i32
      %dma_wait3A_2630 = tpu.memref_slice %arg6[%dma_wait3A_2615, %dma_wait3A_2628, %dma_wait3A_2629] : memref<4x208x128xf32, #tpu.memory_space<vmem>> -> memref<1x26x128xf32, #tpu.memory_space<vmem>>
      %dma_wait3A_2631 = tpu.memref_squeeze %dma_wait3A_2630 : memref<1x26x128xf32, #tpu.memory_space<vmem>> -> memref<26x128xf32, #tpu.memory_space<vmem>>
      tpu.wait_dma2 semaphore(%arg13 : memref<!tpu.dma_semaphore, #tpu.memory_space<semaphore_mem>>) src(%dma_wait3A_2631 : memref<26x128xf32, #tpu.memory_space<vmem>>) dst(%dma_wait3A_2627 : memref<26x128xf32, #tpu.memory_space<hbm>>)
      %mul3A_2632 = arith.constant 8 : i32
      %mul3A_2633 = arith.muli %add3A_2587, %mul3A_2632 : i32
      %add3A_2634 = arith.addi %mul3A_4, %mul3A_2633 : i32
      %add3A_2635 = arith.constant 2 : i32
      %add3A_2636 = arith.addi %add3A_2634, %add3A_2635 : i32
      %dma_wait3A_2637 = arith.constant 2 : i32
      %dma_wait3A_2638 = arith.constant 52 : i32
      %dma_wait3A_2639 = arith.constant 0 : i32
      %dma_wait3A_2640 = tpu.memref_slice %arg6[%dma_wait3A_2637, %dma_wait3A_2638, %dma_wait3A_2639] : memref<4x208x128xf32, #tpu.memory_space<vmem>> -> memref<1x26x128xf32, #tpu.memory_space<vmem>>
      %dma_wait3A_2641 = tpu.memref_squeeze %dma_wait3A_2640 : memref<1x26x128xf32, #tpu.memory_space<vmem>> -> memref<26x128xf32, #tpu.memory_space<vmem>>
      %dma_wait3A_2642 = arith.constant 0 : i32
      %dma_wait3A_2643 = arith.constant 0 : i32
      %dma_wait3A_2644 = tpu.memref_slice %arg4[%add3A_2636, %dma_wait3A_2642, %dma_wait3A_2643] : memref<16384x26x128xf32, #tpu.memory_space<hbm>> -> memref<1x26x128xf32, #tpu.memory_space<hbm>>
      %dma_wait3A_2645 = tpu.memref_squeeze %dma_wait3A_2644 : memref<1x26x128xf32, #tpu.memory_space<hbm>> -> memref<26x128xf32, #tpu.memory_space<hbm>>
      %dma_wait3A_2646 = arith.constant 0 : i32
      %dma_wait3A_2647 = arith.constant 0 : i32
      %dma_wait3A_2648 = tpu.memref_slice %arg4[%add3A_2636, %dma_wait3A_2646, %dma_wait3A_2647] : memref<16384x26x128xf32, #tpu.memory_space<hbm>> -> memref<1x26x128xf32, #tpu.memory_space<hbm>>
      %dma_wait3A_2649 = tpu.memref_squeeze %dma_wait3A_2648 : memref<1x26x128xf32, #tpu.memory_space<hbm>> -> memref<26x128xf32, #tpu.memory_space<hbm>>
      %dma_wait3A_2650 = arith.constant 52 : i32
      %dma_wait3A_2651 = arith.constant 0 : i32
      %dma_wait3A_2652 = tpu.memref_slice %arg6[%dma_wait3A_2637, %dma_wait3A_2650, %dma_wait3A_2651] : memref<4x208x128xf32, #tpu.memory_space<vmem>> -> memref<1x26x128xf32, #tpu.memory_space<vmem>>
      %dma_wait3A_2653 = tpu.memref_squeeze %dma_wait3A_2652 : memref<1x26x128xf32, #tpu.memory_space<vmem>> -> memref<26x128xf32, #tpu.memory_space<vmem>>
      tpu.wait_dma2 semaphore(%arg13 : memref<!tpu.dma_semaphore, #tpu.memory_space<semaphore_mem>>) src(%dma_wait3A_2653 : memref<26x128xf32, #tpu.memory_space<vmem>>) dst(%dma_wait3A_2649 : memref<26x128xf32, #tpu.memory_space<hbm>>)
      %mul3A_2654 = arith.constant 8 : i32
      %mul3A_2655 = arith.muli %add3A_2587, %mul3A_2654 : i32
      %add3A_2656 = arith.addi %mul3A_4, %mul3A_2655 : i32
      %add3A_2657 = arith.constant 3 : i32
      %add3A_2658 = arith.addi %add3A_2656, %add3A_2657 : i32
      %dma_wait3A_2659 = arith.constant 2 : i32
      %dma_wait3A_2660 = arith.constant 78 : i32
      %dma_wait3A_2661 = arith.constant 0 : i32
      %dma_wait3A_2662 = tpu.memref_slice %arg6[%dma_wait3A_2659, %dma_wait3A_2660, %dma_wait3A_2661] : memref<4x208x128xf32, #tpu.memory_space<vmem>> -> memref<1x26x128xf32, #tpu.memory_space<vmem>>
      %dma_wait3A_2663 = tpu.memref_squeeze %dma_wait3A_2662 : memref<1x26x128xf32, #tpu.memory_space<vmem>> -> memref<26x128xf32, #tpu.memory_space<vmem>>
      %dma_wait3A_2664 = arith.constant 0 : i32
      %dma_wait3A_2665 = arith.constant 0 : i32
      %dma_wait3A_2666 = tpu.memref_slice %arg4[%add3A_2658, %dma_wait3A_2664, %dma_wait3A_2665] : memref<16384x26x128xf32, #tpu.memory_space<hbm>> -> memref<1x26x128xf32, #tpu.memory_space<hbm>>
      %dma_wait3A_2667 = tpu.memref_squeeze %dma_wait3A_2666 : memref<1x26x128xf32, #tpu.memory_space<hbm>> -> memref<26x128xf32, #tpu.memory_space<hbm>>
      %dma_wait3A_2668 = arith.constant 0 : i32
      %dma_wait3A_2669 = arith.constant 0 : i32
      %dma_wait3A_2670 = tpu.memref_slice %arg4[%add3A_2658, %dma_wait3A_2668, %dma_wait3A_2669] : memref<16384x26x128xf32, #tpu.memory_space<hbm>> -> memref<1x26x128xf32, #tpu.memory_space<hbm>>
      %dma_wait3A_2671 = tpu.memref_squeeze %dma_wait3A_2670 : memref<1x26x128xf32, #tpu.memory_space<hbm>> -> memref<26x128xf32, #tpu.memory_space<hbm>>
      %dma_wait3A_2672 = arith.constant 78 : i32
      %dma_wait3A_2673 = arith.constant 0 : i32
      %dma_wait3A_2674 = tpu.memref_slice %arg6[%dma_wait3A_2659, %dma_wait3A_2672, %dma_wait3A_2673] : memref<4x208x128xf32, #tpu.memory_space<vmem>> -> memref<1x26x128xf32, #tpu.memory_space<vmem>>
      %dma_wait3A_2675 = tpu.memref_squeeze %dma_wait3A_2674 : memref<1x26x128xf32, #tpu.memory_space<vmem>> -> memref<26x128xf32, #tpu.memory_space<vmem>>
      tpu.wait_dma2 semaphore(%arg13 : memref<!tpu.dma_semaphore, #tpu.memory_space<semaphore_mem>>) src(%dma_wait3A_2675 : memref<26x128xf32, #tpu.memory_space<vmem>>) dst(%dma_wait3A_2671 : memref<26x128xf32, #tpu.memory_space<hbm>>)
      %mul3A_2676 = arith.constant 8 : i32
      %mul3A_2677 = arith.muli %add3A_2587, %mul3A_2676 : i32
      %add3A_2678 = arith.addi %mul3A_4, %mul3A_2677 : i32
      %add3A_2679 = arith.constant 4 : i32
      %add3A_2680 = arith.addi %add3A_2678, %add3A_2679 : i32
      %dma_wait3A_2681 = arith.constant 2 : i32
      %dma_wait3A_2682 = arith.constant 104 : i32
      %dma_wait3A_2683 = arith.constant 0 : i32
      %dma_wait3A_2684 = tpu.memref_slice %arg6[%dma_wait3A_2681, %dma_wait3A_2682, %dma_wait3A_2683] : memref<4x208x128xf32, #tpu.memory_space<vmem>> -> memref<1x26x128xf32, #tpu.memory_space<vmem>>
      %dma_wait3A_2685 = tpu.memref_squeeze %dma_wait3A_2684 : memref<1x26x128xf32, #tpu.memory_space<vmem>> -> memref<26x128xf32, #tpu.memory_space<vmem>>
      %dma_wait3A_2686 = arith.constant 0 : i32
      %dma_wait3A_2687 = arith.constant 0 : i32
      %dma_wait3A_2688 = tpu.memref_slice %arg4[%add3A_2680, %dma_wait3A_2686, %dma_wait3A_2687] : memref<16384x26x128xf32, #tpu.memory_space<hbm>> -> memref<1x26x128xf32, #tpu.memory_space<hbm>>
      %dma_wait3A_2689 = tpu.memref_squeeze %dma_wait3A_2688 : memref<1x26x128xf32, #tpu.memory_space<hbm>> -> memref<26x128xf32, #tpu.memory_space<hbm>>
      %dma_wait3A_2690 = arith.constant 0 : i32
      %dma_wait3A_2691 = arith.constant 0 : i32
      %dma_wait3A_2692 = tpu.memref_slice %arg4[%add3A_2680, %dma_wait3A_2690, %dma_wait3A_2691] : memref<16384x26x128xf32, #tpu.memory_space<hbm>> -> memref<1x26x128xf32, #tpu.memory_space<hbm>>
      %dma_wait3A_2693 = tpu.memref_squeeze %dma_wait3A_2692 : memref<1x26x128xf32, #tpu.memory_space<hbm>> -> memref<26x128xf32, #tpu.memory_space<hbm>>
      %dma_wait3A_2694 = arith.constant 104 : i32
      %dma_wait3A_2695 = arith.constant 0 : i32
      %dma_wait3A_2696 = tpu.memref_slice %arg6[%dma_wait3A_2681, %dma_wait3A_2694, %dma_wait3A_2695] : memref<4x208x128xf32, #tpu.memory_space<vmem>> -> memref<1x26x128xf32, #tpu.memory_space<vmem>>
      %dma_wait3A_2697 = tpu.memref_squeeze %dma_wait3A_2696 : memref<1x26x128xf32, #tpu.memory_space<vmem>> -> memref<26x128xf32, #tpu.memory_space<vmem>>
      tpu.wait_dma2 semaphore(%arg13 : memref<!tpu.dma_semaphore, #tpu.memory_space<semaphore_mem>>) src(%dma_wait3A_2697 : memref<26x128xf32, #tpu.memory_space<vmem>>) dst(%dma_wait3A_2693 : memref<26x128xf32, #tpu.memory_space<hbm>>)
      %mul3A_2698 = arith.constant 8 : i32
      %mul3A_2699 = arith.muli %add3A_2587, %mul3A_2698 : i32
      %add3A_2700 = arith.addi %mul3A_4, %mul3A_2699 : i32
      %add3A_2701 = arith.constant 5 : i32
      %add3A_2702 = arith.addi %add3A_2700, %add3A_2701 : i32
      %dma_wait3A_2703 = arith.constant 2 : i32
      %dma_wait3A_2704 = arith.constant 130 : i32
      %dma_wait3A_2705 = arith.constant 0 : i32
      %dma_wait3A_2706 = tpu.memref_slice %arg6[%dma_wait3A_2703, %dma_wait3A_2704, %dma_wait3A_2705] : memref<4x208x128xf32, #tpu.memory_space<vmem>> -> memref<1x26x128xf32, #tpu.memory_space<vmem>>
      %dma_wait3A_2707 = tpu.memref_squeeze %dma_wait3A_2706 : memref<1x26x128xf32, #tpu.memory_space<vmem>> -> memref<26x128xf32, #tpu.memory_space<vmem>>
      %dma_wait3A_2708 = arith.constant 0 : i32
      %dma_wait3A_2709 = arith.constant 0 : i32
      %dma_wait3A_2710 = tpu.memref_slice %arg4[%add3A_2702, %dma_wait3A_2708, %dma_wait3A_2709] : memref<16384x26x128xf32, #tpu.memory_space<hbm>> -> memref<1x26x128xf32, #tpu.memory_space<hbm>>
      %dma_wait3A_2711 = tpu.memref_squeeze %dma_wait3A_2710 : memref<1x26x128xf32, #tpu.memory_space<hbm>> -> memref<26x128xf32, #tpu.memory_space<hbm>>
      %dma_wait3A_2712 = arith.constant 0 : i32
      %dma_wait3A_2713 = arith.constant 0 : i32
      %dma_wait3A_2714 = tpu.memref_slice %arg4[%add3A_2702, %dma_wait3A_2712, %dma_wait3A_2713] : memref<16384x26x128xf32, #tpu.memory_space<hbm>> -> memref<1x26x128xf32, #tpu.memory_space<hbm>>
      %dma_wait3A_2715 = tpu.memref_squeeze %dma_wait3A_2714 : memref<1x26x128xf32, #tpu.memory_space<hbm>> -> memref<26x128xf32, #tpu.memory_space<hbm>>
      %dma_wait3A_2716 = arith.constant 130 : i32
      %dma_wait3A_2717 = arith.constant 0 : i32
      %dma_wait3A_2718 = tpu.memref_slice %arg6[%dma_wait3A_2703, %dma_wait3A_2716, %dma_wait3A_2717] : memref<4x208x128xf32, #tpu.memory_space<vmem>> -> memref<1x26x128xf32, #tpu.memory_space<vmem>>
      %dma_wait3A_2719 = tpu.memref_squeeze %dma_wait3A_2718 : memref<1x26x128xf32, #tpu.memory_space<vmem>> -> memref<26x128xf32, #tpu.memory_space<vmem>>
      tpu.wait_dma2 semaphore(%arg13 : memref<!tpu.dma_semaphore, #tpu.memory_space<semaphore_mem>>) src(%dma_wait3A_2719 : memref<26x128xf32, #tpu.memory_space<vmem>>) dst(%dma_wait3A_2715 : memref<26x128xf32, #tpu.memory_space<hbm>>)
      %mul3A_2720 = arith.constant 8 : i32
      %mul3A_2721 = arith.muli %add3A_2587, %mul3A_2720 : i32
      %add3A_2722 = arith.addi %mul3A_4, %mul3A_2721 : i32
      %add3A_2723 = arith.constant 6 : i32
      %add3A_2724 = arith.addi %add3A_2722, %add3A_2723 : i32
      %dma_wait3A_2725 = arith.constant 2 : i32
      %dma_wait3A_2726 = arith.constant 156 : i32
      %dma_wait3A_2727 = arith.constant 0 : i32
      %dma_wait3A_2728 = tpu.memref_slice %arg6[%dma_wait3A_2725, %dma_wait3A_2726, %dma_wait3A_2727] : memref<4x208x128xf32, #tpu.memory_space<vmem>> -> memref<1x26x128xf32, #tpu.memory_space<vmem>>
      %dma_wait3A_2729 = tpu.memref_squeeze %dma_wait3A_2728 : memref<1x26x128xf32, #tpu.memory_space<vmem>> -> memref<26x128xf32, #tpu.memory_space<vmem>>
      %dma_wait3A_2730 = arith.constant 0 : i32
      %dma_wait3A_2731 = arith.constant 0 : i32
      %dma_wait3A_2732 = tpu.memref_slice %arg4[%add3A_2724, %dma_wait3A_2730, %dma_wait3A_2731] : memref<16384x26x128xf32, #tpu.memory_space<hbm>> -> memref<1x26x128xf32, #tpu.memory_space<hbm>>
      %dma_wait3A_2733 = tpu.memref_squeeze %dma_wait3A_2732 : memref<1x26x128xf32, #tpu.memory_space<hbm>> -> memref<26x128xf32, #tpu.memory_space<hbm>>
      %dma_wait3A_2734 = arith.constant 0 : i32
      %dma_wait3A_2735 = arith.constant 0 : i32
      %dma_wait3A_2736 = tpu.memref_slice %arg4[%add3A_2724, %dma_wait3A_2734, %dma_wait3A_2735] : memref<16384x26x128xf32, #tpu.memory_space<hbm>> -> memref<1x26x128xf32, #tpu.memory_space<hbm>>
      %dma_wait3A_2737 = tpu.memref_squeeze %dma_wait3A_2736 : memref<1x26x128xf32, #tpu.memory_space<hbm>> -> memref<26x128xf32, #tpu.memory_space<hbm>>
      %dma_wait3A_2738 = arith.constant 156 : i32
      %dma_wait3A_2739 = arith.constant 0 : i32
      %dma_wait3A_2740 = tpu.memref_slice %arg6[%dma_wait3A_2725, %dma_wait3A_2738, %dma_wait3A_2739] : memref<4x208x128xf32, #tpu.memory_space<vmem>> -> memref<1x26x128xf32, #tpu.memory_space<vmem>>
      %dma_wait3A_2741 = tpu.memref_squeeze %dma_wait3A_2740 : memref<1x26x128xf32, #tpu.memory_space<vmem>> -> memref<26x128xf32, #tpu.memory_space<vmem>>
      tpu.wait_dma2 semaphore(%arg13 : memref<!tpu.dma_semaphore, #tpu.memory_space<semaphore_mem>>) src(%dma_wait3A_2741 : memref<26x128xf32, #tpu.memory_space<vmem>>) dst(%dma_wait3A_2737 : memref<26x128xf32, #tpu.memory_space<hbm>>)
      %mul3A_2742 = arith.constant 8 : i32
      %mul3A_2743 = arith.muli %add3A_2587, %mul3A_2742 : i32
      %add3A_2744 = arith.addi %mul3A_4, %mul3A_2743 : i32
      %add3A_2745 = arith.constant 7 : i32
      %add3A_2746 = arith.addi %add3A_2744, %add3A_2745 : i32
      %dma_wait3A_2747 = arith.constant 2 : i32
      %dma_wait3A_2748 = arith.constant 182 : i32
      %dma_wait3A_2749 = arith.constant 0 : i32
      %dma_wait3A_2750 = tpu.memref_slice %arg6[%dma_wait3A_2747, %dma_wait3A_2748, %dma_wait3A_2749] : memref<4x208x128xf32, #tpu.memory_space<vmem>> -> memref<1x26x128xf32, #tpu.memory_space<vmem>>
      %dma_wait3A_2751 = tpu.memref_squeeze %dma_wait3A_2750 : memref<1x26x128xf32, #tpu.memory_space<vmem>> -> memref<26x128xf32, #tpu.memory_space<vmem>>
      %dma_wait3A_2752 = arith.constant 0 : i32
      %dma_wait3A_2753 = arith.constant 0 : i32
      %dma_wait3A_2754 = tpu.memref_slice %arg4[%add3A_2746, %dma_wait3A_2752, %dma_wait3A_2753] : memref<16384x26x128xf32, #tpu.memory_space<hbm>> -> memref<1x26x128xf32, #tpu.memory_space<hbm>>
      %dma_wait3A_2755 = tpu.memref_squeeze %dma_wait3A_2754 : memref<1x26x128xf32, #tpu.memory_space<hbm>> -> memref<26x128xf32, #tpu.memory_space<hbm>>
      %dma_wait3A_2756 = arith.constant 0 : i32
      %dma_wait3A_2757 = arith.constant 0 : i32
      %dma_wait3A_2758 = tpu.memref_slice %arg4[%add3A_2746, %dma_wait3A_2756, %dma_wait3A_2757] : memref<16384x26x128xf32, #tpu.memory_space<hbm>> -> memref<1x26x128xf32, #tpu.memory_space<hbm>>
      %dma_wait3A_2759 = tpu.memref_squeeze %dma_wait3A_2758 : memref<1x26x128xf32, #tpu.memory_space<hbm>> -> memref<26x128xf32, #tpu.memory_space<hbm>>
      %dma_wait3A_2760 = arith.constant 182 : i32
      %dma_wait3A_2761 = arith.constant 0 : i32
      %dma_wait3A_2762 = tpu.memref_slice %arg6[%dma_wait3A_2747, %dma_wait3A_2760, %dma_wait3A_2761] : memref<4x208x128xf32, #tpu.memory_space<vmem>> -> memref<1x26x128xf32, #tpu.memory_space<vmem>>
      %dma_wait3A_2763 = tpu.memref_squeeze %dma_wait3A_2762 : memref<1x26x128xf32, #tpu.memory_space<vmem>> -> memref<26x128xf32, #tpu.memory_space<vmem>>
      tpu.wait_dma2 semaphore(%arg13 : memref<!tpu.dma_semaphore, #tpu.memory_space<semaphore_mem>>) src(%dma_wait3A_2763 : memref<26x128xf32, #tpu.memory_space<vmem>>) dst(%dma_wait3A_2759 : memref<26x128xf32, #tpu.memory_space<hbm>>)
      %add3A_2764 = arith.constant 4 : i32
      %add3A_2765 = arith.addi %add3A_1435, %add3A_2764 : i32
      %add3A_2766 = arith.constant 2 : i32
      %add3A_2767 = arith.addi %add3A_2765, %add3A_2766 : i32
      %mul3A_2768 = arith.constant 208 : i32
      %mul3A_2769 = arith.muli %add3A_2767, %mul3A_2768 : i32
      %dma_start3A_2770 = arith.constant 2 : i32
      %dma_start3A_2771 = arith.constant 0 : i32
      %dma_start3A_2772 = arith.constant 0 : i32
      %dma_start3A_2773 = tpu.memref_slice %arg6[%dma_start3A_2770, %dma_start3A_2771, %dma_start3A_2772] : memref<4x208x128xf32, #tpu.memory_space<vmem>> -> memref<1x208x128xf32, #tpu.memory_space<vmem>>
      %dma_start3A_2774 = tpu.memref_squeeze %dma_start3A_2773 : memref<1x208x128xf32, #tpu.memory_space<vmem>> -> memref<208x128xf32, #tpu.memory_space<vmem>>
      %dma_start3A_2775 = tpu.memref_slice %arg5[%mul3A_2769] : memref<13312xi32, #tpu.memory_space<vmem>> -> memref<208xi32, #tpu.memory_space<vmem>>
      %dma_start3A_2776 = arith.constant 0 : i32
      %dma_start3A_2777 = arith.constant 0 : i32
      %dma_start3A_2778 = tpu.memref_slice %arg2[%dma_start3A_2776, %dma_start3A_2777] : memref<100000x128xf32, #tpu.memory_space<hbm>> -> memref<100000x128xf32, #tpu.memory_space<hbm>>
      tpu.enqueue_indirect_dma source(%dma_start3A_2778 : memref<100000x128xf32, #tpu.memory_space<hbm>>) target(%dma_start3A_2774 : memref<208x128xf32, #tpu.memory_space<vmem>>) offsets(%dma_start3A_2775 : memref<208xi32, #tpu.memory_space<vmem>>) semaphore(%arg9 : memref<!tpu.dma_semaphore, #tpu.memory_space<semaphore_mem>>)
      %add3A_2779 = arith.constant 3 : i32
      %add3A_2780 = arith.addi %add3A_1435, %add3A_2779 : i32
      %mul3A_2781 = arith.constant 8 : i32
      %mul3A_2782 = arith.muli %add3A_2780, %mul3A_2781 : i32
      %add3A_2783 = arith.addi %mul3A_4, %mul3A_2782 : i32
      %add3A_2784 = arith.constant 0 : i32
      %add3A_2785 = arith.addi %add3A_2783, %add3A_2784 : i32
      %dma_wait3A_2786 = arith.constant 3 : i32
      %dma_wait3A_2787 = arith.constant 0 : i32
      %dma_wait3A_2788 = arith.constant 0 : i32
      %dma_wait3A_2789 = tpu.memref_slice %arg6[%dma_wait3A_2786, %dma_wait3A_2787, %dma_wait3A_2788] : memref<4x208x128xf32, #tpu.memory_space<vmem>> -> memref<1x26x128xf32, #tpu.memory_space<vmem>>
      %dma_wait3A_2790 = tpu.memref_squeeze %dma_wait3A_2789 : memref<1x26x128xf32, #tpu.memory_space<vmem>> -> memref<26x128xf32, #tpu.memory_space<vmem>>
      %dma_wait3A_2791 = arith.constant 0 : i32
      %dma_wait3A_2792 = arith.constant 0 : i32
      %dma_wait3A_2793 = tpu.memref_slice %arg4[%add3A_2785, %dma_wait3A_2791, %dma_wait3A_2792] : memref<16384x26x128xf32, #tpu.memory_space<hbm>> -> memref<1x26x128xf32, #tpu.memory_space<hbm>>
      %dma_wait3A_2794 = tpu.memref_squeeze %dma_wait3A_2793 : memref<1x26x128xf32, #tpu.memory_space<hbm>> -> memref<26x128xf32, #tpu.memory_space<hbm>>
      %dma_wait3A_2795 = arith.constant 0 : i32
      %dma_wait3A_2796 = arith.constant 0 : i32
      %dma_wait3A_2797 = tpu.memref_slice %arg4[%add3A_2785, %dma_wait3A_2795, %dma_wait3A_2796] : memref<16384x26x128xf32, #tpu.memory_space<hbm>> -> memref<1x26x128xf32, #tpu.memory_space<hbm>>
      %dma_wait3A_2798 = tpu.memref_squeeze %dma_wait3A_2797 : memref<1x26x128xf32, #tpu.memory_space<hbm>> -> memref<26x128xf32, #tpu.memory_space<hbm>>
      %dma_wait3A_2799 = arith.constant 0 : i32
      %dma_wait3A_2800 = arith.constant 0 : i32
      %dma_wait3A_2801 = tpu.memref_slice %arg6[%dma_wait3A_2786, %dma_wait3A_2799, %dma_wait3A_2800] : memref<4x208x128xf32, #tpu.memory_space<vmem>> -> memref<1x26x128xf32, #tpu.memory_space<vmem>>
      %dma_wait3A_2802 = tpu.memref_squeeze %dma_wait3A_2801 : memref<1x26x128xf32, #tpu.memory_space<vmem>> -> memref<26x128xf32, #tpu.memory_space<vmem>>
      tpu.wait_dma2 semaphore(%arg14 : memref<!tpu.dma_semaphore, #tpu.memory_space<semaphore_mem>>) src(%dma_wait3A_2802 : memref<26x128xf32, #tpu.memory_space<vmem>>) dst(%dma_wait3A_2798 : memref<26x128xf32, #tpu.memory_space<hbm>>)
      %mul3A_2803 = arith.constant 8 : i32
      %mul3A_2804 = arith.muli %add3A_2780, %mul3A_2803 : i32
      %add3A_2805 = arith.addi %mul3A_4, %mul3A_2804 : i32
      %add3A_2806 = arith.constant 1 : i32
      %add3A_2807 = arith.addi %add3A_2805, %add3A_2806 : i32
      %dma_wait3A_2808 = arith.constant 3 : i32
      %dma_wait3A_2809 = arith.constant 26 : i32
      %dma_wait3A_2810 = arith.constant 0 : i32
      %dma_wait3A_2811 = tpu.memref_slice %arg6[%dma_wait3A_2808, %dma_wait3A_2809, %dma_wait3A_2810] : memref<4x208x128xf32, #tpu.memory_space<vmem>> -> memref<1x26x128xf32, #tpu.memory_space<vmem>>
      %dma_wait3A_2812 = tpu.memref_squeeze %dma_wait3A_2811 : memref<1x26x128xf32, #tpu.memory_space<vmem>> -> memref<26x128xf32, #tpu.memory_space<vmem>>
      %dma_wait3A_2813 = arith.constant 0 : i32
      %dma_wait3A_2814 = arith.constant 0 : i32
      %dma_wait3A_2815 = tpu.memref_slice %arg4[%add3A_2807, %dma_wait3A_2813, %dma_wait3A_2814] : memref<16384x26x128xf32, #tpu.memory_space<hbm>> -> memref<1x26x128xf32, #tpu.memory_space<hbm>>
      %dma_wait3A_2816 = tpu.memref_squeeze %dma_wait3A_2815 : memref<1x26x128xf32, #tpu.memory_space<hbm>> -> memref<26x128xf32, #tpu.memory_space<hbm>>
      %dma_wait3A_2817 = arith.constant 0 : i32
      %dma_wait3A_2818 = arith.constant 0 : i32
      %dma_wait3A_2819 = tpu.memref_slice %arg4[%add3A_2807, %dma_wait3A_2817, %dma_wait3A_2818] : memref<16384x26x128xf32, #tpu.memory_space<hbm>> -> memref<1x26x128xf32, #tpu.memory_space<hbm>>
      %dma_wait3A_2820 = tpu.memref_squeeze %dma_wait3A_2819 : memref<1x26x128xf32, #tpu.memory_space<hbm>> -> memref<26x128xf32, #tpu.memory_space<hbm>>
      %dma_wait3A_2821 = arith.constant 26 : i32
      %dma_wait3A_2822 = arith.constant 0 : i32
      %dma_wait3A_2823 = tpu.memref_slice %arg6[%dma_wait3A_2808, %dma_wait3A_2821, %dma_wait3A_2822] : memref<4x208x128xf32, #tpu.memory_space<vmem>> -> memref<1x26x128xf32, #tpu.memory_space<vmem>>
      %dma_wait3A_2824 = tpu.memref_squeeze %dma_wait3A_2823 : memref<1x26x128xf32, #tpu.memory_space<vmem>> -> memref<26x128xf32, #tpu.memory_space<vmem>>
      tpu.wait_dma2 semaphore(%arg14 : memref<!tpu.dma_semaphore, #tpu.memory_space<semaphore_mem>>) src(%dma_wait3A_2824 : memref<26x128xf32, #tpu.memory_space<vmem>>) dst(%dma_wait3A_2820 : memref<26x128xf32, #tpu.memory_space<hbm>>)
      %mul3A_2825 = arith.constant 8 : i32
      %mul3A_2826 = arith.muli %add3A_2780, %mul3A_2825 : i32
      %add3A_2827 = arith.addi %mul3A_4, %mul3A_2826 : i32
      %add3A_2828 = arith.constant 2 : i32
      %add3A_2829 = arith.addi %add3A_2827, %add3A_2828 : i32
      %dma_wait3A_2830 = arith.constant 3 : i32
      %dma_wait3A_2831 = arith.constant 52 : i32
      %dma_wait3A_2832 = arith.constant 0 : i32
      %dma_wait3A_2833 = tpu.memref_slice %arg6[%dma_wait3A_2830, %dma_wait3A_2831, %dma_wait3A_2832] : memref<4x208x128xf32, #tpu.memory_space<vmem>> -> memref<1x26x128xf32, #tpu.memory_space<vmem>>
      %dma_wait3A_2834 = tpu.memref_squeeze %dma_wait3A_2833 : memref<1x26x128xf32, #tpu.memory_space<vmem>> -> memref<26x128xf32, #tpu.memory_space<vmem>>
      %dma_wait3A_2835 = arith.constant 0 : i32
      %dma_wait3A_2836 = arith.constant 0 : i32
      %dma_wait3A_2837 = tpu.memref_slice %arg4[%add3A_2829, %dma_wait3A_2835, %dma_wait3A_2836] : memref<16384x26x128xf32, #tpu.memory_space<hbm>> -> memref<1x26x128xf32, #tpu.memory_space<hbm>>
      %dma_wait3A_2838 = tpu.memref_squeeze %dma_wait3A_2837 : memref<1x26x128xf32, #tpu.memory_space<hbm>> -> memref<26x128xf32, #tpu.memory_space<hbm>>
      %dma_wait3A_2839 = arith.constant 0 : i32
      %dma_wait3A_2840 = arith.constant 0 : i32
      %dma_wait3A_2841 = tpu.memref_slice %arg4[%add3A_2829, %dma_wait3A_2839, %dma_wait3A_2840] : memref<16384x26x128xf32, #tpu.memory_space<hbm>> -> memref<1x26x128xf32, #tpu.memory_space<hbm>>
      %dma_wait3A_2842 = tpu.memref_squeeze %dma_wait3A_2841 : memref<1x26x128xf32, #tpu.memory_space<hbm>> -> memref<26x128xf32, #tpu.memory_space<hbm>>
      %dma_wait3A_2843 = arith.constant 52 : i32
      %dma_wait3A_2844 = arith.constant 0 : i32
      %dma_wait3A_2845 = tpu.memref_slice %arg6[%dma_wait3A_2830, %dma_wait3A_2843, %dma_wait3A_2844] : memref<4x208x128xf32, #tpu.memory_space<vmem>> -> memref<1x26x128xf32, #tpu.memory_space<vmem>>
      %dma_wait3A_2846 = tpu.memref_squeeze %dma_wait3A_2845 : memref<1x26x128xf32, #tpu.memory_space<vmem>> -> memref<26x128xf32, #tpu.memory_space<vmem>>
      tpu.wait_dma2 semaphore(%arg14 : memref<!tpu.dma_semaphore, #tpu.memory_space<semaphore_mem>>) src(%dma_wait3A_2846 : memref<26x128xf32, #tpu.memory_space<vmem>>) dst(%dma_wait3A_2842 : memref<26x128xf32, #tpu.memory_space<hbm>>)
      %mul3A_2847 = arith.constant 8 : i32
      %mul3A_2848 = arith.muli %add3A_2780, %mul3A_2847 : i32
      %add3A_2849 = arith.addi %mul3A_4, %mul3A_2848 : i32
      %add3A_2850 = arith.constant 3 : i32
      %add3A_2851 = arith.addi %add3A_2849, %add3A_2850 : i32
      %dma_wait3A_2852 = arith.constant 3 : i32
      %dma_wait3A_2853 = arith.constant 78 : i32
      %dma_wait3A_2854 = arith.constant 0 : i32
      %dma_wait3A_2855 = tpu.memref_slice %arg6[%dma_wait3A_2852, %dma_wait3A_2853, %dma_wait3A_2854] : memref<4x208x128xf32, #tpu.memory_space<vmem>> -> memref<1x26x128xf32, #tpu.memory_space<vmem>>
      %dma_wait3A_2856 = tpu.memref_squeeze %dma_wait3A_2855 : memref<1x26x128xf32, #tpu.memory_space<vmem>> -> memref<26x128xf32, #tpu.memory_space<vmem>>
      %dma_wait3A_2857 = arith.constant 0 : i32
      %dma_wait3A_2858 = arith.constant 0 : i32
      %dma_wait3A_2859 = tpu.memref_slice %arg4[%add3A_2851, %dma_wait3A_2857, %dma_wait3A_2858] : memref<16384x26x128xf32, #tpu.memory_space<hbm>> -> memref<1x26x128xf32, #tpu.memory_space<hbm>>
      %dma_wait3A_2860 = tpu.memref_squeeze %dma_wait3A_2859 : memref<1x26x128xf32, #tpu.memory_space<hbm>> -> memref<26x128xf32, #tpu.memory_space<hbm>>
      %dma_wait3A_2861 = arith.constant 0 : i32
      %dma_wait3A_2862 = arith.constant 0 : i32
      %dma_wait3A_2863 = tpu.memref_slice %arg4[%add3A_2851, %dma_wait3A_2861, %dma_wait3A_2862] : memref<16384x26x128xf32, #tpu.memory_space<hbm>> -> memref<1x26x128xf32, #tpu.memory_space<hbm>>
      %dma_wait3A_2864 = tpu.memref_squeeze %dma_wait3A_2863 : memref<1x26x128xf32, #tpu.memory_space<hbm>> -> memref<26x128xf32, #tpu.memory_space<hbm>>
      %dma_wait3A_2865 = arith.constant 78 : i32
      %dma_wait3A_2866 = arith.constant 0 : i32
      %dma_wait3A_2867 = tpu.memref_slice %arg6[%dma_wait3A_2852, %dma_wait3A_2865, %dma_wait3A_2866] : memref<4x208x128xf32, #tpu.memory_space<vmem>> -> memref<1x26x128xf32, #tpu.memory_space<vmem>>
      %dma_wait3A_2868 = tpu.memref_squeeze %dma_wait3A_2867 : memref<1x26x128xf32, #tpu.memory_space<vmem>> -> memref<26x128xf32, #tpu.memory_space<vmem>>
      tpu.wait_dma2 semaphore(%arg14 : memref<!tpu.dma_semaphore, #tpu.memory_space<semaphore_mem>>) src(%dma_wait3A_2868 : memref<26x128xf32, #tpu.memory_space<vmem>>) dst(%dma_wait3A_2864 : memref<26x128xf32, #tpu.memory_space<hbm>>)
      %mul3A_2869 = arith.constant 8 : i32
      %mul3A_2870 = arith.muli %add3A_2780, %mul3A_2869 : i32
      %add3A_2871 = arith.addi %mul3A_4, %mul3A_2870 : i32
      %add3A_2872 = arith.constant 4 : i32
      %add3A_2873 = arith.addi %add3A_2871, %add3A_2872 : i32
      %dma_wait3A_2874 = arith.constant 3 : i32
      %dma_wait3A_2875 = arith.constant 104 : i32
      %dma_wait3A_2876 = arith.constant 0 : i32
      %dma_wait3A_2877 = tpu.memref_slice %arg6[%dma_wait3A_2874, %dma_wait3A_2875, %dma_wait3A_2876] : memref<4x208x128xf32, #tpu.memory_space<vmem>> -> memref<1x26x128xf32, #tpu.memory_space<vmem>>
      %dma_wait3A_2878 = tpu.memref_squeeze %dma_wait3A_2877 : memref<1x26x128xf32, #tpu.memory_space<vmem>> -> memref<26x128xf32, #tpu.memory_space<vmem>>
      %dma_wait3A_2879 = arith.constant 0 : i32
      %dma_wait3A_2880 = arith.constant 0 : i32
      %dma_wait3A_2881 = tpu.memref_slice %arg4[%add3A_2873, %dma_wait3A_2879, %dma_wait3A_2880] : memref<16384x26x128xf32, #tpu.memory_space<hbm>> -> memref<1x26x128xf32, #tpu.memory_space<hbm>>
      %dma_wait3A_2882 = tpu.memref_squeeze %dma_wait3A_2881 : memref<1x26x128xf32, #tpu.memory_space<hbm>> -> memref<26x128xf32, #tpu.memory_space<hbm>>
      %dma_wait3A_2883 = arith.constant 0 : i32
      %dma_wait3A_2884 = arith.constant 0 : i32
      %dma_wait3A_2885 = tpu.memref_slice %arg4[%add3A_2873, %dma_wait3A_2883, %dma_wait3A_2884] : memref<16384x26x128xf32, #tpu.memory_space<hbm>> -> memref<1x26x128xf32, #tpu.memory_space<hbm>>
      %dma_wait3A_2886 = tpu.memref_squeeze %dma_wait3A_2885 : memref<1x26x128xf32, #tpu.memory_space<hbm>> -> memref<26x128xf32, #tpu.memory_space<hbm>>
      %dma_wait3A_2887 = arith.constant 104 : i32
      %dma_wait3A_2888 = arith.constant 0 : i32
      %dma_wait3A_2889 = tpu.memref_slice %arg6[%dma_wait3A_2874, %dma_wait3A_2887, %dma_wait3A_2888] : memref<4x208x128xf32, #tpu.memory_space<vmem>> -> memref<1x26x128xf32, #tpu.memory_space<vmem>>
      %dma_wait3A_2890 = tpu.memref_squeeze %dma_wait3A_2889 : memref<1x26x128xf32, #tpu.memory_space<vmem>> -> memref<26x128xf32, #tpu.memory_space<vmem>>
      tpu.wait_dma2 semaphore(%arg14 : memref<!tpu.dma_semaphore, #tpu.memory_space<semaphore_mem>>) src(%dma_wait3A_2890 : memref<26x128xf32, #tpu.memory_space<vmem>>) dst(%dma_wait3A_2886 : memref<26x128xf32, #tpu.memory_space<hbm>>)
      %mul3A_2891 = arith.constant 8 : i32
      %mul3A_2892 = arith.muli %add3A_2780, %mul3A_2891 : i32
      %add3A_2893 = arith.addi %mul3A_4, %mul3A_2892 : i32
      %add3A_2894 = arith.constant 5 : i32
      %add3A_2895 = arith.addi %add3A_2893, %add3A_2894 : i32
      %dma_wait3A_2896 = arith.constant 3 : i32
      %dma_wait3A_2897 = arith.constant 130 : i32
      %dma_wait3A_2898 = arith.constant 0 : i32
      %dma_wait3A_2899 = tpu.memref_slice %arg6[%dma_wait3A_2896, %dma_wait3A_2897, %dma_wait3A_2898] : memref<4x208x128xf32, #tpu.memory_space<vmem>> -> memref<1x26x128xf32, #tpu.memory_space<vmem>>
      %dma_wait3A_2900 = tpu.memref_squeeze %dma_wait3A_2899 : memref<1x26x128xf32, #tpu.memory_space<vmem>> -> memref<26x128xf32, #tpu.memory_space<vmem>>
      %dma_wait3A_2901 = arith.constant 0 : i32
      %dma_wait3A_2902 = arith.constant 0 : i32
      %dma_wait3A_2903 = tpu.memref_slice %arg4[%add3A_2895, %dma_wait3A_2901, %dma_wait3A_2902] : memref<16384x26x128xf32, #tpu.memory_space<hbm>> -> memref<1x26x128xf32, #tpu.memory_space<hbm>>
      %dma_wait3A_2904 = tpu.memref_squeeze %dma_wait3A_2903 : memref<1x26x128xf32, #tpu.memory_space<hbm>> -> memref<26x128xf32, #tpu.memory_space<hbm>>
      %dma_wait3A_2905 = arith.constant 0 : i32
      %dma_wait3A_2906 = arith.constant 0 : i32
      %dma_wait3A_2907 = tpu.memref_slice %arg4[%add3A_2895, %dma_wait3A_2905, %dma_wait3A_2906] : memref<16384x26x128xf32, #tpu.memory_space<hbm>> -> memref<1x26x128xf32, #tpu.memory_space<hbm>>
      %dma_wait3A_2908 = tpu.memref_squeeze %dma_wait3A_2907 : memref<1x26x128xf32, #tpu.memory_space<hbm>> -> memref<26x128xf32, #tpu.memory_space<hbm>>
      %dma_wait3A_2909 = arith.constant 130 : i32
      %dma_wait3A_2910 = arith.constant 0 : i32
      %dma_wait3A_2911 = tpu.memref_slice %arg6[%dma_wait3A_2896, %dma_wait3A_2909, %dma_wait3A_2910] : memref<4x208x128xf32, #tpu.memory_space<vmem>> -> memref<1x26x128xf32, #tpu.memory_space<vmem>>
      %dma_wait3A_2912 = tpu.memref_squeeze %dma_wait3A_2911 : memref<1x26x128xf32, #tpu.memory_space<vmem>> -> memref<26x128xf32, #tpu.memory_space<vmem>>
      tpu.wait_dma2 semaphore(%arg14 : memref<!tpu.dma_semaphore, #tpu.memory_space<semaphore_mem>>) src(%dma_wait3A_2912 : memref<26x128xf32, #tpu.memory_space<vmem>>) dst(%dma_wait3A_2908 : memref<26x128xf32, #tpu.memory_space<hbm>>)
      %mul3A_2913 = arith.constant 8 : i32
      %mul3A_2914 = arith.muli %add3A_2780, %mul3A_2913 : i32
      %add3A_2915 = arith.addi %mul3A_4, %mul3A_2914 : i32
      %add3A_2916 = arith.constant 6 : i32
      %add3A_2917 = arith.addi %add3A_2915, %add3A_2916 : i32
      %dma_wait3A_2918 = arith.constant 3 : i32
      %dma_wait3A_2919 = arith.constant 156 : i32
      %dma_wait3A_2920 = arith.constant 0 : i32
      %dma_wait3A_2921 = tpu.memref_slice %arg6[%dma_wait3A_2918, %dma_wait3A_2919, %dma_wait3A_2920] : memref<4x208x128xf32, #tpu.memory_space<vmem>> -> memref<1x26x128xf32, #tpu.memory_space<vmem>>
      %dma_wait3A_2922 = tpu.memref_squeeze %dma_wait3A_2921 : memref<1x26x128xf32, #tpu.memory_space<vmem>> -> memref<26x128xf32, #tpu.memory_space<vmem>>
      %dma_wait3A_2923 = arith.constant 0 : i32
      %dma_wait3A_2924 = arith.constant 0 : i32
      %dma_wait3A_2925 = tpu.memref_slice %arg4[%add3A_2917, %dma_wait3A_2923, %dma_wait3A_2924] : memref<16384x26x128xf32, #tpu.memory_space<hbm>> -> memref<1x26x128xf32, #tpu.memory_space<hbm>>
      %dma_wait3A_2926 = tpu.memref_squeeze %dma_wait3A_2925 : memref<1x26x128xf32, #tpu.memory_space<hbm>> -> memref<26x128xf32, #tpu.memory_space<hbm>>
      %dma_wait3A_2927 = arith.constant 0 : i32
      %dma_wait3A_2928 = arith.constant 0 : i32
      %dma_wait3A_2929 = tpu.memref_slice %arg4[%add3A_2917, %dma_wait3A_2927, %dma_wait3A_2928] : memref<16384x26x128xf32, #tpu.memory_space<hbm>> -> memref<1x26x128xf32, #tpu.memory_space<hbm>>
      %dma_wait3A_2930 = tpu.memref_squeeze %dma_wait3A_2929 : memref<1x26x128xf32, #tpu.memory_space<hbm>> -> memref<26x128xf32, #tpu.memory_space<hbm>>
      %dma_wait3A_2931 = arith.constant 156 : i32
      %dma_wait3A_2932 = arith.constant 0 : i32
      %dma_wait3A_2933 = tpu.memref_slice %arg6[%dma_wait3A_2918, %dma_wait3A_2931, %dma_wait3A_2932] : memref<4x208x128xf32, #tpu.memory_space<vmem>> -> memref<1x26x128xf32, #tpu.memory_space<vmem>>
      %dma_wait3A_2934 = tpu.memref_squeeze %dma_wait3A_2933 : memref<1x26x128xf32, #tpu.memory_space<vmem>> -> memref<26x128xf32, #tpu.memory_space<vmem>>
      tpu.wait_dma2 semaphore(%arg14 : memref<!tpu.dma_semaphore, #tpu.memory_space<semaphore_mem>>) src(%dma_wait3A_2934 : memref<26x128xf32, #tpu.memory_space<vmem>>) dst(%dma_wait3A_2930 : memref<26x128xf32, #tpu.memory_space<hbm>>)
      %mul3A_2935 = arith.constant 8 : i32
      %mul3A_2936 = arith.muli %add3A_2780, %mul3A_2935 : i32
      %add3A_2937 = arith.addi %mul3A_4, %mul3A_2936 : i32
      %add3A_2938 = arith.constant 7 : i32
      %add3A_2939 = arith.addi %add3A_2937, %add3A_2938 : i32
      %dma_wait3A_2940 = arith.constant 3 : i32
      %dma_wait3A_2941 = arith.constant 182 : i32
      %dma_wait3A_2942 = arith.constant 0 : i32
      %dma_wait3A_2943 = tpu.memref_slice %arg6[%dma_wait3A_2940, %dma_wait3A_2941, %dma_wait3A_2942] : memref<4x208x128xf32, #tpu.memory_space<vmem>> -> memref<1x26x128xf32, #tpu.memory_space<vmem>>
      %dma_wait3A_2944 = tpu.memref_squeeze %dma_wait3A_2943 : memref<1x26x128xf32, #tpu.memory_space<vmem>> -> memref<26x128xf32, #tpu.memory_space<vmem>>
      %dma_wait3A_2945 = arith.constant 0 : i32
      %dma_wait3A_2946 = arith.constant 0 : i32
      %dma_wait3A_2947 = tpu.memref_slice %arg4[%add3A_2939, %dma_wait3A_2945, %dma_wait3A_2946] : memref<16384x26x128xf32, #tpu.memory_space<hbm>> -> memref<1x26x128xf32, #tpu.memory_space<hbm>>
      %dma_wait3A_2948 = tpu.memref_squeeze %dma_wait3A_2947 : memref<1x26x128xf32, #tpu.memory_space<hbm>> -> memref<26x128xf32, #tpu.memory_space<hbm>>
      %dma_wait3A_2949 = arith.constant 0 : i32
      %dma_wait3A_2950 = arith.constant 0 : i32
      %dma_wait3A_2951 = tpu.memref_slice %arg4[%add3A_2939, %dma_wait3A_2949, %dma_wait3A_2950] : memref<16384x26x128xf32, #tpu.memory_space<hbm>> -> memref<1x26x128xf32, #tpu.memory_space<hbm>>
      %dma_wait3A_2952 = tpu.memref_squeeze %dma_wait3A_2951 : memref<1x26x128xf32, #tpu.memory_space<hbm>> -> memref<26x128xf32, #tpu.memory_space<hbm>>
      %dma_wait3A_2953 = arith.constant 182 : i32
      %dma_wait3A_2954 = arith.constant 0 : i32
      %dma_wait3A_2955 = tpu.memref_slice %arg6[%dma_wait3A_2940, %dma_wait3A_2953, %dma_wait3A_2954] : memref<4x208x128xf32, #tpu.memory_space<vmem>> -> memref<1x26x128xf32, #tpu.memory_space<vmem>>
      %dma_wait3A_2956 = tpu.memref_squeeze %dma_wait3A_2955 : memref<1x26x128xf32, #tpu.memory_space<vmem>> -> memref<26x128xf32, #tpu.memory_space<vmem>>
      tpu.wait_dma2 semaphore(%arg14 : memref<!tpu.dma_semaphore, #tpu.memory_space<semaphore_mem>>) src(%dma_wait3A_2956 : memref<26x128xf32, #tpu.memory_space<vmem>>) dst(%dma_wait3A_2952 : memref<26x128xf32, #tpu.memory_space<hbm>>)
      %add3A_2957 = arith.constant 4 : i32
      %add3A_2958 = arith.addi %add3A_1435, %add3A_2957 : i32
      %add3A_2959 = arith.constant 3 : i32
      %add3A_2960 = arith.addi %add3A_2958, %add3A_2959 : i32
      %mul3A_2961 = arith.constant 208 : i32
      %mul3A_2962 = arith.muli %add3A_2960, %mul3A_2961 : i32
      %dma_start3A_2963 = arith.constant 3 : i32
      %dma_start3A_2964 = arith.constant 0 : i32
      %dma_start3A_2965 = arith.constant 0 : i32
      %dma_start3A_2966 = tpu.memref_slice %arg6[%dma_start3A_2963, %dma_start3A_2964, %dma_start3A_2965] : memref<4x208x128xf32, #tpu.memory_space<vmem>> -> memref<1x208x128xf32, #tpu.memory_space<vmem>>
      %dma_start3A_2967 = tpu.memref_squeeze %dma_start3A_2966 : memref<1x208x128xf32, #tpu.memory_space<vmem>> -> memref<208x128xf32, #tpu.memory_space<vmem>>
      %dma_start3A_2968 = tpu.memref_slice %arg5[%mul3A_2962] : memref<13312xi32, #tpu.memory_space<vmem>> -> memref<208xi32, #tpu.memory_space<vmem>>
      %dma_start3A_2969 = arith.constant 0 : i32
      %dma_start3A_2970 = arith.constant 0 : i32
      %dma_start3A_2971 = tpu.memref_slice %arg2[%dma_start3A_2969, %dma_start3A_2970] : memref<100000x128xf32, #tpu.memory_space<hbm>> -> memref<100000x128xf32, #tpu.memory_space<hbm>>
      tpu.enqueue_indirect_dma source(%dma_start3A_2971 : memref<100000x128xf32, #tpu.memory_space<hbm>>) target(%dma_start3A_2967 : memref<208x128xf32, #tpu.memory_space<vmem>>) offsets(%dma_start3A_2968 : memref<208xi32, #tpu.memory_space<vmem>>) semaphore(%arg10 : memref<!tpu.dma_semaphore, #tpu.memory_space<semaphore_mem>>)
    }
    %scan3A_47 = arith.constant 15 : i32
    %dma_wait3A = arith.constant 0 : i32
    %dma_wait3A_48 = arith.constant 0 : i32
    %dma_wait3A_49 = arith.constant 0 : i32
    %dma_wait3A_50 = tpu.memref_slice %arg6[%dma_wait3A, %dma_wait3A_48, %dma_wait3A_49] : memref<4x208x128xf32, #tpu.memory_space<vmem>> -> memref<1x208x128xf32, #tpu.memory_space<vmem>>
    %dma_wait3A_51 = tpu.memref_squeeze %dma_wait3A_50 : memref<1x208x128xf32, #tpu.memory_space<vmem>> -> memref<208x128xf32, #tpu.memory_space<vmem>>
    %dma_wait3A_52 = arith.constant 12480 : i32
    %dma_wait3A_53 = tpu.memref_slice %arg5[%dma_wait3A_52] : memref<13312xi32, #tpu.memory_space<vmem>> -> memref<208xi32, #tpu.memory_space<vmem>>
    %dma_wait3A_54 = arith.constant 0 : i32
    %dma_wait3A_55 = arith.constant 0 : i32
    %dma_wait3A_56 = tpu.memref_slice %arg2[%dma_wait3A_54, %dma_wait3A_55] : memref<100000x128xf32, #tpu.memory_space<hbm>> -> memref<100000x128xf32, #tpu.memory_space<hbm>>
    tpu.wait_indirect_dma semaphore(%arg7 : memref<!tpu.dma_semaphore, #tpu.memory_space<semaphore_mem>>) src(%dma_wait3A_56 : memref<100000x128xf32, #tpu.memory_space<hbm>>) dst(%dma_wait3A_51 : memref<208x128xf32, #tpu.memory_space<vmem>>)
    %add3A_57 = arith.constant 480 : i32
    %add3A_58 = arith.addi %mul3A_4, %add3A_57 : i32
    %add3A_59 = arith.constant 0 : i32
    %add3A_60 = arith.addi %add3A_58, %add3A_59 : i32
    %dma_start3A_61 = arith.constant 0 : i32
    %dma_start3A_62 = arith.constant 0 : i32
    %dma_start3A_63 = arith.constant 0 : i32
    %dma_start3A_64 = tpu.memref_slice %arg6[%dma_start3A_61, %dma_start3A_62, %dma_start3A_63] : memref<4x208x128xf32, #tpu.memory_space<vmem>> -> memref<1x26x128xf32, #tpu.memory_space<vmem>>
    %dma_start3A_65 = tpu.memref_squeeze %dma_start3A_64 : memref<1x26x128xf32, #tpu.memory_space<vmem>> -> memref<26x128xf32, #tpu.memory_space<vmem>>
    %dma_start3A_66 = arith.constant 0 : i32
    %dma_start3A_67 = arith.constant 0 : i32
    %dma_start3A_68 = tpu.memref_slice %arg4[%add3A_60, %dma_start3A_66, %dma_start3A_67] : memref<16384x26x128xf32, #tpu.memory_space<hbm>> -> memref<1x26x128xf32, #tpu.memory_space<hbm>>
    %dma_start3A_69 = tpu.memref_squeeze %dma_start3A_68 : memref<1x26x128xf32, #tpu.memory_space<hbm>> -> memref<26x128xf32, #tpu.memory_space<hbm>>
    %dma_start3A_70 = arith.constant 0 : i32
    %dma_start3A_71 = arith.constant 0 : i32
    %dma_start3A_72 = tpu.memref_slice %arg4[%add3A_60, %dma_start3A_70, %dma_start3A_71] : memref<16384x26x128xf32, #tpu.memory_space<hbm>> -> memref<1x26x128xf32, #tpu.memory_space<hbm>>
    %dma_start3A_73 = tpu.memref_squeeze %dma_start3A_72 : memref<1x26x128xf32, #tpu.memory_space<hbm>> -> memref<26x128xf32, #tpu.memory_space<hbm>>
    %dma_start3A_74 = arith.constant 0 : i32
    %dma_start3A_75 = arith.constant 0 : i32
    %dma_start3A_76 = tpu.memref_slice %arg6[%dma_start3A_61, %dma_start3A_74, %dma_start3A_75] : memref<4x208x128xf32, #tpu.memory_space<vmem>> -> memref<1x26x128xf32, #tpu.memory_space<vmem>>
    %dma_start3A_77 = tpu.memref_squeeze %dma_start3A_76 : memref<1x26x128xf32, #tpu.memory_space<vmem>> -> memref<26x128xf32, #tpu.memory_space<vmem>>
    tpu.enqueue_dma source(%dma_start3A_77 : memref<26x128xf32, #tpu.memory_space<vmem>>) target(%dma_start3A_73 : memref<26x128xf32, #tpu.memory_space<hbm>>) target_semaphore(%arg11 : memref<!tpu.dma_semaphore, #tpu.memory_space<semaphore_mem>>)
    %add3A_78 = arith.constant 480 : i32
    %add3A_79 = arith.addi %mul3A_4, %add3A_78 : i32
    %add3A_80 = arith.constant 1 : i32
    %add3A_81 = arith.addi %add3A_79, %add3A_80 : i32
    %dma_start3A_82 = arith.constant 0 : i32
    %dma_start3A_83 = arith.constant 26 : i32
    %dma_start3A_84 = arith.constant 0 : i32
    %dma_start3A_85 = tpu.memref_slice %arg6[%dma_start3A_82, %dma_start3A_83, %dma_start3A_84] : memref<4x208x128xf32, #tpu.memory_space<vmem>> -> memref<1x26x128xf32, #tpu.memory_space<vmem>>
    %dma_start3A_86 = tpu.memref_squeeze %dma_start3A_85 : memref<1x26x128xf32, #tpu.memory_space<vmem>> -> memref<26x128xf32, #tpu.memory_space<vmem>>
    %dma_start3A_87 = arith.constant 0 : i32
    %dma_start3A_88 = arith.constant 0 : i32
    %dma_start3A_89 = tpu.memref_slice %arg4[%add3A_81, %dma_start3A_87, %dma_start3A_88] : memref<16384x26x128xf32, #tpu.memory_space<hbm>> -> memref<1x26x128xf32, #tpu.memory_space<hbm>>
    %dma_start3A_90 = tpu.memref_squeeze %dma_start3A_89 : memref<1x26x128xf32, #tpu.memory_space<hbm>> -> memref<26x128xf32, #tpu.memory_space<hbm>>
    %dma_start3A_91 = arith.constant 0 : i32
    %dma_start3A_92 = arith.constant 0 : i32
    %dma_start3A_93 = tpu.memref_slice %arg4[%add3A_81, %dma_start3A_91, %dma_start3A_92] : memref<16384x26x128xf32, #tpu.memory_space<hbm>> -> memref<1x26x128xf32, #tpu.memory_space<hbm>>
    %dma_start3A_94 = tpu.memref_squeeze %dma_start3A_93 : memref<1x26x128xf32, #tpu.memory_space<hbm>> -> memref<26x128xf32, #tpu.memory_space<hbm>>
    %dma_start3A_95 = arith.constant 26 : i32
    %dma_start3A_96 = arith.constant 0 : i32
    %dma_start3A_97 = tpu.memref_slice %arg6[%dma_start3A_82, %dma_start3A_95, %dma_start3A_96] : memref<4x208x128xf32, #tpu.memory_space<vmem>> -> memref<1x26x128xf32, #tpu.memory_space<vmem>>
    %dma_start3A_98 = tpu.memref_squeeze %dma_start3A_97 : memref<1x26x128xf32, #tpu.memory_space<vmem>> -> memref<26x128xf32, #tpu.memory_space<vmem>>
    tpu.enqueue_dma source(%dma_start3A_98 : memref<26x128xf32, #tpu.memory_space<vmem>>) target(%dma_start3A_94 : memref<26x128xf32, #tpu.memory_space<hbm>>) target_semaphore(%arg11 : memref<!tpu.dma_semaphore, #tpu.memory_space<semaphore_mem>>)
    %add3A_99 = arith.constant 480 : i32
    %add3A_100 = arith.addi %mul3A_4, %add3A_99 : i32
    %add3A_101 = arith.constant 2 : i32
    %add3A_102 = arith.addi %add3A_100, %add3A_101 : i32
    %dma_start3A_103 = arith.constant 0 : i32
    %dma_start3A_104 = arith.constant 52 : i32
    %dma_start3A_105 = arith.constant 0 : i32
    %dma_start3A_106 = tpu.memref_slice %arg6[%dma_start3A_103, %dma_start3A_104, %dma_start3A_105] : memref<4x208x128xf32, #tpu.memory_space<vmem>> -> memref<1x26x128xf32, #tpu.memory_space<vmem>>
    %dma_start3A_107 = tpu.memref_squeeze %dma_start3A_106 : memref<1x26x128xf32, #tpu.memory_space<vmem>> -> memref<26x128xf32, #tpu.memory_space<vmem>>
    %dma_start3A_108 = arith.constant 0 : i32
    %dma_start3A_109 = arith.constant 0 : i32
    %dma_start3A_110 = tpu.memref_slice %arg4[%add3A_102, %dma_start3A_108, %dma_start3A_109] : memref<16384x26x128xf32, #tpu.memory_space<hbm>> -> memref<1x26x128xf32, #tpu.memory_space<hbm>>
    %dma_start3A_111 = tpu.memref_squeeze %dma_start3A_110 : memref<1x26x128xf32, #tpu.memory_space<hbm>> -> memref<26x128xf32, #tpu.memory_space<hbm>>
    %dma_start3A_112 = arith.constant 0 : i32
    %dma_start3A_113 = arith.constant 0 : i32
    %dma_start3A_114 = tpu.memref_slice %arg4[%add3A_102, %dma_start3A_112, %dma_start3A_113] : memref<16384x26x128xf32, #tpu.memory_space<hbm>> -> memref<1x26x128xf32, #tpu.memory_space<hbm>>
    %dma_start3A_115 = tpu.memref_squeeze %dma_start3A_114 : memref<1x26x128xf32, #tpu.memory_space<hbm>> -> memref<26x128xf32, #tpu.memory_space<hbm>>
    %dma_start3A_116 = arith.constant 52 : i32
    %dma_start3A_117 = arith.constant 0 : i32
    %dma_start3A_118 = tpu.memref_slice %arg6[%dma_start3A_103, %dma_start3A_116, %dma_start3A_117] : memref<4x208x128xf32, #tpu.memory_space<vmem>> -> memref<1x26x128xf32, #tpu.memory_space<vmem>>
    %dma_start3A_119 = tpu.memref_squeeze %dma_start3A_118 : memref<1x26x128xf32, #tpu.memory_space<vmem>> -> memref<26x128xf32, #tpu.memory_space<vmem>>
    tpu.enqueue_dma source(%dma_start3A_119 : memref<26x128xf32, #tpu.memory_space<vmem>>) target(%dma_start3A_115 : memref<26x128xf32, #tpu.memory_space<hbm>>) target_semaphore(%arg11 : memref<!tpu.dma_semaphore, #tpu.memory_space<semaphore_mem>>)
    %add3A_120 = arith.constant 480 : i32
    %add3A_121 = arith.addi %mul3A_4, %add3A_120 : i32
    %add3A_122 = arith.constant 3 : i32
    %add3A_123 = arith.addi %add3A_121, %add3A_122 : i32
    %dma_start3A_124 = arith.constant 0 : i32
    %dma_start3A_125 = arith.constant 78 : i32
    %dma_start3A_126 = arith.constant 0 : i32
    %dma_start3A_127 = tpu.memref_slice %arg6[%dma_start3A_124, %dma_start3A_125, %dma_start3A_126] : memref<4x208x128xf32, #tpu.memory_space<vmem>> -> memref<1x26x128xf32, #tpu.memory_space<vmem>>
    %dma_start3A_128 = tpu.memref_squeeze %dma_start3A_127 : memref<1x26x128xf32, #tpu.memory_space<vmem>> -> memref<26x128xf32, #tpu.memory_space<vmem>>
    %dma_start3A_129 = arith.constant 0 : i32
    %dma_start3A_130 = arith.constant 0 : i32
    %dma_start3A_131 = tpu.memref_slice %arg4[%add3A_123, %dma_start3A_129, %dma_start3A_130] : memref<16384x26x128xf32, #tpu.memory_space<hbm>> -> memref<1x26x128xf32, #tpu.memory_space<hbm>>
    %dma_start3A_132 = tpu.memref_squeeze %dma_start3A_131 : memref<1x26x128xf32, #tpu.memory_space<hbm>> -> memref<26x128xf32, #tpu.memory_space<hbm>>
    %dma_start3A_133 = arith.constant 0 : i32
    %dma_start3A_134 = arith.constant 0 : i32
    %dma_start3A_135 = tpu.memref_slice %arg4[%add3A_123, %dma_start3A_133, %dma_start3A_134] : memref<16384x26x128xf32, #tpu.memory_space<hbm>> -> memref<1x26x128xf32, #tpu.memory_space<hbm>>
    %dma_start3A_136 = tpu.memref_squeeze %dma_start3A_135 : memref<1x26x128xf32, #tpu.memory_space<hbm>> -> memref<26x128xf32, #tpu.memory_space<hbm>>
    %dma_start3A_137 = arith.constant 78 : i32
    %dma_start3A_138 = arith.constant 0 : i32
    %dma_start3A_139 = tpu.memref_slice %arg6[%dma_start3A_124, %dma_start3A_137, %dma_start3A_138] : memref<4x208x128xf32, #tpu.memory_space<vmem>> -> memref<1x26x128xf32, #tpu.memory_space<vmem>>
    %dma_start3A_140 = tpu.memref_squeeze %dma_start3A_139 : memref<1x26x128xf32, #tpu.memory_space<vmem>> -> memref<26x128xf32, #tpu.memory_space<vmem>>
    tpu.enqueue_dma source(%dma_start3A_140 : memref<26x128xf32, #tpu.memory_space<vmem>>) target(%dma_start3A_136 : memref<26x128xf32, #tpu.memory_space<hbm>>) target_semaphore(%arg11 : memref<!tpu.dma_semaphore, #tpu.memory_space<semaphore_mem>>)
    %add3A_141 = arith.constant 480 : i32
    %add3A_142 = arith.addi %mul3A_4, %add3A_141 : i32
    %add3A_143 = arith.constant 4 : i32
    %add3A_144 = arith.addi %add3A_142, %add3A_143 : i32
    %dma_start3A_145 = arith.constant 0 : i32
    %dma_start3A_146 = arith.constant 104 : i32
    %dma_start3A_147 = arith.constant 0 : i32
    %dma_start3A_148 = tpu.memref_slice %arg6[%dma_start3A_145, %dma_start3A_146, %dma_start3A_147] : memref<4x208x128xf32, #tpu.memory_space<vmem>> -> memref<1x26x128xf32, #tpu.memory_space<vmem>>
    %dma_start3A_149 = tpu.memref_squeeze %dma_start3A_148 : memref<1x26x128xf32, #tpu.memory_space<vmem>> -> memref<26x128xf32, #tpu.memory_space<vmem>>
    %dma_start3A_150 = arith.constant 0 : i32
    %dma_start3A_151 = arith.constant 0 : i32
    %dma_start3A_152 = tpu.memref_slice %arg4[%add3A_144, %dma_start3A_150, %dma_start3A_151] : memref<16384x26x128xf32, #tpu.memory_space<hbm>> -> memref<1x26x128xf32, #tpu.memory_space<hbm>>
    %dma_start3A_153 = tpu.memref_squeeze %dma_start3A_152 : memref<1x26x128xf32, #tpu.memory_space<hbm>> -> memref<26x128xf32, #tpu.memory_space<hbm>>
    %dma_start3A_154 = arith.constant 0 : i32
    %dma_start3A_155 = arith.constant 0 : i32
    %dma_start3A_156 = tpu.memref_slice %arg4[%add3A_144, %dma_start3A_154, %dma_start3A_155] : memref<16384x26x128xf32, #tpu.memory_space<hbm>> -> memref<1x26x128xf32, #tpu.memory_space<hbm>>
    %dma_start3A_157 = tpu.memref_squeeze %dma_start3A_156 : memref<1x26x128xf32, #tpu.memory_space<hbm>> -> memref<26x128xf32, #tpu.memory_space<hbm>>
    %dma_start3A_158 = arith.constant 104 : i32
    %dma_start3A_159 = arith.constant 0 : i32
    %dma_start3A_160 = tpu.memref_slice %arg6[%dma_start3A_145, %dma_start3A_158, %dma_start3A_159] : memref<4x208x128xf32, #tpu.memory_space<vmem>> -> memref<1x26x128xf32, #tpu.memory_space<vmem>>
    %dma_start3A_161 = tpu.memref_squeeze %dma_start3A_160 : memref<1x26x128xf32, #tpu.memory_space<vmem>> -> memref<26x128xf32, #tpu.memory_space<vmem>>
    tpu.enqueue_dma source(%dma_start3A_161 : memref<26x128xf32, #tpu.memory_space<vmem>>) target(%dma_start3A_157 : memref<26x128xf32, #tpu.memory_space<hbm>>) target_semaphore(%arg11 : memref<!tpu.dma_semaphore, #tpu.memory_space<semaphore_mem>>)
    %add3A_162 = arith.constant 480 : i32
    %add3A_163 = arith.addi %mul3A_4, %add3A_162 : i32
    %add3A_164 = arith.constant 5 : i32
    %add3A_165 = arith.addi %add3A_163, %add3A_164 : i32
    %dma_start3A_166 = arith.constant 0 : i32
    %dma_start3A_167 = arith.constant 130 : i32
    %dma_start3A_168 = arith.constant 0 : i32
    %dma_start3A_169 = tpu.memref_slice %arg6[%dma_start3A_166, %dma_start3A_167, %dma_start3A_168] : memref<4x208x128xf32, #tpu.memory_space<vmem>> -> memref<1x26x128xf32, #tpu.memory_space<vmem>>
    %dma_start3A_170 = tpu.memref_squeeze %dma_start3A_169 : memref<1x26x128xf32, #tpu.memory_space<vmem>> -> memref<26x128xf32, #tpu.memory_space<vmem>>
    %dma_start3A_171 = arith.constant 0 : i32
    %dma_start3A_172 = arith.constant 0 : i32
    %dma_start3A_173 = tpu.memref_slice %arg4[%add3A_165, %dma_start3A_171, %dma_start3A_172] : memref<16384x26x128xf32, #tpu.memory_space<hbm>> -> memref<1x26x128xf32, #tpu.memory_space<hbm>>
    %dma_start3A_174 = tpu.memref_squeeze %dma_start3A_173 : memref<1x26x128xf32, #tpu.memory_space<hbm>> -> memref<26x128xf32, #tpu.memory_space<hbm>>
    %dma_start3A_175 = arith.constant 0 : i32
    %dma_start3A_176 = arith.constant 0 : i32
    %dma_start3A_177 = tpu.memref_slice %arg4[%add3A_165, %dma_start3A_175, %dma_start3A_176] : memref<16384x26x128xf32, #tpu.memory_space<hbm>> -> memref<1x26x128xf32, #tpu.memory_space<hbm>>
    %dma_start3A_178 = tpu.memref_squeeze %dma_start3A_177 : memref<1x26x128xf32, #tpu.memory_space<hbm>> -> memref<26x128xf32, #tpu.memory_space<hbm>>
    %dma_start3A_179 = arith.constant 130 : i32
    %dma_start3A_180 = arith.constant 0 : i32
    %dma_start3A_181 = tpu.memref_slice %arg6[%dma_start3A_166, %dma_start3A_179, %dma_start3A_180] : memref<4x208x128xf32, #tpu.memory_space<vmem>> -> memref<1x26x128xf32, #tpu.memory_space<vmem>>
    %dma_start3A_182 = tpu.memref_squeeze %dma_start3A_181 : memref<1x26x128xf32, #tpu.memory_space<vmem>> -> memref<26x128xf32, #tpu.memory_space<vmem>>
    tpu.enqueue_dma source(%dma_start3A_182 : memref<26x128xf32, #tpu.memory_space<vmem>>) target(%dma_start3A_178 : memref<26x128xf32, #tpu.memory_space<hbm>>) target_semaphore(%arg11 : memref<!tpu.dma_semaphore, #tpu.memory_space<semaphore_mem>>)
    %add3A_183 = arith.constant 480 : i32
    %add3A_184 = arith.addi %mul3A_4, %add3A_183 : i32
    %add3A_185 = arith.constant 6 : i32
    %add3A_186 = arith.addi %add3A_184, %add3A_185 : i32
    %dma_start3A_187 = arith.constant 0 : i32
    %dma_start3A_188 = arith.constant 156 : i32
    %dma_start3A_189 = arith.constant 0 : i32
    %dma_start3A_190 = tpu.memref_slice %arg6[%dma_start3A_187, %dma_start3A_188, %dma_start3A_189] : memref<4x208x128xf32, #tpu.memory_space<vmem>> -> memref<1x26x128xf32, #tpu.memory_space<vmem>>
    %dma_start3A_191 = tpu.memref_squeeze %dma_start3A_190 : memref<1x26x128xf32, #tpu.memory_space<vmem>> -> memref<26x128xf32, #tpu.memory_space<vmem>>
    %dma_start3A_192 = arith.constant 0 : i32
    %dma_start3A_193 = arith.constant 0 : i32
    %dma_start3A_194 = tpu.memref_slice %arg4[%add3A_186, %dma_start3A_192, %dma_start3A_193] : memref<16384x26x128xf32, #tpu.memory_space<hbm>> -> memref<1x26x128xf32, #tpu.memory_space<hbm>>
    %dma_start3A_195 = tpu.memref_squeeze %dma_start3A_194 : memref<1x26x128xf32, #tpu.memory_space<hbm>> -> memref<26x128xf32, #tpu.memory_space<hbm>>
    %dma_start3A_196 = arith.constant 0 : i32
    %dma_start3A_197 = arith.constant 0 : i32
    %dma_start3A_198 = tpu.memref_slice %arg4[%add3A_186, %dma_start3A_196, %dma_start3A_197] : memref<16384x26x128xf32, #tpu.memory_space<hbm>> -> memref<1x26x128xf32, #tpu.memory_space<hbm>>
    %dma_start3A_199 = tpu.memref_squeeze %dma_start3A_198 : memref<1x26x128xf32, #tpu.memory_space<hbm>> -> memref<26x128xf32, #tpu.memory_space<hbm>>
    %dma_start3A_200 = arith.constant 156 : i32
    %dma_start3A_201 = arith.constant 0 : i32
    %dma_start3A_202 = tpu.memref_slice %arg6[%dma_start3A_187, %dma_start3A_200, %dma_start3A_201] : memref<4x208x128xf32, #tpu.memory_space<vmem>> -> memref<1x26x128xf32, #tpu.memory_space<vmem>>
    %dma_start3A_203 = tpu.memref_squeeze %dma_start3A_202 : memref<1x26x128xf32, #tpu.memory_space<vmem>> -> memref<26x128xf32, #tpu.memory_space<vmem>>
    tpu.enqueue_dma source(%dma_start3A_203 : memref<26x128xf32, #tpu.memory_space<vmem>>) target(%dma_start3A_199 : memref<26x128xf32, #tpu.memory_space<hbm>>) target_semaphore(%arg11 : memref<!tpu.dma_semaphore, #tpu.memory_space<semaphore_mem>>)
    %add3A_204 = arith.constant 480 : i32
    %add3A_205 = arith.addi %mul3A_4, %add3A_204 : i32
    %add3A_206 = arith.constant 7 : i32
    %add3A_207 = arith.addi %add3A_205, %add3A_206 : i32
    %dma_start3A_208 = arith.constant 0 : i32
    %dma_start3A_209 = arith.constant 182 : i32
    %dma_start3A_210 = arith.constant 0 : i32
    %dma_start3A_211 = tpu.memref_slice %arg6[%dma_start3A_208, %dma_start3A_209, %dma_start3A_210] : memref<4x208x128xf32, #tpu.memory_space<vmem>> -> memref<1x26x128xf32, #tpu.memory_space<vmem>>
    %dma_start3A_212 = tpu.memref_squeeze %dma_start3A_211 : memref<1x26x128xf32, #tpu.memory_space<vmem>> -> memref<26x128xf32, #tpu.memory_space<vmem>>
    %dma_start3A_213 = arith.constant 0 : i32
    %dma_start3A_214 = arith.constant 0 : i32
    %dma_start3A_215 = tpu.memref_slice %arg4[%add3A_207, %dma_start3A_213, %dma_start3A_214] : memref<16384x26x128xf32, #tpu.memory_space<hbm>> -> memref<1x26x128xf32, #tpu.memory_space<hbm>>
    %dma_start3A_216 = tpu.memref_squeeze %dma_start3A_215 : memref<1x26x128xf32, #tpu.memory_space<hbm>> -> memref<26x128xf32, #tpu.memory_space<hbm>>
    %dma_start3A_217 = arith.constant 0 : i32
    %dma_start3A_218 = arith.constant 0 : i32
    %dma_start3A_219 = tpu.memref_slice %arg4[%add3A_207, %dma_start3A_217, %dma_start3A_218] : memref<16384x26x128xf32, #tpu.memory_space<hbm>> -> memref<1x26x128xf32, #tpu.memory_space<hbm>>
    %dma_start3A_220 = tpu.memref_squeeze %dma_start3A_219 : memref<1x26x128xf32, #tpu.memory_space<hbm>> -> memref<26x128xf32, #tpu.memory_space<hbm>>
    %dma_start3A_221 = arith.constant 182 : i32
    %dma_start3A_222 = arith.constant 0 : i32
    %dma_start3A_223 = tpu.memref_slice %arg6[%dma_start3A_208, %dma_start3A_221, %dma_start3A_222] : memref<4x208x128xf32, #tpu.memory_space<vmem>> -> memref<1x26x128xf32, #tpu.memory_space<vmem>>
    %dma_start3A_224 = tpu.memref_squeeze %dma_start3A_223 : memref<1x26x128xf32, #tpu.memory_space<vmem>> -> memref<26x128xf32, #tpu.memory_space<vmem>>
    tpu.enqueue_dma source(%dma_start3A_224 : memref<26x128xf32, #tpu.memory_space<vmem>>) target(%dma_start3A_220 : memref<26x128xf32, #tpu.memory_space<hbm>>) target_semaphore(%arg11 : memref<!tpu.dma_semaphore, #tpu.memory_space<semaphore_mem>>)
    %dma_wait3A_225 = arith.constant 1 : i32
    %dma_wait3A_226 = arith.constant 0 : i32
    %dma_wait3A_227 = arith.constant 0 : i32
    %dma_wait3A_228 = tpu.memref_slice %arg6[%dma_wait3A_225, %dma_wait3A_226, %dma_wait3A_227] : memref<4x208x128xf32, #tpu.memory_space<vmem>> -> memref<1x208x128xf32, #tpu.memory_space<vmem>>
    %dma_wait3A_229 = tpu.memref_squeeze %dma_wait3A_228 : memref<1x208x128xf32, #tpu.memory_space<vmem>> -> memref<208x128xf32, #tpu.memory_space<vmem>>
    %dma_wait3A_230 = arith.constant 12688 : i32
    %dma_wait3A_231 = tpu.memref_slice %arg5[%dma_wait3A_230] : memref<13312xi32, #tpu.memory_space<vmem>> -> memref<208xi32, #tpu.memory_space<vmem>>
    %dma_wait3A_232 = arith.constant 0 : i32
    %dma_wait3A_233 = arith.constant 0 : i32
    %dma_wait3A_234 = tpu.memref_slice %arg2[%dma_wait3A_232, %dma_wait3A_233] : memref<100000x128xf32, #tpu.memory_space<hbm>> -> memref<100000x128xf32, #tpu.memory_space<hbm>>
    tpu.wait_indirect_dma semaphore(%arg8 : memref<!tpu.dma_semaphore, #tpu.memory_space<semaphore_mem>>) src(%dma_wait3A_234 : memref<100000x128xf32, #tpu.memory_space<hbm>>) dst(%dma_wait3A_229 : memref<208x128xf32, #tpu.memory_space<vmem>>)
    %add3A_235 = arith.constant 488 : i32
    %add3A_236 = arith.addi %mul3A_4, %add3A_235 : i32
    %add3A_237 = arith.constant 0 : i32
    %add3A_238 = arith.addi %add3A_236, %add3A_237 : i32
    %dma_start3A_239 = arith.constant 1 : i32
    %dma_start3A_240 = arith.constant 0 : i32
    %dma_start3A_241 = arith.constant 0 : i32
    %dma_start3A_242 = tpu.memref_slice %arg6[%dma_start3A_239, %dma_start3A_240, %dma_start3A_241] : memref<4x208x128xf32, #tpu.memory_space<vmem>> -> memref<1x26x128xf32, #tpu.memory_space<vmem>>
    %dma_start3A_243 = tpu.memref_squeeze %dma_start3A_242 : memref<1x26x128xf32, #tpu.memory_space<vmem>> -> memref<26x128xf32, #tpu.memory_space<vmem>>
    %dma_start3A_244 = arith.constant 0 : i32
    %dma_start3A_245 = arith.constant 0 : i32
    %dma_start3A_246 = tpu.memref_slice %arg4[%add3A_238, %dma_start3A_244, %dma_start3A_245] : memref<16384x26x128xf32, #tpu.memory_space<hbm>> -> memref<1x26x128xf32, #tpu.memory_space<hbm>>
    %dma_start3A_247 = tpu.memref_squeeze %dma_start3A_246 : memref<1x26x128xf32, #tpu.memory_space<hbm>> -> memref<26x128xf32, #tpu.memory_space<hbm>>
    %dma_start3A_248 = arith.constant 0 : i32
    %dma_start3A_249 = arith.constant 0 : i32
    %dma_start3A_250 = tpu.memref_slice %arg4[%add3A_238, %dma_start3A_248, %dma_start3A_249] : memref<16384x26x128xf32, #tpu.memory_space<hbm>> -> memref<1x26x128xf32, #tpu.memory_space<hbm>>
    %dma_start3A_251 = tpu.memref_squeeze %dma_start3A_250 : memref<1x26x128xf32, #tpu.memory_space<hbm>> -> memref<26x128xf32, #tpu.memory_space<hbm>>
    %dma_start3A_252 = arith.constant 0 : i32
    %dma_start3A_253 = arith.constant 0 : i32
    %dma_start3A_254 = tpu.memref_slice %arg6[%dma_start3A_239, %dma_start3A_252, %dma_start3A_253] : memref<4x208x128xf32, #tpu.memory_space<vmem>> -> memref<1x26x128xf32, #tpu.memory_space<vmem>>
    %dma_start3A_255 = tpu.memref_squeeze %dma_start3A_254 : memref<1x26x128xf32, #tpu.memory_space<vmem>> -> memref<26x128xf32, #tpu.memory_space<vmem>>
    tpu.enqueue_dma source(%dma_start3A_255 : memref<26x128xf32, #tpu.memory_space<vmem>>) target(%dma_start3A_251 : memref<26x128xf32, #tpu.memory_space<hbm>>) target_semaphore(%arg12 : memref<!tpu.dma_semaphore, #tpu.memory_space<semaphore_mem>>)
    %add3A_256 = arith.constant 488 : i32
    %add3A_257 = arith.addi %mul3A_4, %add3A_256 : i32
    %add3A_258 = arith.constant 1 : i32
    %add3A_259 = arith.addi %add3A_257, %add3A_258 : i32
    %dma_start3A_260 = arith.constant 1 : i32
    %dma_start3A_261 = arith.constant 26 : i32
    %dma_start3A_262 = arith.constant 0 : i32
    %dma_start3A_263 = tpu.memref_slice %arg6[%dma_start3A_260, %dma_start3A_261, %dma_start3A_262] : memref<4x208x128xf32, #tpu.memory_space<vmem>> -> memref<1x26x128xf32, #tpu.memory_space<vmem>>
    %dma_start3A_264 = tpu.memref_squeeze %dma_start3A_263 : memref<1x26x128xf32, #tpu.memory_space<vmem>> -> memref<26x128xf32, #tpu.memory_space<vmem>>
    %dma_start3A_265 = arith.constant 0 : i32
    %dma_start3A_266 = arith.constant 0 : i32
    %dma_start3A_267 = tpu.memref_slice %arg4[%add3A_259, %dma_start3A_265, %dma_start3A_266] : memref<16384x26x128xf32, #tpu.memory_space<hbm>> -> memref<1x26x128xf32, #tpu.memory_space<hbm>>
    %dma_start3A_268 = tpu.memref_squeeze %dma_start3A_267 : memref<1x26x128xf32, #tpu.memory_space<hbm>> -> memref<26x128xf32, #tpu.memory_space<hbm>>
    %dma_start3A_269 = arith.constant 0 : i32
    %dma_start3A_270 = arith.constant 0 : i32
    %dma_start3A_271 = tpu.memref_slice %arg4[%add3A_259, %dma_start3A_269, %dma_start3A_270] : memref<16384x26x128xf32, #tpu.memory_space<hbm>> -> memref<1x26x128xf32, #tpu.memory_space<hbm>>
    %dma_start3A_272 = tpu.memref_squeeze %dma_start3A_271 : memref<1x26x128xf32, #tpu.memory_space<hbm>> -> memref<26x128xf32, #tpu.memory_space<hbm>>
    %dma_start3A_273 = arith.constant 26 : i32
    %dma_start3A_274 = arith.constant 0 : i32
    %dma_start3A_275 = tpu.memref_slice %arg6[%dma_start3A_260, %dma_start3A_273, %dma_start3A_274] : memref<4x208x128xf32, #tpu.memory_space<vmem>> -> memref<1x26x128xf32, #tpu.memory_space<vmem>>
    %dma_start3A_276 = tpu.memref_squeeze %dma_start3A_275 : memref<1x26x128xf32, #tpu.memory_space<vmem>> -> memref<26x128xf32, #tpu.memory_space<vmem>>
    tpu.enqueue_dma source(%dma_start3A_276 : memref<26x128xf32, #tpu.memory_space<vmem>>) target(%dma_start3A_272 : memref<26x128xf32, #tpu.memory_space<hbm>>) target_semaphore(%arg12 : memref<!tpu.dma_semaphore, #tpu.memory_space<semaphore_mem>>)
    %add3A_277 = arith.constant 488 : i32
    %add3A_278 = arith.addi %mul3A_4, %add3A_277 : i32
    %add3A_279 = arith.constant 2 : i32
    %add3A_280 = arith.addi %add3A_278, %add3A_279 : i32
    %dma_start3A_281 = arith.constant 1 : i32
    %dma_start3A_282 = arith.constant 52 : i32
    %dma_start3A_283 = arith.constant 0 : i32
    %dma_start3A_284 = tpu.memref_slice %arg6[%dma_start3A_281, %dma_start3A_282, %dma_start3A_283] : memref<4x208x128xf32, #tpu.memory_space<vmem>> -> memref<1x26x128xf32, #tpu.memory_space<vmem>>
    %dma_start3A_285 = tpu.memref_squeeze %dma_start3A_284 : memref<1x26x128xf32, #tpu.memory_space<vmem>> -> memref<26x128xf32, #tpu.memory_space<vmem>>
    %dma_start3A_286 = arith.constant 0 : i32
    %dma_start3A_287 = arith.constant 0 : i32
    %dma_start3A_288 = tpu.memref_slice %arg4[%add3A_280, %dma_start3A_286, %dma_start3A_287] : memref<16384x26x128xf32, #tpu.memory_space<hbm>> -> memref<1x26x128xf32, #tpu.memory_space<hbm>>
    %dma_start3A_289 = tpu.memref_squeeze %dma_start3A_288 : memref<1x26x128xf32, #tpu.memory_space<hbm>> -> memref<26x128xf32, #tpu.memory_space<hbm>>
    %dma_start3A_290 = arith.constant 0 : i32
    %dma_start3A_291 = arith.constant 0 : i32
    %dma_start3A_292 = tpu.memref_slice %arg4[%add3A_280, %dma_start3A_290, %dma_start3A_291] : memref<16384x26x128xf32, #tpu.memory_space<hbm>> -> memref<1x26x128xf32, #tpu.memory_space<hbm>>
    %dma_start3A_293 = tpu.memref_squeeze %dma_start3A_292 : memref<1x26x128xf32, #tpu.memory_space<hbm>> -> memref<26x128xf32, #tpu.memory_space<hbm>>
    %dma_start3A_294 = arith.constant 52 : i32
    %dma_start3A_295 = arith.constant 0 : i32
    %dma_start3A_296 = tpu.memref_slice %arg6[%dma_start3A_281, %dma_start3A_294, %dma_start3A_295] : memref<4x208x128xf32, #tpu.memory_space<vmem>> -> memref<1x26x128xf32, #tpu.memory_space<vmem>>
    %dma_start3A_297 = tpu.memref_squeeze %dma_start3A_296 : memref<1x26x128xf32, #tpu.memory_space<vmem>> -> memref<26x128xf32, #tpu.memory_space<vmem>>
    tpu.enqueue_dma source(%dma_start3A_297 : memref<26x128xf32, #tpu.memory_space<vmem>>) target(%dma_start3A_293 : memref<26x128xf32, #tpu.memory_space<hbm>>) target_semaphore(%arg12 : memref<!tpu.dma_semaphore, #tpu.memory_space<semaphore_mem>>)
    %add3A_298 = arith.constant 488 : i32
    %add3A_299 = arith.addi %mul3A_4, %add3A_298 : i32
    %add3A_300 = arith.constant 3 : i32
    %add3A_301 = arith.addi %add3A_299, %add3A_300 : i32
    %dma_start3A_302 = arith.constant 1 : i32
    %dma_start3A_303 = arith.constant 78 : i32
    %dma_start3A_304 = arith.constant 0 : i32
    %dma_start3A_305 = tpu.memref_slice %arg6[%dma_start3A_302, %dma_start3A_303, %dma_start3A_304] : memref<4x208x128xf32, #tpu.memory_space<vmem>> -> memref<1x26x128xf32, #tpu.memory_space<vmem>>
    %dma_start3A_306 = tpu.memref_squeeze %dma_start3A_305 : memref<1x26x128xf32, #tpu.memory_space<vmem>> -> memref<26x128xf32, #tpu.memory_space<vmem>>
    %dma_start3A_307 = arith.constant 0 : i32
    %dma_start3A_308 = arith.constant 0 : i32
    %dma_start3A_309 = tpu.memref_slice %arg4[%add3A_301, %dma_start3A_307, %dma_start3A_308] : memref<16384x26x128xf32, #tpu.memory_space<hbm>> -> memref<1x26x128xf32, #tpu.memory_space<hbm>>
    %dma_start3A_310 = tpu.memref_squeeze %dma_start3A_309 : memref<1x26x128xf32, #tpu.memory_space<hbm>> -> memref<26x128xf32, #tpu.memory_space<hbm>>
    %dma_start3A_311 = arith.constant 0 : i32
    %dma_start3A_312 = arith.constant 0 : i32
    %dma_start3A_313 = tpu.memref_slice %arg4[%add3A_301, %dma_start3A_311, %dma_start3A_312] : memref<16384x26x128xf32, #tpu.memory_space<hbm>> -> memref<1x26x128xf32, #tpu.memory_space<hbm>>
    %dma_start3A_314 = tpu.memref_squeeze %dma_start3A_313 : memref<1x26x128xf32, #tpu.memory_space<hbm>> -> memref<26x128xf32, #tpu.memory_space<hbm>>
    %dma_start3A_315 = arith.constant 78 : i32
    %dma_start3A_316 = arith.constant 0 : i32
    %dma_start3A_317 = tpu.memref_slice %arg6[%dma_start3A_302, %dma_start3A_315, %dma_start3A_316] : memref<4x208x128xf32, #tpu.memory_space<vmem>> -> memref<1x26x128xf32, #tpu.memory_space<vmem>>
    %dma_start3A_318 = tpu.memref_squeeze %dma_start3A_317 : memref<1x26x128xf32, #tpu.memory_space<vmem>> -> memref<26x128xf32, #tpu.memory_space<vmem>>
    tpu.enqueue_dma source(%dma_start3A_318 : memref<26x128xf32, #tpu.memory_space<vmem>>) target(%dma_start3A_314 : memref<26x128xf32, #tpu.memory_space<hbm>>) target_semaphore(%arg12 : memref<!tpu.dma_semaphore, #tpu.memory_space<semaphore_mem>>)
    %add3A_319 = arith.constant 488 : i32
    %add3A_320 = arith.addi %mul3A_4, %add3A_319 : i32
    %add3A_321 = arith.constant 4 : i32
    %add3A_322 = arith.addi %add3A_320, %add3A_321 : i32
    %dma_start3A_323 = arith.constant 1 : i32
    %dma_start3A_324 = arith.constant 104 : i32
    %dma_start3A_325 = arith.constant 0 : i32
    %dma_start3A_326 = tpu.memref_slice %arg6[%dma_start3A_323, %dma_start3A_324, %dma_start3A_325] : memref<4x208x128xf32, #tpu.memory_space<vmem>> -> memref<1x26x128xf32, #tpu.memory_space<vmem>>
    %dma_start3A_327 = tpu.memref_squeeze %dma_start3A_326 : memref<1x26x128xf32, #tpu.memory_space<vmem>> -> memref<26x128xf32, #tpu.memory_space<vmem>>
    %dma_start3A_328 = arith.constant 0 : i32
    %dma_start3A_329 = arith.constant 0 : i32
    %dma_start3A_330 = tpu.memref_slice %arg4[%add3A_322, %dma_start3A_328, %dma_start3A_329] : memref<16384x26x128xf32, #tpu.memory_space<hbm>> -> memref<1x26x128xf32, #tpu.memory_space<hbm>>
    %dma_start3A_331 = tpu.memref_squeeze %dma_start3A_330 : memref<1x26x128xf32, #tpu.memory_space<hbm>> -> memref<26x128xf32, #tpu.memory_space<hbm>>
    %dma_start3A_332 = arith.constant 0 : i32
    %dma_start3A_333 = arith.constant 0 : i32
    %dma_start3A_334 = tpu.memref_slice %arg4[%add3A_322, %dma_start3A_332, %dma_start3A_333] : memref<16384x26x128xf32, #tpu.memory_space<hbm>> -> memref<1x26x128xf32, #tpu.memory_space<hbm>>
    %dma_start3A_335 = tpu.memref_squeeze %dma_start3A_334 : memref<1x26x128xf32, #tpu.memory_space<hbm>> -> memref<26x128xf32, #tpu.memory_space<hbm>>
    %dma_start3A_336 = arith.constant 104 : i32
    %dma_start3A_337 = arith.constant 0 : i32
    %dma_start3A_338 = tpu.memref_slice %arg6[%dma_start3A_323, %dma_start3A_336, %dma_start3A_337] : memref<4x208x128xf32, #tpu.memory_space<vmem>> -> memref<1x26x128xf32, #tpu.memory_space<vmem>>
    %dma_start3A_339 = tpu.memref_squeeze %dma_start3A_338 : memref<1x26x128xf32, #tpu.memory_space<vmem>> -> memref<26x128xf32, #tpu.memory_space<vmem>>
    tpu.enqueue_dma source(%dma_start3A_339 : memref<26x128xf32, #tpu.memory_space<vmem>>) target(%dma_start3A_335 : memref<26x128xf32, #tpu.memory_space<hbm>>) target_semaphore(%arg12 : memref<!tpu.dma_semaphore, #tpu.memory_space<semaphore_mem>>)
    %add3A_340 = arith.constant 488 : i32
    %add3A_341 = arith.addi %mul3A_4, %add3A_340 : i32
    %add3A_342 = arith.constant 5 : i32
    %add3A_343 = arith.addi %add3A_341, %add3A_342 : i32
    %dma_start3A_344 = arith.constant 1 : i32
    %dma_start3A_345 = arith.constant 130 : i32
    %dma_start3A_346 = arith.constant 0 : i32
    %dma_start3A_347 = tpu.memref_slice %arg6[%dma_start3A_344, %dma_start3A_345, %dma_start3A_346] : memref<4x208x128xf32, #tpu.memory_space<vmem>> -> memref<1x26x128xf32, #tpu.memory_space<vmem>>
    %dma_start3A_348 = tpu.memref_squeeze %dma_start3A_347 : memref<1x26x128xf32, #tpu.memory_space<vmem>> -> memref<26x128xf32, #tpu.memory_space<vmem>>
    %dma_start3A_349 = arith.constant 0 : i32
    %dma_start3A_350 = arith.constant 0 : i32
    %dma_start3A_351 = tpu.memref_slice %arg4[%add3A_343, %dma_start3A_349, %dma_start3A_350] : memref<16384x26x128xf32, #tpu.memory_space<hbm>> -> memref<1x26x128xf32, #tpu.memory_space<hbm>>
    %dma_start3A_352 = tpu.memref_squeeze %dma_start3A_351 : memref<1x26x128xf32, #tpu.memory_space<hbm>> -> memref<26x128xf32, #tpu.memory_space<hbm>>
    %dma_start3A_353 = arith.constant 0 : i32
    %dma_start3A_354 = arith.constant 0 : i32
    %dma_start3A_355 = tpu.memref_slice %arg4[%add3A_343, %dma_start3A_353, %dma_start3A_354] : memref<16384x26x128xf32, #tpu.memory_space<hbm>> -> memref<1x26x128xf32, #tpu.memory_space<hbm>>
    %dma_start3A_356 = tpu.memref_squeeze %dma_start3A_355 : memref<1x26x128xf32, #tpu.memory_space<hbm>> -> memref<26x128xf32, #tpu.memory_space<hbm>>
    %dma_start3A_357 = arith.constant 130 : i32
    %dma_start3A_358 = arith.constant 0 : i32
    %dma_start3A_359 = tpu.memref_slice %arg6[%dma_start3A_344, %dma_start3A_357, %dma_start3A_358] : memref<4x208x128xf32, #tpu.memory_space<vmem>> -> memref<1x26x128xf32, #tpu.memory_space<vmem>>
    %dma_start3A_360 = tpu.memref_squeeze %dma_start3A_359 : memref<1x26x128xf32, #tpu.memory_space<vmem>> -> memref<26x128xf32, #tpu.memory_space<vmem>>
    tpu.enqueue_dma source(%dma_start3A_360 : memref<26x128xf32, #tpu.memory_space<vmem>>) target(%dma_start3A_356 : memref<26x128xf32, #tpu.memory_space<hbm>>) target_semaphore(%arg12 : memref<!tpu.dma_semaphore, #tpu.memory_space<semaphore_mem>>)
    %add3A_361 = arith.constant 488 : i32
    %add3A_362 = arith.addi %mul3A_4, %add3A_361 : i32
    %add3A_363 = arith.constant 6 : i32
    %add3A_364 = arith.addi %add3A_362, %add3A_363 : i32
    %dma_start3A_365 = arith.constant 1 : i32
    %dma_start3A_366 = arith.constant 156 : i32
    %dma_start3A_367 = arith.constant 0 : i32
    %dma_start3A_368 = tpu.memref_slice %arg6[%dma_start3A_365, %dma_start3A_366, %dma_start3A_367] : memref<4x208x128xf32, #tpu.memory_space<vmem>> -> memref<1x26x128xf32, #tpu.memory_space<vmem>>
    %dma_start3A_369 = tpu.memref_squeeze %dma_start3A_368 : memref<1x26x128xf32, #tpu.memory_space<vmem>> -> memref<26x128xf32, #tpu.memory_space<vmem>>
    %dma_start3A_370 = arith.constant 0 : i32
    %dma_start3A_371 = arith.constant 0 : i32
    %dma_start3A_372 = tpu.memref_slice %arg4[%add3A_364, %dma_start3A_370, %dma_start3A_371] : memref<16384x26x128xf32, #tpu.memory_space<hbm>> -> memref<1x26x128xf32, #tpu.memory_space<hbm>>
    %dma_start3A_373 = tpu.memref_squeeze %dma_start3A_372 : memref<1x26x128xf32, #tpu.memory_space<hbm>> -> memref<26x128xf32, #tpu.memory_space<hbm>>
    %dma_start3A_374 = arith.constant 0 : i32
    %dma_start3A_375 = arith.constant 0 : i32
    %dma_start3A_376 = tpu.memref_slice %arg4[%add3A_364, %dma_start3A_374, %dma_start3A_375] : memref<16384x26x128xf32, #tpu.memory_space<hbm>> -> memref<1x26x128xf32, #tpu.memory_space<hbm>>
    %dma_start3A_377 = tpu.memref_squeeze %dma_start3A_376 : memref<1x26x128xf32, #tpu.memory_space<hbm>> -> memref<26x128xf32, #tpu.memory_space<hbm>>
    %dma_start3A_378 = arith.constant 156 : i32
    %dma_start3A_379 = arith.constant 0 : i32
    %dma_start3A_380 = tpu.memref_slice %arg6[%dma_start3A_365, %dma_start3A_378, %dma_start3A_379] : memref<4x208x128xf32, #tpu.memory_space<vmem>> -> memref<1x26x128xf32, #tpu.memory_space<vmem>>
    %dma_start3A_381 = tpu.memref_squeeze %dma_start3A_380 : memref<1x26x128xf32, #tpu.memory_space<vmem>> -> memref<26x128xf32, #tpu.memory_space<vmem>>
    tpu.enqueue_dma source(%dma_start3A_381 : memref<26x128xf32, #tpu.memory_space<vmem>>) target(%dma_start3A_377 : memref<26x128xf32, #tpu.memory_space<hbm>>) target_semaphore(%arg12 : memref<!tpu.dma_semaphore, #tpu.memory_space<semaphore_mem>>)
    %add3A_382 = arith.constant 488 : i32
    %add3A_383 = arith.addi %mul3A_4, %add3A_382 : i32
    %add3A_384 = arith.constant 7 : i32
    %add3A_385 = arith.addi %add3A_383, %add3A_384 : i32
    %dma_start3A_386 = arith.constant 1 : i32
    %dma_start3A_387 = arith.constant 182 : i32
    %dma_start3A_388 = arith.constant 0 : i32
    %dma_start3A_389 = tpu.memref_slice %arg6[%dma_start3A_386, %dma_start3A_387, %dma_start3A_388] : memref<4x208x128xf32, #tpu.memory_space<vmem>> -> memref<1x26x128xf32, #tpu.memory_space<vmem>>
    %dma_start3A_390 = tpu.memref_squeeze %dma_start3A_389 : memref<1x26x128xf32, #tpu.memory_space<vmem>> -> memref<26x128xf32, #tpu.memory_space<vmem>>
    %dma_start3A_391 = arith.constant 0 : i32
    %dma_start3A_392 = arith.constant 0 : i32
    %dma_start3A_393 = tpu.memref_slice %arg4[%add3A_385, %dma_start3A_391, %dma_start3A_392] : memref<16384x26x128xf32, #tpu.memory_space<hbm>> -> memref<1x26x128xf32, #tpu.memory_space<hbm>>
    %dma_start3A_394 = tpu.memref_squeeze %dma_start3A_393 : memref<1x26x128xf32, #tpu.memory_space<hbm>> -> memref<26x128xf32, #tpu.memory_space<hbm>>
    %dma_start3A_395 = arith.constant 0 : i32
    %dma_start3A_396 = arith.constant 0 : i32
    %dma_start3A_397 = tpu.memref_slice %arg4[%add3A_385, %dma_start3A_395, %dma_start3A_396] : memref<16384x26x128xf32, #tpu.memory_space<hbm>> -> memref<1x26x128xf32, #tpu.memory_space<hbm>>
    %dma_start3A_398 = tpu.memref_squeeze %dma_start3A_397 : memref<1x26x128xf32, #tpu.memory_space<hbm>> -> memref<26x128xf32, #tpu.memory_space<hbm>>
    %dma_start3A_399 = arith.constant 182 : i32
    %dma_start3A_400 = arith.constant 0 : i32
    %dma_start3A_401 = tpu.memref_slice %arg6[%dma_start3A_386, %dma_start3A_399, %dma_start3A_400] : memref<4x208x128xf32, #tpu.memory_space<vmem>> -> memref<1x26x128xf32, #tpu.memory_space<vmem>>
    %dma_start3A_402 = tpu.memref_squeeze %dma_start3A_401 : memref<1x26x128xf32, #tpu.memory_space<vmem>> -> memref<26x128xf32, #tpu.memory_space<vmem>>
    tpu.enqueue_dma source(%dma_start3A_402 : memref<26x128xf32, #tpu.memory_space<vmem>>) target(%dma_start3A_398 : memref<26x128xf32, #tpu.memory_space<hbm>>) target_semaphore(%arg12 : memref<!tpu.dma_semaphore, #tpu.memory_space<semaphore_mem>>)
    %dma_wait3A_403 = arith.constant 2 : i32
    %dma_wait3A_404 = arith.constant 0 : i32
    %dma_wait3A_405 = arith.constant 0 : i32
    %dma_wait3A_406 = tpu.memref_slice %arg6[%dma_wait3A_403, %dma_wait3A_404, %dma_wait3A_405] : memref<4x208x128xf32, #tpu.memory_space<vmem>> -> memref<1x208x128xf32, #tpu.memory_space<vmem>>
    %dma_wait3A_407 = tpu.memref_squeeze %dma_wait3A_406 : memref<1x208x128xf32, #tpu.memory_space<vmem>> -> memref<208x128xf32, #tpu.memory_space<vmem>>
    %dma_wait3A_408 = arith.constant 12896 : i32
    %dma_wait3A_409 = tpu.memref_slice %arg5[%dma_wait3A_408] : memref<13312xi32, #tpu.memory_space<vmem>> -> memref<208xi32, #tpu.memory_space<vmem>>
    %dma_wait3A_410 = arith.constant 0 : i32
    %dma_wait3A_411 = arith.constant 0 : i32
    %dma_wait3A_412 = tpu.memref_slice %arg2[%dma_wait3A_410, %dma_wait3A_411] : memref<100000x128xf32, #tpu.memory_space<hbm>> -> memref<100000x128xf32, #tpu.memory_space<hbm>>
    tpu.wait_indirect_dma semaphore(%arg9 : memref<!tpu.dma_semaphore, #tpu.memory_space<semaphore_mem>>) src(%dma_wait3A_412 : memref<100000x128xf32, #tpu.memory_space<hbm>>) dst(%dma_wait3A_407 : memref<208x128xf32, #tpu.memory_space<vmem>>)
    %add3A_413 = arith.constant 496 : i32
    %add3A_414 = arith.addi %mul3A_4, %add3A_413 : i32
    %add3A_415 = arith.constant 0 : i32
    %add3A_416 = arith.addi %add3A_414, %add3A_415 : i32
    %dma_start3A_417 = arith.constant 2 : i32
    %dma_start3A_418 = arith.constant 0 : i32
    %dma_start3A_419 = arith.constant 0 : i32
    %dma_start3A_420 = tpu.memref_slice %arg6[%dma_start3A_417, %dma_start3A_418, %dma_start3A_419] : memref<4x208x128xf32, #tpu.memory_space<vmem>> -> memref<1x26x128xf32, #tpu.memory_space<vmem>>
    %dma_start3A_421 = tpu.memref_squeeze %dma_start3A_420 : memref<1x26x128xf32, #tpu.memory_space<vmem>> -> memref<26x128xf32, #tpu.memory_space<vmem>>
    %dma_start3A_422 = arith.constant 0 : i32
    %dma_start3A_423 = arith.constant 0 : i32
    %dma_start3A_424 = tpu.memref_slice %arg4[%add3A_416, %dma_start3A_422, %dma_start3A_423] : memref<16384x26x128xf32, #tpu.memory_space<hbm>> -> memref<1x26x128xf32, #tpu.memory_space<hbm>>
    %dma_start3A_425 = tpu.memref_squeeze %dma_start3A_424 : memref<1x26x128xf32, #tpu.memory_space<hbm>> -> memref<26x128xf32, #tpu.memory_space<hbm>>
    %dma_start3A_426 = arith.constant 0 : i32
    %dma_start3A_427 = arith.constant 0 : i32
    %dma_start3A_428 = tpu.memref_slice %arg4[%add3A_416, %dma_start3A_426, %dma_start3A_427] : memref<16384x26x128xf32, #tpu.memory_space<hbm>> -> memref<1x26x128xf32, #tpu.memory_space<hbm>>
    %dma_start3A_429 = tpu.memref_squeeze %dma_start3A_428 : memref<1x26x128xf32, #tpu.memory_space<hbm>> -> memref<26x128xf32, #tpu.memory_space<hbm>>
    %dma_start3A_430 = arith.constant 0 : i32
    %dma_start3A_431 = arith.constant 0 : i32
    %dma_start3A_432 = tpu.memref_slice %arg6[%dma_start3A_417, %dma_start3A_430, %dma_start3A_431] : memref<4x208x128xf32, #tpu.memory_space<vmem>> -> memref<1x26x128xf32, #tpu.memory_space<vmem>>
    %dma_start3A_433 = tpu.memref_squeeze %dma_start3A_432 : memref<1x26x128xf32, #tpu.memory_space<vmem>> -> memref<26x128xf32, #tpu.memory_space<vmem>>
    tpu.enqueue_dma source(%dma_start3A_433 : memref<26x128xf32, #tpu.memory_space<vmem>>) target(%dma_start3A_429 : memref<26x128xf32, #tpu.memory_space<hbm>>) target_semaphore(%arg13 : memref<!tpu.dma_semaphore, #tpu.memory_space<semaphore_mem>>)
    %add3A_434 = arith.constant 496 : i32
    %add3A_435 = arith.addi %mul3A_4, %add3A_434 : i32
    %add3A_436 = arith.constant 1 : i32
    %add3A_437 = arith.addi %add3A_435, %add3A_436 : i32
    %dma_start3A_438 = arith.constant 2 : i32
    %dma_start3A_439 = arith.constant 26 : i32
    %dma_start3A_440 = arith.constant 0 : i32
    %dma_start3A_441 = tpu.memref_slice %arg6[%dma_start3A_438, %dma_start3A_439, %dma_start3A_440] : memref<4x208x128xf32, #tpu.memory_space<vmem>> -> memref<1x26x128xf32, #tpu.memory_space<vmem>>
    %dma_start3A_442 = tpu.memref_squeeze %dma_start3A_441 : memref<1x26x128xf32, #tpu.memory_space<vmem>> -> memref<26x128xf32, #tpu.memory_space<vmem>>
    %dma_start3A_443 = arith.constant 0 : i32
    %dma_start3A_444 = arith.constant 0 : i32
    %dma_start3A_445 = tpu.memref_slice %arg4[%add3A_437, %dma_start3A_443, %dma_start3A_444] : memref<16384x26x128xf32, #tpu.memory_space<hbm>> -> memref<1x26x128xf32, #tpu.memory_space<hbm>>
    %dma_start3A_446 = tpu.memref_squeeze %dma_start3A_445 : memref<1x26x128xf32, #tpu.memory_space<hbm>> -> memref<26x128xf32, #tpu.memory_space<hbm>>
    %dma_start3A_447 = arith.constant 0 : i32
    %dma_start3A_448 = arith.constant 0 : i32
    %dma_start3A_449 = tpu.memref_slice %arg4[%add3A_437, %dma_start3A_447, %dma_start3A_448] : memref<16384x26x128xf32, #tpu.memory_space<hbm>> -> memref<1x26x128xf32, #tpu.memory_space<hbm>>
    %dma_start3A_450 = tpu.memref_squeeze %dma_start3A_449 : memref<1x26x128xf32, #tpu.memory_space<hbm>> -> memref<26x128xf32, #tpu.memory_space<hbm>>
    %dma_start3A_451 = arith.constant 26 : i32
    %dma_start3A_452 = arith.constant 0 : i32
    %dma_start3A_453 = tpu.memref_slice %arg6[%dma_start3A_438, %dma_start3A_451, %dma_start3A_452] : memref<4x208x128xf32, #tpu.memory_space<vmem>> -> memref<1x26x128xf32, #tpu.memory_space<vmem>>
    %dma_start3A_454 = tpu.memref_squeeze %dma_start3A_453 : memref<1x26x128xf32, #tpu.memory_space<vmem>> -> memref<26x128xf32, #tpu.memory_space<vmem>>
    tpu.enqueue_dma source(%dma_start3A_454 : memref<26x128xf32, #tpu.memory_space<vmem>>) target(%dma_start3A_450 : memref<26x128xf32, #tpu.memory_space<hbm>>) target_semaphore(%arg13 : memref<!tpu.dma_semaphore, #tpu.memory_space<semaphore_mem>>)
    %add3A_455 = arith.constant 496 : i32
    %add3A_456 = arith.addi %mul3A_4, %add3A_455 : i32
    %add3A_457 = arith.constant 2 : i32
    %add3A_458 = arith.addi %add3A_456, %add3A_457 : i32
    %dma_start3A_459 = arith.constant 2 : i32
    %dma_start3A_460 = arith.constant 52 : i32
    %dma_start3A_461 = arith.constant 0 : i32
    %dma_start3A_462 = tpu.memref_slice %arg6[%dma_start3A_459, %dma_start3A_460, %dma_start3A_461] : memref<4x208x128xf32, #tpu.memory_space<vmem>> -> memref<1x26x128xf32, #tpu.memory_space<vmem>>
    %dma_start3A_463 = tpu.memref_squeeze %dma_start3A_462 : memref<1x26x128xf32, #tpu.memory_space<vmem>> -> memref<26x128xf32, #tpu.memory_space<vmem>>
    %dma_start3A_464 = arith.constant 0 : i32
    %dma_start3A_465 = arith.constant 0 : i32
    %dma_start3A_466 = tpu.memref_slice %arg4[%add3A_458, %dma_start3A_464, %dma_start3A_465] : memref<16384x26x128xf32, #tpu.memory_space<hbm>> -> memref<1x26x128xf32, #tpu.memory_space<hbm>>
    %dma_start3A_467 = tpu.memref_squeeze %dma_start3A_466 : memref<1x26x128xf32, #tpu.memory_space<hbm>> -> memref<26x128xf32, #tpu.memory_space<hbm>>
    %dma_start3A_468 = arith.constant 0 : i32
    %dma_start3A_469 = arith.constant 0 : i32
    %dma_start3A_470 = tpu.memref_slice %arg4[%add3A_458, %dma_start3A_468, %dma_start3A_469] : memref<16384x26x128xf32, #tpu.memory_space<hbm>> -> memref<1x26x128xf32, #tpu.memory_space<hbm>>
    %dma_start3A_471 = tpu.memref_squeeze %dma_start3A_470 : memref<1x26x128xf32, #tpu.memory_space<hbm>> -> memref<26x128xf32, #tpu.memory_space<hbm>>
    %dma_start3A_472 = arith.constant 52 : i32
    %dma_start3A_473 = arith.constant 0 : i32
    %dma_start3A_474 = tpu.memref_slice %arg6[%dma_start3A_459, %dma_start3A_472, %dma_start3A_473] : memref<4x208x128xf32, #tpu.memory_space<vmem>> -> memref<1x26x128xf32, #tpu.memory_space<vmem>>
    %dma_start3A_475 = tpu.memref_squeeze %dma_start3A_474 : memref<1x26x128xf32, #tpu.memory_space<vmem>> -> memref<26x128xf32, #tpu.memory_space<vmem>>
    tpu.enqueue_dma source(%dma_start3A_475 : memref<26x128xf32, #tpu.memory_space<vmem>>) target(%dma_start3A_471 : memref<26x128xf32, #tpu.memory_space<hbm>>) target_semaphore(%arg13 : memref<!tpu.dma_semaphore, #tpu.memory_space<semaphore_mem>>)
    %add3A_476 = arith.constant 496 : i32
    %add3A_477 = arith.addi %mul3A_4, %add3A_476 : i32
    %add3A_478 = arith.constant 3 : i32
    %add3A_479 = arith.addi %add3A_477, %add3A_478 : i32
    %dma_start3A_480 = arith.constant 2 : i32
    %dma_start3A_481 = arith.constant 78 : i32
    %dma_start3A_482 = arith.constant 0 : i32
    %dma_start3A_483 = tpu.memref_slice %arg6[%dma_start3A_480, %dma_start3A_481, %dma_start3A_482] : memref<4x208x128xf32, #tpu.memory_space<vmem>> -> memref<1x26x128xf32, #tpu.memory_space<vmem>>
    %dma_start3A_484 = tpu.memref_squeeze %dma_start3A_483 : memref<1x26x128xf32, #tpu.memory_space<vmem>> -> memref<26x128xf32, #tpu.memory_space<vmem>>
    %dma_start3A_485 = arith.constant 0 : i32
    %dma_start3A_486 = arith.constant 0 : i32
    %dma_start3A_487 = tpu.memref_slice %arg4[%add3A_479, %dma_start3A_485, %dma_start3A_486] : memref<16384x26x128xf32, #tpu.memory_space<hbm>> -> memref<1x26x128xf32, #tpu.memory_space<hbm>>
    %dma_start3A_488 = tpu.memref_squeeze %dma_start3A_487 : memref<1x26x128xf32, #tpu.memory_space<hbm>> -> memref<26x128xf32, #tpu.memory_space<hbm>>
    %dma_start3A_489 = arith.constant 0 : i32
    %dma_start3A_490 = arith.constant 0 : i32
    %dma_start3A_491 = tpu.memref_slice %arg4[%add3A_479, %dma_start3A_489, %dma_start3A_490] : memref<16384x26x128xf32, #tpu.memory_space<hbm>> -> memref<1x26x128xf32, #tpu.memory_space<hbm>>
    %dma_start3A_492 = tpu.memref_squeeze %dma_start3A_491 : memref<1x26x128xf32, #tpu.memory_space<hbm>> -> memref<26x128xf32, #tpu.memory_space<hbm>>
    %dma_start3A_493 = arith.constant 78 : i32
    %dma_start3A_494 = arith.constant 0 : i32
    %dma_start3A_495 = tpu.memref_slice %arg6[%dma_start3A_480, %dma_start3A_493, %dma_start3A_494] : memref<4x208x128xf32, #tpu.memory_space<vmem>> -> memref<1x26x128xf32, #tpu.memory_space<vmem>>
    %dma_start3A_496 = tpu.memref_squeeze %dma_start3A_495 : memref<1x26x128xf32, #tpu.memory_space<vmem>> -> memref<26x128xf32, #tpu.memory_space<vmem>>
    tpu.enqueue_dma source(%dma_start3A_496 : memref<26x128xf32, #tpu.memory_space<vmem>>) target(%dma_start3A_492 : memref<26x128xf32, #tpu.memory_space<hbm>>) target_semaphore(%arg13 : memref<!tpu.dma_semaphore, #tpu.memory_space<semaphore_mem>>)
    %add3A_497 = arith.constant 496 : i32
    %add3A_498 = arith.addi %mul3A_4, %add3A_497 : i32
    %add3A_499 = arith.constant 4 : i32
    %add3A_500 = arith.addi %add3A_498, %add3A_499 : i32
    %dma_start3A_501 = arith.constant 2 : i32
    %dma_start3A_502 = arith.constant 104 : i32
    %dma_start3A_503 = arith.constant 0 : i32
    %dma_start3A_504 = tpu.memref_slice %arg6[%dma_start3A_501, %dma_start3A_502, %dma_start3A_503] : memref<4x208x128xf32, #tpu.memory_space<vmem>> -> memref<1x26x128xf32, #tpu.memory_space<vmem>>
    %dma_start3A_505 = tpu.memref_squeeze %dma_start3A_504 : memref<1x26x128xf32, #tpu.memory_space<vmem>> -> memref<26x128xf32, #tpu.memory_space<vmem>>
    %dma_start3A_506 = arith.constant 0 : i32
    %dma_start3A_507 = arith.constant 0 : i32
    %dma_start3A_508 = tpu.memref_slice %arg4[%add3A_500, %dma_start3A_506, %dma_start3A_507] : memref<16384x26x128xf32, #tpu.memory_space<hbm>> -> memref<1x26x128xf32, #tpu.memory_space<hbm>>
    %dma_start3A_509 = tpu.memref_squeeze %dma_start3A_508 : memref<1x26x128xf32, #tpu.memory_space<hbm>> -> memref<26x128xf32, #tpu.memory_space<hbm>>
    %dma_start3A_510 = arith.constant 0 : i32
    %dma_start3A_511 = arith.constant 0 : i32
    %dma_start3A_512 = tpu.memref_slice %arg4[%add3A_500, %dma_start3A_510, %dma_start3A_511] : memref<16384x26x128xf32, #tpu.memory_space<hbm>> -> memref<1x26x128xf32, #tpu.memory_space<hbm>>
    %dma_start3A_513 = tpu.memref_squeeze %dma_start3A_512 : memref<1x26x128xf32, #tpu.memory_space<hbm>> -> memref<26x128xf32, #tpu.memory_space<hbm>>
    %dma_start3A_514 = arith.constant 104 : i32
    %dma_start3A_515 = arith.constant 0 : i32
    %dma_start3A_516 = tpu.memref_slice %arg6[%dma_start3A_501, %dma_start3A_514, %dma_start3A_515] : memref<4x208x128xf32, #tpu.memory_space<vmem>> -> memref<1x26x128xf32, #tpu.memory_space<vmem>>
    %dma_start3A_517 = tpu.memref_squeeze %dma_start3A_516 : memref<1x26x128xf32, #tpu.memory_space<vmem>> -> memref<26x128xf32, #tpu.memory_space<vmem>>
    tpu.enqueue_dma source(%dma_start3A_517 : memref<26x128xf32, #tpu.memory_space<vmem>>) target(%dma_start3A_513 : memref<26x128xf32, #tpu.memory_space<hbm>>) target_semaphore(%arg13 : memref<!tpu.dma_semaphore, #tpu.memory_space<semaphore_mem>>)
    %add3A_518 = arith.constant 496 : i32
    %add3A_519 = arith.addi %mul3A_4, %add3A_518 : i32
    %add3A_520 = arith.constant 5 : i32
    %add3A_521 = arith.addi %add3A_519, %add3A_520 : i32
    %dma_start3A_522 = arith.constant 2 : i32
    %dma_start3A_523 = arith.constant 130 : i32
    %dma_start3A_524 = arith.constant 0 : i32
    %dma_start3A_525 = tpu.memref_slice %arg6[%dma_start3A_522, %dma_start3A_523, %dma_start3A_524] : memref<4x208x128xf32, #tpu.memory_space<vmem>> -> memref<1x26x128xf32, #tpu.memory_space<vmem>>
    %dma_start3A_526 = tpu.memref_squeeze %dma_start3A_525 : memref<1x26x128xf32, #tpu.memory_space<vmem>> -> memref<26x128xf32, #tpu.memory_space<vmem>>
    %dma_start3A_527 = arith.constant 0 : i32
    %dma_start3A_528 = arith.constant 0 : i32
    %dma_start3A_529 = tpu.memref_slice %arg4[%add3A_521, %dma_start3A_527, %dma_start3A_528] : memref<16384x26x128xf32, #tpu.memory_space<hbm>> -> memref<1x26x128xf32, #tpu.memory_space<hbm>>
    %dma_start3A_530 = tpu.memref_squeeze %dma_start3A_529 : memref<1x26x128xf32, #tpu.memory_space<hbm>> -> memref<26x128xf32, #tpu.memory_space<hbm>>
    %dma_start3A_531 = arith.constant 0 : i32
    %dma_start3A_532 = arith.constant 0 : i32
    %dma_start3A_533 = tpu.memref_slice %arg4[%add3A_521, %dma_start3A_531, %dma_start3A_532] : memref<16384x26x128xf32, #tpu.memory_space<hbm>> -> memref<1x26x128xf32, #tpu.memory_space<hbm>>
    %dma_start3A_534 = tpu.memref_squeeze %dma_start3A_533 : memref<1x26x128xf32, #tpu.memory_space<hbm>> -> memref<26x128xf32, #tpu.memory_space<hbm>>
    %dma_start3A_535 = arith.constant 130 : i32
    %dma_start3A_536 = arith.constant 0 : i32
    %dma_start3A_537 = tpu.memref_slice %arg6[%dma_start3A_522, %dma_start3A_535, %dma_start3A_536] : memref<4x208x128xf32, #tpu.memory_space<vmem>> -> memref<1x26x128xf32, #tpu.memory_space<vmem>>
    %dma_start3A_538 = tpu.memref_squeeze %dma_start3A_537 : memref<1x26x128xf32, #tpu.memory_space<vmem>> -> memref<26x128xf32, #tpu.memory_space<vmem>>
    tpu.enqueue_dma source(%dma_start3A_538 : memref<26x128xf32, #tpu.memory_space<vmem>>) target(%dma_start3A_534 : memref<26x128xf32, #tpu.memory_space<hbm>>) target_semaphore(%arg13 : memref<!tpu.dma_semaphore, #tpu.memory_space<semaphore_mem>>)
    %add3A_539 = arith.constant 496 : i32
    %add3A_540 = arith.addi %mul3A_4, %add3A_539 : i32
    %add3A_541 = arith.constant 6 : i32
    %add3A_542 = arith.addi %add3A_540, %add3A_541 : i32
    %dma_start3A_543 = arith.constant 2 : i32
    %dma_start3A_544 = arith.constant 156 : i32
    %dma_start3A_545 = arith.constant 0 : i32
    %dma_start3A_546 = tpu.memref_slice %arg6[%dma_start3A_543, %dma_start3A_544, %dma_start3A_545] : memref<4x208x128xf32, #tpu.memory_space<vmem>> -> memref<1x26x128xf32, #tpu.memory_space<vmem>>
    %dma_start3A_547 = tpu.memref_squeeze %dma_start3A_546 : memref<1x26x128xf32, #tpu.memory_space<vmem>> -> memref<26x128xf32, #tpu.memory_space<vmem>>
    %dma_start3A_548 = arith.constant 0 : i32
    %dma_start3A_549 = arith.constant 0 : i32
    %dma_start3A_550 = tpu.memref_slice %arg4[%add3A_542, %dma_start3A_548, %dma_start3A_549] : memref<16384x26x128xf32, #tpu.memory_space<hbm>> -> memref<1x26x128xf32, #tpu.memory_space<hbm>>
    %dma_start3A_551 = tpu.memref_squeeze %dma_start3A_550 : memref<1x26x128xf32, #tpu.memory_space<hbm>> -> memref<26x128xf32, #tpu.memory_space<hbm>>
    %dma_start3A_552 = arith.constant 0 : i32
    %dma_start3A_553 = arith.constant 0 : i32
    %dma_start3A_554 = tpu.memref_slice %arg4[%add3A_542, %dma_start3A_552, %dma_start3A_553] : memref<16384x26x128xf32, #tpu.memory_space<hbm>> -> memref<1x26x128xf32, #tpu.memory_space<hbm>>
    %dma_start3A_555 = tpu.memref_squeeze %dma_start3A_554 : memref<1x26x128xf32, #tpu.memory_space<hbm>> -> memref<26x128xf32, #tpu.memory_space<hbm>>
    %dma_start3A_556 = arith.constant 156 : i32
    %dma_start3A_557 = arith.constant 0 : i32
    %dma_start3A_558 = tpu.memref_slice %arg6[%dma_start3A_543, %dma_start3A_556, %dma_start3A_557] : memref<4x208x128xf32, #tpu.memory_space<vmem>> -> memref<1x26x128xf32, #tpu.memory_space<vmem>>
    %dma_start3A_559 = tpu.memref_squeeze %dma_start3A_558 : memref<1x26x128xf32, #tpu.memory_space<vmem>> -> memref<26x128xf32, #tpu.memory_space<vmem>>
    tpu.enqueue_dma source(%dma_start3A_559 : memref<26x128xf32, #tpu.memory_space<vmem>>) target(%dma_start3A_555 : memref<26x128xf32, #tpu.memory_space<hbm>>) target_semaphore(%arg13 : memref<!tpu.dma_semaphore, #tpu.memory_space<semaphore_mem>>)
    %add3A_560 = arith.constant 496 : i32
    %add3A_561 = arith.addi %mul3A_4, %add3A_560 : i32
    %add3A_562 = arith.constant 7 : i32
    %add3A_563 = arith.addi %add3A_561, %add3A_562 : i32
    %dma_start3A_564 = arith.constant 2 : i32
    %dma_start3A_565 = arith.constant 182 : i32
    %dma_start3A_566 = arith.constant 0 : i32
    %dma_start3A_567 = tpu.memref_slice %arg6[%dma_start3A_564, %dma_start3A_565, %dma_start3A_566] : memref<4x208x128xf32, #tpu.memory_space<vmem>> -> memref<1x26x128xf32, #tpu.memory_space<vmem>>
    %dma_start3A_568 = tpu.memref_squeeze %dma_start3A_567 : memref<1x26x128xf32, #tpu.memory_space<vmem>> -> memref<26x128xf32, #tpu.memory_space<vmem>>
    %dma_start3A_569 = arith.constant 0 : i32
    %dma_start3A_570 = arith.constant 0 : i32
    %dma_start3A_571 = tpu.memref_slice %arg4[%add3A_563, %dma_start3A_569, %dma_start3A_570] : memref<16384x26x128xf32, #tpu.memory_space<hbm>> -> memref<1x26x128xf32, #tpu.memory_space<hbm>>
    %dma_start3A_572 = tpu.memref_squeeze %dma_start3A_571 : memref<1x26x128xf32, #tpu.memory_space<hbm>> -> memref<26x128xf32, #tpu.memory_space<hbm>>
    %dma_start3A_573 = arith.constant 0 : i32
    %dma_start3A_574 = arith.constant 0 : i32
    %dma_start3A_575 = tpu.memref_slice %arg4[%add3A_563, %dma_start3A_573, %dma_start3A_574] : memref<16384x26x128xf32, #tpu.memory_space<hbm>> -> memref<1x26x128xf32, #tpu.memory_space<hbm>>
    %dma_start3A_576 = tpu.memref_squeeze %dma_start3A_575 : memref<1x26x128xf32, #tpu.memory_space<hbm>> -> memref<26x128xf32, #tpu.memory_space<hbm>>
    %dma_start3A_577 = arith.constant 182 : i32
    %dma_start3A_578 = arith.constant 0 : i32
    %dma_start3A_579 = tpu.memref_slice %arg6[%dma_start3A_564, %dma_start3A_577, %dma_start3A_578] : memref<4x208x128xf32, #tpu.memory_space<vmem>> -> memref<1x26x128xf32, #tpu.memory_space<vmem>>
    %dma_start3A_580 = tpu.memref_squeeze %dma_start3A_579 : memref<1x26x128xf32, #tpu.memory_space<vmem>> -> memref<26x128xf32, #tpu.memory_space<vmem>>
    tpu.enqueue_dma source(%dma_start3A_580 : memref<26x128xf32, #tpu.memory_space<vmem>>) target(%dma_start3A_576 : memref<26x128xf32, #tpu.memory_space<hbm>>) target_semaphore(%arg13 : memref<!tpu.dma_semaphore, #tpu.memory_space<semaphore_mem>>)
    %dma_wait3A_581 = arith.constant 3 : i32
    %dma_wait3A_582 = arith.constant 0 : i32
    %dma_wait3A_583 = arith.constant 0 : i32
    %dma_wait3A_584 = tpu.memref_slice %arg6[%dma_wait3A_581, %dma_wait3A_582, %dma_wait3A_583] : memref<4x208x128xf32, #tpu.memory_space<vmem>> -> memref<1x208x128xf32, #tpu.memory_space<vmem>>
    %dma_wait3A_585 = tpu.memref_squeeze %dma_wait3A_584 : memref<1x208x128xf32, #tpu.memory_space<vmem>> -> memref<208x128xf32, #tpu.memory_space<vmem>>
    %dma_wait3A_586 = arith.constant 13104 : i32
    %dma_wait3A_587 = tpu.memref_slice %arg5[%dma_wait3A_586] : memref<13312xi32, #tpu.memory_space<vmem>> -> memref<208xi32, #tpu.memory_space<vmem>>
    %dma_wait3A_588 = arith.constant 0 : i32
    %dma_wait3A_589 = arith.constant 0 : i32
    %dma_wait3A_590 = tpu.memref_slice %arg2[%dma_wait3A_588, %dma_wait3A_589] : memref<100000x128xf32, #tpu.memory_space<hbm>> -> memref<100000x128xf32, #tpu.memory_space<hbm>>
    tpu.wait_indirect_dma semaphore(%arg10 : memref<!tpu.dma_semaphore, #tpu.memory_space<semaphore_mem>>) src(%dma_wait3A_590 : memref<100000x128xf32, #tpu.memory_space<hbm>>) dst(%dma_wait3A_585 : memref<208x128xf32, #tpu.memory_space<vmem>>)
    %add3A_591 = arith.constant 504 : i32
    %add3A_592 = arith.addi %mul3A_4, %add3A_591 : i32
    %add3A_593 = arith.constant 0 : i32
    %add3A_594 = arith.addi %add3A_592, %add3A_593 : i32
    %dma_start3A_595 = arith.constant 3 : i32
    %dma_start3A_596 = arith.constant 0 : i32
    %dma_start3A_597 = arith.constant 0 : i32
    %dma_start3A_598 = tpu.memref_slice %arg6[%dma_start3A_595, %dma_start3A_596, %dma_start3A_597] : memref<4x208x128xf32, #tpu.memory_space<vmem>> -> memref<1x26x128xf32, #tpu.memory_space<vmem>>
    %dma_start3A_599 = tpu.memref_squeeze %dma_start3A_598 : memref<1x26x128xf32, #tpu.memory_space<vmem>> -> memref<26x128xf32, #tpu.memory_space<vmem>>
    %dma_start3A_600 = arith.constant 0 : i32
    %dma_start3A_601 = arith.constant 0 : i32
    %dma_start3A_602 = tpu.memref_slice %arg4[%add3A_594, %dma_start3A_600, %dma_start3A_601] : memref<16384x26x128xf32, #tpu.memory_space<hbm>> -> memref<1x26x128xf32, #tpu.memory_space<hbm>>
    %dma_start3A_603 = tpu.memref_squeeze %dma_start3A_602 : memref<1x26x128xf32, #tpu.memory_space<hbm>> -> memref<26x128xf32, #tpu.memory_space<hbm>>
    %dma_start3A_604 = arith.constant 0 : i32
    %dma_start3A_605 = arith.constant 0 : i32
    %dma_start3A_606 = tpu.memref_slice %arg4[%add3A_594, %dma_start3A_604, %dma_start3A_605] : memref<16384x26x128xf32, #tpu.memory_space<hbm>> -> memref<1x26x128xf32, #tpu.memory_space<hbm>>
    %dma_start3A_607 = tpu.memref_squeeze %dma_start3A_606 : memref<1x26x128xf32, #tpu.memory_space<hbm>> -> memref<26x128xf32, #tpu.memory_space<hbm>>
    %dma_start3A_608 = arith.constant 0 : i32
    %dma_start3A_609 = arith.constant 0 : i32
    %dma_start3A_610 = tpu.memref_slice %arg6[%dma_start3A_595, %dma_start3A_608, %dma_start3A_609] : memref<4x208x128xf32, #tpu.memory_space<vmem>> -> memref<1x26x128xf32, #tpu.memory_space<vmem>>
    %dma_start3A_611 = tpu.memref_squeeze %dma_start3A_610 : memref<1x26x128xf32, #tpu.memory_space<vmem>> -> memref<26x128xf32, #tpu.memory_space<vmem>>
    tpu.enqueue_dma source(%dma_start3A_611 : memref<26x128xf32, #tpu.memory_space<vmem>>) target(%dma_start3A_607 : memref<26x128xf32, #tpu.memory_space<hbm>>) target_semaphore(%arg14 : memref<!tpu.dma_semaphore, #tpu.memory_space<semaphore_mem>>)
    %add3A_612 = arith.constant 504 : i32
    %add3A_613 = arith.addi %mul3A_4, %add3A_612 : i32
    %add3A_614 = arith.constant 1 : i32
    %add3A_615 = arith.addi %add3A_613, %add3A_614 : i32
    %dma_start3A_616 = arith.constant 3 : i32
    %dma_start3A_617 = arith.constant 26 : i32
    %dma_start3A_618 = arith.constant 0 : i32
    %dma_start3A_619 = tpu.memref_slice %arg6[%dma_start3A_616, %dma_start3A_617, %dma_start3A_618] : memref<4x208x128xf32, #tpu.memory_space<vmem>> -> memref<1x26x128xf32, #tpu.memory_space<vmem>>
    %dma_start3A_620 = tpu.memref_squeeze %dma_start3A_619 : memref<1x26x128xf32, #tpu.memory_space<vmem>> -> memref<26x128xf32, #tpu.memory_space<vmem>>
    %dma_start3A_621 = arith.constant 0 : i32
    %dma_start3A_622 = arith.constant 0 : i32
    %dma_start3A_623 = tpu.memref_slice %arg4[%add3A_615, %dma_start3A_621, %dma_start3A_622] : memref<16384x26x128xf32, #tpu.memory_space<hbm>> -> memref<1x26x128xf32, #tpu.memory_space<hbm>>
    %dma_start3A_624 = tpu.memref_squeeze %dma_start3A_623 : memref<1x26x128xf32, #tpu.memory_space<hbm>> -> memref<26x128xf32, #tpu.memory_space<hbm>>
    %dma_start3A_625 = arith.constant 0 : i32
    %dma_start3A_626 = arith.constant 0 : i32
    %dma_start3A_627 = tpu.memref_slice %arg4[%add3A_615, %dma_start3A_625, %dma_start3A_626] : memref<16384x26x128xf32, #tpu.memory_space<hbm>> -> memref<1x26x128xf32, #tpu.memory_space<hbm>>
    %dma_start3A_628 = tpu.memref_squeeze %dma_start3A_627 : memref<1x26x128xf32, #tpu.memory_space<hbm>> -> memref<26x128xf32, #tpu.memory_space<hbm>>
    %dma_start3A_629 = arith.constant 26 : i32
    %dma_start3A_630 = arith.constant 0 : i32
    %dma_start3A_631 = tpu.memref_slice %arg6[%dma_start3A_616, %dma_start3A_629, %dma_start3A_630] : memref<4x208x128xf32, #tpu.memory_space<vmem>> -> memref<1x26x128xf32, #tpu.memory_space<vmem>>
    %dma_start3A_632 = tpu.memref_squeeze %dma_start3A_631 : memref<1x26x128xf32, #tpu.memory_space<vmem>> -> memref<26x128xf32, #tpu.memory_space<vmem>>
    tpu.enqueue_dma source(%dma_start3A_632 : memref<26x128xf32, #tpu.memory_space<vmem>>) target(%dma_start3A_628 : memref<26x128xf32, #tpu.memory_space<hbm>>) target_semaphore(%arg14 : memref<!tpu.dma_semaphore, #tpu.memory_space<semaphore_mem>>)
    %add3A_633 = arith.constant 504 : i32
    %add3A_634 = arith.addi %mul3A_4, %add3A_633 : i32
    %add3A_635 = arith.constant 2 : i32
    %add3A_636 = arith.addi %add3A_634, %add3A_635 : i32
    %dma_start3A_637 = arith.constant 3 : i32
    %dma_start3A_638 = arith.constant 52 : i32
    %dma_start3A_639 = arith.constant 0 : i32
    %dma_start3A_640 = tpu.memref_slice %arg6[%dma_start3A_637, %dma_start3A_638, %dma_start3A_639] : memref<4x208x128xf32, #tpu.memory_space<vmem>> -> memref<1x26x128xf32, #tpu.memory_space<vmem>>
    %dma_start3A_641 = tpu.memref_squeeze %dma_start3A_640 : memref<1x26x128xf32, #tpu.memory_space<vmem>> -> memref<26x128xf32, #tpu.memory_space<vmem>>
    %dma_start3A_642 = arith.constant 0 : i32
    %dma_start3A_643 = arith.constant 0 : i32
    %dma_start3A_644 = tpu.memref_slice %arg4[%add3A_636, %dma_start3A_642, %dma_start3A_643] : memref<16384x26x128xf32, #tpu.memory_space<hbm>> -> memref<1x26x128xf32, #tpu.memory_space<hbm>>
    %dma_start3A_645 = tpu.memref_squeeze %dma_start3A_644 : memref<1x26x128xf32, #tpu.memory_space<hbm>> -> memref<26x128xf32, #tpu.memory_space<hbm>>
    %dma_start3A_646 = arith.constant 0 : i32
    %dma_start3A_647 = arith.constant 0 : i32
    %dma_start3A_648 = tpu.memref_slice %arg4[%add3A_636, %dma_start3A_646, %dma_start3A_647] : memref<16384x26x128xf32, #tpu.memory_space<hbm>> -> memref<1x26x128xf32, #tpu.memory_space<hbm>>
    %dma_start3A_649 = tpu.memref_squeeze %dma_start3A_648 : memref<1x26x128xf32, #tpu.memory_space<hbm>> -> memref<26x128xf32, #tpu.memory_space<hbm>>
    %dma_start3A_650 = arith.constant 52 : i32
    %dma_start3A_651 = arith.constant 0 : i32
    %dma_start3A_652 = tpu.memref_slice %arg6[%dma_start3A_637, %dma_start3A_650, %dma_start3A_651] : memref<4x208x128xf32, #tpu.memory_space<vmem>> -> memref<1x26x128xf32, #tpu.memory_space<vmem>>
    %dma_start3A_653 = tpu.memref_squeeze %dma_start3A_652 : memref<1x26x128xf32, #tpu.memory_space<vmem>> -> memref<26x128xf32, #tpu.memory_space<vmem>>
    tpu.enqueue_dma source(%dma_start3A_653 : memref<26x128xf32, #tpu.memory_space<vmem>>) target(%dma_start3A_649 : memref<26x128xf32, #tpu.memory_space<hbm>>) target_semaphore(%arg14 : memref<!tpu.dma_semaphore, #tpu.memory_space<semaphore_mem>>)
    %add3A_654 = arith.constant 504 : i32
    %add3A_655 = arith.addi %mul3A_4, %add3A_654 : i32
    %add3A_656 = arith.constant 3 : i32
    %add3A_657 = arith.addi %add3A_655, %add3A_656 : i32
    %dma_start3A_658 = arith.constant 3 : i32
    %dma_start3A_659 = arith.constant 78 : i32
    %dma_start3A_660 = arith.constant 0 : i32
    %dma_start3A_661 = tpu.memref_slice %arg6[%dma_start3A_658, %dma_start3A_659, %dma_start3A_660] : memref<4x208x128xf32, #tpu.memory_space<vmem>> -> memref<1x26x128xf32, #tpu.memory_space<vmem>>
    %dma_start3A_662 = tpu.memref_squeeze %dma_start3A_661 : memref<1x26x128xf32, #tpu.memory_space<vmem>> -> memref<26x128xf32, #tpu.memory_space<vmem>>
    %dma_start3A_663 = arith.constant 0 : i32
    %dma_start3A_664 = arith.constant 0 : i32
    %dma_start3A_665 = tpu.memref_slice %arg4[%add3A_657, %dma_start3A_663, %dma_start3A_664] : memref<16384x26x128xf32, #tpu.memory_space<hbm>> -> memref<1x26x128xf32, #tpu.memory_space<hbm>>
    %dma_start3A_666 = tpu.memref_squeeze %dma_start3A_665 : memref<1x26x128xf32, #tpu.memory_space<hbm>> -> memref<26x128xf32, #tpu.memory_space<hbm>>
    %dma_start3A_667 = arith.constant 0 : i32
    %dma_start3A_668 = arith.constant 0 : i32
    %dma_start3A_669 = tpu.memref_slice %arg4[%add3A_657, %dma_start3A_667, %dma_start3A_668] : memref<16384x26x128xf32, #tpu.memory_space<hbm>> -> memref<1x26x128xf32, #tpu.memory_space<hbm>>
    %dma_start3A_670 = tpu.memref_squeeze %dma_start3A_669 : memref<1x26x128xf32, #tpu.memory_space<hbm>> -> memref<26x128xf32, #tpu.memory_space<hbm>>
    %dma_start3A_671 = arith.constant 78 : i32
    %dma_start3A_672 = arith.constant 0 : i32
    %dma_start3A_673 = tpu.memref_slice %arg6[%dma_start3A_658, %dma_start3A_671, %dma_start3A_672] : memref<4x208x128xf32, #tpu.memory_space<vmem>> -> memref<1x26x128xf32, #tpu.memory_space<vmem>>
    %dma_start3A_674 = tpu.memref_squeeze %dma_start3A_673 : memref<1x26x128xf32, #tpu.memory_space<vmem>> -> memref<26x128xf32, #tpu.memory_space<vmem>>
    tpu.enqueue_dma source(%dma_start3A_674 : memref<26x128xf32, #tpu.memory_space<vmem>>) target(%dma_start3A_670 : memref<26x128xf32, #tpu.memory_space<hbm>>) target_semaphore(%arg14 : memref<!tpu.dma_semaphore, #tpu.memory_space<semaphore_mem>>)
    %add3A_675 = arith.constant 504 : i32
    %add3A_676 = arith.addi %mul3A_4, %add3A_675 : i32
    %add3A_677 = arith.constant 4 : i32
    %add3A_678 = arith.addi %add3A_676, %add3A_677 : i32
    %dma_start3A_679 = arith.constant 3 : i32
    %dma_start3A_680 = arith.constant 104 : i32
    %dma_start3A_681 = arith.constant 0 : i32
    %dma_start3A_682 = tpu.memref_slice %arg6[%dma_start3A_679, %dma_start3A_680, %dma_start3A_681] : memref<4x208x128xf32, #tpu.memory_space<vmem>> -> memref<1x26x128xf32, #tpu.memory_space<vmem>>
    %dma_start3A_683 = tpu.memref_squeeze %dma_start3A_682 : memref<1x26x128xf32, #tpu.memory_space<vmem>> -> memref<26x128xf32, #tpu.memory_space<vmem>>
    %dma_start3A_684 = arith.constant 0 : i32
    %dma_start3A_685 = arith.constant 0 : i32
    %dma_start3A_686 = tpu.memref_slice %arg4[%add3A_678, %dma_start3A_684, %dma_start3A_685] : memref<16384x26x128xf32, #tpu.memory_space<hbm>> -> memref<1x26x128xf32, #tpu.memory_space<hbm>>
    %dma_start3A_687 = tpu.memref_squeeze %dma_start3A_686 : memref<1x26x128xf32, #tpu.memory_space<hbm>> -> memref<26x128xf32, #tpu.memory_space<hbm>>
    %dma_start3A_688 = arith.constant 0 : i32
    %dma_start3A_689 = arith.constant 0 : i32
    %dma_start3A_690 = tpu.memref_slice %arg4[%add3A_678, %dma_start3A_688, %dma_start3A_689] : memref<16384x26x128xf32, #tpu.memory_space<hbm>> -> memref<1x26x128xf32, #tpu.memory_space<hbm>>
    %dma_start3A_691 = tpu.memref_squeeze %dma_start3A_690 : memref<1x26x128xf32, #tpu.memory_space<hbm>> -> memref<26x128xf32, #tpu.memory_space<hbm>>
    %dma_start3A_692 = arith.constant 104 : i32
    %dma_start3A_693 = arith.constant 0 : i32
    %dma_start3A_694 = tpu.memref_slice %arg6[%dma_start3A_679, %dma_start3A_692, %dma_start3A_693] : memref<4x208x128xf32, #tpu.memory_space<vmem>> -> memref<1x26x128xf32, #tpu.memory_space<vmem>>
    %dma_start3A_695 = tpu.memref_squeeze %dma_start3A_694 : memref<1x26x128xf32, #tpu.memory_space<vmem>> -> memref<26x128xf32, #tpu.memory_space<vmem>>
    tpu.enqueue_dma source(%dma_start3A_695 : memref<26x128xf32, #tpu.memory_space<vmem>>) target(%dma_start3A_691 : memref<26x128xf32, #tpu.memory_space<hbm>>) target_semaphore(%arg14 : memref<!tpu.dma_semaphore, #tpu.memory_space<semaphore_mem>>)
    %add3A_696 = arith.constant 504 : i32
    %add3A_697 = arith.addi %mul3A_4, %add3A_696 : i32
    %add3A_698 = arith.constant 5 : i32
    %add3A_699 = arith.addi %add3A_697, %add3A_698 : i32
    %dma_start3A_700 = arith.constant 3 : i32
    %dma_start3A_701 = arith.constant 130 : i32
    %dma_start3A_702 = arith.constant 0 : i32
    %dma_start3A_703 = tpu.memref_slice %arg6[%dma_start3A_700, %dma_start3A_701, %dma_start3A_702] : memref<4x208x128xf32, #tpu.memory_space<vmem>> -> memref<1x26x128xf32, #tpu.memory_space<vmem>>
    %dma_start3A_704 = tpu.memref_squeeze %dma_start3A_703 : memref<1x26x128xf32, #tpu.memory_space<vmem>> -> memref<26x128xf32, #tpu.memory_space<vmem>>
    %dma_start3A_705 = arith.constant 0 : i32
    %dma_start3A_706 = arith.constant 0 : i32
    %dma_start3A_707 = tpu.memref_slice %arg4[%add3A_699, %dma_start3A_705, %dma_start3A_706] : memref<16384x26x128xf32, #tpu.memory_space<hbm>> -> memref<1x26x128xf32, #tpu.memory_space<hbm>>
    %dma_start3A_708 = tpu.memref_squeeze %dma_start3A_707 : memref<1x26x128xf32, #tpu.memory_space<hbm>> -> memref<26x128xf32, #tpu.memory_space<hbm>>
    %dma_start3A_709 = arith.constant 0 : i32
    %dma_start3A_710 = arith.constant 0 : i32
    %dma_start3A_711 = tpu.memref_slice %arg4[%add3A_699, %dma_start3A_709, %dma_start3A_710] : memref<16384x26x128xf32, #tpu.memory_space<hbm>> -> memref<1x26x128xf32, #tpu.memory_space<hbm>>
    %dma_start3A_712 = tpu.memref_squeeze %dma_start3A_711 : memref<1x26x128xf32, #tpu.memory_space<hbm>> -> memref<26x128xf32, #tpu.memory_space<hbm>>
    %dma_start3A_713 = arith.constant 130 : i32
    %dma_start3A_714 = arith.constant 0 : i32
    %dma_start3A_715 = tpu.memref_slice %arg6[%dma_start3A_700, %dma_start3A_713, %dma_start3A_714] : memref<4x208x128xf32, #tpu.memory_space<vmem>> -> memref<1x26x128xf32, #tpu.memory_space<vmem>>
    %dma_start3A_716 = tpu.memref_squeeze %dma_start3A_715 : memref<1x26x128xf32, #tpu.memory_space<vmem>> -> memref<26x128xf32, #tpu.memory_space<vmem>>
    tpu.enqueue_dma source(%dma_start3A_716 : memref<26x128xf32, #tpu.memory_space<vmem>>) target(%dma_start3A_712 : memref<26x128xf32, #tpu.memory_space<hbm>>) target_semaphore(%arg14 : memref<!tpu.dma_semaphore, #tpu.memory_space<semaphore_mem>>)
    %add3A_717 = arith.constant 504 : i32
    %add3A_718 = arith.addi %mul3A_4, %add3A_717 : i32
    %add3A_719 = arith.constant 6 : i32
    %add3A_720 = arith.addi %add3A_718, %add3A_719 : i32
    %dma_start3A_721 = arith.constant 3 : i32
    %dma_start3A_722 = arith.constant 156 : i32
    %dma_start3A_723 = arith.constant 0 : i32
    %dma_start3A_724 = tpu.memref_slice %arg6[%dma_start3A_721, %dma_start3A_722, %dma_start3A_723] : memref<4x208x128xf32, #tpu.memory_space<vmem>> -> memref<1x26x128xf32, #tpu.memory_space<vmem>>
    %dma_start3A_725 = tpu.memref_squeeze %dma_start3A_724 : memref<1x26x128xf32, #tpu.memory_space<vmem>> -> memref<26x128xf32, #tpu.memory_space<vmem>>
    %dma_start3A_726 = arith.constant 0 : i32
    %dma_start3A_727 = arith.constant 0 : i32
    %dma_start3A_728 = tpu.memref_slice %arg4[%add3A_720, %dma_start3A_726, %dma_start3A_727] : memref<16384x26x128xf32, #tpu.memory_space<hbm>> -> memref<1x26x128xf32, #tpu.memory_space<hbm>>
    %dma_start3A_729 = tpu.memref_squeeze %dma_start3A_728 : memref<1x26x128xf32, #tpu.memory_space<hbm>> -> memref<26x128xf32, #tpu.memory_space<hbm>>
    %dma_start3A_730 = arith.constant 0 : i32
    %dma_start3A_731 = arith.constant 0 : i32
    %dma_start3A_732 = tpu.memref_slice %arg4[%add3A_720, %dma_start3A_730, %dma_start3A_731] : memref<16384x26x128xf32, #tpu.memory_space<hbm>> -> memref<1x26x128xf32, #tpu.memory_space<hbm>>
    %dma_start3A_733 = tpu.memref_squeeze %dma_start3A_732 : memref<1x26x128xf32, #tpu.memory_space<hbm>> -> memref<26x128xf32, #tpu.memory_space<hbm>>
    %dma_start3A_734 = arith.constant 156 : i32
    %dma_start3A_735 = arith.constant 0 : i32
    %dma_start3A_736 = tpu.memref_slice %arg6[%dma_start3A_721, %dma_start3A_734, %dma_start3A_735] : memref<4x208x128xf32, #tpu.memory_space<vmem>> -> memref<1x26x128xf32, #tpu.memory_space<vmem>>
    %dma_start3A_737 = tpu.memref_squeeze %dma_start3A_736 : memref<1x26x128xf32, #tpu.memory_space<vmem>> -> memref<26x128xf32, #tpu.memory_space<vmem>>
    tpu.enqueue_dma source(%dma_start3A_737 : memref<26x128xf32, #tpu.memory_space<vmem>>) target(%dma_start3A_733 : memref<26x128xf32, #tpu.memory_space<hbm>>) target_semaphore(%arg14 : memref<!tpu.dma_semaphore, #tpu.memory_space<semaphore_mem>>)
    %add3A_738 = arith.constant 504 : i32
    %add3A_739 = arith.addi %mul3A_4, %add3A_738 : i32
    %add3A_740 = arith.constant 7 : i32
    %add3A_741 = arith.addi %add3A_739, %add3A_740 : i32
    %dma_start3A_742 = arith.constant 3 : i32
    %dma_start3A_743 = arith.constant 182 : i32
    %dma_start3A_744 = arith.constant 0 : i32
    %dma_start3A_745 = tpu.memref_slice %arg6[%dma_start3A_742, %dma_start3A_743, %dma_start3A_744] : memref<4x208x128xf32, #tpu.memory_space<vmem>> -> memref<1x26x128xf32, #tpu.memory_space<vmem>>
    %dma_start3A_746 = tpu.memref_squeeze %dma_start3A_745 : memref<1x26x128xf32, #tpu.memory_space<vmem>> -> memref<26x128xf32, #tpu.memory_space<vmem>>
    %dma_start3A_747 = arith.constant 0 : i32
    %dma_start3A_748 = arith.constant 0 : i32
    %dma_start3A_749 = tpu.memref_slice %arg4[%add3A_741, %dma_start3A_747, %dma_start3A_748] : memref<16384x26x128xf32, #tpu.memory_space<hbm>> -> memref<1x26x128xf32, #tpu.memory_space<hbm>>
    %dma_start3A_750 = tpu.memref_squeeze %dma_start3A_749 : memref<1x26x128xf32, #tpu.memory_space<hbm>> -> memref<26x128xf32, #tpu.memory_space<hbm>>
    %dma_start3A_751 = arith.constant 0 : i32
    %dma_start3A_752 = arith.constant 0 : i32
    %dma_start3A_753 = tpu.memref_slice %arg4[%add3A_741, %dma_start3A_751, %dma_start3A_752] : memref<16384x26x128xf32, #tpu.memory_space<hbm>> -> memref<1x26x128xf32, #tpu.memory_space<hbm>>
    %dma_start3A_754 = tpu.memref_squeeze %dma_start3A_753 : memref<1x26x128xf32, #tpu.memory_space<hbm>> -> memref<26x128xf32, #tpu.memory_space<hbm>>
    %dma_start3A_755 = arith.constant 182 : i32
    %dma_start3A_756 = arith.constant 0 : i32
    %dma_start3A_757 = tpu.memref_slice %arg6[%dma_start3A_742, %dma_start3A_755, %dma_start3A_756] : memref<4x208x128xf32, #tpu.memory_space<vmem>> -> memref<1x26x128xf32, #tpu.memory_space<vmem>>
    %dma_start3A_758 = tpu.memref_squeeze %dma_start3A_757 : memref<1x26x128xf32, #tpu.memory_space<vmem>> -> memref<26x128xf32, #tpu.memory_space<vmem>>
    tpu.enqueue_dma source(%dma_start3A_758 : memref<26x128xf32, #tpu.memory_space<vmem>>) target(%dma_start3A_754 : memref<26x128xf32, #tpu.memory_space<hbm>>) target_semaphore(%arg14 : memref<!tpu.dma_semaphore, #tpu.memory_space<semaphore_mem>>)
    %add3A_759 = arith.constant 480 : i32
    %add3A_760 = arith.addi %mul3A_4, %add3A_759 : i32
    %add3A_761 = arith.constant 0 : i32
    %add3A_762 = arith.addi %add3A_760, %add3A_761 : i32
    %dma_wait3A_763 = arith.constant 0 : i32
    %dma_wait3A_764 = arith.constant 0 : i32
    %dma_wait3A_765 = arith.constant 0 : i32
    %dma_wait3A_766 = tpu.memref_slice %arg6[%dma_wait3A_763, %dma_wait3A_764, %dma_wait3A_765] : memref<4x208x128xf32, #tpu.memory_space<vmem>> -> memref<1x26x128xf32, #tpu.memory_space<vmem>>
    %dma_wait3A_767 = tpu.memref_squeeze %dma_wait3A_766 : memref<1x26x128xf32, #tpu.memory_space<vmem>> -> memref<26x128xf32, #tpu.memory_space<vmem>>
    %dma_wait3A_768 = arith.constant 0 : i32
    %dma_wait3A_769 = arith.constant 0 : i32
    %dma_wait3A_770 = tpu.memref_slice %arg4[%add3A_762, %dma_wait3A_768, %dma_wait3A_769] : memref<16384x26x128xf32, #tpu.memory_space<hbm>> -> memref<1x26x128xf32, #tpu.memory_space<hbm>>
    %dma_wait3A_771 = tpu.memref_squeeze %dma_wait3A_770 : memref<1x26x128xf32, #tpu.memory_space<hbm>> -> memref<26x128xf32, #tpu.memory_space<hbm>>
    %dma_wait3A_772 = arith.constant 0 : i32
    %dma_wait3A_773 = arith.constant 0 : i32
    %dma_wait3A_774 = tpu.memref_slice %arg4[%add3A_762, %dma_wait3A_772, %dma_wait3A_773] : memref<16384x26x128xf32, #tpu.memory_space<hbm>> -> memref<1x26x128xf32, #tpu.memory_space<hbm>>
    %dma_wait3A_775 = tpu.memref_squeeze %dma_wait3A_774 : memref<1x26x128xf32, #tpu.memory_space<hbm>> -> memref<26x128xf32, #tpu.memory_space<hbm>>
    %dma_wait3A_776 = arith.constant 0 : i32
    %dma_wait3A_777 = arith.constant 0 : i32
    %dma_wait3A_778 = tpu.memref_slice %arg6[%dma_wait3A_763, %dma_wait3A_776, %dma_wait3A_777] : memref<4x208x128xf32, #tpu.memory_space<vmem>> -> memref<1x26x128xf32, #tpu.memory_space<vmem>>
    %dma_wait3A_779 = tpu.memref_squeeze %dma_wait3A_778 : memref<1x26x128xf32, #tpu.memory_space<vmem>> -> memref<26x128xf32, #tpu.memory_space<vmem>>
    tpu.wait_dma2 semaphore(%arg11 : memref<!tpu.dma_semaphore, #tpu.memory_space<semaphore_mem>>) src(%dma_wait3A_779 : memref<26x128xf32, #tpu.memory_space<vmem>>) dst(%dma_wait3A_775 : memref<26x128xf32, #tpu.memory_space<hbm>>)
    %add3A_780 = arith.constant 480 : i32
    %add3A_781 = arith.addi %mul3A_4, %add3A_780 : i32
    %add3A_782 = arith.constant 1 : i32
    %add3A_783 = arith.addi %add3A_781, %add3A_782 : i32
    %dma_wait3A_784 = arith.constant 0 : i32
    %dma_wait3A_785 = arith.constant 26 : i32
    %dma_wait3A_786 = arith.constant 0 : i32
    %dma_wait3A_787 = tpu.memref_slice %arg6[%dma_wait3A_784, %dma_wait3A_785, %dma_wait3A_786] : memref<4x208x128xf32, #tpu.memory_space<vmem>> -> memref<1x26x128xf32, #tpu.memory_space<vmem>>
    %dma_wait3A_788 = tpu.memref_squeeze %dma_wait3A_787 : memref<1x26x128xf32, #tpu.memory_space<vmem>> -> memref<26x128xf32, #tpu.memory_space<vmem>>
    %dma_wait3A_789 = arith.constant 0 : i32
    %dma_wait3A_790 = arith.constant 0 : i32
    %dma_wait3A_791 = tpu.memref_slice %arg4[%add3A_783, %dma_wait3A_789, %dma_wait3A_790] : memref<16384x26x128xf32, #tpu.memory_space<hbm>> -> memref<1x26x128xf32, #tpu.memory_space<hbm>>
    %dma_wait3A_792 = tpu.memref_squeeze %dma_wait3A_791 : memref<1x26x128xf32, #tpu.memory_space<hbm>> -> memref<26x128xf32, #tpu.memory_space<hbm>>
    %dma_wait3A_793 = arith.constant 0 : i32
    %dma_wait3A_794 = arith.constant 0 : i32
    %dma_wait3A_795 = tpu.memref_slice %arg4[%add3A_783, %dma_wait3A_793, %dma_wait3A_794] : memref<16384x26x128xf32, #tpu.memory_space<hbm>> -> memref<1x26x128xf32, #tpu.memory_space<hbm>>
    %dma_wait3A_796 = tpu.memref_squeeze %dma_wait3A_795 : memref<1x26x128xf32, #tpu.memory_space<hbm>> -> memref<26x128xf32, #tpu.memory_space<hbm>>
    %dma_wait3A_797 = arith.constant 26 : i32
    %dma_wait3A_798 = arith.constant 0 : i32
    %dma_wait3A_799 = tpu.memref_slice %arg6[%dma_wait3A_784, %dma_wait3A_797, %dma_wait3A_798] : memref<4x208x128xf32, #tpu.memory_space<vmem>> -> memref<1x26x128xf32, #tpu.memory_space<vmem>>
    %dma_wait3A_800 = tpu.memref_squeeze %dma_wait3A_799 : memref<1x26x128xf32, #tpu.memory_space<vmem>> -> memref<26x128xf32, #tpu.memory_space<vmem>>
    tpu.wait_dma2 semaphore(%arg11 : memref<!tpu.dma_semaphore, #tpu.memory_space<semaphore_mem>>) src(%dma_wait3A_800 : memref<26x128xf32, #tpu.memory_space<vmem>>) dst(%dma_wait3A_796 : memref<26x128xf32, #tpu.memory_space<hbm>>)
    %add3A_801 = arith.constant 480 : i32
    %add3A_802 = arith.addi %mul3A_4, %add3A_801 : i32
    %add3A_803 = arith.constant 2 : i32
    %add3A_804 = arith.addi %add3A_802, %add3A_803 : i32
    %dma_wait3A_805 = arith.constant 0 : i32
    %dma_wait3A_806 = arith.constant 52 : i32
    %dma_wait3A_807 = arith.constant 0 : i32
    %dma_wait3A_808 = tpu.memref_slice %arg6[%dma_wait3A_805, %dma_wait3A_806, %dma_wait3A_807] : memref<4x208x128xf32, #tpu.memory_space<vmem>> -> memref<1x26x128xf32, #tpu.memory_space<vmem>>
    %dma_wait3A_809 = tpu.memref_squeeze %dma_wait3A_808 : memref<1x26x128xf32, #tpu.memory_space<vmem>> -> memref<26x128xf32, #tpu.memory_space<vmem>>
    %dma_wait3A_810 = arith.constant 0 : i32
    %dma_wait3A_811 = arith.constant 0 : i32
    %dma_wait3A_812 = tpu.memref_slice %arg4[%add3A_804, %dma_wait3A_810, %dma_wait3A_811] : memref<16384x26x128xf32, #tpu.memory_space<hbm>> -> memref<1x26x128xf32, #tpu.memory_space<hbm>>
    %dma_wait3A_813 = tpu.memref_squeeze %dma_wait3A_812 : memref<1x26x128xf32, #tpu.memory_space<hbm>> -> memref<26x128xf32, #tpu.memory_space<hbm>>
    %dma_wait3A_814 = arith.constant 0 : i32
    %dma_wait3A_815 = arith.constant 0 : i32
    %dma_wait3A_816 = tpu.memref_slice %arg4[%add3A_804, %dma_wait3A_814, %dma_wait3A_815] : memref<16384x26x128xf32, #tpu.memory_space<hbm>> -> memref<1x26x128xf32, #tpu.memory_space<hbm>>
    %dma_wait3A_817 = tpu.memref_squeeze %dma_wait3A_816 : memref<1x26x128xf32, #tpu.memory_space<hbm>> -> memref<26x128xf32, #tpu.memory_space<hbm>>
    %dma_wait3A_818 = arith.constant 52 : i32
    %dma_wait3A_819 = arith.constant 0 : i32
    %dma_wait3A_820 = tpu.memref_slice %arg6[%dma_wait3A_805, %dma_wait3A_818, %dma_wait3A_819] : memref<4x208x128xf32, #tpu.memory_space<vmem>> -> memref<1x26x128xf32, #tpu.memory_space<vmem>>
    %dma_wait3A_821 = tpu.memref_squeeze %dma_wait3A_820 : memref<1x26x128xf32, #tpu.memory_space<vmem>> -> memref<26x128xf32, #tpu.memory_space<vmem>>
    tpu.wait_dma2 semaphore(%arg11 : memref<!tpu.dma_semaphore, #tpu.memory_space<semaphore_mem>>) src(%dma_wait3A_821 : memref<26x128xf32, #tpu.memory_space<vmem>>) dst(%dma_wait3A_817 : memref<26x128xf32, #tpu.memory_space<hbm>>)
    %add3A_822 = arith.constant 480 : i32
    %add3A_823 = arith.addi %mul3A_4, %add3A_822 : i32
    %add3A_824 = arith.constant 3 : i32
    %add3A_825 = arith.addi %add3A_823, %add3A_824 : i32
    %dma_wait3A_826 = arith.constant 0 : i32
    %dma_wait3A_827 = arith.constant 78 : i32
    %dma_wait3A_828 = arith.constant 0 : i32
    %dma_wait3A_829 = tpu.memref_slice %arg6[%dma_wait3A_826, %dma_wait3A_827, %dma_wait3A_828] : memref<4x208x128xf32, #tpu.memory_space<vmem>> -> memref<1x26x128xf32, #tpu.memory_space<vmem>>
    %dma_wait3A_830 = tpu.memref_squeeze %dma_wait3A_829 : memref<1x26x128xf32, #tpu.memory_space<vmem>> -> memref<26x128xf32, #tpu.memory_space<vmem>>
    %dma_wait3A_831 = arith.constant 0 : i32
    %dma_wait3A_832 = arith.constant 0 : i32
    %dma_wait3A_833 = tpu.memref_slice %arg4[%add3A_825, %dma_wait3A_831, %dma_wait3A_832] : memref<16384x26x128xf32, #tpu.memory_space<hbm>> -> memref<1x26x128xf32, #tpu.memory_space<hbm>>
    %dma_wait3A_834 = tpu.memref_squeeze %dma_wait3A_833 : memref<1x26x128xf32, #tpu.memory_space<hbm>> -> memref<26x128xf32, #tpu.memory_space<hbm>>
    %dma_wait3A_835 = arith.constant 0 : i32
    %dma_wait3A_836 = arith.constant 0 : i32
    %dma_wait3A_837 = tpu.memref_slice %arg4[%add3A_825, %dma_wait3A_835, %dma_wait3A_836] : memref<16384x26x128xf32, #tpu.memory_space<hbm>> -> memref<1x26x128xf32, #tpu.memory_space<hbm>>
    %dma_wait3A_838 = tpu.memref_squeeze %dma_wait3A_837 : memref<1x26x128xf32, #tpu.memory_space<hbm>> -> memref<26x128xf32, #tpu.memory_space<hbm>>
    %dma_wait3A_839 = arith.constant 78 : i32
    %dma_wait3A_840 = arith.constant 0 : i32
    %dma_wait3A_841 = tpu.memref_slice %arg6[%dma_wait3A_826, %dma_wait3A_839, %dma_wait3A_840] : memref<4x208x128xf32, #tpu.memory_space<vmem>> -> memref<1x26x128xf32, #tpu.memory_space<vmem>>
    %dma_wait3A_842 = tpu.memref_squeeze %dma_wait3A_841 : memref<1x26x128xf32, #tpu.memory_space<vmem>> -> memref<26x128xf32, #tpu.memory_space<vmem>>
    tpu.wait_dma2 semaphore(%arg11 : memref<!tpu.dma_semaphore, #tpu.memory_space<semaphore_mem>>) src(%dma_wait3A_842 : memref<26x128xf32, #tpu.memory_space<vmem>>) dst(%dma_wait3A_838 : memref<26x128xf32, #tpu.memory_space<hbm>>)
    %add3A_843 = arith.constant 480 : i32
    %add3A_844 = arith.addi %mul3A_4, %add3A_843 : i32
    %add3A_845 = arith.constant 4 : i32
    %add3A_846 = arith.addi %add3A_844, %add3A_845 : i32
    %dma_wait3A_847 = arith.constant 0 : i32
    %dma_wait3A_848 = arith.constant 104 : i32
    %dma_wait3A_849 = arith.constant 0 : i32
    %dma_wait3A_850 = tpu.memref_slice %arg6[%dma_wait3A_847, %dma_wait3A_848, %dma_wait3A_849] : memref<4x208x128xf32, #tpu.memory_space<vmem>> -> memref<1x26x128xf32, #tpu.memory_space<vmem>>
    %dma_wait3A_851 = tpu.memref_squeeze %dma_wait3A_850 : memref<1x26x128xf32, #tpu.memory_space<vmem>> -> memref<26x128xf32, #tpu.memory_space<vmem>>
    %dma_wait3A_852 = arith.constant 0 : i32
    %dma_wait3A_853 = arith.constant 0 : i32
    %dma_wait3A_854 = tpu.memref_slice %arg4[%add3A_846, %dma_wait3A_852, %dma_wait3A_853] : memref<16384x26x128xf32, #tpu.memory_space<hbm>> -> memref<1x26x128xf32, #tpu.memory_space<hbm>>
    %dma_wait3A_855 = tpu.memref_squeeze %dma_wait3A_854 : memref<1x26x128xf32, #tpu.memory_space<hbm>> -> memref<26x128xf32, #tpu.memory_space<hbm>>
    %dma_wait3A_856 = arith.constant 0 : i32
    %dma_wait3A_857 = arith.constant 0 : i32
    %dma_wait3A_858 = tpu.memref_slice %arg4[%add3A_846, %dma_wait3A_856, %dma_wait3A_857] : memref<16384x26x128xf32, #tpu.memory_space<hbm>> -> memref<1x26x128xf32, #tpu.memory_space<hbm>>
    %dma_wait3A_859 = tpu.memref_squeeze %dma_wait3A_858 : memref<1x26x128xf32, #tpu.memory_space<hbm>> -> memref<26x128xf32, #tpu.memory_space<hbm>>
    %dma_wait3A_860 = arith.constant 104 : i32
    %dma_wait3A_861 = arith.constant 0 : i32
    %dma_wait3A_862 = tpu.memref_slice %arg6[%dma_wait3A_847, %dma_wait3A_860, %dma_wait3A_861] : memref<4x208x128xf32, #tpu.memory_space<vmem>> -> memref<1x26x128xf32, #tpu.memory_space<vmem>>
    %dma_wait3A_863 = tpu.memref_squeeze %dma_wait3A_862 : memref<1x26x128xf32, #tpu.memory_space<vmem>> -> memref<26x128xf32, #tpu.memory_space<vmem>>
    tpu.wait_dma2 semaphore(%arg11 : memref<!tpu.dma_semaphore, #tpu.memory_space<semaphore_mem>>) src(%dma_wait3A_863 : memref<26x128xf32, #tpu.memory_space<vmem>>) dst(%dma_wait3A_859 : memref<26x128xf32, #tpu.memory_space<hbm>>)
    %add3A_864 = arith.constant 480 : i32
    %add3A_865 = arith.addi %mul3A_4, %add3A_864 : i32
    %add3A_866 = arith.constant 5 : i32
    %add3A_867 = arith.addi %add3A_865, %add3A_866 : i32
    %dma_wait3A_868 = arith.constant 0 : i32
    %dma_wait3A_869 = arith.constant 130 : i32
    %dma_wait3A_870 = arith.constant 0 : i32
    %dma_wait3A_871 = tpu.memref_slice %arg6[%dma_wait3A_868, %dma_wait3A_869, %dma_wait3A_870] : memref<4x208x128xf32, #tpu.memory_space<vmem>> -> memref<1x26x128xf32, #tpu.memory_space<vmem>>
    %dma_wait3A_872 = tpu.memref_squeeze %dma_wait3A_871 : memref<1x26x128xf32, #tpu.memory_space<vmem>> -> memref<26x128xf32, #tpu.memory_space<vmem>>
    %dma_wait3A_873 = arith.constant 0 : i32
    %dma_wait3A_874 = arith.constant 0 : i32
    %dma_wait3A_875 = tpu.memref_slice %arg4[%add3A_867, %dma_wait3A_873, %dma_wait3A_874] : memref<16384x26x128xf32, #tpu.memory_space<hbm>> -> memref<1x26x128xf32, #tpu.memory_space<hbm>>
    %dma_wait3A_876 = tpu.memref_squeeze %dma_wait3A_875 : memref<1x26x128xf32, #tpu.memory_space<hbm>> -> memref<26x128xf32, #tpu.memory_space<hbm>>
    %dma_wait3A_877 = arith.constant 0 : i32
    %dma_wait3A_878 = arith.constant 0 : i32
    %dma_wait3A_879 = tpu.memref_slice %arg4[%add3A_867, %dma_wait3A_877, %dma_wait3A_878] : memref<16384x26x128xf32, #tpu.memory_space<hbm>> -> memref<1x26x128xf32, #tpu.memory_space<hbm>>
    %dma_wait3A_880 = tpu.memref_squeeze %dma_wait3A_879 : memref<1x26x128xf32, #tpu.memory_space<hbm>> -> memref<26x128xf32, #tpu.memory_space<hbm>>
    %dma_wait3A_881 = arith.constant 130 : i32
    %dma_wait3A_882 = arith.constant 0 : i32
    %dma_wait3A_883 = tpu.memref_slice %arg6[%dma_wait3A_868, %dma_wait3A_881, %dma_wait3A_882] : memref<4x208x128xf32, #tpu.memory_space<vmem>> -> memref<1x26x128xf32, #tpu.memory_space<vmem>>
    %dma_wait3A_884 = tpu.memref_squeeze %dma_wait3A_883 : memref<1x26x128xf32, #tpu.memory_space<vmem>> -> memref<26x128xf32, #tpu.memory_space<vmem>>
    tpu.wait_dma2 semaphore(%arg11 : memref<!tpu.dma_semaphore, #tpu.memory_space<semaphore_mem>>) src(%dma_wait3A_884 : memref<26x128xf32, #tpu.memory_space<vmem>>) dst(%dma_wait3A_880 : memref<26x128xf32, #tpu.memory_space<hbm>>)
    %add3A_885 = arith.constant 480 : i32
    %add3A_886 = arith.addi %mul3A_4, %add3A_885 : i32
    %add3A_887 = arith.constant 6 : i32
    %add3A_888 = arith.addi %add3A_886, %add3A_887 : i32
    %dma_wait3A_889 = arith.constant 0 : i32
    %dma_wait3A_890 = arith.constant 156 : i32
    %dma_wait3A_891 = arith.constant 0 : i32
    %dma_wait3A_892 = tpu.memref_slice %arg6[%dma_wait3A_889, %dma_wait3A_890, %dma_wait3A_891] : memref<4x208x128xf32, #tpu.memory_space<vmem>> -> memref<1x26x128xf32, #tpu.memory_space<vmem>>
    %dma_wait3A_893 = tpu.memref_squeeze %dma_wait3A_892 : memref<1x26x128xf32, #tpu.memory_space<vmem>> -> memref<26x128xf32, #tpu.memory_space<vmem>>
    %dma_wait3A_894 = arith.constant 0 : i32
    %dma_wait3A_895 = arith.constant 0 : i32
    %dma_wait3A_896 = tpu.memref_slice %arg4[%add3A_888, %dma_wait3A_894, %dma_wait3A_895] : memref<16384x26x128xf32, #tpu.memory_space<hbm>> -> memref<1x26x128xf32, #tpu.memory_space<hbm>>
    %dma_wait3A_897 = tpu.memref_squeeze %dma_wait3A_896 : memref<1x26x128xf32, #tpu.memory_space<hbm>> -> memref<26x128xf32, #tpu.memory_space<hbm>>
    %dma_wait3A_898 = arith.constant 0 : i32
    %dma_wait3A_899 = arith.constant 0 : i32
    %dma_wait3A_900 = tpu.memref_slice %arg4[%add3A_888, %dma_wait3A_898, %dma_wait3A_899] : memref<16384x26x128xf32, #tpu.memory_space<hbm>> -> memref<1x26x128xf32, #tpu.memory_space<hbm>>
    %dma_wait3A_901 = tpu.memref_squeeze %dma_wait3A_900 : memref<1x26x128xf32, #tpu.memory_space<hbm>> -> memref<26x128xf32, #tpu.memory_space<hbm>>
    %dma_wait3A_902 = arith.constant 156 : i32
    %dma_wait3A_903 = arith.constant 0 : i32
    %dma_wait3A_904 = tpu.memref_slice %arg6[%dma_wait3A_889, %dma_wait3A_902, %dma_wait3A_903] : memref<4x208x128xf32, #tpu.memory_space<vmem>> -> memref<1x26x128xf32, #tpu.memory_space<vmem>>
    %dma_wait3A_905 = tpu.memref_squeeze %dma_wait3A_904 : memref<1x26x128xf32, #tpu.memory_space<vmem>> -> memref<26x128xf32, #tpu.memory_space<vmem>>
    tpu.wait_dma2 semaphore(%arg11 : memref<!tpu.dma_semaphore, #tpu.memory_space<semaphore_mem>>) src(%dma_wait3A_905 : memref<26x128xf32, #tpu.memory_space<vmem>>) dst(%dma_wait3A_901 : memref<26x128xf32, #tpu.memory_space<hbm>>)
    %add3A_906 = arith.constant 480 : i32
    %add3A_907 = arith.addi %mul3A_4, %add3A_906 : i32
    %add3A_908 = arith.constant 7 : i32
    %add3A_909 = arith.addi %add3A_907, %add3A_908 : i32
    %dma_wait3A_910 = arith.constant 0 : i32
    %dma_wait3A_911 = arith.constant 182 : i32
    %dma_wait3A_912 = arith.constant 0 : i32
    %dma_wait3A_913 = tpu.memref_slice %arg6[%dma_wait3A_910, %dma_wait3A_911, %dma_wait3A_912] : memref<4x208x128xf32, #tpu.memory_space<vmem>> -> memref<1x26x128xf32, #tpu.memory_space<vmem>>
    %dma_wait3A_914 = tpu.memref_squeeze %dma_wait3A_913 : memref<1x26x128xf32, #tpu.memory_space<vmem>> -> memref<26x128xf32, #tpu.memory_space<vmem>>
    %dma_wait3A_915 = arith.constant 0 : i32
    %dma_wait3A_916 = arith.constant 0 : i32
    %dma_wait3A_917 = tpu.memref_slice %arg4[%add3A_909, %dma_wait3A_915, %dma_wait3A_916] : memref<16384x26x128xf32, #tpu.memory_space<hbm>> -> memref<1x26x128xf32, #tpu.memory_space<hbm>>
    %dma_wait3A_918 = tpu.memref_squeeze %dma_wait3A_917 : memref<1x26x128xf32, #tpu.memory_space<hbm>> -> memref<26x128xf32, #tpu.memory_space<hbm>>
    %dma_wait3A_919 = arith.constant 0 : i32
    %dma_wait3A_920 = arith.constant 0 : i32
    %dma_wait3A_921 = tpu.memref_slice %arg4[%add3A_909, %dma_wait3A_919, %dma_wait3A_920] : memref<16384x26x128xf32, #tpu.memory_space<hbm>> -> memref<1x26x128xf32, #tpu.memory_space<hbm>>
    %dma_wait3A_922 = tpu.memref_squeeze %dma_wait3A_921 : memref<1x26x128xf32, #tpu.memory_space<hbm>> -> memref<26x128xf32, #tpu.memory_space<hbm>>
    %dma_wait3A_923 = arith.constant 182 : i32
    %dma_wait3A_924 = arith.constant 0 : i32
    %dma_wait3A_925 = tpu.memref_slice %arg6[%dma_wait3A_910, %dma_wait3A_923, %dma_wait3A_924] : memref<4x208x128xf32, #tpu.memory_space<vmem>> -> memref<1x26x128xf32, #tpu.memory_space<vmem>>
    %dma_wait3A_926 = tpu.memref_squeeze %dma_wait3A_925 : memref<1x26x128xf32, #tpu.memory_space<vmem>> -> memref<26x128xf32, #tpu.memory_space<vmem>>
    tpu.wait_dma2 semaphore(%arg11 : memref<!tpu.dma_semaphore, #tpu.memory_space<semaphore_mem>>) src(%dma_wait3A_926 : memref<26x128xf32, #tpu.memory_space<vmem>>) dst(%dma_wait3A_922 : memref<26x128xf32, #tpu.memory_space<hbm>>)
    %add3A_927 = arith.constant 488 : i32
    %add3A_928 = arith.addi %mul3A_4, %add3A_927 : i32
    %add3A_929 = arith.constant 0 : i32
    %add3A_930 = arith.addi %add3A_928, %add3A_929 : i32
    %dma_wait3A_931 = arith.constant 1 : i32
    %dma_wait3A_932 = arith.constant 0 : i32
    %dma_wait3A_933 = arith.constant 0 : i32
    %dma_wait3A_934 = tpu.memref_slice %arg6[%dma_wait3A_931, %dma_wait3A_932, %dma_wait3A_933] : memref<4x208x128xf32, #tpu.memory_space<vmem>> -> memref<1x26x128xf32, #tpu.memory_space<vmem>>
    %dma_wait3A_935 = tpu.memref_squeeze %dma_wait3A_934 : memref<1x26x128xf32, #tpu.memory_space<vmem>> -> memref<26x128xf32, #tpu.memory_space<vmem>>
    %dma_wait3A_936 = arith.constant 0 : i32
    %dma_wait3A_937 = arith.constant 0 : i32
    %dma_wait3A_938 = tpu.memref_slice %arg4[%add3A_930, %dma_wait3A_936, %dma_wait3A_937] : memref<16384x26x128xf32, #tpu.memory_space<hbm>> -> memref<1x26x128xf32, #tpu.memory_space<hbm>>
    %dma_wait3A_939 = tpu.memref_squeeze %dma_wait3A_938 : memref<1x26x128xf32, #tpu.memory_space<hbm>> -> memref<26x128xf32, #tpu.memory_space<hbm>>
    %dma_wait3A_940 = arith.constant 0 : i32
    %dma_wait3A_941 = arith.constant 0 : i32
    %dma_wait3A_942 = tpu.memref_slice %arg4[%add3A_930, %dma_wait3A_940, %dma_wait3A_941] : memref<16384x26x128xf32, #tpu.memory_space<hbm>> -> memref<1x26x128xf32, #tpu.memory_space<hbm>>
    %dma_wait3A_943 = tpu.memref_squeeze %dma_wait3A_942 : memref<1x26x128xf32, #tpu.memory_space<hbm>> -> memref<26x128xf32, #tpu.memory_space<hbm>>
    %dma_wait3A_944 = arith.constant 0 : i32
    %dma_wait3A_945 = arith.constant 0 : i32
    %dma_wait3A_946 = tpu.memref_slice %arg6[%dma_wait3A_931, %dma_wait3A_944, %dma_wait3A_945] : memref<4x208x128xf32, #tpu.memory_space<vmem>> -> memref<1x26x128xf32, #tpu.memory_space<vmem>>
    %dma_wait3A_947 = tpu.memref_squeeze %dma_wait3A_946 : memref<1x26x128xf32, #tpu.memory_space<vmem>> -> memref<26x128xf32, #tpu.memory_space<vmem>>
    tpu.wait_dma2 semaphore(%arg12 : memref<!tpu.dma_semaphore, #tpu.memory_space<semaphore_mem>>) src(%dma_wait3A_947 : memref<26x128xf32, #tpu.memory_space<vmem>>) dst(%dma_wait3A_943 : memref<26x128xf32, #tpu.memory_space<hbm>>)
    %add3A_948 = arith.constant 488 : i32
    %add3A_949 = arith.addi %mul3A_4, %add3A_948 : i32
    %add3A_950 = arith.constant 1 : i32
    %add3A_951 = arith.addi %add3A_949, %add3A_950 : i32
    %dma_wait3A_952 = arith.constant 1 : i32
    %dma_wait3A_953 = arith.constant 26 : i32
    %dma_wait3A_954 = arith.constant 0 : i32
    %dma_wait3A_955 = tpu.memref_slice %arg6[%dma_wait3A_952, %dma_wait3A_953, %dma_wait3A_954] : memref<4x208x128xf32, #tpu.memory_space<vmem>> -> memref<1x26x128xf32, #tpu.memory_space<vmem>>
    %dma_wait3A_956 = tpu.memref_squeeze %dma_wait3A_955 : memref<1x26x128xf32, #tpu.memory_space<vmem>> -> memref<26x128xf32, #tpu.memory_space<vmem>>
    %dma_wait3A_957 = arith.constant 0 : i32
    %dma_wait3A_958 = arith.constant 0 : i32
    %dma_wait3A_959 = tpu.memref_slice %arg4[%add3A_951, %dma_wait3A_957, %dma_wait3A_958] : memref<16384x26x128xf32, #tpu.memory_space<hbm>> -> memref<1x26x128xf32, #tpu.memory_space<hbm>>
    %dma_wait3A_960 = tpu.memref_squeeze %dma_wait3A_959 : memref<1x26x128xf32, #tpu.memory_space<hbm>> -> memref<26x128xf32, #tpu.memory_space<hbm>>
    %dma_wait3A_961 = arith.constant 0 : i32
    %dma_wait3A_962 = arith.constant 0 : i32
    %dma_wait3A_963 = tpu.memref_slice %arg4[%add3A_951, %dma_wait3A_961, %dma_wait3A_962] : memref<16384x26x128xf32, #tpu.memory_space<hbm>> -> memref<1x26x128xf32, #tpu.memory_space<hbm>>
    %dma_wait3A_964 = tpu.memref_squeeze %dma_wait3A_963 : memref<1x26x128xf32, #tpu.memory_space<hbm>> -> memref<26x128xf32, #tpu.memory_space<hbm>>
    %dma_wait3A_965 = arith.constant 26 : i32
    %dma_wait3A_966 = arith.constant 0 : i32
    %dma_wait3A_967 = tpu.memref_slice %arg6[%dma_wait3A_952, %dma_wait3A_965, %dma_wait3A_966] : memref<4x208x128xf32, #tpu.memory_space<vmem>> -> memref<1x26x128xf32, #tpu.memory_space<vmem>>
    %dma_wait3A_968 = tpu.memref_squeeze %dma_wait3A_967 : memref<1x26x128xf32, #tpu.memory_space<vmem>> -> memref<26x128xf32, #tpu.memory_space<vmem>>
    tpu.wait_dma2 semaphore(%arg12 : memref<!tpu.dma_semaphore, #tpu.memory_space<semaphore_mem>>) src(%dma_wait3A_968 : memref<26x128xf32, #tpu.memory_space<vmem>>) dst(%dma_wait3A_964 : memref<26x128xf32, #tpu.memory_space<hbm>>)
    %add3A_969 = arith.constant 488 : i32
    %add3A_970 = arith.addi %mul3A_4, %add3A_969 : i32
    %add3A_971 = arith.constant 2 : i32
    %add3A_972 = arith.addi %add3A_970, %add3A_971 : i32
    %dma_wait3A_973 = arith.constant 1 : i32
    %dma_wait3A_974 = arith.constant 52 : i32
    %dma_wait3A_975 = arith.constant 0 : i32
    %dma_wait3A_976 = tpu.memref_slice %arg6[%dma_wait3A_973, %dma_wait3A_974, %dma_wait3A_975] : memref<4x208x128xf32, #tpu.memory_space<vmem>> -> memref<1x26x128xf32, #tpu.memory_space<vmem>>
    %dma_wait3A_977 = tpu.memref_squeeze %dma_wait3A_976 : memref<1x26x128xf32, #tpu.memory_space<vmem>> -> memref<26x128xf32, #tpu.memory_space<vmem>>
    %dma_wait3A_978 = arith.constant 0 : i32
    %dma_wait3A_979 = arith.constant 0 : i32
    %dma_wait3A_980 = tpu.memref_slice %arg4[%add3A_972, %dma_wait3A_978, %dma_wait3A_979] : memref<16384x26x128xf32, #tpu.memory_space<hbm>> -> memref<1x26x128xf32, #tpu.memory_space<hbm>>
    %dma_wait3A_981 = tpu.memref_squeeze %dma_wait3A_980 : memref<1x26x128xf32, #tpu.memory_space<hbm>> -> memref<26x128xf32, #tpu.memory_space<hbm>>
    %dma_wait3A_982 = arith.constant 0 : i32
    %dma_wait3A_983 = arith.constant 0 : i32
    %dma_wait3A_984 = tpu.memref_slice %arg4[%add3A_972, %dma_wait3A_982, %dma_wait3A_983] : memref<16384x26x128xf32, #tpu.memory_space<hbm>> -> memref<1x26x128xf32, #tpu.memory_space<hbm>>
    %dma_wait3A_985 = tpu.memref_squeeze %dma_wait3A_984 : memref<1x26x128xf32, #tpu.memory_space<hbm>> -> memref<26x128xf32, #tpu.memory_space<hbm>>
    %dma_wait3A_986 = arith.constant 52 : i32
    %dma_wait3A_987 = arith.constant 0 : i32
    %dma_wait3A_988 = tpu.memref_slice %arg6[%dma_wait3A_973, %dma_wait3A_986, %dma_wait3A_987] : memref<4x208x128xf32, #tpu.memory_space<vmem>> -> memref<1x26x128xf32, #tpu.memory_space<vmem>>
    %dma_wait3A_989 = tpu.memref_squeeze %dma_wait3A_988 : memref<1x26x128xf32, #tpu.memory_space<vmem>> -> memref<26x128xf32, #tpu.memory_space<vmem>>
    tpu.wait_dma2 semaphore(%arg12 : memref<!tpu.dma_semaphore, #tpu.memory_space<semaphore_mem>>) src(%dma_wait3A_989 : memref<26x128xf32, #tpu.memory_space<vmem>>) dst(%dma_wait3A_985 : memref<26x128xf32, #tpu.memory_space<hbm>>)
    %add3A_990 = arith.constant 488 : i32
    %add3A_991 = arith.addi %mul3A_4, %add3A_990 : i32
    %add3A_992 = arith.constant 3 : i32
    %add3A_993 = arith.addi %add3A_991, %add3A_992 : i32
    %dma_wait3A_994 = arith.constant 1 : i32
    %dma_wait3A_995 = arith.constant 78 : i32
    %dma_wait3A_996 = arith.constant 0 : i32
    %dma_wait3A_997 = tpu.memref_slice %arg6[%dma_wait3A_994, %dma_wait3A_995, %dma_wait3A_996] : memref<4x208x128xf32, #tpu.memory_space<vmem>> -> memref<1x26x128xf32, #tpu.memory_space<vmem>>
    %dma_wait3A_998 = tpu.memref_squeeze %dma_wait3A_997 : memref<1x26x128xf32, #tpu.memory_space<vmem>> -> memref<26x128xf32, #tpu.memory_space<vmem>>
    %dma_wait3A_999 = arith.constant 0 : i32
    %dma_wait3A_1000 = arith.constant 0 : i32
    %dma_wait3A_1001 = tpu.memref_slice %arg4[%add3A_993, %dma_wait3A_999, %dma_wait3A_1000] : memref<16384x26x128xf32, #tpu.memory_space<hbm>> -> memref<1x26x128xf32, #tpu.memory_space<hbm>>
    %dma_wait3A_1002 = tpu.memref_squeeze %dma_wait3A_1001 : memref<1x26x128xf32, #tpu.memory_space<hbm>> -> memref<26x128xf32, #tpu.memory_space<hbm>>
    %dma_wait3A_1003 = arith.constant 0 : i32
    %dma_wait3A_1004 = arith.constant 0 : i32
    %dma_wait3A_1005 = tpu.memref_slice %arg4[%add3A_993, %dma_wait3A_1003, %dma_wait3A_1004] : memref<16384x26x128xf32, #tpu.memory_space<hbm>> -> memref<1x26x128xf32, #tpu.memory_space<hbm>>
    %dma_wait3A_1006 = tpu.memref_squeeze %dma_wait3A_1005 : memref<1x26x128xf32, #tpu.memory_space<hbm>> -> memref<26x128xf32, #tpu.memory_space<hbm>>
    %dma_wait3A_1007 = arith.constant 78 : i32
    %dma_wait3A_1008 = arith.constant 0 : i32
    %dma_wait3A_1009 = tpu.memref_slice %arg6[%dma_wait3A_994, %dma_wait3A_1007, %dma_wait3A_1008] : memref<4x208x128xf32, #tpu.memory_space<vmem>> -> memref<1x26x128xf32, #tpu.memory_space<vmem>>
    %dma_wait3A_1010 = tpu.memref_squeeze %dma_wait3A_1009 : memref<1x26x128xf32, #tpu.memory_space<vmem>> -> memref<26x128xf32, #tpu.memory_space<vmem>>
    tpu.wait_dma2 semaphore(%arg12 : memref<!tpu.dma_semaphore, #tpu.memory_space<semaphore_mem>>) src(%dma_wait3A_1010 : memref<26x128xf32, #tpu.memory_space<vmem>>) dst(%dma_wait3A_1006 : memref<26x128xf32, #tpu.memory_space<hbm>>)
    %add3A_1011 = arith.constant 488 : i32
    %add3A_1012 = arith.addi %mul3A_4, %add3A_1011 : i32
    %add3A_1013 = arith.constant 4 : i32
    %add3A_1014 = arith.addi %add3A_1012, %add3A_1013 : i32
    %dma_wait3A_1015 = arith.constant 1 : i32
    %dma_wait3A_1016 = arith.constant 104 : i32
    %dma_wait3A_1017 = arith.constant 0 : i32
    %dma_wait3A_1018 = tpu.memref_slice %arg6[%dma_wait3A_1015, %dma_wait3A_1016, %dma_wait3A_1017] : memref<4x208x128xf32, #tpu.memory_space<vmem>> -> memref<1x26x128xf32, #tpu.memory_space<vmem>>
    %dma_wait3A_1019 = tpu.memref_squeeze %dma_wait3A_1018 : memref<1x26x128xf32, #tpu.memory_space<vmem>> -> memref<26x128xf32, #tpu.memory_space<vmem>>
    %dma_wait3A_1020 = arith.constant 0 : i32
    %dma_wait3A_1021 = arith.constant 0 : i32
    %dma_wait3A_1022 = tpu.memref_slice %arg4[%add3A_1014, %dma_wait3A_1020, %dma_wait3A_1021] : memref<16384x26x128xf32, #tpu.memory_space<hbm>> -> memref<1x26x128xf32, #tpu.memory_space<hbm>>
    %dma_wait3A_1023 = tpu.memref_squeeze %dma_wait3A_1022 : memref<1x26x128xf32, #tpu.memory_space<hbm>> -> memref<26x128xf32, #tpu.memory_space<hbm>>
    %dma_wait3A_1024 = arith.constant 0 : i32
    %dma_wait3A_1025 = arith.constant 0 : i32
    %dma_wait3A_1026 = tpu.memref_slice %arg4[%add3A_1014, %dma_wait3A_1024, %dma_wait3A_1025] : memref<16384x26x128xf32, #tpu.memory_space<hbm>> -> memref<1x26x128xf32, #tpu.memory_space<hbm>>
    %dma_wait3A_1027 = tpu.memref_squeeze %dma_wait3A_1026 : memref<1x26x128xf32, #tpu.memory_space<hbm>> -> memref<26x128xf32, #tpu.memory_space<hbm>>
    %dma_wait3A_1028 = arith.constant 104 : i32
    %dma_wait3A_1029 = arith.constant 0 : i32
    %dma_wait3A_1030 = tpu.memref_slice %arg6[%dma_wait3A_1015, %dma_wait3A_1028, %dma_wait3A_1029] : memref<4x208x128xf32, #tpu.memory_space<vmem>> -> memref<1x26x128xf32, #tpu.memory_space<vmem>>
    %dma_wait3A_1031 = tpu.memref_squeeze %dma_wait3A_1030 : memref<1x26x128xf32, #tpu.memory_space<vmem>> -> memref<26x128xf32, #tpu.memory_space<vmem>>
    tpu.wait_dma2 semaphore(%arg12 : memref<!tpu.dma_semaphore, #tpu.memory_space<semaphore_mem>>) src(%dma_wait3A_1031 : memref<26x128xf32, #tpu.memory_space<vmem>>) dst(%dma_wait3A_1027 : memref<26x128xf32, #tpu.memory_space<hbm>>)
    %add3A_1032 = arith.constant 488 : i32
    %add3A_1033 = arith.addi %mul3A_4, %add3A_1032 : i32
    %add3A_1034 = arith.constant 5 : i32
    %add3A_1035 = arith.addi %add3A_1033, %add3A_1034 : i32
    %dma_wait3A_1036 = arith.constant 1 : i32
    %dma_wait3A_1037 = arith.constant 130 : i32
    %dma_wait3A_1038 = arith.constant 0 : i32
    %dma_wait3A_1039 = tpu.memref_slice %arg6[%dma_wait3A_1036, %dma_wait3A_1037, %dma_wait3A_1038] : memref<4x208x128xf32, #tpu.memory_space<vmem>> -> memref<1x26x128xf32, #tpu.memory_space<vmem>>
    %dma_wait3A_1040 = tpu.memref_squeeze %dma_wait3A_1039 : memref<1x26x128xf32, #tpu.memory_space<vmem>> -> memref<26x128xf32, #tpu.memory_space<vmem>>
    %dma_wait3A_1041 = arith.constant 0 : i32
    %dma_wait3A_1042 = arith.constant 0 : i32
    %dma_wait3A_1043 = tpu.memref_slice %arg4[%add3A_1035, %dma_wait3A_1041, %dma_wait3A_1042] : memref<16384x26x128xf32, #tpu.memory_space<hbm>> -> memref<1x26x128xf32, #tpu.memory_space<hbm>>
    %dma_wait3A_1044 = tpu.memref_squeeze %dma_wait3A_1043 : memref<1x26x128xf32, #tpu.memory_space<hbm>> -> memref<26x128xf32, #tpu.memory_space<hbm>>
    %dma_wait3A_1045 = arith.constant 0 : i32
    %dma_wait3A_1046 = arith.constant 0 : i32
    %dma_wait3A_1047 = tpu.memref_slice %arg4[%add3A_1035, %dma_wait3A_1045, %dma_wait3A_1046] : memref<16384x26x128xf32, #tpu.memory_space<hbm>> -> memref<1x26x128xf32, #tpu.memory_space<hbm>>
    %dma_wait3A_1048 = tpu.memref_squeeze %dma_wait3A_1047 : memref<1x26x128xf32, #tpu.memory_space<hbm>> -> memref<26x128xf32, #tpu.memory_space<hbm>>
    %dma_wait3A_1049 = arith.constant 130 : i32
    %dma_wait3A_1050 = arith.constant 0 : i32
    %dma_wait3A_1051 = tpu.memref_slice %arg6[%dma_wait3A_1036, %dma_wait3A_1049, %dma_wait3A_1050] : memref<4x208x128xf32, #tpu.memory_space<vmem>> -> memref<1x26x128xf32, #tpu.memory_space<vmem>>
    %dma_wait3A_1052 = tpu.memref_squeeze %dma_wait3A_1051 : memref<1x26x128xf32, #tpu.memory_space<vmem>> -> memref<26x128xf32, #tpu.memory_space<vmem>>
    tpu.wait_dma2 semaphore(%arg12 : memref<!tpu.dma_semaphore, #tpu.memory_space<semaphore_mem>>) src(%dma_wait3A_1052 : memref<26x128xf32, #tpu.memory_space<vmem>>) dst(%dma_wait3A_1048 : memref<26x128xf32, #tpu.memory_space<hbm>>)
    %add3A_1053 = arith.constant 488 : i32
    %add3A_1054 = arith.addi %mul3A_4, %add3A_1053 : i32
    %add3A_1055 = arith.constant 6 : i32
    %add3A_1056 = arith.addi %add3A_1054, %add3A_1055 : i32
    %dma_wait3A_1057 = arith.constant 1 : i32
    %dma_wait3A_1058 = arith.constant 156 : i32
    %dma_wait3A_1059 = arith.constant 0 : i32
    %dma_wait3A_1060 = tpu.memref_slice %arg6[%dma_wait3A_1057, %dma_wait3A_1058, %dma_wait3A_1059] : memref<4x208x128xf32, #tpu.memory_space<vmem>> -> memref<1x26x128xf32, #tpu.memory_space<vmem>>
    %dma_wait3A_1061 = tpu.memref_squeeze %dma_wait3A_1060 : memref<1x26x128xf32, #tpu.memory_space<vmem>> -> memref<26x128xf32, #tpu.memory_space<vmem>>
    %dma_wait3A_1062 = arith.constant 0 : i32
    %dma_wait3A_1063 = arith.constant 0 : i32
    %dma_wait3A_1064 = tpu.memref_slice %arg4[%add3A_1056, %dma_wait3A_1062, %dma_wait3A_1063] : memref<16384x26x128xf32, #tpu.memory_space<hbm>> -> memref<1x26x128xf32, #tpu.memory_space<hbm>>
    %dma_wait3A_1065 = tpu.memref_squeeze %dma_wait3A_1064 : memref<1x26x128xf32, #tpu.memory_space<hbm>> -> memref<26x128xf32, #tpu.memory_space<hbm>>
    %dma_wait3A_1066 = arith.constant 0 : i32
    %dma_wait3A_1067 = arith.constant 0 : i32
    %dma_wait3A_1068 = tpu.memref_slice %arg4[%add3A_1056, %dma_wait3A_1066, %dma_wait3A_1067] : memref<16384x26x128xf32, #tpu.memory_space<hbm>> -> memref<1x26x128xf32, #tpu.memory_space<hbm>>
    %dma_wait3A_1069 = tpu.memref_squeeze %dma_wait3A_1068 : memref<1x26x128xf32, #tpu.memory_space<hbm>> -> memref<26x128xf32, #tpu.memory_space<hbm>>
    %dma_wait3A_1070 = arith.constant 156 : i32
    %dma_wait3A_1071 = arith.constant 0 : i32
    %dma_wait3A_1072 = tpu.memref_slice %arg6[%dma_wait3A_1057, %dma_wait3A_1070, %dma_wait3A_1071] : memref<4x208x128xf32, #tpu.memory_space<vmem>> -> memref<1x26x128xf32, #tpu.memory_space<vmem>>
    %dma_wait3A_1073 = tpu.memref_squeeze %dma_wait3A_1072 : memref<1x26x128xf32, #tpu.memory_space<vmem>> -> memref<26x128xf32, #tpu.memory_space<vmem>>
    tpu.wait_dma2 semaphore(%arg12 : memref<!tpu.dma_semaphore, #tpu.memory_space<semaphore_mem>>) src(%dma_wait3A_1073 : memref<26x128xf32, #tpu.memory_space<vmem>>) dst(%dma_wait3A_1069 : memref<26x128xf32, #tpu.memory_space<hbm>>)
    %add3A_1074 = arith.constant 488 : i32
    %add3A_1075 = arith.addi %mul3A_4, %add3A_1074 : i32
    %add3A_1076 = arith.constant 7 : i32
    %add3A_1077 = arith.addi %add3A_1075, %add3A_1076 : i32
    %dma_wait3A_1078 = arith.constant 1 : i32
    %dma_wait3A_1079 = arith.constant 182 : i32
    %dma_wait3A_1080 = arith.constant 0 : i32
    %dma_wait3A_1081 = tpu.memref_slice %arg6[%dma_wait3A_1078, %dma_wait3A_1079, %dma_wait3A_1080] : memref<4x208x128xf32, #tpu.memory_space<vmem>> -> memref<1x26x128xf32, #tpu.memory_space<vmem>>
    %dma_wait3A_1082 = tpu.memref_squeeze %dma_wait3A_1081 : memref<1x26x128xf32, #tpu.memory_space<vmem>> -> memref<26x128xf32, #tpu.memory_space<vmem>>
    %dma_wait3A_1083 = arith.constant 0 : i32
    %dma_wait3A_1084 = arith.constant 0 : i32
    %dma_wait3A_1085 = tpu.memref_slice %arg4[%add3A_1077, %dma_wait3A_1083, %dma_wait3A_1084] : memref<16384x26x128xf32, #tpu.memory_space<hbm>> -> memref<1x26x128xf32, #tpu.memory_space<hbm>>
    %dma_wait3A_1086 = tpu.memref_squeeze %dma_wait3A_1085 : memref<1x26x128xf32, #tpu.memory_space<hbm>> -> memref<26x128xf32, #tpu.memory_space<hbm>>
    %dma_wait3A_1087 = arith.constant 0 : i32
    %dma_wait3A_1088 = arith.constant 0 : i32
    %dma_wait3A_1089 = tpu.memref_slice %arg4[%add3A_1077, %dma_wait3A_1087, %dma_wait3A_1088] : memref<16384x26x128xf32, #tpu.memory_space<hbm>> -> memref<1x26x128xf32, #tpu.memory_space<hbm>>
    %dma_wait3A_1090 = tpu.memref_squeeze %dma_wait3A_1089 : memref<1x26x128xf32, #tpu.memory_space<hbm>> -> memref<26x128xf32, #tpu.memory_space<hbm>>
    %dma_wait3A_1091 = arith.constant 182 : i32
    %dma_wait3A_1092 = arith.constant 0 : i32
    %dma_wait3A_1093 = tpu.memref_slice %arg6[%dma_wait3A_1078, %dma_wait3A_1091, %dma_wait3A_1092] : memref<4x208x128xf32, #tpu.memory_space<vmem>> -> memref<1x26x128xf32, #tpu.memory_space<vmem>>
    %dma_wait3A_1094 = tpu.memref_squeeze %dma_wait3A_1093 : memref<1x26x128xf32, #tpu.memory_space<vmem>> -> memref<26x128xf32, #tpu.memory_space<vmem>>
    tpu.wait_dma2 semaphore(%arg12 : memref<!tpu.dma_semaphore, #tpu.memory_space<semaphore_mem>>) src(%dma_wait3A_1094 : memref<26x128xf32, #tpu.memory_space<vmem>>) dst(%dma_wait3A_1090 : memref<26x128xf32, #tpu.memory_space<hbm>>)
    %add3A_1095 = arith.constant 496 : i32
    %add3A_1096 = arith.addi %mul3A_4, %add3A_1095 : i32
    %add3A_1097 = arith.constant 0 : i32
    %add3A_1098 = arith.addi %add3A_1096, %add3A_1097 : i32
    %dma_wait3A_1099 = arith.constant 2 : i32
    %dma_wait3A_1100 = arith.constant 0 : i32
    %dma_wait3A_1101 = arith.constant 0 : i32
    %dma_wait3A_1102 = tpu.memref_slice %arg6[%dma_wait3A_1099, %dma_wait3A_1100, %dma_wait3A_1101] : memref<4x208x128xf32, #tpu.memory_space<vmem>> -> memref<1x26x128xf32, #tpu.memory_space<vmem>>
    %dma_wait3A_1103 = tpu.memref_squeeze %dma_wait3A_1102 : memref<1x26x128xf32, #tpu.memory_space<vmem>> -> memref<26x128xf32, #tpu.memory_space<vmem>>
    %dma_wait3A_1104 = arith.constant 0 : i32
    %dma_wait3A_1105 = arith.constant 0 : i32
    %dma_wait3A_1106 = tpu.memref_slice %arg4[%add3A_1098, %dma_wait3A_1104, %dma_wait3A_1105] : memref<16384x26x128xf32, #tpu.memory_space<hbm>> -> memref<1x26x128xf32, #tpu.memory_space<hbm>>
    %dma_wait3A_1107 = tpu.memref_squeeze %dma_wait3A_1106 : memref<1x26x128xf32, #tpu.memory_space<hbm>> -> memref<26x128xf32, #tpu.memory_space<hbm>>
    %dma_wait3A_1108 = arith.constant 0 : i32
    %dma_wait3A_1109 = arith.constant 0 : i32
    %dma_wait3A_1110 = tpu.memref_slice %arg4[%add3A_1098, %dma_wait3A_1108, %dma_wait3A_1109] : memref<16384x26x128xf32, #tpu.memory_space<hbm>> -> memref<1x26x128xf32, #tpu.memory_space<hbm>>
    %dma_wait3A_1111 = tpu.memref_squeeze %dma_wait3A_1110 : memref<1x26x128xf32, #tpu.memory_space<hbm>> -> memref<26x128xf32, #tpu.memory_space<hbm>>
    %dma_wait3A_1112 = arith.constant 0 : i32
    %dma_wait3A_1113 = arith.constant 0 : i32
    %dma_wait3A_1114 = tpu.memref_slice %arg6[%dma_wait3A_1099, %dma_wait3A_1112, %dma_wait3A_1113] : memref<4x208x128xf32, #tpu.memory_space<vmem>> -> memref<1x26x128xf32, #tpu.memory_space<vmem>>
    %dma_wait3A_1115 = tpu.memref_squeeze %dma_wait3A_1114 : memref<1x26x128xf32, #tpu.memory_space<vmem>> -> memref<26x128xf32, #tpu.memory_space<vmem>>
    tpu.wait_dma2 semaphore(%arg13 : memref<!tpu.dma_semaphore, #tpu.memory_space<semaphore_mem>>) src(%dma_wait3A_1115 : memref<26x128xf32, #tpu.memory_space<vmem>>) dst(%dma_wait3A_1111 : memref<26x128xf32, #tpu.memory_space<hbm>>)
    %add3A_1116 = arith.constant 496 : i32
    %add3A_1117 = arith.addi %mul3A_4, %add3A_1116 : i32
    %add3A_1118 = arith.constant 1 : i32
    %add3A_1119 = arith.addi %add3A_1117, %add3A_1118 : i32
    %dma_wait3A_1120 = arith.constant 2 : i32
    %dma_wait3A_1121 = arith.constant 26 : i32
    %dma_wait3A_1122 = arith.constant 0 : i32
    %dma_wait3A_1123 = tpu.memref_slice %arg6[%dma_wait3A_1120, %dma_wait3A_1121, %dma_wait3A_1122] : memref<4x208x128xf32, #tpu.memory_space<vmem>> -> memref<1x26x128xf32, #tpu.memory_space<vmem>>
    %dma_wait3A_1124 = tpu.memref_squeeze %dma_wait3A_1123 : memref<1x26x128xf32, #tpu.memory_space<vmem>> -> memref<26x128xf32, #tpu.memory_space<vmem>>
    %dma_wait3A_1125 = arith.constant 0 : i32
    %dma_wait3A_1126 = arith.constant 0 : i32
    %dma_wait3A_1127 = tpu.memref_slice %arg4[%add3A_1119, %dma_wait3A_1125, %dma_wait3A_1126] : memref<16384x26x128xf32, #tpu.memory_space<hbm>> -> memref<1x26x128xf32, #tpu.memory_space<hbm>>
    %dma_wait3A_1128 = tpu.memref_squeeze %dma_wait3A_1127 : memref<1x26x128xf32, #tpu.memory_space<hbm>> -> memref<26x128xf32, #tpu.memory_space<hbm>>
    %dma_wait3A_1129 = arith.constant 0 : i32
    %dma_wait3A_1130 = arith.constant 0 : i32
    %dma_wait3A_1131 = tpu.memref_slice %arg4[%add3A_1119, %dma_wait3A_1129, %dma_wait3A_1130] : memref<16384x26x128xf32, #tpu.memory_space<hbm>> -> memref<1x26x128xf32, #tpu.memory_space<hbm>>
    %dma_wait3A_1132 = tpu.memref_squeeze %dma_wait3A_1131 : memref<1x26x128xf32, #tpu.memory_space<hbm>> -> memref<26x128xf32, #tpu.memory_space<hbm>>
    %dma_wait3A_1133 = arith.constant 26 : i32
    %dma_wait3A_1134 = arith.constant 0 : i32
    %dma_wait3A_1135 = tpu.memref_slice %arg6[%dma_wait3A_1120, %dma_wait3A_1133, %dma_wait3A_1134] : memref<4x208x128xf32, #tpu.memory_space<vmem>> -> memref<1x26x128xf32, #tpu.memory_space<vmem>>
    %dma_wait3A_1136 = tpu.memref_squeeze %dma_wait3A_1135 : memref<1x26x128xf32, #tpu.memory_space<vmem>> -> memref<26x128xf32, #tpu.memory_space<vmem>>
    tpu.wait_dma2 semaphore(%arg13 : memref<!tpu.dma_semaphore, #tpu.memory_space<semaphore_mem>>) src(%dma_wait3A_1136 : memref<26x128xf32, #tpu.memory_space<vmem>>) dst(%dma_wait3A_1132 : memref<26x128xf32, #tpu.memory_space<hbm>>)
    %add3A_1137 = arith.constant 496 : i32
    %add3A_1138 = arith.addi %mul3A_4, %add3A_1137 : i32
    %add3A_1139 = arith.constant 2 : i32
    %add3A_1140 = arith.addi %add3A_1138, %add3A_1139 : i32
    %dma_wait3A_1141 = arith.constant 2 : i32
    %dma_wait3A_1142 = arith.constant 52 : i32
    %dma_wait3A_1143 = arith.constant 0 : i32
    %dma_wait3A_1144 = tpu.memref_slice %arg6[%dma_wait3A_1141, %dma_wait3A_1142, %dma_wait3A_1143] : memref<4x208x128xf32, #tpu.memory_space<vmem>> -> memref<1x26x128xf32, #tpu.memory_space<vmem>>
    %dma_wait3A_1145 = tpu.memref_squeeze %dma_wait3A_1144 : memref<1x26x128xf32, #tpu.memory_space<vmem>> -> memref<26x128xf32, #tpu.memory_space<vmem>>
    %dma_wait3A_1146 = arith.constant 0 : i32
    %dma_wait3A_1147 = arith.constant 0 : i32
    %dma_wait3A_1148 = tpu.memref_slice %arg4[%add3A_1140, %dma_wait3A_1146, %dma_wait3A_1147] : memref<16384x26x128xf32, #tpu.memory_space<hbm>> -> memref<1x26x128xf32, #tpu.memory_space<hbm>>
    %dma_wait3A_1149 = tpu.memref_squeeze %dma_wait3A_1148 : memref<1x26x128xf32, #tpu.memory_space<hbm>> -> memref<26x128xf32, #tpu.memory_space<hbm>>
    %dma_wait3A_1150 = arith.constant 0 : i32
    %dma_wait3A_1151 = arith.constant 0 : i32
    %dma_wait3A_1152 = tpu.memref_slice %arg4[%add3A_1140, %dma_wait3A_1150, %dma_wait3A_1151] : memref<16384x26x128xf32, #tpu.memory_space<hbm>> -> memref<1x26x128xf32, #tpu.memory_space<hbm>>
    %dma_wait3A_1153 = tpu.memref_squeeze %dma_wait3A_1152 : memref<1x26x128xf32, #tpu.memory_space<hbm>> -> memref<26x128xf32, #tpu.memory_space<hbm>>
    %dma_wait3A_1154 = arith.constant 52 : i32
    %dma_wait3A_1155 = arith.constant 0 : i32
    %dma_wait3A_1156 = tpu.memref_slice %arg6[%dma_wait3A_1141, %dma_wait3A_1154, %dma_wait3A_1155] : memref<4x208x128xf32, #tpu.memory_space<vmem>> -> memref<1x26x128xf32, #tpu.memory_space<vmem>>
    %dma_wait3A_1157 = tpu.memref_squeeze %dma_wait3A_1156 : memref<1x26x128xf32, #tpu.memory_space<vmem>> -> memref<26x128xf32, #tpu.memory_space<vmem>>
    tpu.wait_dma2 semaphore(%arg13 : memref<!tpu.dma_semaphore, #tpu.memory_space<semaphore_mem>>) src(%dma_wait3A_1157 : memref<26x128xf32, #tpu.memory_space<vmem>>) dst(%dma_wait3A_1153 : memref<26x128xf32, #tpu.memory_space<hbm>>)
    %add3A_1158 = arith.constant 496 : i32
    %add3A_1159 = arith.addi %mul3A_4, %add3A_1158 : i32
    %add3A_1160 = arith.constant 3 : i32
    %add3A_1161 = arith.addi %add3A_1159, %add3A_1160 : i32
    %dma_wait3A_1162 = arith.constant 2 : i32
    %dma_wait3A_1163 = arith.constant 78 : i32
    %dma_wait3A_1164 = arith.constant 0 : i32
    %dma_wait3A_1165 = tpu.memref_slice %arg6[%dma_wait3A_1162, %dma_wait3A_1163, %dma_wait3A_1164] : memref<4x208x128xf32, #tpu.memory_space<vmem>> -> memref<1x26x128xf32, #tpu.memory_space<vmem>>
    %dma_wait3A_1166 = tpu.memref_squeeze %dma_wait3A_1165 : memref<1x26x128xf32, #tpu.memory_space<vmem>> -> memref<26x128xf32, #tpu.memory_space<vmem>>
    %dma_wait3A_1167 = arith.constant 0 : i32
    %dma_wait3A_1168 = arith.constant 0 : i32
    %dma_wait3A_1169 = tpu.memref_slice %arg4[%add3A_1161, %dma_wait3A_1167, %dma_wait3A_1168] : memref<16384x26x128xf32, #tpu.memory_space<hbm>> -> memref<1x26x128xf32, #tpu.memory_space<hbm>>
    %dma_wait3A_1170 = tpu.memref_squeeze %dma_wait3A_1169 : memref<1x26x128xf32, #tpu.memory_space<hbm>> -> memref<26x128xf32, #tpu.memory_space<hbm>>
    %dma_wait3A_1171 = arith.constant 0 : i32
    %dma_wait3A_1172 = arith.constant 0 : i32
    %dma_wait3A_1173 = tpu.memref_slice %arg4[%add3A_1161, %dma_wait3A_1171, %dma_wait3A_1172] : memref<16384x26x128xf32, #tpu.memory_space<hbm>> -> memref<1x26x128xf32, #tpu.memory_space<hbm>>
    %dma_wait3A_1174 = tpu.memref_squeeze %dma_wait3A_1173 : memref<1x26x128xf32, #tpu.memory_space<hbm>> -> memref<26x128xf32, #tpu.memory_space<hbm>>
    %dma_wait3A_1175 = arith.constant 78 : i32
    %dma_wait3A_1176 = arith.constant 0 : i32
    %dma_wait3A_1177 = tpu.memref_slice %arg6[%dma_wait3A_1162, %dma_wait3A_1175, %dma_wait3A_1176] : memref<4x208x128xf32, #tpu.memory_space<vmem>> -> memref<1x26x128xf32, #tpu.memory_space<vmem>>
    %dma_wait3A_1178 = tpu.memref_squeeze %dma_wait3A_1177 : memref<1x26x128xf32, #tpu.memory_space<vmem>> -> memref<26x128xf32, #tpu.memory_space<vmem>>
    tpu.wait_dma2 semaphore(%arg13 : memref<!tpu.dma_semaphore, #tpu.memory_space<semaphore_mem>>) src(%dma_wait3A_1178 : memref<26x128xf32, #tpu.memory_space<vmem>>) dst(%dma_wait3A_1174 : memref<26x128xf32, #tpu.memory_space<hbm>>)
    %add3A_1179 = arith.constant 496 : i32
    %add3A_1180 = arith.addi %mul3A_4, %add3A_1179 : i32
    %add3A_1181 = arith.constant 4 : i32
    %add3A_1182 = arith.addi %add3A_1180, %add3A_1181 : i32
    %dma_wait3A_1183 = arith.constant 2 : i32
    %dma_wait3A_1184 = arith.constant 104 : i32
    %dma_wait3A_1185 = arith.constant 0 : i32
    %dma_wait3A_1186 = tpu.memref_slice %arg6[%dma_wait3A_1183, %dma_wait3A_1184, %dma_wait3A_1185] : memref<4x208x128xf32, #tpu.memory_space<vmem>> -> memref<1x26x128xf32, #tpu.memory_space<vmem>>
    %dma_wait3A_1187 = tpu.memref_squeeze %dma_wait3A_1186 : memref<1x26x128xf32, #tpu.memory_space<vmem>> -> memref<26x128xf32, #tpu.memory_space<vmem>>
    %dma_wait3A_1188 = arith.constant 0 : i32
    %dma_wait3A_1189 = arith.constant 0 : i32
    %dma_wait3A_1190 = tpu.memref_slice %arg4[%add3A_1182, %dma_wait3A_1188, %dma_wait3A_1189] : memref<16384x26x128xf32, #tpu.memory_space<hbm>> -> memref<1x26x128xf32, #tpu.memory_space<hbm>>
    %dma_wait3A_1191 = tpu.memref_squeeze %dma_wait3A_1190 : memref<1x26x128xf32, #tpu.memory_space<hbm>> -> memref<26x128xf32, #tpu.memory_space<hbm>>
    %dma_wait3A_1192 = arith.constant 0 : i32
    %dma_wait3A_1193 = arith.constant 0 : i32
    %dma_wait3A_1194 = tpu.memref_slice %arg4[%add3A_1182, %dma_wait3A_1192, %dma_wait3A_1193] : memref<16384x26x128xf32, #tpu.memory_space<hbm>> -> memref<1x26x128xf32, #tpu.memory_space<hbm>>
    %dma_wait3A_1195 = tpu.memref_squeeze %dma_wait3A_1194 : memref<1x26x128xf32, #tpu.memory_space<hbm>> -> memref<26x128xf32, #tpu.memory_space<hbm>>
    %dma_wait3A_1196 = arith.constant 104 : i32
    %dma_wait3A_1197 = arith.constant 0 : i32
    %dma_wait3A_1198 = tpu.memref_slice %arg6[%dma_wait3A_1183, %dma_wait3A_1196, %dma_wait3A_1197] : memref<4x208x128xf32, #tpu.memory_space<vmem>> -> memref<1x26x128xf32, #tpu.memory_space<vmem>>
    %dma_wait3A_1199 = tpu.memref_squeeze %dma_wait3A_1198 : memref<1x26x128xf32, #tpu.memory_space<vmem>> -> memref<26x128xf32, #tpu.memory_space<vmem>>
    tpu.wait_dma2 semaphore(%arg13 : memref<!tpu.dma_semaphore, #tpu.memory_space<semaphore_mem>>) src(%dma_wait3A_1199 : memref<26x128xf32, #tpu.memory_space<vmem>>) dst(%dma_wait3A_1195 : memref<26x128xf32, #tpu.memory_space<hbm>>)
    %add3A_1200 = arith.constant 496 : i32
    %add3A_1201 = arith.addi %mul3A_4, %add3A_1200 : i32
    %add3A_1202 = arith.constant 5 : i32
    %add3A_1203 = arith.addi %add3A_1201, %add3A_1202 : i32
    %dma_wait3A_1204 = arith.constant 2 : i32
    %dma_wait3A_1205 = arith.constant 130 : i32
    %dma_wait3A_1206 = arith.constant 0 : i32
    %dma_wait3A_1207 = tpu.memref_slice %arg6[%dma_wait3A_1204, %dma_wait3A_1205, %dma_wait3A_1206] : memref<4x208x128xf32, #tpu.memory_space<vmem>> -> memref<1x26x128xf32, #tpu.memory_space<vmem>>
    %dma_wait3A_1208 = tpu.memref_squeeze %dma_wait3A_1207 : memref<1x26x128xf32, #tpu.memory_space<vmem>> -> memref<26x128xf32, #tpu.memory_space<vmem>>
    %dma_wait3A_1209 = arith.constant 0 : i32
    %dma_wait3A_1210 = arith.constant 0 : i32
    %dma_wait3A_1211 = tpu.memref_slice %arg4[%add3A_1203, %dma_wait3A_1209, %dma_wait3A_1210] : memref<16384x26x128xf32, #tpu.memory_space<hbm>> -> memref<1x26x128xf32, #tpu.memory_space<hbm>>
    %dma_wait3A_1212 = tpu.memref_squeeze %dma_wait3A_1211 : memref<1x26x128xf32, #tpu.memory_space<hbm>> -> memref<26x128xf32, #tpu.memory_space<hbm>>
    %dma_wait3A_1213 = arith.constant 0 : i32
    %dma_wait3A_1214 = arith.constant 0 : i32
    %dma_wait3A_1215 = tpu.memref_slice %arg4[%add3A_1203, %dma_wait3A_1213, %dma_wait3A_1214] : memref<16384x26x128xf32, #tpu.memory_space<hbm>> -> memref<1x26x128xf32, #tpu.memory_space<hbm>>
    %dma_wait3A_1216 = tpu.memref_squeeze %dma_wait3A_1215 : memref<1x26x128xf32, #tpu.memory_space<hbm>> -> memref<26x128xf32, #tpu.memory_space<hbm>>
    %dma_wait3A_1217 = arith.constant 130 : i32
    %dma_wait3A_1218 = arith.constant 0 : i32
    %dma_wait3A_1219 = tpu.memref_slice %arg6[%dma_wait3A_1204, %dma_wait3A_1217, %dma_wait3A_1218] : memref<4x208x128xf32, #tpu.memory_space<vmem>> -> memref<1x26x128xf32, #tpu.memory_space<vmem>>
    %dma_wait3A_1220 = tpu.memref_squeeze %dma_wait3A_1219 : memref<1x26x128xf32, #tpu.memory_space<vmem>> -> memref<26x128xf32, #tpu.memory_space<vmem>>
    tpu.wait_dma2 semaphore(%arg13 : memref<!tpu.dma_semaphore, #tpu.memory_space<semaphore_mem>>) src(%dma_wait3A_1220 : memref<26x128xf32, #tpu.memory_space<vmem>>) dst(%dma_wait3A_1216 : memref<26x128xf32, #tpu.memory_space<hbm>>)
    %add3A_1221 = arith.constant 496 : i32
    %add3A_1222 = arith.addi %mul3A_4, %add3A_1221 : i32
    %add3A_1223 = arith.constant 6 : i32
    %add3A_1224 = arith.addi %add3A_1222, %add3A_1223 : i32
    %dma_wait3A_1225 = arith.constant 2 : i32
    %dma_wait3A_1226 = arith.constant 156 : i32
    %dma_wait3A_1227 = arith.constant 0 : i32
    %dma_wait3A_1228 = tpu.memref_slice %arg6[%dma_wait3A_1225, %dma_wait3A_1226, %dma_wait3A_1227] : memref<4x208x128xf32, #tpu.memory_space<vmem>> -> memref<1x26x128xf32, #tpu.memory_space<vmem>>
    %dma_wait3A_1229 = tpu.memref_squeeze %dma_wait3A_1228 : memref<1x26x128xf32, #tpu.memory_space<vmem>> -> memref<26x128xf32, #tpu.memory_space<vmem>>
    %dma_wait3A_1230 = arith.constant 0 : i32
    %dma_wait3A_1231 = arith.constant 0 : i32
    %dma_wait3A_1232 = tpu.memref_slice %arg4[%add3A_1224, %dma_wait3A_1230, %dma_wait3A_1231] : memref<16384x26x128xf32, #tpu.memory_space<hbm>> -> memref<1x26x128xf32, #tpu.memory_space<hbm>>
    %dma_wait3A_1233 = tpu.memref_squeeze %dma_wait3A_1232 : memref<1x26x128xf32, #tpu.memory_space<hbm>> -> memref<26x128xf32, #tpu.memory_space<hbm>>
    %dma_wait3A_1234 = arith.constant 0 : i32
    %dma_wait3A_1235 = arith.constant 0 : i32
    %dma_wait3A_1236 = tpu.memref_slice %arg4[%add3A_1224, %dma_wait3A_1234, %dma_wait3A_1235] : memref<16384x26x128xf32, #tpu.memory_space<hbm>> -> memref<1x26x128xf32, #tpu.memory_space<hbm>>
    %dma_wait3A_1237 = tpu.memref_squeeze %dma_wait3A_1236 : memref<1x26x128xf32, #tpu.memory_space<hbm>> -> memref<26x128xf32, #tpu.memory_space<hbm>>
    %dma_wait3A_1238 = arith.constant 156 : i32
    %dma_wait3A_1239 = arith.constant 0 : i32
    %dma_wait3A_1240 = tpu.memref_slice %arg6[%dma_wait3A_1225, %dma_wait3A_1238, %dma_wait3A_1239] : memref<4x208x128xf32, #tpu.memory_space<vmem>> -> memref<1x26x128xf32, #tpu.memory_space<vmem>>
    %dma_wait3A_1241 = tpu.memref_squeeze %dma_wait3A_1240 : memref<1x26x128xf32, #tpu.memory_space<vmem>> -> memref<26x128xf32, #tpu.memory_space<vmem>>
    tpu.wait_dma2 semaphore(%arg13 : memref<!tpu.dma_semaphore, #tpu.memory_space<semaphore_mem>>) src(%dma_wait3A_1241 : memref<26x128xf32, #tpu.memory_space<vmem>>) dst(%dma_wait3A_1237 : memref<26x128xf32, #tpu.memory_space<hbm>>)
    %add3A_1242 = arith.constant 496 : i32
    %add3A_1243 = arith.addi %mul3A_4, %add3A_1242 : i32
    %add3A_1244 = arith.constant 7 : i32
    %add3A_1245 = arith.addi %add3A_1243, %add3A_1244 : i32
    %dma_wait3A_1246 = arith.constant 2 : i32
    %dma_wait3A_1247 = arith.constant 182 : i32
    %dma_wait3A_1248 = arith.constant 0 : i32
    %dma_wait3A_1249 = tpu.memref_slice %arg6[%dma_wait3A_1246, %dma_wait3A_1247, %dma_wait3A_1248] : memref<4x208x128xf32, #tpu.memory_space<vmem>> -> memref<1x26x128xf32, #tpu.memory_space<vmem>>
    %dma_wait3A_1250 = tpu.memref_squeeze %dma_wait3A_1249 : memref<1x26x128xf32, #tpu.memory_space<vmem>> -> memref<26x128xf32, #tpu.memory_space<vmem>>
    %dma_wait3A_1251 = arith.constant 0 : i32
    %dma_wait3A_1252 = arith.constant 0 : i32
    %dma_wait3A_1253 = tpu.memref_slice %arg4[%add3A_1245, %dma_wait3A_1251, %dma_wait3A_1252] : memref<16384x26x128xf32, #tpu.memory_space<hbm>> -> memref<1x26x128xf32, #tpu.memory_space<hbm>>
    %dma_wait3A_1254 = tpu.memref_squeeze %dma_wait3A_1253 : memref<1x26x128xf32, #tpu.memory_space<hbm>> -> memref<26x128xf32, #tpu.memory_space<hbm>>
    %dma_wait3A_1255 = arith.constant 0 : i32
    %dma_wait3A_1256 = arith.constant 0 : i32
    %dma_wait3A_1257 = tpu.memref_slice %arg4[%add3A_1245, %dma_wait3A_1255, %dma_wait3A_1256] : memref<16384x26x128xf32, #tpu.memory_space<hbm>> -> memref<1x26x128xf32, #tpu.memory_space<hbm>>
    %dma_wait3A_1258 = tpu.memref_squeeze %dma_wait3A_1257 : memref<1x26x128xf32, #tpu.memory_space<hbm>> -> memref<26x128xf32, #tpu.memory_space<hbm>>
    %dma_wait3A_1259 = arith.constant 182 : i32
    %dma_wait3A_1260 = arith.constant 0 : i32
    %dma_wait3A_1261 = tpu.memref_slice %arg6[%dma_wait3A_1246, %dma_wait3A_1259, %dma_wait3A_1260] : memref<4x208x128xf32, #tpu.memory_space<vmem>> -> memref<1x26x128xf32, #tpu.memory_space<vmem>>
    %dma_wait3A_1262 = tpu.memref_squeeze %dma_wait3A_1261 : memref<1x26x128xf32, #tpu.memory_space<vmem>> -> memref<26x128xf32, #tpu.memory_space<vmem>>
    tpu.wait_dma2 semaphore(%arg13 : memref<!tpu.dma_semaphore, #tpu.memory_space<semaphore_mem>>) src(%dma_wait3A_1262 : memref<26x128xf32, #tpu.memory_space<vmem>>) dst(%dma_wait3A_1258 : memref<26x128xf32, #tpu.memory_space<hbm>>)
    %add3A_1263 = arith.constant 504 : i32
    %add3A_1264 = arith.addi %mul3A_4, %add3A_1263 : i32
    %add3A_1265 = arith.constant 0 : i32
    %add3A_1266 = arith.addi %add3A_1264, %add3A_1265 : i32
    %dma_wait3A_1267 = arith.constant 3 : i32
    %dma_wait3A_1268 = arith.constant 0 : i32
    %dma_wait3A_1269 = arith.constant 0 : i32
    %dma_wait3A_1270 = tpu.memref_slice %arg6[%dma_wait3A_1267, %dma_wait3A_1268, %dma_wait3A_1269] : memref<4x208x128xf32, #tpu.memory_space<vmem>> -> memref<1x26x128xf32, #tpu.memory_space<vmem>>
    %dma_wait3A_1271 = tpu.memref_squeeze %dma_wait3A_1270 : memref<1x26x128xf32, #tpu.memory_space<vmem>> -> memref<26x128xf32, #tpu.memory_space<vmem>>
    %dma_wait3A_1272 = arith.constant 0 : i32
    %dma_wait3A_1273 = arith.constant 0 : i32
    %dma_wait3A_1274 = tpu.memref_slice %arg4[%add3A_1266, %dma_wait3A_1272, %dma_wait3A_1273] : memref<16384x26x128xf32, #tpu.memory_space<hbm>> -> memref<1x26x128xf32, #tpu.memory_space<hbm>>
    %dma_wait3A_1275 = tpu.memref_squeeze %dma_wait3A_1274 : memref<1x26x128xf32, #tpu.memory_space<hbm>> -> memref<26x128xf32, #tpu.memory_space<hbm>>
    %dma_wait3A_1276 = arith.constant 0 : i32
    %dma_wait3A_1277 = arith.constant 0 : i32
    %dma_wait3A_1278 = tpu.memref_slice %arg4[%add3A_1266, %dma_wait3A_1276, %dma_wait3A_1277] : memref<16384x26x128xf32, #tpu.memory_space<hbm>> -> memref<1x26x128xf32, #tpu.memory_space<hbm>>
    %dma_wait3A_1279 = tpu.memref_squeeze %dma_wait3A_1278 : memref<1x26x128xf32, #tpu.memory_space<hbm>> -> memref<26x128xf32, #tpu.memory_space<hbm>>
    %dma_wait3A_1280 = arith.constant 0 : i32
    %dma_wait3A_1281 = arith.constant 0 : i32
    %dma_wait3A_1282 = tpu.memref_slice %arg6[%dma_wait3A_1267, %dma_wait3A_1280, %dma_wait3A_1281] : memref<4x208x128xf32, #tpu.memory_space<vmem>> -> memref<1x26x128xf32, #tpu.memory_space<vmem>>
    %dma_wait3A_1283 = tpu.memref_squeeze %dma_wait3A_1282 : memref<1x26x128xf32, #tpu.memory_space<vmem>> -> memref<26x128xf32, #tpu.memory_space<vmem>>
    tpu.wait_dma2 semaphore(%arg14 : memref<!tpu.dma_semaphore, #tpu.memory_space<semaphore_mem>>) src(%dma_wait3A_1283 : memref<26x128xf32, #tpu.memory_space<vmem>>) dst(%dma_wait3A_1279 : memref<26x128xf32, #tpu.memory_space<hbm>>)
    %add3A_1284 = arith.constant 504 : i32
    %add3A_1285 = arith.addi %mul3A_4, %add3A_1284 : i32
    %add3A_1286 = arith.constant 1 : i32
    %add3A_1287 = arith.addi %add3A_1285, %add3A_1286 : i32
    %dma_wait3A_1288 = arith.constant 3 : i32
    %dma_wait3A_1289 = arith.constant 26 : i32
    %dma_wait3A_1290 = arith.constant 0 : i32
    %dma_wait3A_1291 = tpu.memref_slice %arg6[%dma_wait3A_1288, %dma_wait3A_1289, %dma_wait3A_1290] : memref<4x208x128xf32, #tpu.memory_space<vmem>> -> memref<1x26x128xf32, #tpu.memory_space<vmem>>
    %dma_wait3A_1292 = tpu.memref_squeeze %dma_wait3A_1291 : memref<1x26x128xf32, #tpu.memory_space<vmem>> -> memref<26x128xf32, #tpu.memory_space<vmem>>
    %dma_wait3A_1293 = arith.constant 0 : i32
    %dma_wait3A_1294 = arith.constant 0 : i32
    %dma_wait3A_1295 = tpu.memref_slice %arg4[%add3A_1287, %dma_wait3A_1293, %dma_wait3A_1294] : memref<16384x26x128xf32, #tpu.memory_space<hbm>> -> memref<1x26x128xf32, #tpu.memory_space<hbm>>
    %dma_wait3A_1296 = tpu.memref_squeeze %dma_wait3A_1295 : memref<1x26x128xf32, #tpu.memory_space<hbm>> -> memref<26x128xf32, #tpu.memory_space<hbm>>
    %dma_wait3A_1297 = arith.constant 0 : i32
    %dma_wait3A_1298 = arith.constant 0 : i32
    %dma_wait3A_1299 = tpu.memref_slice %arg4[%add3A_1287, %dma_wait3A_1297, %dma_wait3A_1298] : memref<16384x26x128xf32, #tpu.memory_space<hbm>> -> memref<1x26x128xf32, #tpu.memory_space<hbm>>
    %dma_wait3A_1300 = tpu.memref_squeeze %dma_wait3A_1299 : memref<1x26x128xf32, #tpu.memory_space<hbm>> -> memref<26x128xf32, #tpu.memory_space<hbm>>
    %dma_wait3A_1301 = arith.constant 26 : i32
    %dma_wait3A_1302 = arith.constant 0 : i32
    %dma_wait3A_1303 = tpu.memref_slice %arg6[%dma_wait3A_1288, %dma_wait3A_1301, %dma_wait3A_1302] : memref<4x208x128xf32, #tpu.memory_space<vmem>> -> memref<1x26x128xf32, #tpu.memory_space<vmem>>
    %dma_wait3A_1304 = tpu.memref_squeeze %dma_wait3A_1303 : memref<1x26x128xf32, #tpu.memory_space<vmem>> -> memref<26x128xf32, #tpu.memory_space<vmem>>
    tpu.wait_dma2 semaphore(%arg14 : memref<!tpu.dma_semaphore, #tpu.memory_space<semaphore_mem>>) src(%dma_wait3A_1304 : memref<26x128xf32, #tpu.memory_space<vmem>>) dst(%dma_wait3A_1300 : memref<26x128xf32, #tpu.memory_space<hbm>>)
    %add3A_1305 = arith.constant 504 : i32
    %add3A_1306 = arith.addi %mul3A_4, %add3A_1305 : i32
    %add3A_1307 = arith.constant 2 : i32
    %add3A_1308 = arith.addi %add3A_1306, %add3A_1307 : i32
    %dma_wait3A_1309 = arith.constant 3 : i32
    %dma_wait3A_1310 = arith.constant 52 : i32
    %dma_wait3A_1311 = arith.constant 0 : i32
    %dma_wait3A_1312 = tpu.memref_slice %arg6[%dma_wait3A_1309, %dma_wait3A_1310, %dma_wait3A_1311] : memref<4x208x128xf32, #tpu.memory_space<vmem>> -> memref<1x26x128xf32, #tpu.memory_space<vmem>>
    %dma_wait3A_1313 = tpu.memref_squeeze %dma_wait3A_1312 : memref<1x26x128xf32, #tpu.memory_space<vmem>> -> memref<26x128xf32, #tpu.memory_space<vmem>>
    %dma_wait3A_1314 = arith.constant 0 : i32
    %dma_wait3A_1315 = arith.constant 0 : i32
    %dma_wait3A_1316 = tpu.memref_slice %arg4[%add3A_1308, %dma_wait3A_1314, %dma_wait3A_1315] : memref<16384x26x128xf32, #tpu.memory_space<hbm>> -> memref<1x26x128xf32, #tpu.memory_space<hbm>>
    %dma_wait3A_1317 = tpu.memref_squeeze %dma_wait3A_1316 : memref<1x26x128xf32, #tpu.memory_space<hbm>> -> memref<26x128xf32, #tpu.memory_space<hbm>>
    %dma_wait3A_1318 = arith.constant 0 : i32
    %dma_wait3A_1319 = arith.constant 0 : i32
    %dma_wait3A_1320 = tpu.memref_slice %arg4[%add3A_1308, %dma_wait3A_1318, %dma_wait3A_1319] : memref<16384x26x128xf32, #tpu.memory_space<hbm>> -> memref<1x26x128xf32, #tpu.memory_space<hbm>>
    %dma_wait3A_1321 = tpu.memref_squeeze %dma_wait3A_1320 : memref<1x26x128xf32, #tpu.memory_space<hbm>> -> memref<26x128xf32, #tpu.memory_space<hbm>>
    %dma_wait3A_1322 = arith.constant 52 : i32
    %dma_wait3A_1323 = arith.constant 0 : i32
    %dma_wait3A_1324 = tpu.memref_slice %arg6[%dma_wait3A_1309, %dma_wait3A_1322, %dma_wait3A_1323] : memref<4x208x128xf32, #tpu.memory_space<vmem>> -> memref<1x26x128xf32, #tpu.memory_space<vmem>>
    %dma_wait3A_1325 = tpu.memref_squeeze %dma_wait3A_1324 : memref<1x26x128xf32, #tpu.memory_space<vmem>> -> memref<26x128xf32, #tpu.memory_space<vmem>>
    tpu.wait_dma2 semaphore(%arg14 : memref<!tpu.dma_semaphore, #tpu.memory_space<semaphore_mem>>) src(%dma_wait3A_1325 : memref<26x128xf32, #tpu.memory_space<vmem>>) dst(%dma_wait3A_1321 : memref<26x128xf32, #tpu.memory_space<hbm>>)
    %add3A_1326 = arith.constant 504 : i32
    %add3A_1327 = arith.addi %mul3A_4, %add3A_1326 : i32
    %add3A_1328 = arith.constant 3 : i32
    %add3A_1329 = arith.addi %add3A_1327, %add3A_1328 : i32
    %dma_wait3A_1330 = arith.constant 3 : i32
    %dma_wait3A_1331 = arith.constant 78 : i32
    %dma_wait3A_1332 = arith.constant 0 : i32
    %dma_wait3A_1333 = tpu.memref_slice %arg6[%dma_wait3A_1330, %dma_wait3A_1331, %dma_wait3A_1332] : memref<4x208x128xf32, #tpu.memory_space<vmem>> -> memref<1x26x128xf32, #tpu.memory_space<vmem>>
    %dma_wait3A_1334 = tpu.memref_squeeze %dma_wait3A_1333 : memref<1x26x128xf32, #tpu.memory_space<vmem>> -> memref<26x128xf32, #tpu.memory_space<vmem>>
    %dma_wait3A_1335 = arith.constant 0 : i32
    %dma_wait3A_1336 = arith.constant 0 : i32
    %dma_wait3A_1337 = tpu.memref_slice %arg4[%add3A_1329, %dma_wait3A_1335, %dma_wait3A_1336] : memref<16384x26x128xf32, #tpu.memory_space<hbm>> -> memref<1x26x128xf32, #tpu.memory_space<hbm>>
    %dma_wait3A_1338 = tpu.memref_squeeze %dma_wait3A_1337 : memref<1x26x128xf32, #tpu.memory_space<hbm>> -> memref<26x128xf32, #tpu.memory_space<hbm>>
    %dma_wait3A_1339 = arith.constant 0 : i32
    %dma_wait3A_1340 = arith.constant 0 : i32
    %dma_wait3A_1341 = tpu.memref_slice %arg4[%add3A_1329, %dma_wait3A_1339, %dma_wait3A_1340] : memref<16384x26x128xf32, #tpu.memory_space<hbm>> -> memref<1x26x128xf32, #tpu.memory_space<hbm>>
    %dma_wait3A_1342 = tpu.memref_squeeze %dma_wait3A_1341 : memref<1x26x128xf32, #tpu.memory_space<hbm>> -> memref<26x128xf32, #tpu.memory_space<hbm>>
    %dma_wait3A_1343 = arith.constant 78 : i32
    %dma_wait3A_1344 = arith.constant 0 : i32
    %dma_wait3A_1345 = tpu.memref_slice %arg6[%dma_wait3A_1330, %dma_wait3A_1343, %dma_wait3A_1344] : memref<4x208x128xf32, #tpu.memory_space<vmem>> -> memref<1x26x128xf32, #tpu.memory_space<vmem>>
    %dma_wait3A_1346 = tpu.memref_squeeze %dma_wait3A_1345 : memref<1x26x128xf32, #tpu.memory_space<vmem>> -> memref<26x128xf32, #tpu.memory_space<vmem>>
    tpu.wait_dma2 semaphore(%arg14 : memref<!tpu.dma_semaphore, #tpu.memory_space<semaphore_mem>>) src(%dma_wait3A_1346 : memref<26x128xf32, #tpu.memory_space<vmem>>) dst(%dma_wait3A_1342 : memref<26x128xf32, #tpu.memory_space<hbm>>)
    %add3A_1347 = arith.constant 504 : i32
    %add3A_1348 = arith.addi %mul3A_4, %add3A_1347 : i32
    %add3A_1349 = arith.constant 4 : i32
    %add3A_1350 = arith.addi %add3A_1348, %add3A_1349 : i32
    %dma_wait3A_1351 = arith.constant 3 : i32
    %dma_wait3A_1352 = arith.constant 104 : i32
    %dma_wait3A_1353 = arith.constant 0 : i32
    %dma_wait3A_1354 = tpu.memref_slice %arg6[%dma_wait3A_1351, %dma_wait3A_1352, %dma_wait3A_1353] : memref<4x208x128xf32, #tpu.memory_space<vmem>> -> memref<1x26x128xf32, #tpu.memory_space<vmem>>
    %dma_wait3A_1355 = tpu.memref_squeeze %dma_wait3A_1354 : memref<1x26x128xf32, #tpu.memory_space<vmem>> -> memref<26x128xf32, #tpu.memory_space<vmem>>
    %dma_wait3A_1356 = arith.constant 0 : i32
    %dma_wait3A_1357 = arith.constant 0 : i32
    %dma_wait3A_1358 = tpu.memref_slice %arg4[%add3A_1350, %dma_wait3A_1356, %dma_wait3A_1357] : memref<16384x26x128xf32, #tpu.memory_space<hbm>> -> memref<1x26x128xf32, #tpu.memory_space<hbm>>
    %dma_wait3A_1359 = tpu.memref_squeeze %dma_wait3A_1358 : memref<1x26x128xf32, #tpu.memory_space<hbm>> -> memref<26x128xf32, #tpu.memory_space<hbm>>
    %dma_wait3A_1360 = arith.constant 0 : i32
    %dma_wait3A_1361 = arith.constant 0 : i32
    %dma_wait3A_1362 = tpu.memref_slice %arg4[%add3A_1350, %dma_wait3A_1360, %dma_wait3A_1361] : memref<16384x26x128xf32, #tpu.memory_space<hbm>> -> memref<1x26x128xf32, #tpu.memory_space<hbm>>
    %dma_wait3A_1363 = tpu.memref_squeeze %dma_wait3A_1362 : memref<1x26x128xf32, #tpu.memory_space<hbm>> -> memref<26x128xf32, #tpu.memory_space<hbm>>
    %dma_wait3A_1364 = arith.constant 104 : i32
    %dma_wait3A_1365 = arith.constant 0 : i32
    %dma_wait3A_1366 = tpu.memref_slice %arg6[%dma_wait3A_1351, %dma_wait3A_1364, %dma_wait3A_1365] : memref<4x208x128xf32, #tpu.memory_space<vmem>> -> memref<1x26x128xf32, #tpu.memory_space<vmem>>
    %dma_wait3A_1367 = tpu.memref_squeeze %dma_wait3A_1366 : memref<1x26x128xf32, #tpu.memory_space<vmem>> -> memref<26x128xf32, #tpu.memory_space<vmem>>
    tpu.wait_dma2 semaphore(%arg14 : memref<!tpu.dma_semaphore, #tpu.memory_space<semaphore_mem>>) src(%dma_wait3A_1367 : memref<26x128xf32, #tpu.memory_space<vmem>>) dst(%dma_wait3A_1363 : memref<26x128xf32, #tpu.memory_space<hbm>>)
    %add3A_1368 = arith.constant 504 : i32
    %add3A_1369 = arith.addi %mul3A_4, %add3A_1368 : i32
    %add3A_1370 = arith.constant 5 : i32
    %add3A_1371 = arith.addi %add3A_1369, %add3A_1370 : i32
    %dma_wait3A_1372 = arith.constant 3 : i32
    %dma_wait3A_1373 = arith.constant 130 : i32
    %dma_wait3A_1374 = arith.constant 0 : i32
    %dma_wait3A_1375 = tpu.memref_slice %arg6[%dma_wait3A_1372, %dma_wait3A_1373, %dma_wait3A_1374] : memref<4x208x128xf32, #tpu.memory_space<vmem>> -> memref<1x26x128xf32, #tpu.memory_space<vmem>>
    %dma_wait3A_1376 = tpu.memref_squeeze %dma_wait3A_1375 : memref<1x26x128xf32, #tpu.memory_space<vmem>> -> memref<26x128xf32, #tpu.memory_space<vmem>>
    %dma_wait3A_1377 = arith.constant 0 : i32
    %dma_wait3A_1378 = arith.constant 0 : i32
    %dma_wait3A_1379 = tpu.memref_slice %arg4[%add3A_1371, %dma_wait3A_1377, %dma_wait3A_1378] : memref<16384x26x128xf32, #tpu.memory_space<hbm>> -> memref<1x26x128xf32, #tpu.memory_space<hbm>>
    %dma_wait3A_1380 = tpu.memref_squeeze %dma_wait3A_1379 : memref<1x26x128xf32, #tpu.memory_space<hbm>> -> memref<26x128xf32, #tpu.memory_space<hbm>>
    %dma_wait3A_1381 = arith.constant 0 : i32
    %dma_wait3A_1382 = arith.constant 0 : i32
    %dma_wait3A_1383 = tpu.memref_slice %arg4[%add3A_1371, %dma_wait3A_1381, %dma_wait3A_1382] : memref<16384x26x128xf32, #tpu.memory_space<hbm>> -> memref<1x26x128xf32, #tpu.memory_space<hbm>>
    %dma_wait3A_1384 = tpu.memref_squeeze %dma_wait3A_1383 : memref<1x26x128xf32, #tpu.memory_space<hbm>> -> memref<26x128xf32, #tpu.memory_space<hbm>>
    %dma_wait3A_1385 = arith.constant 130 : i32
    %dma_wait3A_1386 = arith.constant 0 : i32
    %dma_wait3A_1387 = tpu.memref_slice %arg6[%dma_wait3A_1372, %dma_wait3A_1385, %dma_wait3A_1386] : memref<4x208x128xf32, #tpu.memory_space<vmem>> -> memref<1x26x128xf32, #tpu.memory_space<vmem>>
    %dma_wait3A_1388 = tpu.memref_squeeze %dma_wait3A_1387 : memref<1x26x128xf32, #tpu.memory_space<vmem>> -> memref<26x128xf32, #tpu.memory_space<vmem>>
    tpu.wait_dma2 semaphore(%arg14 : memref<!tpu.dma_semaphore, #tpu.memory_space<semaphore_mem>>) src(%dma_wait3A_1388 : memref<26x128xf32, #tpu.memory_space<vmem>>) dst(%dma_wait3A_1384 : memref<26x128xf32, #tpu.memory_space<hbm>>)
    %add3A_1389 = arith.constant 504 : i32
    %add3A_1390 = arith.addi %mul3A_4, %add3A_1389 : i32
    %add3A_1391 = arith.constant 6 : i32
    %add3A_1392 = arith.addi %add3A_1390, %add3A_1391 : i32
    %dma_wait3A_1393 = arith.constant 3 : i32
    %dma_wait3A_1394 = arith.constant 156 : i32
    %dma_wait3A_1395 = arith.constant 0 : i32
    %dma_wait3A_1396 = tpu.memref_slice %arg6[%dma_wait3A_1393, %dma_wait3A_1394, %dma_wait3A_1395] : memref<4x208x128xf32, #tpu.memory_space<vmem>> -> memref<1x26x128xf32, #tpu.memory_space<vmem>>
    %dma_wait3A_1397 = tpu.memref_squeeze %dma_wait3A_1396 : memref<1x26x128xf32, #tpu.memory_space<vmem>> -> memref<26x128xf32, #tpu.memory_space<vmem>>
    %dma_wait3A_1398 = arith.constant 0 : i32
    %dma_wait3A_1399 = arith.constant 0 : i32
    %dma_wait3A_1400 = tpu.memref_slice %arg4[%add3A_1392, %dma_wait3A_1398, %dma_wait3A_1399] : memref<16384x26x128xf32, #tpu.memory_space<hbm>> -> memref<1x26x128xf32, #tpu.memory_space<hbm>>
    %dma_wait3A_1401 = tpu.memref_squeeze %dma_wait3A_1400 : memref<1x26x128xf32, #tpu.memory_space<hbm>> -> memref<26x128xf32, #tpu.memory_space<hbm>>
    %dma_wait3A_1402 = arith.constant 0 : i32
    %dma_wait3A_1403 = arith.constant 0 : i32
    %dma_wait3A_1404 = tpu.memref_slice %arg4[%add3A_1392, %dma_wait3A_1402, %dma_wait3A_1403] : memref<16384x26x128xf32, #tpu.memory_space<hbm>> -> memref<1x26x128xf32, #tpu.memory_space<hbm>>
    %dma_wait3A_1405 = tpu.memref_squeeze %dma_wait3A_1404 : memref<1x26x128xf32, #tpu.memory_space<hbm>> -> memref<26x128xf32, #tpu.memory_space<hbm>>
    %dma_wait3A_1406 = arith.constant 156 : i32
    %dma_wait3A_1407 = arith.constant 0 : i32
    %dma_wait3A_1408 = tpu.memref_slice %arg6[%dma_wait3A_1393, %dma_wait3A_1406, %dma_wait3A_1407] : memref<4x208x128xf32, #tpu.memory_space<vmem>> -> memref<1x26x128xf32, #tpu.memory_space<vmem>>
    %dma_wait3A_1409 = tpu.memref_squeeze %dma_wait3A_1408 : memref<1x26x128xf32, #tpu.memory_space<vmem>> -> memref<26x128xf32, #tpu.memory_space<vmem>>
    tpu.wait_dma2 semaphore(%arg14 : memref<!tpu.dma_semaphore, #tpu.memory_space<semaphore_mem>>) src(%dma_wait3A_1409 : memref<26x128xf32, #tpu.memory_space<vmem>>) dst(%dma_wait3A_1405 : memref<26x128xf32, #tpu.memory_space<hbm>>)
    %add3A_1410 = arith.constant 504 : i32
    %add3A_1411 = arith.addi %mul3A_4, %add3A_1410 : i32
    %add3A_1412 = arith.constant 7 : i32
    %add3A_1413 = arith.addi %add3A_1411, %add3A_1412 : i32
    %dma_wait3A_1414 = arith.constant 3 : i32
    %dma_wait3A_1415 = arith.constant 182 : i32
    %dma_wait3A_1416 = arith.constant 0 : i32
    %dma_wait3A_1417 = tpu.memref_slice %arg6[%dma_wait3A_1414, %dma_wait3A_1415, %dma_wait3A_1416] : memref<4x208x128xf32, #tpu.memory_space<vmem>> -> memref<1x26x128xf32, #tpu.memory_space<vmem>>
    %dma_wait3A_1418 = tpu.memref_squeeze %dma_wait3A_1417 : memref<1x26x128xf32, #tpu.memory_space<vmem>> -> memref<26x128xf32, #tpu.memory_space<vmem>>
    %dma_wait3A_1419 = arith.constant 0 : i32
    %dma_wait3A_1420 = arith.constant 0 : i32
    %dma_wait3A_1421 = tpu.memref_slice %arg4[%add3A_1413, %dma_wait3A_1419, %dma_wait3A_1420] : memref<16384x26x128xf32, #tpu.memory_space<hbm>> -> memref<1x26x128xf32, #tpu.memory_space<hbm>>
    %dma_wait3A_1422 = tpu.memref_squeeze %dma_wait3A_1421 : memref<1x26x128xf32, #tpu.memory_space<hbm>> -> memref<26x128xf32, #tpu.memory_space<hbm>>
    %dma_wait3A_1423 = arith.constant 0 : i32
    %dma_wait3A_1424 = arith.constant 0 : i32
    %dma_wait3A_1425 = tpu.memref_slice %arg4[%add3A_1413, %dma_wait3A_1423, %dma_wait3A_1424] : memref<16384x26x128xf32, #tpu.memory_space<hbm>> -> memref<1x26x128xf32, #tpu.memory_space<hbm>>
    %dma_wait3A_1426 = tpu.memref_squeeze %dma_wait3A_1425 : memref<1x26x128xf32, #tpu.memory_space<hbm>> -> memref<26x128xf32, #tpu.memory_space<hbm>>
    %dma_wait3A_1427 = arith.constant 182 : i32
    %dma_wait3A_1428 = arith.constant 0 : i32
    %dma_wait3A_1429 = tpu.memref_slice %arg6[%dma_wait3A_1414, %dma_wait3A_1427, %dma_wait3A_1428] : memref<4x208x128xf32, #tpu.memory_space<vmem>> -> memref<1x26x128xf32, #tpu.memory_space<vmem>>
    %dma_wait3A_1430 = tpu.memref_squeeze %dma_wait3A_1429 : memref<1x26x128xf32, #tpu.memory_space<vmem>> -> memref<26x128xf32, #tpu.memory_space<vmem>>
    tpu.wait_dma2 semaphore(%arg14 : memref<!tpu.dma_semaphore, #tpu.memory_space<semaphore_mem>>) src(%dma_wait3A_1430 : memref<26x128xf32, #tpu.memory_space<vmem>>) dst(%dma_wait3A_1426 : memref<26x128xf32, #tpu.memory_space<hbm>>)
    return
  }
}

module attributes {stable_mosaic.version = 14 : i64} {
  func.func @_proj_body(%arg0: i32, %arg1: memref<10000x64xf32, #tpu.memory_space<vmem>>, %arg2: memref<64x128xf32, #tpu.memory_space<vmem>>, %arg3: memref<1x128xf32, #tpu.memory_space<vmem>>, %arg4: memref<10000x128xf32, #tpu.memory_space<vmem>>) attributes {dimension_semantics = [#tpu.dimension_semantics<arbitrary>], iteration_bounds = array<i64: 10>, scalar_prefetch = 0 : i64, scratch_operands = 0 : i64, tpu.core_type = #tpu.core_type<tc>, window_params = [{transform_indices = @transform_0, window_bounds = array<i64: 10000, 64>}, {pipeline_mode = #tpu.pipeline_mode<synchronous>, transform_indices = @transform_1, window_bounds = array<i64: 64, 128>}, {pipeline_mode = #tpu.pipeline_mode<synchronous>, transform_indices = @transform_2, window_bounds = array<i64: 1, 128>}, {transform_indices = @transform_3, window_bounds = array<i64: 10000, 128>}]} {
    %get3A = arith.constant 0 : index
    %get3A_0 = arith.constant 0 : index
    %get3A_1 = vector.load %arg1[%get3A, %get3A_0] : memref<10000x64xf32, #tpu.memory_space<vmem>>, vector<10000x64xf32>
    %get3A_2 = arith.constant 0 : index
    %get3A_3 = arith.constant 0 : index
    %get3A_4 = vector.load %arg2[%get3A_2, %get3A_3] : memref<64x128xf32, #tpu.memory_space<vmem>>, vector<64x128xf32>
    %dot_general3A = arith.constant dense<0.000000e+00> : vector<10000x128xf32>
    %dot_general3A_5 = tpu.matmul %get3A_1, %get3A_4, %dot_general3A {dimension_numbers = #tpu.dot_dimension_numbers<[1], [0], [0], [1], [0, 0, 1, 1], [], []>, transpose_lhs_hint = false} : vector<10000x64xf32>, vector<64x128xf32>, vector<10000x128xf32> -> vector<10000x128xf32>
    %get3A_6 = arith.constant 0 : index
    %get3A_7 = arith.constant 0 : index
    %get3A_8 = vector.load %arg3[%get3A_6, %get3A_7] : memref<1x128xf32, #tpu.memory_space<vmem>>, vector<1x128xf32>
    %add3A = vector.broadcast %get3A_8 : vector<1x128xf32> to vector<10000x128xf32>
    %add3A_9 = arith.addf %dot_general3A_5, %add3A : vector<10000x128xf32>
    %ge3A = arith.constant 0.000000e+00 : f32
    %ge3A_10 = vector.broadcast %ge3A : f32 to vector<10000x128xf32>
    %ge3A_11 = arith.cmpf oge, %add3A_9, %ge3A_10 : vector<10000x128xf32>
    %mul3A = arith.constant 0.00999999977 : f32
    %mul3A_12 = vector.broadcast %mul3A : f32 to vector<10000x128xf32>
    %mul3A_13 = arith.mulf %mul3A_12, %add3A_9 : vector<10000x128xf32>
    %select_n3A = arith.select %ge3A_11, %add3A_9, %mul3A_13 : vector<10000x128xi1>, vector<10000x128xf32>
    %swap3A = arith.constant 0 : index
    %swap3A_14 = arith.constant 0 : index
    %swap3A_15 = vector.load %arg4[%swap3A, %swap3A_14] : memref<10000x128xf32, #tpu.memory_space<vmem>>, vector<10000x128xf32>
    tpu.vector_store %arg4[%swap3A, %swap3A_14], %select_n3A {strides = array<i32>} : memref<10000x128xf32, #tpu.memory_space<vmem>>, vector<10000x128xf32>,
    return
  }
  func.func @transform_0(%arg0: i32) -> (i32, i32) {
    %c0_i32 = arith.constant 0 : i32
    %c0_i32_0 = arith.constant 0 : i32
    return %arg0, %c0_i32 : i32, i32
  }
  func.func @transform_1(%arg0: i32) -> (i32, i32) {
    %c0_i32 = arith.constant 0 : i32
    %c0_i32_0 = arith.constant 0 : i32
    %c0_i32_1 = arith.constant 0 : i32
    return %c0_i32, %c0_i32_0 : i32, i32
  }
  func.func @transform_2(%arg0: i32) -> (i32, i32) {
    %c0_i32 = arith.constant 0 : i32
    %c0_i32_0 = arith.constant 0 : i32
    %c0_i32_1 = arith.constant 0 : i32
    return %c0_i32, %c0_i32_0 : i32, i32
  }
  func.func @transform_3(%arg0: i32) -> (i32, i32) {
    %c0_i32 = arith.constant 0 : i32
    %c0_i32_0 = arith.constant 0 : i32
    return %arg0, %c0_i32 : i32, i32
  }
}

</mosaic_0001>

<sc_bundles>
// kernel: kernel.4.cloned.1.call-start
scs
__scs_entry_jumppad:
0x0: {  	(pc) =	sbr.rel $0x88, $3  }
0x1: {  	(tag) =	ssettag $0x0;
	lr =	simm.s32 $0x1  }
0x2: {  	[smem:$0x3F9D] =	sst lr;
	_ =	strace $0xD0000000  }
0x3: {  	_ = 	snop  }
0x4: {  	_ = 	snop  }
0x5: {  	_ = 	snop  }
0x6: {  	_ = 	snop  }
0x7: {  	_ = 	snop  }
__scs_overlays_trampoline_lowered:
0x8: {  	[smem:$0x3FAC] =	sst s0  }
0x9: {  	[smem:$0x3FAD] =	sst s1  }
0xa: {  	[smem:$0x3FAE] =	sst s2  }
0xb: {  	[smem:$0x3FAF] =	sst s3  }
0xc: {  	[smem:$0x3FB0] =	sst s4  }
0xd: {  	[smem:$0x3FB1] =	sst s5  }
0xe: {  	[smem:$0x3FB2] =	sst s6  }
0xf: {  	[smem:$0x3FB3] =	sst s7  }
0x10: {  	[smem:$0x3FB4] =	sst s8  }
0x11: {  	[smem:$0x3FB5] =	sst s9;
	s0 =	simm.s32 @!p0 $0x0  }
0x12: {  	s1 =	sld [smem:$0x3F9B];
	s0 =	simm.s32 @p0 $0x1  }
0x13: {  	[smem:$0x3FB6] =	sst s0;
	s0 =	simm.s32 @!p1 $0x0  }
0x14: {  	s2 =	sld [smem:$0x3F9A];
	s0 =	simm.s32 @p1 $0x1  }
0x15: {  	[smem:$0x3FB7] =	sst s0;
	s0 =	simm.s32 @!p2 $0x0  }
0x16: {  	s3 =	sld [smem:$0x3FDB];
	s0 =	simm.s32 @p2 $0x1  }
0x17: {  	s4 =	simm.s32 $0x1BF5;
	[smem:$0x3FB9] =	sst s0  }
0x18: {  	s0 =	sld [smem:$0x3F9C];
	_ =	swait.ge [sflag:s4], $0x0  }
0x19: {  	s7 =	sld [smem:$0x3F9D]  }
0x1a: {  	s8 =	sadd.s32 $0xFFFFE003, lr  }
0x1b: {  	s9 =	sadd.s32 $0xFFFFFEF7, lr;
	s5 =	simm.s32 $0xFFFFFFFF;
	p2 =	slt.u32 s8, $0xFFFFF086  }
0x1c: {  	p1 =	slt.u32 s9, $0xF7A;
	s5 =	simm.s32 @!p2 $0x0  }
0x1d: {  	s5 =	simm.s32 @p1 $0x1;
	p0 =	seq.s32 s7, s2  }
0x1e: {  	s7 =	smul.u32 @!p0 $0xF7A, s2;
	p2 =	seq.s32 @!p0 s5, $0x0  }
0x1f: {  	s9 =	smul.u32 $0xF7A, s1;
	s8 =	simm.s32 @!p0 $0x1BF5;
	p2 =	por !p2, p0  }
0x20: {  	[sflag:s8] =	ssyncset.s32 @!p0 $0xFFFFF086;
	s6 =	sadd.s32 @!p0 s3, s7;
	s7 =	simm.s32 @!p0 $0x108  }
0x21: {  	s3 =	sadd.s32 s3, s9;
	s6 =	sadd.s32 @!p0 $0x88, s6;
	s7 =	simm.s32 @p2 $0x1082  }
0x22: {  	[simem:s7], [sflag:s8] =	dma.local @!p0 [hbm:s6], $0xF7A  }
0x23: {  	s9 =	sor.u32 $0xD0000000, s2;
	s6 =	simm.s32 $0x108;
	_ =	swait.ge @!p0 [sflag:s8], $0x0  }
0x24: {  	s3 =	sadd.s32 $0x88, s3;
	s6 =	simm.s32 @!p1 $0x1082;
	[sflag:s4] =	ssyncset.s32 $0xFFFFF086  }
0x25: {  	[simem:s6], [sflag:s4] =	dma.local [hbm:s3], $0xF7A  }
0x26: {  	[smem:$0x3F9D] =	sst s1;
	(tag) =	ssettag s2;
	_ =	strace s9  }
0x27: {  	s1 =	sld [smem:$0x3FAD]  }
0x28: {  	s2 =	sld [smem:$0x3FAE]  }
0x29: {  	s4 =	sld [smem:$0x3FB0]  }
0x2a: {  	p0 =	seq.s32 s5, $0x0;
	s5 =	sld [smem:$0x3FB1]  }
0x2b: {  	s6 =	sld [smem:$0x3FB2]  }
0x2c: {  	s7 =	sld [smem:$0x3FB3]  }
0x2d: {  	s3 =	simm.s32 $0x108;
	s8 =	sld [smem:$0x3FB4]  }
0x2e: {  	s3 =	simm.s32 @!p0 $0x1082;
	s9 =	sld [smem:$0x3FB5]  }
0x2f: {  	lr =	sadd.s32 s0, s3;
	s0 =	sld [smem:$0x3FAC]  }
0x30: {  	s3 =	sld [smem:$0x3FAF]  }
0x31: {  	[smem:$0x3FB8] =	sst s10  }
0x32: {  	s10 =	sld [smem:$0x3FB6];
	_ =	sdelay $0x3  }
0x33: {  	p0 =	seq.s32 s10, $0x1;
	s10 =	sld [smem:$0x3FB8];
	_ =	sdelay $0x3  }
0x34: {  	[smem:$0x3FB8] =	sst s10  }
0x35: {  	s10 =	sld [smem:$0x3FB7];
	_ =	sdelay $0x3  }
0x36: {  	p1 =	seq.s32 s10, $0x1;
	s10 =	sld [smem:$0x3FB8];
	_ =	sdelay $0x3  }
0x37: {  	[smem:$0x3FB8] =	sst s10  }
0x38: {  	s10 =	sld [smem:$0x3FB9]  }
0x39: {  	_ = 	snop;
	(pc) =	sbr.ind lr, $3  }
0x3a: {  	_ = 	snop  }
0x3b: {  	_ = 	snop  }
0x3c: {  	p2 =	seq.s32 s10, $0x1;
	s10 =	sld [smem:$0x3FB8]  }
0x3d: {  	_ =	shalt  }
0x3e: {  	_ =	shalt  }
0x3f: {  	_ =	shalt  }
0x40: {  	_ =	shalt  }
0x41: {  	_ =	shalt  }
0x42: {  	_ =	shalt  }
0x43: {  	_ =	shalt  }
0x44: {  	_ =	shalt  }
0x45: {  	_ =	shalt  }
0x46: {  	_ =	shalt  }
0x47: {  	_ =	shalt  }
0x48: {  	_ =	shalt  }
0x49: {  	_ =	shalt  }
0x4a: {  	_ =	shalt  }
0x4b: {  	_ =	shalt  }
0x4c: {  	_ =	shalt  }
0x4d: {  	_ =	shalt  }
0x4e: {  	_ =	shalt  }
0x4f: {  	_ =	shalt  }
0x50: {  	_ =	shalt  }
0x51: {  	_ =	shalt  }
0x52: {  	_ =	shalt  }
0x53: {  	_ =	shalt  }
0x54: {  	_ =	shalt  }
0x55: {  	_ =	shalt  }
0x56: {  	_ =	shalt  }
0x57: {  	_ =	shalt  }
0x58: {  	_ =	shalt  }
0x59: {  	_ =	shalt  }
0x5a: {  	_ =	shalt  }
0x5b: {  	_ =	shalt  }
0x5c: {  	_ =	shalt  }
0x5d: {  	_ =	shalt  }
0x5e: {  	_ =	shalt  }
0x5f: {  	_ =	shalt  }
0x60: {  	_ =	shalt  }
0x61: {  	_ =	shalt  }
0x62: {  	_ =	shalt  }
0x63: {  	_ =	shalt  }
0x64: {  	_ =	shalt  }
0x65: {  	_ =	shalt  }
0x66: {  	_ =	shalt  }
0x67: {  	_ =	shalt  }
0x68: {  	_ =	shalt  }
0x69: {  	_ =	shalt  }
0x6a: {  	_ =	shalt  }
0x6b: {  	_ =	shalt  }
0x6c: {  	_ =	shalt  }
0x6d: {  	_ =	shalt  }
0x6e: {  	_ =	shalt  }
0x6f: {  	_ =	shalt  }
0x70: {  	_ =	shalt  }
0x71: {  	_ =	shalt  }
0x72: {  	_ =	shalt  }
0x73: {  	_ =	shalt  }
0x74: {  	_ =	shalt  }
0x75: {  	_ =	shalt  }
0x76: {  	_ =	shalt  }
0x77: {  	_ =	shalt  }
0x78: {  	_ =	shalt  }
0x79: {  	_ =	shalt  }
0x7a: {  	_ =	shalt  }
0x7b: {  	_ =	shalt  }
0x7c: {  	_ =	shalt  }
0x7d: {  	_ =	shalt  }
0x7e: {  	_ =	shalt  }
0x7f: {  	_ =	shalt  }
0x80: {  	_ =	shalt  }
0x81: {  	_ =	shalt  }
0x82: {  	_ =	shalt  }
0x83: {  	_ =	shalt  }
0x84: {  	_ =	shalt  }
0x85: {  	_ =	shalt  }
0x86: {  	_ =	shalt  }
0x87: {  	_ =	shalt  }
.Lfunc_end0:
.L_simem_size_0:
called_computation.1_lowered:
.L_overlay_start_0:
0x88: {  	s2 =	sld [smem:$0x3FD9]  }
0x89: {  	s3 =	sld [smem:$0x3FFE];
	_ =	sdelay $0x1  }
0x8a: {  	s1 =	srdreg.scid  }
0x8b: {  	s0 =	sand.u32 $0x1, s1  }
0x8c: {  	s16 =	sshll.u32 s0, $0xA;
	s2 =	sadd.s32 s3, s2  }
0x8d: {  	s2 =	sadd.s32 s2, s16  }
0x8e: {  	[smem:$0x3FC4] =	sst s2  }
0x8f: {  	_ = 	snop  }
0x90: {  	(tm) =	ssettm $0x1  }
0x91: {  	s17 =	sld [smem:$0x3FFB];
	_ =	sdelay $0x3  }
0x92: {  	_ =	strace s17  }
0x93: {  	s2 =	sld [smem:$0x3FFC];
	_ =	sdelay $0x3  }
0x94: {  	_ =	strace s2  }
0x95: {  	s2 =	sld [smem:$0x3FFD];
	_ =	sdelay $0x3  }
0x96: {  	_ =	strace s2  }
0x97: {  	_ =	strace $0x8FFFFFFF  }
0x98: {  	s18 =	sld [smem:$0x3FDB];
	_ =	sdelay $0x1  }
0x99: {  	s19 =	simm.s32 $_scs_section_size  }
0x9a: {  	s4 =	simm.s32 $_size__tile_overlayer_lowered;
	s5 =	simm.s32 $_tile_overlayer_lowered  }
0x9b: {  	s22 =	simm.s32 $0x1BFF;
	s21 =	sshll.u32 s5, $0x1;
	s2 =	sadd.s32 s19, s18  }
0x9c: {  	s6 =	simm.s32 $0x0;
	s20 =	sshll.u32 s4, $0x1;
	s4 =	sadd.s32 s21, s2  }
0x9d: {  	[timem:s6], [sflag:s22] =	dma.local [hbm:s4], s20  }
0x9e: {  	_ =	swait.ge [sflag:s22], s20  }
0x9f: {  	s3 =	ssub.s32 $0x0, s20;
	[sflag:s22] =	ssyncset.done $0x0  }
0xa0: {  	[sflag:s22] =	ssyncadd.s32 s3;
	_ =	sdelay $0x1  }
0xa1: {  	s23 =	simm.s32 $0x1B8B  }
0xa2: {  	_ =	swait.ge [sflag:s23], $0x1  }
0xa3: {  	[sflag:s23] =	ssyncset.done $0x0  }
0xa4: {  	s25 =	simm.s32 $0x1B8E;
	s24 =	sld [smem:$0x3FFE];
	[sflag:s23] =	ssyncadd.s32 $0xFFFFFFFF  }
0xa5: {  	s26 =	simm.s32 $execute0_lowered;
	[smem:$0x3FD2] =	sst s25  }
0xa6: {  	s4 =	sshll.u32 s26, $0x1;
	_ =	strace $0x80000046;
	[dreg:$0x1] =	wrdreg $0xFFFFFFFF  }
0xa7: {  	s28 =	simm.s32 $_size_execute0_lowered;
	s2 =	sadd.s32 s2, s4;
	[dreg:$0x0] =	wrdreg $0x0  }
0xa8: {  	s4 =	sshll.u32 s28, $0x1;
	[dreg:$0x2] =	wrdreg s2  }
0xa9: {  	[dreg:$0x3] =	wrdreg s4  }
0xaa: {  	[dreg:$0x4] =	wrdreg $0xC0  }
0xab: {  	_ =	task [dreg:s6], $0x5FFFF  }
0xac: {  	[dreg:$0x1] =	wrdreg $0xFFFFFFFF  }
0xad: {  	[dreg:$0x0] =	wrdreg $0x60  }
0xae: {  	[dreg:$0x2] =	wrdreg s24  }
0xaf: {  	[dreg:$0x3] =	wrdreg $0x9  }
0xb0: {  	_ =	task.clear_ibuf [dreg:s6], $0x4FFFF;
	_ =	strace $0x90000046  }
0xb1: {  	s29 =	simm.s32 $0x9;
	_ =	strace $0x80000048  }
0xb2: {  	_ =	swait.ge [sflag:s29], $0x1  }
0xb3: {  	[sflag:s29] =	ssyncadd.s32 $0xFFFFFFFF  }
0xb4: {  	_ =	strace $0x90000048  }
0xb5: {  	_ =	sfence  }
0xb6: {  	s30 =	sld [smem:$0x0];
	_ =	sdelay $0x2  }
0xb7: {  	s31 =	sshll.u32 s1, $0xD;
	s1 =	sshrl.u32 s1, $0x2  }
0xb8: {  	s3 =	sand.u32 $0x4000, s31;
	s1 =	sadd.s32 s1, s30  }
0xb9: {  	s0 =	sor.u32 s3, s0;
	s1 =	sshll.u32 s1, $0x11  }
0xba: {  	s0 =	sor.u32 s1, s0  }
0xbb: {  	s0 =	sadd.s32 $0x8F2B, s0  }
0xbc: {  	[sflag:s0] =	ssyncadd.remote.s32 $0x1  }
0xbd: {  	_ =	sfence.sel $0xFFFF  }
0xbe: {  	[dreg:$0x0] =	wrdreg $0xFFFFFFFF;
	(pc) =	sbr.abs _section_cstart, $3  }
0xbf: {  	[dreg:$0x1] =	wrdreg $0xFFFFFFFF  }
0xc0: {  	_ =	task.clear_ibuf [dreg:s6], $0x2FFFF;
	_ =	strace $0x9FFFFFFF  }
0xc1: {  	(tm) =	ssettm $0x7FFFFFFF  }
tec
execute0_lowered:
.L_overlay_start_1:
0x0: {  	(tag) =	ssettag $0x1  }
0x1: {  	s1 =	srdreg.scid;
	s8 =	stileid.u32  }
0x2: {  	s1 =	sand.u32 $0x1, s1;
	s3 =	sshll.u32 s8, $0x1  }
0x3: {  	s0 =	rddreg [dreg:$0x0];
	s4 =	sor.u32 s1, s3  }
0x4: {  	s6 =	sadd.s32 $0x194200, s0;
	s5 =	smul.u32 $0x680, s4;
	s4 =	sshll.u32 s4, $0x12  }
0x5: {  	s2 =	simm.s32 $0x0;
	s4 =	sadd.s32 s4, s6  }
0x6: {  	[smem:$0x7FF] =	sst s2;
	s14 =	sadd.s32 $0x3C000, s4  }
0x7: {  	_ =	strace $0x80000047;
	s15 =	sadd.s32 $0x3C200, s4;
	[dreg:$0x7] =	wrdreg s14  }
0x8: {  	s16 =	sadd.s32 $0x3C400, s4;
	[dreg:$0x8] =	wrdreg s15  }
0x9: {  	s17 =	sadd.s32 $0x3C600, s4;
	[dreg:$0x9] =	wrdreg s16  }
0xa: {  	s18 =	sadd.s32 $0x3C800, s4;
	[dreg:$0xa] =	wrdreg s17  }
0xb: {  	s19 =	sadd.s32 $0x3CA00, s4;
	[dreg:$0xb] =	wrdreg s18  }
0xc: {  	s20 =	sadd.s32 $0x3CC00, s4;
	[dreg:$0xc] =	wrdreg s19  }
0xd: {  	s21 =	sadd.s32 $0x3CE00, s4;
	[dreg:$0xd] =	wrdreg s20  }
0xe: {  	s22 =	sadd.s32 $0x3D000, s4;
	[dreg:$0xe] =	wrdreg s21  }
0xf: {  	s3 =	sadd.s32 $0xD800, s0;
	s23 =	sadd.s32 $0x3D200, s4;
	[dreg:$0xf] =	wrdreg s22  }
0x10: {  	s7 =	ssub.s32 $0x2, s1;
	s24 =	sadd.s32 $0x3D400, s4;
	[dreg:$0x10] =	wrdreg s23  }
0x11: {  	s13 =	sshrl.u32 s7, $0x1;
	s26 =	sadd.s32 $0x3D600, s4;
	[dreg:$0x11] =	wrdreg s24  }
0x12: {  	s0 =	sadd.s32 s5, s0;
	s31 =	sadd.s32 $0x3D800, s4;
	[dreg:$0x12] =	wrdreg s26  }
0x13: {  	s5 =	ssub.s32 s7, s13;
	s7 =	sadd.s32 $0x3DA00, s4;
	[dreg:$0x13] =	wrdreg s31  }
0x14: {  	s9 =	sadd.s32 $0x3DC00, s4;
	[dreg:$0x14] =	wrdreg s7  }
0x15: {  	s11 =	sadd.s32 $0x3DE00, s4;
	[dreg:$0x15] =	wrdreg s9  }
0x16: {  	s12 =	sadd.s32 $0x3E000, s4;
	[dreg:$0x16] =	wrdreg s11  }
0x17: {  	s13 =	sadd.s32 $0x3E200, s4;
	[dreg:$0x17] =	wrdreg s12  }
0x18: {  	s0 =	sadd.s32 $0x800, s0;
	[dreg:$0x18] =	wrdreg s13  }
0x19: {  	s14 =	sadd.s32 $0x3E400, s4;
	[dreg:$0x6] =	wrdreg s0  }
0x1a: {  	s15 =	sadd.s32 $0x3E600, s4;
	[dreg:$0x19] =	wrdreg s14  }
0x1b: {  	s28 =	simm.s32 $0x7;
	s16 =	sadd.s32 $0x3E800, s4;
	[dreg:$0x1a] =	wrdreg s15  }
0x1c: {  	s29 =	simm.s32 $0x8;
	s17 =	sadd.s32 $0x3EA00, s4;
	[dreg:$0x1b] =	wrdreg s16  }
0x1d: {  	s25 =	sshll.u32 s8, $0x13;
	s18 =	sadd.s32 $0x3EC00, s4;
	[dreg:$0x1c] =	wrdreg s17  }
0x1e: {  	s1 =	sshll.u32 s1, $0x12;
	s19 =	sadd.s32 $0x3EE00, s4;
	[dreg:$0x1d] =	wrdreg s18  }
0x1f: {  	s30 =	sadd.s32 s25, s6;
	s20 =	sadd.s32 $0x3F000, s4;
	[dreg:$0x1e] =	wrdreg s19  }
0x20: {  	s21 =	sadd.s32 $0x3F200, s4;
	s22 =	sadd.s32 $0x3F400, s4;
	[dreg:$0x1f] =	wrdreg s20  }
0x21: {  	s23 =	sadd.s32 $0x3F600, s4;
	s24 =	sadd.s32 $0x3F800, s4;
	[smem:$0x7F6] =	sst s21  }
0x22: {  	s26 =	sadd.s32 $0x3FC00, s4;
	s31 =	smax.u32 s5, $0x1;
	[smem:$0x7F7] =	sst s22  }
0x23: {  	s11 =	simm.s32 $0x3400;
	s12 =	simm.s32 $0x9C00;
	[smem:$0x7F8] =	sst s23  }
0x24: {  	s13 =	simm.s32 $0x10400;
	s9 =	simm.s32 $0x15F00;
	[smem:$0x7F9] =	sst s24  }
0x25: {  	s0 =	sor.u32 s1, s25;
	s1 =	sadd.s32 s1, s30;
	[smem:$0x7FB] =	sst s26  }
0x26: {  	s25 =	sadd.s32 $0x3FA00, s4;
	s30 =	sadd.s32 $0x3FE00, s4;
	[smem:$0x7FD] =	sst s31  }
0x27: {  	s14 =	simm.s32 $0x16C00;
	s15 =	simm.s32 $0x1;
	s23 =	simm.s32 $0x2  }
0x28: {  	s16 =	simm.s32 $0x4;
	s17 =	simm.s32 $0x17900;
	s18 =	simm.s32 $0x18600  }
0x29: {  	s19 =	simm.s32 $0x19300;
	s20 =	simm.s32 $0x1A000;
	[dreg:$0x2] =	wrdreg s1  }
0x2a: {  	s21 =	simm.s32 $0x1AD00;
	s0 =	sadd.s32 s0, s6;
	[smem:$0x7FA] =	sst s25  }
0x2b: {  	s22 =	simm.s32 $0x1BA00;
	[smem:$0x7FC] =	sst s30;
	s8 =	sadd.s32 $0x3000, s0  }
0x2c: {  	s24 =	simm.s32 $0x1C700;
	s10 =	sadd.s32 $0x2000, s0;
	[dreg:$0x3] =	wrdreg s8  }
0x2d: {  	s26 =	simm.s32 $0x6;
	s0 =	sadd.s32 $0x1000, s0;
	[dreg:$0x4] =	wrdreg s10  }
0x2e: {  	s4 =	simm.s32 $0x0;
	s25 =	simm.s32 $0x5;
	[dreg:$0x5] =	wrdreg s0  }
0x2f: {  	s10 =	simm.s32 $0xD0;
	s0 =	simm.s32 $0x3;
	s8 =	simm.s32 $0x15200  }
.LBB2_1:
0x30: {  	[smem:$0x7F5] =	sst s4  }
0x31: {  	s1 =	rddreg [dreg:$0x6];
	s7 =	simm.s32 $0x9  }
0x32: {  	[tilespmem:s2], [sflag:$0x9] =	stream.linear.gather [hbm4b:s1+s2], $0x3400, $0x38;
	[tilespmem:$0x1D400] =	vst v63  }
0x33: {  	_ =	swait.ge [sflag:s7], $0x3400  }
0x34: {  	[sflag:s7] =	ssyncset.done $0x0  }
0x35: {  	[sflag:s7] =	ssyncadd.s32 $0xFFFFCC00  }
0x36: {  	[tilespmem:s11], [sflag:$0x1] =	stream.indirect.gather [hbm4b:s3+s10], $0x80, s2, s10, $0xb8;
	[tilespmem:$0x1D400] =	vst v63  }
0x37: {  	_ = 	snop  }
0x38: {  	[tilespmem:s12], [sflag:$0x2] =	stream.indirect.gather [hbm4b:s3+s10], $0x80, s10, s10, $0xb8;
	[tilespmem:$0x1D400] =	vst v63  }
0x39: {  	s4 =	simm.s32 $0x1A0  }
0x3a: {  	[tilespmem:s13], [sflag:$0x3] =	stream.indirect.gather [hbm4b:s3+s10], $0x80, s4, s10, $0xb8;
	[tilespmem:$0x1D400] =	vst v63  }
0x3b: {  	s5 =	simm.s32 $0x270  }
0x3c: {  	[tilespmem:s14], [sflag:$0x4] =	stream.indirect.gather [hbm4b:s3+s10], $0x80, s5, s10, $0xb8;
	[tilespmem:$0x1D400] =	vst v63  }
0x3d: {  	_ =	swait.ge [sflag:s15], $0x6800  }
0x3e: {  	s6 =	rddreg [dreg:$0x2];
	[sflag:s15] =	ssyncset.done $0x0  }
0x3f: {  	[sflag:s15] =	ssyncadd.s32 $0xFFFF9800;
	s1 =	sadd.s32 $0x0, s6  }
0x40: {  	[hbm4b:s1+s2] =	stream.linear.scatter [tilespmem:s11], [sflag:$0x5], $0xD00, $0x38;
	[tilespmem:$0x1D400] =	vst v63  }
0x41: {  	s5 =	simm.s32 $0x4100;
	s7 =	sadd.s32 $0x200, s1  }
0x42: {  	[hbm4b:s7+s2] =	stream.linear.scatter [tilespmem:s5], [sflag:$0x5], $0xD00, $0x38;
	[tilespmem:$0x1D400] =	vst v63  }
0x43: {  	s6 =	sadd.s32 $0x400, s1;
	s7 =	simm.s32 $0x4E00  }
0x44: {  	[hbm4b:s6+s2] =	stream.linear.scatter [tilespmem:s7], [sflag:$0x5], $0xD00, $0x38;
	[tilespmem:$0x1D400] =	vst v63  }
0x45: {  	s6 =	sadd.s32 $0x600, s1;
	s7 =	simm.s32 $0x5B00  }
0x46: {  	[hbm4b:s6+s2] =	stream.linear.scatter [tilespmem:s7], [sflag:$0x5], $0xD00, $0x38;
	[tilespmem:$0x1D400] =	vst v63  }
0x47: {  	s6 =	sadd.s32 $0x800, s1;
	s7 =	simm.s32 $0x6800  }
0x48: {  	[hbm4b:s6+s2] =	stream.linear.scatter [tilespmem:s7], [sflag:$0x5], $0xD00, $0x38;
	[tilespmem:$0x1D400] =	vst v63  }
0x49: {  	s6 =	sadd.s32 $0xA00, s1;
	s7 =	simm.s32 $0x7500  }
0x4a: {  	[hbm4b:s6+s2] =	stream.linear.scatter [tilespmem:s7], [sflag:$0x5], $0xD00, $0x38;
	[tilespmem:$0x1D400] =	vst v63  }
0x4b: {  	s5 =	sadd.s32 $0xC00, s1;
	s6 =	simm.s32 $0x8200  }
0x4c: {  	[hbm4b:s5+s2] =	stream.linear.scatter [tilespmem:s6], [sflag:$0x5], $0xD00, $0x38;
	[tilespmem:$0x1D400] =	vst v63  }
0x4d: {  	s1 =	sadd.s32 $0xE00, s1;
	s7 =	simm.s32 $0x8F00  }
0x4e: {  	[hbm4b:s1+s2] =	stream.linear.scatter [tilespmem:s7], [sflag:$0x5], $0xD00, $0x38;
	[tilespmem:$0x1D400] =	vst v63  }
0x4f: {  	_ =	swait.ge [sflag:s23], $0x6800  }
0x50: {  	s5 =	rddreg [dreg:$0x5];
	[sflag:s23] =	ssyncset.done $0x0  }
0x51: {  	[sflag:s23] =	ssyncadd.s32 $0xFFFF9800;
	s1 =	sadd.s32 $0x0, s5  }
0x52: {  	[hbm4b:s1+s2] =	stream.linear.scatter [tilespmem:s12], [sflag:$0x6], $0xD00, $0x38;
	[tilespmem:$0x1D400] =	vst v63  }
0x53: {  	s7 =	simm.s32 $0xA900;
	s6 =	sadd.s32 $0x200, s1  }
0x54: {  	[hbm4b:s6+s2] =	stream.linear.scatter [tilespmem:s7], [sflag:$0x6], $0xD00, $0x38;
	[tilespmem:$0x1D400] =	vst v63  }
0x55: {  	s6 =	sadd.s32 $0x400, s1;
	s7 =	simm.s32 $0xB600  }
0x56: {  	[hbm4b:s6+s2] =	stream.linear.scatter [tilespmem:s7], [sflag:$0x6], $0xD00, $0x38;
	[tilespmem:$0x1D400] =	vst v63  }
0x57: {  	s6 =	sadd.s32 $0x600, s1;
	s7 =	simm.s32 $0xC300  }
0x58: {  	[hbm4b:s6+s2] =	stream.linear.scatter [tilespmem:s7], [sflag:$0x6], $0xD00, $0x38;
	[tilespmem:$0x1D400] =	vst v63  }
0x59: {  	s6 =	sadd.s32 $0x800, s1;
	s7 =	simm.s32 $0xD000  }
0x5a: {  	[hbm4b:s6+s2] =	stream.linear.scatter [tilespmem:s7], [sflag:$0x6], $0xD00, $0x38;
	[tilespmem:$0x1D400] =	vst v63  }
0x5b: {  	s6 =	sadd.s32 $0xA00, s1;
	s7 =	simm.s32 $0xDD00  }
0x5c: {  	[hbm4b:s6+s2] =	stream.linear.scatter [tilespmem:s7], [sflag:$0x6], $0xD00, $0x38;
	[tilespmem:$0x1D400] =	vst v63  }
0x5d: {  	s5 =	sadd.s32 $0xC00, s1;
	s6 =	simm.s32 $0xEA00  }
0x5e: {  	[hbm4b:s5+s2] =	stream.linear.scatter [tilespmem:s6], [sflag:$0x6], $0xD00, $0x38;
	[tilespmem:$0x1D400] =	vst v63  }
0x5f: {  	s1 =	sadd.s32 $0xE00, s1;
	s7 =	simm.s32 $0xF700  }
0x60: {  	[hbm4b:s1+s2] =	stream.linear.scatter [tilespmem:s7], [sflag:$0x6], $0xD00, $0x38;
	[tilespmem:$0x1D400] =	vst v63  }
0x61: {  	_ =	swait.ge [sflag:s0], $0x6800  }
0x62: {  	s5 =	rddreg [dreg:$0x4];
	[sflag:s0] =	ssyncset.done $0x0  }
0x63: {  	[sflag:s0] =	ssyncadd.s32 $0xFFFF9800;
	s1 =	sadd.s32 $0x0, s5  }
0x64: {  	[hbm4b:s1+s2] =	stream.linear.scatter [tilespmem:s13], [sflag:$0x7], $0xD00, $0x38;
	[tilespmem:$0x1D400] =	vst v63  }
0x65: {  	s7 =	simm.s32 $0x11100;
	s6 =	sadd.s32 $0x200, s1  }
0x66: {  	[hbm4b:s6+s2] =	stream.linear.scatter [tilespmem:s7], [sflag:$0x7], $0xD00, $0x38;
	[tilespmem:$0x1D400] =	vst v63  }
0x67: {  	s6 =	sadd.s32 $0x400, s1;
	s7 =	simm.s32 $0x11E00  }
0x68: {  	[hbm4b:s6+s2] =	stream.linear.scatter [tilespmem:s7], [sflag:$0x7], $0xD00, $0x38;
	[tilespmem:$0x1D400] =	vst v63  }
0x69: {  	s6 =	sadd.s32 $0x600, s1;
	s7 =	simm.s32 $0x12B00  }
0x6a: {  	[hbm4b:s6+s2] =	stream.linear.scatter [tilespmem:s7], [sflag:$0x7], $0xD00, $0x38;
	[tilespmem:$0x1D400] =	vst v63  }
0x6b: {  	s6 =	sadd.s32 $0x800, s1;
	s7 =	simm.s32 $0x13800  }
0x6c: {  	[hbm4b:s6+s2] =	stream.linear.scatter [tilespmem:s7], [sflag:$0x7], $0xD00, $0x38;
	[tilespmem:$0x1D400] =	vst v63  }
0x6d: {  	s5 =	sadd.s32 $0xA00, s1;
	s6 =	simm.s32 $0x14500  }
0x6e: {  	[hbm4b:s5+s2] =	stream.linear.scatter [tilespmem:s6], [sflag:$0x7], $0xD00, $0x38;
	[tilespmem:$0x1D400] =	vst v63  }
0x6f: {  	s7 =	sadd.s32 $0xC00, s1  }
0x70: {  	[hbm4b:s7+s2] =	stream.linear.scatter [tilespmem:s8], [sflag:$0x7], $0xD00, $0x38;
	[tilespmem:$0x1D400] =	vst v63  }
0x71: {  	s1 =	sadd.s32 $0xE00, s1  }
0x72: {  	[hbm4b:s1+s2] =	stream.linear.scatter [tilespmem:s9], [sflag:$0x7], $0xD00, $0x38;
	[tilespmem:$0x1D400] =	vst v63  }
0x73: {  	_ =	swait.ge [sflag:s16], $0x6800  }
0x74: {  	s4 =	rddreg [dreg:$0x3];
	[sflag:s16] =	ssyncset.done $0x0  }
0x75: {  	[sflag:s16] =	ssyncadd.s32 $0xFFFF9800;
	s1 =	sadd.s32 $0x0, s4  }
0x76: {  	[hbm4b:s1+s2] =	stream.linear.scatter [tilespmem:s14], [sflag:$0x8], $0xD00, $0x38;
	[tilespmem:$0x1D400] =	vst v63  }
0x77: {  	s5 =	sadd.s32 $0x200, s1  }
0x78: {  	[hbm4b:s5+s2] =	stream.linear.scatter [tilespmem:s17], [sflag:$0x8], $0xD00, $0x38;
	[tilespmem:$0x1D400] =	vst v63  }
0x79: {  	s6 =	sadd.s32 $0x400, s1  }
0x7a: {  	[hbm4b:s6+s2] =	stream.linear.scatter [tilespmem:s18], [sflag:$0x8], $0xD00, $0x38;
	[tilespmem:$0x1D400] =	vst v63  }
0x7b: {  	s7 =	sadd.s32 $0x600, s1  }
0x7c: {  	[hbm4b:s7+s2] =	stream.linear.scatter [tilespmem:s19], [sflag:$0x8], $0xD00, $0x38;
	[tilespmem:$0x1D400] =	vst v63  }
0x7d: {  	s5 =	sadd.s32 $0x800, s1  }
0x7e: {  	[hbm4b:s5+s2] =	stream.linear.scatter [tilespmem:s20], [sflag:$0x8], $0xD00, $0x38;
	[tilespmem:$0x1D400] =	vst v63  }
0x7f: {  	s6 =	sadd.s32 $0xA00, s1  }
0x80: {  	[hbm4b:s6+s2] =	stream.linear.scatter [tilespmem:s21], [sflag:$0x8], $0xD00, $0x38;
	[tilespmem:$0x1D400] =	vst v63  }
0x81: {  	s7 =	sadd.s32 $0xC00, s1  }
0x82: {  	[hbm4b:s7+s2] =	stream.linear.scatter [tilespmem:s22], [sflag:$0x8], $0xD00, $0x38;
	[tilespmem:$0x1D400] =	vst v63  }
0x83: {  	s1 =	sadd.s32 $0xE00, s1  }
0x84: {  	[hbm4b:s1+s2] =	stream.linear.scatter [tilespmem:s24], [sflag:$0x8], $0xD00, $0x38;
	[tilespmem:$0x1D400] =	vst v63  }
0x85: {  	_ =	swait.ge [sflag:s25], $0xD00  }
0x86: {  	[sflag:s25] =	ssyncset.done $0x0  }
0x87: {  	[sflag:s25] =	ssyncadd.s32 $0xFFFFF300  }
0x88: {  	_ =	swait.ge [sflag:s25], $0xD00  }
0x89: {  	[sflag:s25] =	ssyncset.done $0x0  }
0x8a: {  	[sflag:s25] =	ssyncadd.s32 $0xFFFFF300  }
0x8b: {  	_ =	swait.ge [sflag:s25], $0xD00  }
0x8c: {  	[sflag:s25] =	ssyncset.done $0x0  }
0x8d: {  	[sflag:s25] =	ssyncadd.s32 $0xFFFFF300  }
0x8e: {  	_ =	swait.ge [sflag:s25], $0xD00  }
0x8f: {  	[sflag:s25] =	ssyncset.done $0x0  }
0x90: {  	[sflag:s25] =	ssyncadd.s32 $0xFFFFF300  }
0x91: {  	_ =	swait.ge [sflag:s25], $0xD00  }
0x92: {  	[sflag:s25] =	ssyncset.done $0x0  }
0x93: {  	[sflag:s25] =	ssyncadd.s32 $0xFFFFF300  }
0x94: {  	_ =	swait.ge [sflag:s25], $0xD00  }
0x95: {  	[sflag:s25] =	ssyncset.done $0x0  }
0x96: {  	[sflag:s25] =	ssyncadd.s32 $0xFFFFF300  }
0x97: {  	_ =	swait.ge [sflag:s25], $0xD00  }
0x98: {  	[sflag:s25] =	ssyncset.done $0x0  }
0x99: {  	[sflag:s25] =	ssyncadd.s32 $0xFFFFF300  }
0x9a: {  	_ =	swait.ge [sflag:s25], $0xD00  }
0x9b: {  	[sflag:s25] =	ssyncset.done $0x0  }
0x9c: {  	s5 =	simm.s32 $0x340;
	[sflag:s25] =	ssyncadd.s32 $0xFFFFF300  }
0x9d: {  	[tilespmem:s11], [sflag:$0x1] =	stream.indirect.gather [hbm4b:s3+s10], $0x80, s5, s10, $0xb8;
	[tilespmem:$0x1D400] =	vst v63  }
0x9e: {  	_ =	swait.ge [sflag:s26], $0xD00  }
0x9f: {  	[sflag:s26] =	ssyncset.done $0x0  }
0xa0: {  	[sflag:s26] =	ssyncadd.s32 $0xFFFFF300  }
0xa1: {  	_ =	swait.ge [sflag:s26], $0xD00  }
0xa2: {  	[sflag:s26] =	ssyncset.done $0x0  }
0xa3: {  	[sflag:s26] =	ssyncadd.s32 $0xFFFFF300  }
0xa4: {  	_ =	swait.ge [sflag:s26], $0xD00  }
0xa5: {  	[sflag:s26] =	ssyncset.done $0x0  }
0xa6: {  	[sflag:s26] =	ssyncadd.s32 $0xFFFFF300  }
0xa7: {  	_ =	swait.ge [sflag:s26], $0xD00  }
0xa8: {  	[sflag:s26] =	ssyncset.done $0x0  }
0xa9: {  	[sflag:s26] =	ssyncadd.s32 $0xFFFFF300  }
0xaa: {  	_ =	swait.ge [sflag:s26], $0xD00  }
0xab: {  	[sflag:s26] =	ssyncset.done $0x0  }
0xac: {  	[sflag:s26] =	ssyncadd.s32 $0xFFFFF300  }
0xad: {  	_ =	swait.ge [sflag:s26], $0xD00  }
0xae: {  	[sflag:s26] =	ssyncset.done $0x0  }
0xaf: {  	[sflag:s26] =	ssyncadd.s32 $0xFFFFF300  }
0xb0: {  	_ =	swait.ge [sflag:s26], $0xD00  }
0xb1: {  	[sflag:s26] =	ssyncset.done $0x0  }
0xb2: {  	[sflag:s26] =	ssyncadd.s32 $0xFFFFF300  }
0xb3: {  	_ =	swait.ge [sflag:s26], $0xD00  }
0xb4: {  	[sflag:s26] =	ssyncset.done $0x0  }
0xb5: {  	s6 =	simm.s32 $0x410;
	[sflag:s26] =	ssyncadd.s32 $0xFFFFF300  }
0xb6: {  	[tilespmem:s12], [sflag:$0x2] =	stream.indirect.gather [hbm4b:s3+s10], $0x80, s6, s10, $0xb8;
	[tilespmem:$0x1D400] =	vst v63  }
0xb7: {  	_ =	swait.ge [sflag:s28], $0xD00  }
0xb8: {  	[sflag:s28] =	ssyncset.done $0x0  }
0xb9: {  	[sflag:s28] =	ssyncadd.s32 $0xFFFFF300  }
0xba: {  	_ =	swait.ge [sflag:s28], $0xD00  }
0xbb: {  	[sflag:s28] =	ssyncset.done $0x0  }
0xbc: {  	[sflag:s28] =	ssyncadd.s32 $0xFFFFF300  }
0xbd: {  	_ =	swait.ge [sflag:s28], $0xD00  }
0xbe: {  	[sflag:s28] =	ssyncset.done $0x0  }
0xbf: {  	[sflag:s28] =	ssyncadd.s32 $0xFFFFF300  }
0xc0: {  	_ =	swait.ge [sflag:s28], $0xD00  }
0xc1: {  	[sflag:s28] =	ssyncset.done $0x0  }
0xc2: {  	[sflag:s28] =	ssyncadd.s32 $0xFFFFF300  }
0xc3: {  	_ =	swait.ge [sflag:s28], $0xD00  }
0xc4: {  	[sflag:s28] =	ssyncset.done $0x0  }
0xc5: {  	[sflag:s28] =	ssyncadd.s32 $0xFFFFF300  }
0xc6: {  	_ =	swait.ge [sflag:s28], $0xD00  }
0xc7: {  	[sflag:s28] =	ssyncset.done $0x0  }
0xc8: {  	[sflag:s28] =	ssyncadd.s32 $0xFFFFF300  }
0xc9: {  	_ =	swait.ge [sflag:s28], $0xD00  }
0xca: {  	[sflag:s28] =	ssyncset.done $0x0  }
0xcb: {  	[sflag:s28] =	ssyncadd.s32 $0xFFFFF300  }
0xcc: {  	_ =	swait.ge [sflag:s28], $0xD00  }
0xcd: {  	[sflag:s28] =	ssyncset.done $0x0  }
0xce: {  	s7 =	simm.s32 $0x4E0;
	[sflag:s28] =	ssyncadd.s32 $0xFFFFF300  }
0xcf: {  	[tilespmem:s13], [sflag:$0x3] =	stream.indirect.gather [hbm4b:s3+s10], $0x80, s7, s10, $0xb8;
	[tilespmem:$0x1D400] =	vst v63  }
0xd0: {  	_ =	swait.ge [sflag:s29], $0xD00  }
0xd1: {  	[sflag:s29] =	ssyncset.done $0x0  }
0xd2: {  	[sflag:s29] =	ssyncadd.s32 $0xFFFFF300  }
0xd3: {  	_ =	swait.ge [sflag:s29], $0xD00  }
0xd4: {  	[sflag:s29] =	ssyncset.done $0x0  }
0xd5: {  	[sflag:s29] =	ssyncadd.s32 $0xFFFFF300  }
0xd6: {  	_ =	swait.ge [sflag:s29], $0xD00  }
0xd7: {  	[sflag:s29] =	ssyncset.done $0x0  }
0xd8: {  	[sflag:s29] =	ssyncadd.s32 $0xFFFFF300  }
0xd9: {  	_ =	swait.ge [sflag:s29], $0xD00  }
0xda: {  	[sflag:s29] =	ssyncset.done $0x0  }
0xdb: {  	[sflag:s29] =	ssyncadd.s32 $0xFFFFF300  }
0xdc: {  	_ =	swait.ge [sflag:s29], $0xD00  }
0xdd: {  	[sflag:s29] =	ssyncset.done $0x0  }
0xde: {  	[sflag:s29] =	ssyncadd.s32 $0xFFFFF300  }
0xdf: {  	_ =	swait.ge [sflag:s29], $0xD00  }
0xe0: {  	[sflag:s29] =	ssyncset.done $0x0  }
0xe1: {  	[sflag:s29] =	ssyncadd.s32 $0xFFFFF300  }
0xe2: {  	_ =	swait.ge [sflag:s29], $0xD00  }
0xe3: {  	[sflag:s29] =	ssyncset.done $0x0  }
0xe4: {  	[sflag:s29] =	ssyncadd.s32 $0xFFFFF300  }
0xe5: {  	_ =	swait.ge [sflag:s29], $0xD00  }
0xe6: {  	s30 =	simm.s32 $0x5B0;
	[sflag:s29] =	ssyncset.done $0x0  }
0xe7: {  	s31 =	simm.s32 $0x4000;
	s1 =	simm.s32 $0x8F0;
	[sflag:s29] =	ssyncadd.s32 $0xFFFFF300  }
.LBB2_2:
0xe8: {  	[tilespmem:s14], [sflag:$0x4] =	stream.indirect.gather [hbm4b:s3+s10], $0x80, s30, s10, $0xb8;
	[tilespmem:$0x1D400] =	vst v63  }
0xe9: {  	_ =	swait.ge [sflag:s15], $0x6800  }
0xea: {  	s4 =	smov.u32 s31;
	s5 =	rddreg [dreg:$0x2];
	[sflag:s15] =	ssyncset.done $0x0  }
0xeb: {  	[sflag:s15] =	ssyncadd.s32 $0xFFFF9800;
	s5 =	sadd.s32 s4, s5  }
0xec: {  	[hbm4b:s5+s2] =	stream.linear.scatter [tilespmem:s11], [sflag:$0x5], $0xD00, $0x38;
	[tilespmem:$0x1D400] =	vst v63  }
0xed: {  	s7 =	simm.s32 $0x4100;
	s6 =	sadd.s32 $0x200, s5  }
0xee: {  	[hbm4b:s6+s2] =	stream.linear.scatter [tilespmem:s7], [sflag:$0x5], $0xD00, $0x38;
	[tilespmem:$0x1D400] =	vst v63  }
0xef: {  	s6 =	sadd.s32 $0x400, s5;
	s7 =	simm.s32 $0x4E00  }
0xf0: {  	[hbm4b:s6+s2] =	stream.linear.scatter [tilespmem:s7], [sflag:$0x5], $0xD00, $0x38;
	[tilespmem:$0x1D400] =	vst v63  }
0xf1: {  	s6 =	sadd.s32 $0x600, s5;
	s7 =	simm.s32 $0x5B00  }
0xf2: {  	[hbm4b:s6+s2] =	stream.linear.scatter [tilespmem:s7], [sflag:$0x5], $0xD00, $0x38;
	[tilespmem:$0x1D400] =	vst v63  }
0xf3: {  	s6 =	sadd.s32 $0x800, s5;
	s7 =	simm.s32 $0x6800  }
0xf4: {  	[hbm4b:s6+s2] =	stream.linear.scatter [tilespmem:s7], [sflag:$0x5], $0xD00, $0x38;
	[tilespmem:$0x1D400] =	vst v63  }
0xf5: {  	s6 =	sadd.s32 $0xA00, s5;
	s7 =	simm.s32 $0x7500  }
0xf6: {  	[hbm4b:s6+s2] =	stream.linear.scatter [tilespmem:s7], [sflag:$0x5], $0xD00, $0x38;
	[tilespmem:$0x1D400] =	vst v63  }
0xf7: {  	s6 =	sadd.s32 $0xC00, s5;
	s7 =	simm.s32 $0x8200  }
0xf8: {  	[hbm4b:s6+s2] =	stream.linear.scatter [tilespmem:s7], [sflag:$0x5], $0xD00, $0x38;
	[tilespmem:$0x1D400] =	vst v63  }
0xf9: {  	s5 =	sadd.s32 $0xE00, s5;
	s7 =	simm.s32 $0x8F00  }
0xfa: {  	[hbm4b:s5+s2] =	stream.linear.scatter [tilespmem:s7], [sflag:$0x5], $0xD00, $0x38;
	[tilespmem:$0x1D400] =	vst v63  }
0xfb: {  	_ =	swait.ge [sflag:s23], $0x6800  }
0xfc: {  	s6 =	rddreg [dreg:$0x5];
	[sflag:s23] =	ssyncset.done $0x0  }
0xfd: {  	[sflag:s23] =	ssyncadd.s32 $0xFFFF9800;
	s5 =	sadd.s32 s4, s6  }
0xfe: {  	[hbm4b:s5+s2] =	stream.linear.scatter [tilespmem:s12], [sflag:$0x6], $0xD00, $0x38;
	[tilespmem:$0x1D400] =	vst v63  }
0xff: {  	s7 =	simm.s32 $0xA900;
	s6 =	sadd.s32 $0x200, s5  }
0x100: {  	[hbm4b:s6+s2] =	stream.linear.scatter [tilespmem:s7], [sflag:$0x6], $0xD00, $0x38;
	[tilespmem:$0x1D400] =	vst v63  }
0x101: {  	s6 =	sadd.s32 $0x400, s5;
	s7 =	simm.s32 $0xB600  }
0x102: {  	[hbm4b:s6+s2] =	stream.linear.scatter [tilespmem:s7], [sflag:$0x6], $0xD00, $0x38;
	[tilespmem:$0x1D400] =	vst v63  }
0x103: {  	s6 =	sadd.s32 $0x600, s5;
	s7 =	simm.s32 $0xC300  }
0x104: {  	[hbm4b:s6+s2] =	stream.linear.scatter [tilespmem:s7], [sflag:$0x6], $0xD00, $0x38;
	[tilespmem:$0x1D400] =	vst v63  }
0x105: {  	s6 =	sadd.s32 $0x800, s5;
	s7 =	simm.s32 $0xD000  }
0x106: {  	[hbm4b:s6+s2] =	stream.linear.scatter [tilespmem:s7], [sflag:$0x6], $0xD00, $0x38;
	[tilespmem:$0x1D400] =	vst v63  }
0x107: {  	s6 =	sadd.s32 $0xA00, s5;
	s7 =	simm.s32 $0xDD00  }
0x108: {  	[hbm4b:s6+s2] =	stream.linear.scatter [tilespmem:s7], [sflag:$0x6], $0xD00, $0x38;
	[tilespmem:$0x1D400] =	vst v63  }
0x109: {  	s6 =	sadd.s32 $0xC00, s5;
	s7 =	simm.s32 $0xEA00  }
0x10a: {  	[hbm4b:s6+s2] =	stream.linear.scatter [tilespmem:s7], [sflag:$0x6], $0xD00, $0x38;
	[tilespmem:$0x1D400] =	vst v63  }
0x10b: {  	s5 =	sadd.s32 $0xE00, s5;
	s7 =	simm.s32 $0xF700  }
0x10c: {  	[hbm4b:s5+s2] =	stream.linear.scatter [tilespmem:s7], [sflag:$0x6], $0xD00, $0x38;
	[tilespmem:$0x1D400] =	vst v63  }
0x10d: {  	_ =	swait.ge [sflag:s0], $0x6800  }
0x10e: {  	s6 =	rddreg [dreg:$0x4];
	[sflag:s0] =	ssyncset.done $0x0  }
0x10f: {  	[sflag:s0] =	ssyncadd.s32 $0xFFFF9800;
	s5 =	sadd.s32 s4, s6  }
0x110: {  	[hbm4b:s5+s2] =	stream.linear.scatter [tilespmem:s13], [sflag:$0x7], $0xD00, $0x38;
	[tilespmem:$0x1D400] =	vst v63  }
0x111: {  	s7 =	simm.s32 $0x11100;
	s6 =	sadd.s32 $0x200, s5  }
0x112: {  	[hbm4b:s6+s2] =	stream.linear.scatter [tilespmem:s7], [sflag:$0x7], $0xD00, $0x38;
	[tilespmem:$0x1D400] =	vst v63  }
0x113: {  	s6 =	sadd.s32 $0x400, s5;
	s7 =	simm.s32 $0x11E00  }
0x114: {  	[hbm4b:s6+s2] =	stream.linear.scatter [tilespmem:s7], [sflag:$0x7], $0xD00, $0x38;
	[tilespmem:$0x1D400] =	vst v63  }
0x115: {  	s6 =	sadd.s32 $0x600, s5;
	s7 =	simm.s32 $0x12B00  }
0x116: {  	[hbm4b:s6+s2] =	stream.linear.scatter [tilespmem:s7], [sflag:$0x7], $0xD00, $0x38;
	[tilespmem:$0x1D400] =	vst v63  }
0x117: {  	s6 =	sadd.s32 $0x800, s5;
	s7 =	simm.s32 $0x13800  }
0x118: {  	[hbm4b:s6+s2] =	stream.linear.scatter [tilespmem:s7], [sflag:$0x7], $0xD00, $0x38;
	[tilespmem:$0x1D400] =	vst v63  }
0x119: {  	s6 =	sadd.s32 $0xA00, s5;
	s7 =	simm.s32 $0x14500  }
0x11a: {  	[hbm4b:s6+s2] =	stream.linear.scatter [tilespmem:s7], [sflag:$0x7], $0xD00, $0x38;
	[tilespmem:$0x1D400] =	vst v63  }
0x11b: {  	s7 =	sadd.s32 $0xC00, s5  }
0x11c: {  	[hbm4b:s7+s2] =	stream.linear.scatter [tilespmem:s8], [sflag:$0x7], $0xD00, $0x38;
	[tilespmem:$0x1D400] =	vst v63  }
0x11d: {  	s5 =	sadd.s32 $0xE00, s5  }
0x11e: {  	[hbm4b:s5+s2] =	stream.linear.scatter [tilespmem:s9], [sflag:$0x7], $0xD00, $0x38;
	[tilespmem:$0x1D400] =	vst v63  }
0x11f: {  	_ =	swait.ge [sflag:s16], $0x6800  }
0x120: {  	s6 =	rddreg [dreg:$0x3];
	[sflag:s16] =	ssyncset.done $0x0  }
0x121: {  	[sflag:s16] =	ssyncadd.s32 $0xFFFF9800;
	s4 =	sadd.s32 s4, s6  }
0x122: {  	[hbm4b:s4+s2] =	stream.linear.scatter [tilespmem:s14], [sflag:$0x8], $0xD00, $0x38;
	[tilespmem:$0x1D400] =	vst v63  }
0x123: {  	s5 =	sadd.s32 $0x200, s4  }
0x124: {  	[hbm4b:s5+s2] =	stream.linear.scatter [tilespmem:s17], [sflag:$0x8], $0xD00, $0x38;
	[tilespmem:$0x1D400] =	vst v63  }
0x125: {  	s7 =	sadd.s32 $0x400, s4  }
0x126: {  	[hbm4b:s7+s2] =	stream.linear.scatter [tilespmem:s18], [sflag:$0x8], $0xD00, $0x38;
	[tilespmem:$0x1D400] =	vst v63  }
0x127: {  	s6 =	sadd.s32 $0x600, s4  }
0x128: {  	[hbm4b:s6+s2] =	stream.linear.scatter [tilespmem:s19], [sflag:$0x8], $0xD00, $0x38;
	[tilespmem:$0x1D400] =	vst v63  }
0x129: {  	s7 =	sadd.s32 $0x800, s4  }
0x12a: {  	[hbm4b:s7+s2] =	stream.linear.scatter [tilespmem:s20], [sflag:$0x8], $0xD00, $0x38;
	[tilespmem:$0x1D400] =	vst v63  }
0x12b: {  	s6 =	sadd.s32 $0xA00, s4  }
0x12c: {  	[hbm4b:s6+s2] =	stream.linear.scatter [tilespmem:s21], [sflag:$0x8], $0xD00, $0x38;
	[tilespmem:$0x1D400] =	vst v63  }
0x12d: {  	s7 =	sadd.s32 $0xC00, s4  }
0x12e: {  	[hbm4b:s7+s2] =	stream.linear.scatter [tilespmem:s22], [sflag:$0x8], $0xD00, $0x38;
	[tilespmem:$0x1D400] =	vst v63  }
0x12f: {  	s4 =	sadd.s32 $0xE00, s4  }
0x130: {  	[hbm4b:s4+s2] =	stream.linear.scatter [tilespmem:s24], [sflag:$0x8], $0xD00, $0x38;
	[tilespmem:$0x1D400] =	vst v63  }
0x131: {  	_ =	swait.ge [sflag:s25], $0xD00  }
0x132: {  	[sflag:s25] =	ssyncset.done $0x0  }
0x133: {  	[sflag:s25] =	ssyncadd.s32 $0xFFFFF300  }
0x134: {  	_ =	swait.ge [sflag:s25], $0xD00  }
0x135: {  	[sflag:s25] =	ssyncset.done $0x0  }
0x136: {  	[sflag:s25] =	ssyncadd.s32 $0xFFFFF300  }
0x137: {  	_ =	swait.ge [sflag:s25], $0xD00  }
0x138: {  	[sflag:s25] =	ssyncset.done $0x0  }
0x139: {  	[sflag:s25] =	ssyncadd.s32 $0xFFFFF300  }
0x13a: {  	_ =	swait.ge [sflag:s25], $0xD00  }
0x13b: {  	[sflag:s25] =	ssyncset.done $0x0  }
0x13c: {  	[sflag:s25] =	ssyncadd.s32 $0xFFFFF300  }
0x13d: {  	_ =	swait.ge [sflag:s25], $0xD00  }
0x13e: {  	[sflag:s25] =	ssyncset.done $0x0  }
0x13f: {  	[sflag:s25] =	ssyncadd.s32 $0xFFFFF300  }
0x140: {  	_ =	swait.ge [sflag:s25], $0xD00  }
0x141: {  	[sflag:s25] =	ssyncset.done $0x0  }
0x142: {  	[sflag:s25] =	ssyncadd.s32 $0xFFFFF300  }
0x143: {  	_ =	swait.ge [sflag:s25], $0xD00  }
0x144: {  	[sflag:s25] =	ssyncset.done $0x0  }
0x145: {  	[sflag:s25] =	ssyncadd.s32 $0xFFFFF300  }
0x146: {  	_ =	swait.ge [sflag:s25], $0xD00  }
0x147: {  	[sflag:s25] =	ssyncset.done $0x0  }
0x148: {  	s5 =	sadd.s32 $0xFFFFFD90, s1;
	[sflag:s25] =	ssyncadd.s32 $0xFFFFF300  }
0x149: {  	[tilespmem:s11], [sflag:$0x1] =	stream.indirect.gather [hbm4b:s3+s10], $0x80, s5, s10, $0xb8;
	[tilespmem:$0x1D400] =	vst v63  }
0x14a: {  	_ =	swait.ge [sflag:s26], $0xD00  }
0x14b: {  	[sflag:s26] =	ssyncset.done $0x0  }
0x14c: {  	[sflag:s26] =	ssyncadd.s32 $0xFFFFF300  }
0x14d: {  	_ =	swait.ge [sflag:s26], $0xD00  }
0x14e: {  	[sflag:s26] =	ssyncset.done $0x0  }
0x14f: {  	[sflag:s26] =	ssyncadd.s32 $0xFFFFF300  }
0x150: {  	_ =	swait.ge [sflag:s26], $0xD00  }
0x151: {  	[sflag:s26] =	ssyncset.done $0x0  }
0x152: {  	[sflag:s26] =	ssyncadd.s32 $0xFFFFF300  }
0x153: {  	_ =	swait.ge [sflag:s26], $0xD00  }
0x154: {  	[sflag:s26] =	ssyncset.done $0x0  }
0x155: {  	[sflag:s26] =	ssyncadd.s32 $0xFFFFF300  }
0x156: {  	_ =	swait.ge [sflag:s26], $0xD00  }
0x157: {  	[sflag:s26] =	ssyncset.done $0x0  }
0x158: {  	[sflag:s26] =	ssyncadd.s32 $0xFFFFF300  }
0x159: {  	_ =	swait.ge [sflag:s26], $0xD00  }
0x15a: {  	[sflag:s26] =	ssyncset.done $0x0  }
0x15b: {  	[sflag:s26] =	ssyncadd.s32 $0xFFFFF300  }
0x15c: {  	_ =	swait.ge [sflag:s26], $0xD00  }
0x15d: {  	[sflag:s26] =	ssyncset.done $0x0  }
0x15e: {  	[sflag:s26] =	ssyncadd.s32 $0xFFFFF300  }
0x15f: {  	_ =	swait.ge [sflag:s26], $0xD00  }
0x160: {  	[sflag:s26] =	ssyncset.done $0x0  }
0x161: {  	s6 =	sadd.s32 $0xFFFFFE60, s1;
	[sflag:s26] =	ssyncadd.s32 $0xFFFFF300  }
0x162: {  	[tilespmem:s12], [sflag:$0x2] =	stream.indirect.gather [hbm4b:s3+s10], $0x80, s6, s10, $0xb8;
	[tilespmem:$0x1D400] =	vst v63  }
0x163: {  	_ =	swait.ge [sflag:s28], $0xD00  }
0x164: {  	[sflag:s28] =	ssyncset.done $0x0  }
0x165: {  	[sflag:s28] =	ssyncadd.s32 $0xFFFFF300  }
0x166: {  	_ =	swait.ge [sflag:s28], $0xD00  }
0x167: {  	[sflag:s28] =	ssyncset.done $0x0  }
0x168: {  	[sflag:s28] =	ssyncadd.s32 $0xFFFFF300  }
0x169: {  	_ =	swait.ge [sflag:s28], $0xD00  }
0x16a: {  	[sflag:s28] =	ssyncset.done $0x0  }
0x16b: {  	[sflag:s28] =	ssyncadd.s32 $0xFFFFF300  }
0x16c: {  	_ =	swait.ge [sflag:s28], $0xD00  }
0x16d: {  	[sflag:s28] =	ssyncset.done $0x0  }
0x16e: {  	[sflag:s28] =	ssyncadd.s32 $0xFFFFF300  }
0x16f: {  	_ =	swait.ge [sflag:s28], $0xD00  }
0x170: {  	[sflag:s28] =	ssyncset.done $0x0  }
0x171: {  	[sflag:s28] =	ssyncadd.s32 $0xFFFFF300  }
0x172: {  	_ =	swait.ge [sflag:s28], $0xD00  }
0x173: {  	[sflag:s28] =	ssyncset.done $0x0  }
0x174: {  	[sflag:s28] =	ssyncadd.s32 $0xFFFFF300  }
0x175: {  	_ =	swait.ge [sflag:s28], $0xD00  }
0x176: {  	[sflag:s28] =	ssyncset.done $0x0  }
0x177: {  	[sflag:s28] =	ssyncadd.s32 $0xFFFFF300  }
0x178: {  	_ =	swait.ge [sflag:s28], $0xD00  }
0x179: {  	[sflag:s28] =	ssyncset.done $0x0  }
0x17a: {  	s7 =	sadd.s32 $0xFFFFFF30, s1;
	[sflag:s28] =	ssyncadd.s32 $0xFFFFF300  }
0x17b: {  	[tilespmem:s13], [sflag:$0x3] =	stream.indirect.gather [hbm4b:s3+s10], $0x80, s7, s10, $0xb8;
	[tilespmem:$0x1D400] =	vst v63  }
0x17c: {  	_ =	swait.ge [sflag:s29], $0xD00  }
0x17d: {  	[sflag:s29] =	ssyncset.done $0x0  }
0x17e: {  	[sflag:s29] =	ssyncadd.s32 $0xFFFFF300  }
0x17f: {  	_ =	swait.ge [sflag:s29], $0xD00  }
0x180: {  	[sflag:s29] =	ssyncset.done $0x0  }
0x181: {  	[sflag:s29] =	ssyncadd.s32 $0xFFFFF300  }
0x182: {  	_ =	swait.ge [sflag:s29], $0xD00  }
0x183: {  	[sflag:s29] =	ssyncset.done $0x0  }
0x184: {  	[sflag:s29] =	ssyncadd.s32 $0xFFFFF300  }
0x185: {  	_ =	swait.ge [sflag:s29], $0xD00  }
0x186: {  	[sflag:s29] =	ssyncset.done $0x0  }
0x187: {  	[sflag:s29] =	ssyncadd.s32 $0xFFFFF300  }
0x188: {  	_ =	swait.ge [sflag:s29], $0xD00  }
0x189: {  	[sflag:s29] =	ssyncset.done $0x0  }
0x18a: {  	[sflag:s29] =	ssyncadd.s32 $0xFFFFF300  }
0x18b: {  	_ =	swait.ge [sflag:s29], $0xD00  }
0x18c: {  	[sflag:s29] =	ssyncset.done $0x0  }
0x18d: {  	[sflag:s29] =	ssyncadd.s32 $0xFFFFF300  }
0x18e: {  	p0 =	sne.s32 s31, $0x38000;
	_ =	swait.ge [sflag:s29], $0xD00  }
.Ltmp0:
0x18f: {  	[sflag:s29] =	ssyncset.done $0x0;
	(pc) =	sbr.rel @p0 .LBB2_2-.Ltmp0, $4  }
0x190: {  	[sflag:s29] =	ssyncadd.s32 $0xFFFFF300  }
0x191: {  	_ =	swait.ge [sflag:s29], $0xD00  }
0x192: {  	s30 =	smov.u32 s1;
	[sflag:s29] =	ssyncset.done $0x0  }
0x193: {  	s31 =	sadd.s32 $0x4000, s31;
	s1 =	sadd.s32 $0x340, s1;
	[sflag:s29] =	ssyncadd.s32 $0xFFFFF300  }
0x194: {  	[tilespmem:s14], [sflag:$0x4] =	stream.indirect.gather [hbm4b:s3+s10], $0x80, s30, s10, $0xb8;
	[tilespmem:$0x1D400] =	vst v63  }
0x195: {  	_ =	swait.ge [sflag:s15], $0x6800  }
0x196: {  	[sflag:s15] =	ssyncset.done $0x0  }
0x197: {  	s1 =	rddreg [dreg:$0x7];
	[sflag:s15] =	ssyncadd.s32 $0xFFFF9800  }
0x198: {  	[hbm4b:s1+s2] =	stream.linear.scatter [tilespmem:s11], [sflag:$0x5], $0xD00, $0x38;
	[tilespmem:$0x1D400] =	vst v63  }
0x199: {  	s4 =	simm.s32 $0x4100;
	s5 =	rddreg [dreg:$0x8]  }
0x19a: {  	[hbm4b:s5+s2] =	stream.linear.scatter [tilespmem:s4], [sflag:$0x5], $0xD00, $0x38;
	[tilespmem:$0x1D400] =	vst v63  }
0x19b: {  	s7 =	simm.s32 $0x4E00;
	s6 =	rddreg [dreg:$0x9]  }
0x19c: {  	[hbm4b:s6+s2] =	stream.linear.scatter [tilespmem:s7], [sflag:$0x5], $0xD00, $0x38;
	[tilespmem:$0x1D400] =	vst v63  }
0x19d: {  	s31 =	simm.s32 $0x5B00;
	s30 =	rddreg [dreg:$0xa]  }
0x19e: {  	[hbm4b:s30+s2] =	stream.linear.scatter [tilespmem:s31], [sflag:$0x5], $0xD00, $0x38;
	[tilespmem:$0x1D400] =	vst v63  }
0x19f: {  	s4 =	rddreg [dreg:$0xb];
	s5 =	simm.s32 $0x6800  }
0x1a0: {  	[hbm4b:s4+s2] =	stream.linear.scatter [tilespmem:s5], [sflag:$0x5], $0xD00, $0x38;
	[tilespmem:$0x1D400] =	vst v63  }
0x1a1: {  	s6 =	rddreg [dreg:$0xc];
	s7 =	simm.s32 $0x7500  }
0x1a2: {  	[hbm4b:s6+s2] =	stream.linear.scatter [tilespmem:s7], [sflag:$0x5], $0xD00, $0x38;
	[tilespmem:$0x1D400] =	vst v63  }
0x1a3: {  	s30 =	rddreg [dreg:$0xd];
	s31 =	simm.s32 $0x8200  }
0x1a4: {  	[hbm4b:s30+s2] =	stream.linear.scatter [tilespmem:s31], [sflag:$0x5], $0xD00, $0x38;
	[tilespmem:$0x1D400] =	vst v63  }
0x1a5: {  	s5 =	rddreg [dreg:$0xe];
	s6 =	simm.s32 $0x8F00  }
0x1a6: {  	[hbm4b:s5+s2] =	stream.linear.scatter [tilespmem:s6], [sflag:$0x5], $0xD00, $0x38;
	[tilespmem:$0x1D400] =	vst v63  }
0x1a7: {  	_ =	swait.ge [sflag:s23], $0x6800  }
0x1a8: {  	[sflag:s23] =	ssyncset.done $0x0  }
0x1a9: {  	s7 =	rddreg [dreg:$0xf];
	[sflag:s23] =	ssyncadd.s32 $0xFFFF9800  }
0x1aa: {  	[hbm4b:s7+s2] =	stream.linear.scatter [tilespmem:s12], [sflag:$0x6], $0xD00, $0x38;
	[tilespmem:$0x1D400] =	vst v63  }
0x1ab: {  	s31 =	simm.s32 $0xA900;
	s30 =	rddreg [dreg:$0x10]  }
0x1ac: {  	[hbm4b:s30+s2] =	stream.linear.scatter [tilespmem:s31], [sflag:$0x6], $0xD00, $0x38;
	[tilespmem:$0x1D400] =	vst v63  }
0x1ad: {  	s5 =	simm.s32 $0xB600;
	s4 =	rddreg [dreg:$0x11]  }
0x1ae: {  	[hbm4b:s4+s2] =	stream.linear.scatter [tilespmem:s5], [sflag:$0x6], $0xD00, $0x38;
	[tilespmem:$0x1D400] =	vst v63  }
0x1af: {  	s6 =	rddreg [dreg:$0x12];
	s7 =	simm.s32 $0xC300  }
0x1b0: {  	[hbm4b:s6+s2] =	stream.linear.scatter [tilespmem:s7], [sflag:$0x6], $0xD00, $0x38;
	[tilespmem:$0x1D400] =	vst v63  }
0x1b1: {  	s30 =	rddreg [dreg:$0x13];
	s31 =	simm.s32 $0xD000  }
0x1b2: {  	[hbm4b:s30+s2] =	stream.linear.scatter [tilespmem:s31], [sflag:$0x6], $0xD00, $0x38;
	[tilespmem:$0x1D400] =	vst v63  }
0x1b3: {  	s4 =	rddreg [dreg:$0x14];
	s5 =	simm.s32 $0xDD00  }
0x1b4: {  	[hbm4b:s4+s2] =	stream.linear.scatter [tilespmem:s5], [sflag:$0x6], $0xD00, $0x38;
	[tilespmem:$0x1D400] =	vst v63  }
0x1b5: {  	s6 =	rddreg [dreg:$0x15];
	s7 =	simm.s32 $0xEA00  }
0x1b6: {  	[hbm4b:s6+s2] =	stream.linear.scatter [tilespmem:s7], [sflag:$0x6], $0xD00, $0x38;
	[tilespmem:$0x1D400] =	vst v63  }
0x1b7: {  	s30 =	rddreg [dreg:$0x16];
	s31 =	simm.s32 $0xF700  }
0x1b8: {  	[hbm4b:s30+s2] =	stream.linear.scatter [tilespmem:s31], [sflag:$0x6], $0xD00, $0x38;
	[tilespmem:$0x1D400] =	vst v63  }
0x1b9: {  	_ =	swait.ge [sflag:s0], $0x6800  }
0x1ba: {  	[sflag:s0] =	ssyncset.done $0x0  }
0x1bb: {  	s5 =	rddreg [dreg:$0x17];
	[sflag:s0] =	ssyncadd.s32 $0xFFFF9800  }
0x1bc: {  	[hbm4b:s5+s2] =	stream.linear.scatter [tilespmem:s13], [sflag:$0x7], $0xD00, $0x38;
	[tilespmem:$0x1D400] =	vst v63  }
0x1bd: {  	s7 =	simm.s32 $0x11100;
	s6 =	rddreg [dreg:$0x18]  }
0x1be: {  	[hbm4b:s6+s2] =	stream.linear.scatter [tilespmem:s7], [sflag:$0x7], $0xD00, $0x38;
	[tilespmem:$0x1D400] =	vst v63  }
0x1bf: {  	s31 =	simm.s32 $0x11E00;
	s30 =	rddreg [dreg:$0x19]  }
0x1c0: {  	[hbm4b:s30+s2] =	stream.linear.scatter [tilespmem:s31], [sflag:$0x7], $0xD00, $0x38;
	[tilespmem:$0x1D400] =	vst v63  }
0x1c1: {  	s4 =	rddreg [dreg:$0x1a];
	s5 =	simm.s32 $0x12B00  }
0x1c2: {  	[hbm4b:s4+s2] =	stream.linear.scatter [tilespmem:s5], [sflag:$0x7], $0xD00, $0x38;
	[tilespmem:$0x1D400] =	vst v63  }
0x1c3: {  	s6 =	rddreg [dreg:$0x1b];
	s7 =	simm.s32 $0x13800  }
0x1c4: {  	[hbm4b:s6+s2] =	stream.linear.scatter [tilespmem:s7], [sflag:$0x7], $0xD00, $0x38;
	[tilespmem:$0x1D400] =	vst v63  }
0x1c5: {  	s30 =	rddreg [dreg:$0x1c];
	s31 =	simm.s32 $0x14500  }
0x1c6: {  	[hbm4b:s30+s2] =	stream.linear.scatter [tilespmem:s31], [sflag:$0x7], $0xD00, $0x38;
	[tilespmem:$0x1D400] =	vst v63  }
0x1c7: {  	s4 =	rddreg [dreg:$0x1d]  }
0x1c8: {  	[hbm4b:s4+s2] =	stream.linear.scatter [tilespmem:s8], [sflag:$0x7], $0xD00, $0x38;
	[tilespmem:$0x1D400] =	vst v63  }
0x1c9: {  	s5 =	rddreg [dreg:$0x1e]  }
0x1ca: {  	[hbm4b:s5+s2] =	stream.linear.scatter [tilespmem:s9], [sflag:$0x7], $0xD00, $0x38;
	[tilespmem:$0x1D400] =	vst v63  }
0x1cb: {  	_ =	swait.ge [sflag:s16], $0x6800  }
0x1cc: {  	[sflag:s16] =	ssyncset.done $0x0;
	s6 =	rddreg [dreg:$0x1f]  }
0x1cd: {  	s7 =	sld [smem:$0x7F6];
	[sflag:s16] =	ssyncadd.s32 $0xFFFF9800  }
0x1ce: {  	[hbm4b:s6+s2] =	stream.linear.scatter [tilespmem:s14], [sflag:$0x8], $0xD00, $0x38;
	[tilespmem:$0x1D400] =	vst v63  }
0x1cf: {  	s30 =	sld [smem:$0x7F7]  }
0x1d0: {  	[hbm4b:s7+s2] =	stream.linear.scatter [tilespmem:s17], [sflag:$0x8], $0xD00, $0x38;
	[tilespmem:$0x1D400] =	vst v63  }
0x1d1: {  	s31 =	sld [smem:$0x7F8]  }
0x1d2: {  	[hbm4b:s30+s2] =	stream.linear.scatter [tilespmem:s18], [sflag:$0x8], $0xD00, $0x38;
	[tilespmem:$0x1D400] =	vst v63  }
0x1d3: {  	s4 =	sld [smem:$0x7F9]  }
0x1d4: {  	[hbm4b:s31+s2] =	stream.linear.scatter [tilespmem:s19], [sflag:$0x8], $0xD00, $0x38;
	[tilespmem:$0x1D400] =	vst v63  }
0x1d5: {  	s5 =	sld [smem:$0x7FA]  }
0x1d6: {  	[hbm4b:s4+s2] =	stream.linear.scatter [tilespmem:s20], [sflag:$0x8], $0xD00, $0x38;
	[tilespmem:$0x1D400] =	vst v63  }
0x1d7: {  	s6 =	sld [smem:$0x7FB]  }
0x1d8: {  	[hbm4b:s5+s2] =	stream.linear.scatter [tilespmem:s21], [sflag:$0x8], $0xD00, $0x38;
	[tilespmem:$0x1D400] =	vst v63  }
0x1d9: {  	s7 =	sld [smem:$0x7FC]  }
0x1da: {  	[hbm4b:s6+s2] =	stream.linear.scatter [tilespmem:s22], [sflag:$0x8], $0xD00, $0x38;
	[tilespmem:$0x1D400] =	vst v63  }
0x1db: {  	_ = 	snop  }
0x1dc: {  	[hbm4b:s7+s2] =	stream.linear.scatter [tilespmem:s24], [sflag:$0x8], $0xD00, $0x38;
	[tilespmem:$0x1D400] =	vst v63  }
0x1dd: {  	_ =	swait.ge [sflag:s25], $0xD00  }
0x1de: {  	[sflag:s25] =	ssyncset.done $0x0  }
0x1df: {  	[sflag:s25] =	ssyncadd.s32 $0xFFFFF300  }
0x1e0: {  	_ =	swait.ge [sflag:s25], $0xD00  }
0x1e1: {  	[sflag:s25] =	ssyncset.done $0x0  }
0x1e2: {  	[sflag:s25] =	ssyncadd.s32 $0xFFFFF300  }
0x1e3: {  	_ =	swait.ge [sflag:s25], $0xD00  }
0x1e4: {  	[sflag:s25] =	ssyncset.done $0x0  }
0x1e5: {  	[sflag:s25] =	ssyncadd.s32 $0xFFFFF300  }
0x1e6: {  	_ =	swait.ge [sflag:s25], $0xD00  }
0x1e7: {  	[sflag:s25] =	ssyncset.done $0x0  }
0x1e8: {  	[sflag:s25] =	ssyncadd.s32 $0xFFFFF300  }
0x1e9: {  	_ =	swait.ge [sflag:s25], $0xD00  }
0x1ea: {  	[sflag:s25] =	ssyncset.done $0x0  }
0x1eb: {  	[sflag:s25] =	ssyncadd.s32 $0xFFFFF300  }
0x1ec: {  	_ =	swait.ge [sflag:s25], $0xD00  }
0x1ed: {  	[sflag:s25] =	ssyncset.done $0x0  }
0x1ee: {  	[sflag:s25] =	ssyncadd.s32 $0xFFFFF300  }
0x1ef: {  	_ =	swait.ge [sflag:s25], $0xD00  }
0x1f0: {  	[sflag:s25] =	ssyncset.done $0x0  }
0x1f1: {  	[sflag:s25] =	ssyncadd.s32 $0xFFFFF300  }
0x1f2: {  	_ =	swait.ge [sflag:s25], $0xD00  }
0x1f3: {  	[sflag:s25] =	ssyncset.done $0x0  }
0x1f4: {  	[sflag:s25] =	ssyncadd.s32 $0xFFFFF300  }
0x1f5: {  	_ =	swait.ge [sflag:s26], $0xD00  }
0x1f6: {  	[sflag:s26] =	ssyncset.done $0x0  }
0x1f7: {  	[sflag:s26] =	ssyncadd.s32 $0xFFFFF300  }
0x1f8: {  	_ =	swait.ge [sflag:s26], $0xD00  }
0x1f9: {  	[sflag:s26] =	ssyncset.done $0x0  }
0x1fa: {  	[sflag:s26] =	ssyncadd.s32 $0xFFFFF300  }
0x1fb: {  	_ =	swait.ge [sflag:s26], $0xD00  }
0x1fc: {  	[sflag:s26] =	ssyncset.done $0x0  }
0x1fd: {  	[sflag:s26] =	ssyncadd.s32 $0xFFFFF300  }
0x1fe: {  	_ =	swait.ge [sflag:s26], $0xD00  }
0x1ff: {  	[sflag:s26] =	ssyncset.done $0x0  }
0x200: {  	[sflag:s26] =	ssyncadd.s32 $0xFFFFF300  }
0x201: {  	_ =	swait.ge [sflag:s26], $0xD00  }
0x202: {  	[sflag:s26] =	ssyncset.done $0x0  }
0x203: {  	[sflag:s26] =	ssyncadd.s32 $0xFFFFF300  }
0x204: {  	_ =	swait.ge [sflag:s26], $0xD00  }
0x205: {  	[sflag:s26] =	ssyncset.done $0x0  }
0x206: {  	[sflag:s26] =	ssyncadd.s32 $0xFFFFF300  }
0x207: {  	_ =	swait.ge [sflag:s26], $0xD00  }
0x208: {  	[sflag:s26] =	ssyncset.done $0x0  }
0x209: {  	[sflag:s26] =	ssyncadd.s32 $0xFFFFF300  }
0x20a: {  	_ =	swait.ge [sflag:s26], $0xD00  }
0x20b: {  	[sflag:s26] =	ssyncset.done $0x0  }
0x20c: {  	[sflag:s26] =	ssyncadd.s32 $0xFFFFF300  }
0x20d: {  	_ =	swait.ge [sflag:s28], $0xD00  }
0x20e: {  	[sflag:s28] =	ssyncset.done $0x0  }
0x20f: {  	[sflag:s28] =	ssyncadd.s32 $0xFFFFF300  }
0x210: {  	_ =	swait.ge [sflag:s28], $0xD00  }
0x211: {  	[sflag:s28] =	ssyncset.done $0x0  }
0x212: {  	[sflag:s28] =	ssyncadd.s32 $0xFFFFF300  }
0x213: {  	_ =	swait.ge [sflag:s28], $0xD00  }
0x214: {  	[sflag:s28] =	ssyncset.done $0x0  }
0x215: {  	[sflag:s28] =	ssyncadd.s32 $0xFFFFF300  }
0x216: {  	_ =	swait.ge [sflag:s28], $0xD00  }
0x217: {  	[sflag:s28] =	ssyncset.done $0x0  }
0x218: {  	[sflag:s28] =	ssyncadd.s32 $0xFFFFF300  }
0x219: {  	_ =	swait.ge [sflag:s28], $0xD00  }
0x21a: {  	[sflag:s28] =	ssyncset.done $0x0  }
0x21b: {  	[sflag:s28] =	ssyncadd.s32 $0xFFFFF300  }
0x21c: {  	_ =	swait.ge [sflag:s28], $0xD00  }
0x21d: {  	[sflag:s28] =	ssyncset.done $0x0  }
0x21e: {  	[sflag:s28] =	ssyncadd.s32 $0xFFFFF300  }
0x21f: {  	_ =	swait.ge [sflag:s28], $0xD00  }
0x220: {  	[sflag:s28] =	ssyncset.done $0x0  }
0x221: {  	[sflag:s28] =	ssyncadd.s32 $0xFFFFF300  }
0x222: {  	_ =	swait.ge [sflag:s28], $0xD00  }
0x223: {  	[sflag:s28] =	ssyncset.done $0x0  }
0x224: {  	[sflag:s28] =	ssyncadd.s32 $0xFFFFF300  }
0x225: {  	_ =	swait.ge [sflag:s29], $0xD00  }
0x226: {  	[sflag:s29] =	ssyncset.done $0x0  }
0x227: {  	[sflag:s29] =	ssyncadd.s32 $0xFFFFF300  }
0x228: {  	_ =	swait.ge [sflag:s29], $0xD00  }
0x229: {  	[sflag:s29] =	ssyncset.done $0x0  }
0x22a: {  	[sflag:s29] =	ssyncadd.s32 $0xFFFFF300  }
0x22b: {  	_ =	swait.ge [sflag:s29], $0xD00  }
0x22c: {  	[sflag:s29] =	ssyncset.done $0x0  }
0x22d: {  	[sflag:s29] =	ssyncadd.s32 $0xFFFFF300  }
0x22e: {  	_ =	swait.ge [sflag:s29], $0xD00  }
0x22f: {  	[sflag:s29] =	ssyncset.done $0x0  }
0x230: {  	[sflag:s29] =	ssyncadd.s32 $0xFFFFF300  }
0x231: {  	_ =	swait.ge [sflag:s29], $0xD00  }
0x232: {  	[sflag:s29] =	ssyncset.done $0x0  }
0x233: {  	[sflag:s29] =	ssyncadd.s32 $0xFFFFF300  }
0x234: {  	_ =	swait.ge [sflag:s29], $0xD00  }
0x235: {  	[sflag:s29] =	ssyncset.done $0x0  }
0x236: {  	[sflag:s29] =	ssyncadd.s32 $0xFFFFF300  }
0x237: {  	_ =	swait.ge [sflag:s29], $0xD00  }
0x238: {  	[sflag:s29] =	ssyncset.done $0x0  }
0x239: {  	[sflag:s29] =	ssyncadd.s32 $0xFFFFF300  }
0x23a: {  	_ =	swait.ge [sflag:s29], $0xD00  }
0x23b: {  	s30 =	sld [smem:$0x7F5]  }
0x23c: {  	s31 =	sld [smem:$0x7FD];
	_ =	sdelay $0x1  }
0x23d: {  	s4 =	sadd.s32 $0x1, s30  }
0x23e: {  	p0 =	sne.s32 s4, s31  }
.Ltmp1:
0x23f: {  	_ = 	snop;
	(pc) =	sbr.rel @p0 .LBB2_1-.Ltmp1, $3  }
0x240: {  	_ =	sdelay $0x1  }
0x241: {  	[sflag:s29] =	ssyncset.done $0x0  }
0x242: {  	[sflag:s29] =	ssyncadd.s32 $0xFFFFF300  }
0x243: {  	_ =	sfence.sel $0x180000  }
0x244: {  	[bflag:$0x0] =	sbarrier.arrive $0xFFFF  }
0x245: {  	_ =	strace $0x90000047  }
0x246: {  	s0 =	stileid.u32;
	[bflag:$0x2] =	sbarrier.arrive $0xFFFF  }
0x247: {  	p0 =	sne.s32 s0, $0x0;
	s0 =	rddreg [dreg:$0x1]  }
0x248: {  	s0 =	sadd.s32 @!p0 $0x100000, s0  }
0x249: {  	[sflag:s0] =	ssyncadd.tile.s32 @!p0 $0x1;
	_ =	shalt  }
.Lfunc_end2:
_tile_overlayer_lowered:
.L_overlay_start_2:
0x24a: {  	(tag) =	ssettag $0x2  }
0x24b: {  	s0 =	rddreg [dreg:$0x0];
	s2 =	stileid.u32  }
0x24c: {  	s1 =	rddreg [dreg:$0x1];
	p0 =	sne.s32 s2, $0x0  }
0x24d: {  	s3 =	rddreg [dreg:$0x2];
	[bflag:$0x3] =	sbarrier.arrive $0xFFFF;
	s2 =	simm.s32 @!p0 $0x1C09  }
0x24e: {  	[timem:s3], [sflag:s2] =	dma.local @!p0 [hbm:s0], s1  }
0x24f: {  	s0 =	simm.s32 @!p0 $0x9  }
0x250: {  	_ =	swait.ge @!p0 [sflag:s0], s1  }
0x251: {  	s1 =	ssub.s32 @!p0 $0x0, s1;
	[sflag:s0] =	ssyncset.done @!p0 $0x0  }
0x252: {  	[sflag:s0] =	ssyncadd.s32 @!p0 s1  }
0x253: {  	[bflag:$0x3] =	sbarrier.arrive $0xFFFF  }
0x254: {  	_ =	shalt  }

// kernel: sparse-core-data-format-call.cloned.1.call-start
scs
called_computation_lowered:
.L_overlay_start_0:
0x0: {  	s2 =	sld [smem:$0x3FD9]  }
0x1: {  	s3 =	sld [smem:$0x3FFE];
	_ =	sdelay $0x1  }
0x2: {  	s1 =	srdreg.scid  }
0x3: {  	s0 =	sand.u32 $0x1, s1  }
0x4: {  	s18 =	sshll.u32 s0, $0xA;
	s2 =	sadd.s32 s3, s2  }
0x5: {  	s2 =	sadd.s32 s2, s18  }
0x6: {  	[smem:$0x3FC4] =	sst s2  }
0x7: {  	_ = 	snop  }
0x8: {  	s2 =	sld [smem:$0x3FD0];
	(tm) =	ssettm $0x1  }
0x9: {  	s19 =	sld [smem:$0x3FFB];
	_ =	sdelay $0x3  }
0xa: {  	_ =	strace s19  }
0xb: {  	s3 =	sld [smem:$0x3FFC];
	_ =	sdelay $0x3  }
0xc: {  	_ =	strace s3  }
0xd: {  	s3 =	sld [smem:$0x3FFD];
	_ =	sdelay $0x3  }
0xe: {  	_ =	strace s3  }
0xf: {  	_ =	strace $0x8FFFFFFF  }
0x10: {  	s20 =	sld [smem:$0x3FDB];
	_ =	sdelay $0x1  }
0x11: {  	s4 =	simm.s32 $_scs_section_size  }
0x12: {  	s5 =	simm.s32 $_size__tile_overlayer_lowered;
	s6 =	simm.s32 $_tile_overlayer_lowered  }
0x13: {  	s23 =	simm.s32 $0x1BFF;
	s22 =	sshll.u32 s6, $0x1;
	s3 =	sadd.s32 s4, s20  }
0x14: {  	s7 =	simm.s32 $0x0;
	s21 =	sshll.u32 s5, $0x1;
	s5 =	sadd.s32 s22, s3  }
0x15: {  	[timem:s7], [sflag:s23] =	dma.local [hbm:s5], s21  }
0x16: {  	_ =	swait.ge [sflag:s23], s21  }
0x17: {  	s4 =	ssub.s32 $0x0, s21;
	[sflag:s23] =	ssyncset.done $0x0  }
0x18: {  	[sflag:s23] =	ssyncadd.s32 s4;
	_ =	sdelay $0x1  }
0x19: {  	s24 =	simm.s32 $0x1B8B  }
0x1a: {  	_ =	swait.ge [sflag:s24], $0x1  }
0x1b: {  	[sflag:s24] =	ssyncset.done $0x0  }
0x1c: {  	s26 =	simm.s32 $0x1B8E;
	s25 =	sld [smem:$0x3FFE];
	[sflag:s24] =	ssyncadd.s32 $0xFFFFFFFF  }
0x1d: {  	s27 =	simm.s32 $execute0_lowered;
	[smem:$0x3FD2] =	sst s26  }
0x1e: {  	s5 =	sshll.u32 s27, $0x1;
	_ =	strace $0x80000049;
	[dreg:$0x1] =	wrdreg $0xFFFFFFFF  }
0x1f: {  	s28 =	simm.s32 $_size_execute0_lowered;
	s3 =	sadd.s32 s3, s5;
	[dreg:$0x0] =	wrdreg $0x0  }
0x20: {  	s5 =	sshll.u32 s28, $0x1;
	[dreg:$0x2] =	wrdreg s3  }
0x21: {  	[dreg:$0x3] =	wrdreg s5  }
0x22: {  	[dreg:$0x4] =	wrdreg $0xC0  }
0x23: {  	_ =	task [dreg:s7], $0x5FFFF  }
0x24: {  	[dreg:$0x1] =	wrdreg $0xFFFFFFFF  }
0x25: {  	[dreg:$0x0] =	wrdreg $0x60  }
0x26: {  	[dreg:$0x2] =	wrdreg s25  }
0x27: {  	[dreg:$0x3] =	wrdreg s2  }
0x28: {  	[dreg:$0x4] =	wrdreg $0x9  }
0x29: {  	_ =	task.clear_ibuf [dreg:s7], $0x5FFFF;
	_ =	strace $0x90000049  }
0x2a: {  	s29 =	simm.s32 $0x9;
	_ =	strace $0x8000004B  }
0x2b: {  	_ =	swait.ge [sflag:s29], $0x1  }
0x2c: {  	[sflag:s29] =	ssyncadd.s32 $0xFFFFFFFF  }
0x2d: {  	_ =	strace $0x9000004B  }
0x2e: {  	_ =	sfence  }
0x2f: {  	s30 =	sld [smem:$0x0];
	_ =	sdelay $0x2  }
0x30: {  	s31 =	sshll.u32 s1, $0xD;
	s1 =	sshrl.u32 s1, $0x2  }
0x31: {  	s3 =	sand.u32 $0x4000, s31;
	s1 =	sadd.s32 s1, s30  }
0x32: {  	s0 =	sor.u32 s3, s0;
	s1 =	sshll.u32 s1, $0x11  }
0x33: {  	s0 =	sor.u32 s1, s0  }
0x34: {  	s0 =	sadd.s32 $0x8F2B, s0  }
0x35: {  	[sflag:s0] =	ssyncadd.remote.s32 $0x1  }
0x36: {  	_ =	sfence.sel $0xFFFF  }
0x37: {  	[dreg:$0x0] =	wrdreg $0xFFFFFFFF;
	(pc) =	sbr.abs _section_cstart, $3  }
0x38: {  	[dreg:$0x1] =	wrdreg $0xFFFFFFFF  }
0x39: {  	_ =	task.clear_ibuf [dreg:s7], $0x2FFFF;
	_ =	strace $0x9FFFFFFF  }
0x3a: {  	(tm) =	ssettm $0x7FFFFFFF  }
0x3b: {  	_ =	shalt  }
tec
execute0_lowered:
.L_overlay_start_1:
0x0: {  	(tag) =	ssettag $0x1  }
0x1: {  	s0 =	srdreg.scid  }
0x2: {  	s1 =	sshll.u32 s0, $0x4  }
0x3: {  	s0 =	stileid.u32;
	s1 =	sand.u32 $0x10, s1  }
0x4: {  	s1 =	sor.u32 s0, s1  }
0x5: {  	s6 =	rddreg [dreg:$0x0];
	s4 =	simm.s32 $0x1;
	s2 =	sshll.u32 s1, $0x7  }
0x6: {  	s7 =	simm.s32 $0x2;
	s12 =	simm.s32 $0x0;
	s1 =	ssub.s32 $0x4000, s2  }
0x7: {  	s8 =	simm.s32 $0x20000;
	s13 =	simm.s32 $0x0;
	s3 =	sand.u32 $0xF80, s1  }
0x8: {  	s9 =	simm.s32 $0x0;
	s5 =	sshrl.u32 s1, $0xC;
	p0 =	sne.s32 s3, $0x0  }
.Ltmp0:
0x9: {  	s1 =	rddreg [dreg:$0x2];
	s4 =	simm.s32 @!p0 $0x0;
	(pc) =	sbr.rel .LBB1_1-.Ltmp0, $4  }
0xa: {  	s11 =	simm.s32 $0x0;
	s3 =	rddreg [dreg:$0x1];
	s5 =	sadd.s32 s4, s5  }
0xb: {  	_ =	strace $0x8000004A;
	s4 =	simm.s32 $0x1;
	s5 =	smul.u32 $0x1A, s5  }
0xc: {  	s6 =	sadd.s32 $0x194200, s6;
	s10 =	smov.u32 s2;
	[sflag:s4] =	ssyncpa.u1 $0x0  }
0xd: {  	p0 =	por $0x0, $0x0;
	[sflag:s7] =	ssyncpa.u1 $0x0;
	s7 =	sor.u32 $0x1, s5  }
.LBB1_4:
0xe: {  	s16 =	sshll.u32 s13, $0x3;
	s17 =	sand.u32 $0x78, s13  }
0xf: {  	s30 =	sand.u32 $0x1F800, s13;
	s12 =	sshll.u32 s12, $0x11;
	s16 =	sand.u32 $0x3C00, s16  }
0x10: {  	[tilespmem:s15+$0x810 ss:$0x81] =	vst.msk $0xffff, v2;
	s31 =	sand.u32 $0x7, s13;
	s16 =	sor.u32 s17, s16;
	s17 =	sadd.s32 s3, s30  }
0x11: {  	[tilespmem:s15+$0x1020 ss:$0x81] =	vst.msk $0xffff, v0;
	s13 =	sshll.u32 s31, $0x12;
	s12 =	sadd.s32 s12, s17;
	s16 =	sshrl.u32 s16, $0x3  }
0x12: {  	[tilespmem:s15+$0x0 ss:$0x81] =	vst.msk $0xffff, v1;
	s13 =	sor.u32 $0x400, s13;
	s12 =	sadd.s32 s16, s12  }
0x13: {  	[hbm4b:s12+s13] =	stream.strided.scatter [tilespmem:s14], [sflag:$0x2], $0x2000, s8, s13, $0x20;
	[tilespmem:$0x8080] =	vst v63  }
.LBB1_5:
0x14: {  	s14 =	sadd.s32 $0x1, s9  }
0x15: {  	s12 =	sadd.s32 $0x1000, s10;
	s16 =	smov.u32 s10;
	p2 =	sgt.s32 s14, $0x19  }
0x16: {  	s16 =	smov.u32 @p2 s12  }
0x17: {  	s14 =	simm.s32 @p2 $0x0;
	p2 =	sgt.s32 s16, $0x3FFF  }
0x18: {  	s16 =	smov.u32 @p2 s2;
	p2 =	sne.s32 s11, s7  }
.Ltmp1:
0x19: {  	p1 =	slt.u32 s11, $0x2;
	(pc) =	sbr.rel @!p2 .LBB1_6-.Ltmp1, $4  }
0x1a: {  	s15 =	simm.s32 @!p1 $0x2  }
0x1b: {  	s13 =	smov.u32 s10;
	p0 =	por !p0, !p0;
	_ =	swait.ge @!p1 [sflag:s15], $0x2000  }
0x1c: {  	s12 =	smov.u32 s9;
	[sflag:s15] =	ssyncset.done @!p1 $0x0;
	s9 =	smov.u32 s14  }
0x1d: {  	s11 =	sadd.s32 $0x1, s11;
	[sflag:s15] =	ssyncadd.s32 @!p1 $0xFFFFE000;
	s10 =	smov.u32 s16  }
.LBB1_1:
0x1e: {  	p1 =	sge.u32 s11, s5  }
0x1f: {  	s31 =	sadd.s32 $0xFFFFFFFF, s11;
	s14 =	sxor.u32 @!p1 $0xFFFFFFFF, s11  }
0x20: {  	s15 =	sshll.u32 @!p1 s10, $0x9;
	s16 =	sshll.u32 @!p1 s9, $0x4;
	s17 =	simm.s32 @!p1 $0x1000  }
0x21: {  	s14 =	sshll.u32 @!p1 s14, $0xD;
	s16 =	sand.u32 @!p1 $0x1F0, s16;
	s15 =	sadd.s32 @!p1 s6, s15  }
0x22: {  	s14 =	sand.u32 @!p1 $0x2000, s14;
	s15 =	sadd.s32 @!p1 s16, s15;
	s16 =	simm.s32 @!p1 $0x40  }
0x23: {  	[tilespmem:s14], [sflag:$0x1] =	stream.strided.gather @!p1 [hbm4b:s15+s16], $0x2000, s17, s16, $0x38;
	[tilespmem:$0x8080] =	vst v63  }
0x24: {  	p1 =	sge.u32 s31, s5  }
.Ltmp2:
0x25: {  	_ = 	snop;
	(pc) =	sbr.rel @p1 .LBB1_5-.Ltmp2, $1  }
0x26: {  	_ =	sdelay $0x3  }
0x27: {  	s14 =	simm.s32 $0x1  }
0x28: {  	_ =	swait.ge [sflag:s4], $0x2000;
	s14 =	simm.s32 @!p0 $0x0  }
0x29: {  	[sflag:s4] =	ssyncset.done $0x0;
	s15 =	sshll.u32 s14, $0xD  }
0x2a: {  	[sflag:s4] =	ssyncadd.s32 $0xFFFFE000;
	s18 =	sor.u32 $0x20, s15  }
0x2b: {  	s14 =	smul.u32 $0x8100, s14;
	v3 =	vld [tilespmem:s18+$0x10]  }
0x2c: {  	s30 =	sand.u32 $0x1, s11;
	v2 =	vld [tilespmem:s18+$0xFFFFFFF0]  }
0x2d: {  	s15 =	smul.u32 $0x8100, s30;
	s14 =	sshrl.u32 s14, $0x2;
	v0 =	vld [tilespmem:s18+$0x0]  }
0x2e: {  	v1 =	vld [tilespmem:s18+$0xFFFFFFE0];
	s16 =	sor.u32 $0x4000, s14  }
0x2f: {  	s31 =	sshrl.u32 s15, $0x2;
	s15 =	sadd.s32 $0x0, s16  }
0x30: {  	s17 =	simm.s32 $0x4;
	s18 =	sadd.s32 $0x40, s18;
	s14 =	sor.u32 $0x4000, s31;
	[tilespmem:s15+$0x1830 ss:$0x81] =	vst.msk $0xffff, v3  }
.LBB1_3:
0x31: {  	v3 =	vld [tilespmem:s18+$0x10];
	p1 =	sne.s32 s17, $0x1FC;
	[tilespmem:s15+$0x810 ss:$0x81] =	vst.msk $0xffff, v2;
	s19 =	smov.u32 s17;
	s17 =	sadd.s32 $0x4, s17  }
.Ltmp3:
0x32: {  	v2 =	vld [tilespmem:s18+$0xFFFFFFF0];
	[tilespmem:s15+$0x1020 ss:$0x81] =	vst.msk $0xffff, v0;
	(pc) =	sbr.rel @p1 .LBB1_3-.Ltmp3, $4  }
0x33: {  	v0 =	vld [tilespmem:s18+$0x0];
	[tilespmem:s15+$0x0 ss:$0x81] =	vst.msk $0xffff, v1  }
0x34: {  	s15 =	sshra.s32 s19, $0x2;
	v1 =	vld [tilespmem:s18+$0xFFFFFFE0]  }
0x35: {  	s15 =	sadd.s32 s15, s16  }
0x36: {  	s18 =	sadd.s32 $0x40, s18;
	[tilespmem:s15+$0x1830 ss:$0x81] =	vst.msk $0xffff, v3  }
.Ltmp4:
0x37: {  	_ = 	snop;
	(pc) =	sbr.rel .LBB1_4-.Ltmp4, $1  }
0x38: {  	_ =	sdelay $0x3  }
.LBB1_6:
0x39: {  	_ =	sfence.sel $0x180000  }
0x3a: {  	s2 =	simm.s32 $0x1;
	[bflag:$0x0] =	sbarrier.arrive $0xFFFF  }
0x3b: {  	s31 =	simm.s32 $0x2;
	[sflag:s2] =	ssyncpa.u1 $0x1  }
0x3c: {  	[sflag:s31] =	ssyncpa.u1 $0x1  }
0x3d: {  	p0 =	sne.s32 s0, $0x0;
	_ =	strace $0x9000004A  }
0x3e: {  	s0 =	sadd.s32 @!p0 $0x100000, s1;
	[bflag:$0x2] =	sbarrier.arrive $0xFFFF  }
0x3f: {  	[sflag:s0] =	ssyncadd.tile.s32 @!p0 $0x1;
	_ =	shalt  }
.Lfunc_end1:
_tile_overlayer_lowered:
.L_overlay_start_2:
0x40: {  	(tag) =	ssettag $0x2  }
0x41: {  	s0 =	rddreg [dreg:$0x0];
	s2 =	stileid.u32  }
0x42: {  	s1 =	rddreg [dreg:$0x1];
	p0 =	sne.s32 s2, $0x0  }
0x43: {  	s3 =	rddreg [dreg:$0x2];
	[bflag:$0x3] =	sbarrier.arrive $0xFFFF;
	s2 =	simm.s32 @!p0 $0x1C01  }
0x44: {  	[timem:s3], [sflag:s2] =	dma.local @!p0 [hbm:s0], s1  }
0x45: {  	s0 =	simm.s32 @!p0 $0x1  }
0x46: {  	_ =	swait.ge @!p0 [sflag:s0], s1  }
0x47: {  	s1 =	ssub.s32 @!p0 $0x0, s1;
	[sflag:s0] =	ssyncset.done @!p0 $0x0  }
0x48: {  	[sflag:s0] =	ssyncadd.s32 @!p0 s1  }
0x49: {  	[bflag:$0x3] =	sbarrier.arrive $0xFFFF  }
0x4a: {  	_ =	shalt  }

</sc_bundles>
